<compile_context>
chip_gen: v7x
topology: tpu7x:2x2x1
jax: 0.10.2.dev20260603
libtpu: 0.0.44.dev20260713+nightly
codegen_flags: <defaults>
</compile_context>

<pallas_src>
import functools

import jax
import jax.numpy as jnp
from jax import lax
from jax.experimental import pallas as pl
from jax.experimental.pallas import tpu as pltpu
from jax.experimental.pallas import tpu_sc as plsc

N = 10000
E = 320000
D = 128
NUM_LABELS = 40

NC = 2
NS = 16
NW = NC * NS
CHUNK = 80
EPW = E // NW
NCHUNK = EPW // CHUNK
ROWS_A = 624
TAIL = N - NS * ROWS_A


def _agg_body(h_hbm, src_hbm, dst_hbm, zeros_hbm, out_hbm,
              acc_sh,
              src_a0, src_a1, dst_a0, dst_a1,
              src_b0, src_b1, dst_b0, dst_b1,
              src_c0, src_c1, dst_c0, dst_c1,
              src_d0, src_d1, dst_d0, dst_d1,
              rows_a, rows_b, rows_c, rows_d,
              semz, semia, semib, semic, semid, sema, semb, semc, semd):
    c = lax.axis_index("c")
    s = lax.axis_index("s")
    wid = s * NC + c

    zcp = pltpu.make_async_copy(zeros_hbm, acc_sh.at[pl.ds(s * ROWS_A, ROWS_A)],
                                semz)
    zcp.start()
    zcp.wait()

    @pl.when(s == NS - 1)
    def _():
        pltpu.sync_copy(zeros_hbm.at[pl.ds(0, TAIL)],
                        acc_sh.at[pl.ds(NS * ROWS_A, TAIL)])

    plsc.subcore_barrier()

    base_w = wid * EPW

    def start_idx(i, sv, dv, sem):
        pltpu.make_async_copy(src_hbm.at[pl.ds(base_w + i * CHUNK, CHUNK)],
                              sv, sem).start()
        pltpu.make_async_copy(dst_hbm.at[pl.ds(base_w + i * CHUNK, CHUNK)],
                              dv, sem).start()

    def wait_idx(sv, dv, sem):
        pltpu.make_async_copy(src_hbm.at[pl.ds(0, CHUNK)], sv, sem).wait()
        pltpu.make_async_copy(src_hbm.at[pl.ds(0, CHUNK)], dv, sem).wait()

    def start_gather(sv, buf, sem):
        pltpu.make_async_copy(h_hbm.at[sv], buf, sem).start()

    def wait_gather(buf, sem):
        pltpu.make_async_copy(h_hbm.at[pl.ds(0, CHUNK)], buf, sem).wait()

    def scatter_add(dv, buf):
        pltpu.sync_copy(buf, acc_sh.at[dv], add=True)

    start_idx(NCHUNK - 1, src_a0, dst_a0, semia)
    wait_idx(src_a0, dst_a0, semia)
    start_gather(src_a0, rows_a, sema)
    wait_gather(rows_a, sema)
    scatter_add(dst_a0, rows_a)

    start_idx(0, src_a0, dst_a0, semia)
    start_idx(1, src_a1, dst_a1, semia)
    start_idx(2, src_b0, dst_b0, semib)
    start_idx(3, src_b1, dst_b1, semib)
    start_idx(4, src_c0, dst_c0, semic)
    start_idx(5, src_c1, dst_c1, semic)
    start_idx(6, src_d0, dst_d0, semid)
    start_idx(7, src_d1, dst_d1, semid)
    wait_idx(src_a0, dst_a0, semia)
    wait_idx(src_a1, dst_a1, semia)
    start_gather(src_a0, rows_a, sema)
    start_gather(src_a1, rows_b, semb)
    wait_idx(src_b0, dst_b0, semib)
    wait_idx(src_b1, dst_b1, semib)

    @pl.loop(0, NCHUNK - 5, step=8)
    def _(i):
        start_gather(src_b0, rows_c, semc)
        start_gather(src_b1, rows_d, semd)
        wait_gather(rows_a, sema)
        scatter_add(dst_a0, rows_a)
        wait_gather(rows_b, semb)
        scatter_add(dst_a1, rows_b)
        start_idx(i + 8, src_a0, dst_a0, semia)
        start_idx(i + 9, src_a1, dst_a1, semia)
        wait_idx(src_c0, dst_c0, semic)
        wait_idx(src_c1, dst_c1, semic)
        start_gather(src_c0, rows_a, sema)
        start_gather(src_c1, rows_b, semb)
        wait_gather(rows_c, semc)
        scatter_add(dst_b0, rows_c)
        wait_gather(rows_d, semd)
        scatter_add(dst_b1, rows_d)
        start_idx(i + 10, src_b0, dst_b0, semib)
        start_idx(i + 11, src_b1, dst_b1, semib)
        wait_idx(src_d0, dst_d0, semid)
        wait_idx(src_d1, dst_d1, semid)
        start_gather(src_d0, rows_c, semc)
        start_gather(src_d1, rows_d, semd)
        wait_gather(rows_a, sema)
        scatter_add(dst_c0, rows_a)
        wait_gather(rows_b, semb)
        scatter_add(dst_c1, rows_b)

        @pl.when(i < NCHUNK - 14)
        def _():
            start_idx(i + 12, src_c0, dst_c0, semic)
            start_idx(i + 13, src_c1, dst_c1, semic)

        wait_idx(src_a0, dst_a0, semia)
        wait_idx(src_a1, dst_a1, semia)
        start_gather(src_a0, rows_a, sema)
        start_gather(src_a1, rows_b, semb)
        wait_gather(rows_c, semc)
        scatter_add(dst_d0, rows_c)
        wait_gather(rows_d, semd)
        scatter_add(dst_d1, rows_d)

        @pl.when(i < NCHUNK - 16)
        def _():
            start_idx(i + 14, src_d0, dst_d0, semid)
            start_idx(i + 15, src_d1, dst_d1, semid)

        wait_idx(src_b0, dst_b0, semib)
        wait_idx(src_b1, dst_b1, semib)

    start_gather(src_b0, rows_c, semc)
    start_gather(src_b1, rows_d, semd)
    wait_gather(rows_a, sema)
    scatter_add(dst_a0, rows_a)
    wait_gather(rows_b, semb)
    scatter_add(dst_a1, rows_b)
    wait_gather(rows_c, semc)
    scatter_add(dst_b0, rows_c)
    wait_gather(rows_d, semd)
    scatter_add(dst_b1, rows_d)

    plsc.subcore_barrier()
    pltpu.sync_copy(acc_sh.at[pl.ds(s * ROWS_A, ROWS_A)],
                    out_hbm.at[c, pl.ds(s * ROWS_A, ROWS_A)])

    @pl.when(s == NS - 1)
    def _():
        pltpu.sync_copy(acc_sh.at[pl.ds(NS * ROWS_A, TAIL)],
                        out_hbm.at[c, pl.ds(NS * ROWS_A, TAIL)])


def _sc_aggregate(h, src, dst, zeros):
    mesh = plsc.VectorSubcoreMesh(core_axis_name="c", subcore_axis_name="s")
    kfn = pl.kernel(
        _agg_body,
        out_type=jax.ShapeDtypeStruct((NC, N, D), jnp.float32),
        mesh=mesh,
        scratch_types=(
            [pltpu.VMEM_SHARED((N, D), jnp.float32)]
            + [pltpu.VMEM((CHUNK,), jnp.int32)] * 16
            + [pltpu.VMEM((CHUNK, D), jnp.float32)] * 4
            + [pltpu.SemaphoreType.DMA] * 9
        ),
    )
    return kfn(h, src, dst, zeros)


BR = 1000


def _mlp_block(parts_ref, h_ref, W1_ref, b1_ref, W2_ref, b2_ref, o_ref):
    z = h_ref[...] + parts_ref[0] + parts_ref[1]
    z = jnp.dot(z, W1_ref[...], preferred_element_type=jnp.float32) + b1_ref[...]
    z = jnp.maximum(z, 0.0)
    o_ref[...] = jnp.dot(z, W2_ref[...], preferred_element_type=jnp.float32) + b2_ref[...]


def _mlp_final_block(parts_ref, h_ref, W1_ref, b1_ref, W2_ref, b2_ref,
                     Wc_ref, bc_ref, o_ref, logits_ref):
    z = h_ref[...] + parts_ref[0] + parts_ref[1]
    z = jnp.dot(z, W1_ref[...], preferred_element_type=jnp.float32) + b1_ref[...]
    z = jnp.maximum(z, 0.0)
    h_out = jnp.dot(z, W2_ref[...], preferred_element_type=jnp.float32) + b2_ref[...]
    o_ref[...] = h_out
    logits_ref[...] = (jnp.dot(h_out, Wc_ref[...], preferred_element_type=jnp.float32)
                       + bc_ref[...])


def _row_spec(block_rows, cols):
    return pl.BlockSpec((block_rows, cols), lambda i: (i, 0))


def _full_spec(shape):
    return pl.BlockSpec(shape, lambda i: tuple(0 for _ in shape))


def _tc_mlp(parts, h, W1, b1, W2, b2):
    return pl.pallas_call(
        _mlp_block,
        grid=(N // BR,),
        in_specs=[
            pl.BlockSpec((NC, BR, D), lambda i: (0, i, 0)),
            _row_spec(BR, D),
            _full_spec((D, D)),
            _full_spec((1, D)),
            _full_spec((D, D)),
            _full_spec((1, D)),
        ],
        out_specs=_row_spec(BR, D),
        out_shape=jax.ShapeDtypeStruct((N, D), jnp.float32),
    )(parts, h, W1, b1.reshape(1, D), W2, b2.reshape(1, D))


def _tc_mlp_final(parts, h, W1, b1, W2, b2, Wc, bc):
    return pl.pallas_call(
        _mlp_final_block,
        grid=(N // BR,),
        in_specs=[
            pl.BlockSpec((NC, BR, D), lambda i: (0, i, 0)),
            _row_spec(BR, D),
            _full_spec((D, D)),
            _full_spec((1, D)),
            _full_spec((D, D)),
            _full_spec((1, D)),
            _full_spec((D, NUM_LABELS)),
            _full_spec((1, NUM_LABELS)),
        ],
        out_specs=[_row_spec(BR, D), _row_spec(BR, NUM_LABELS)],
        out_shape=[jax.ShapeDtypeStruct((N, D), jnp.float32),
                   jax.ShapeDtypeStruct((N, NUM_LABELS), jnp.float32)],
    )(parts, h, W1, b1.reshape(1, D), W2, b2.reshape(1, D),
      Wc, bc.reshape(1, NUM_LABELS))


def kernel(x, edge_index, W1_0, b1_0, W2_0, b2_0, W1_1, b1_1, W2_1, b2_1,
           W1_2, b1_2, W2_2, b2_2, Wc, bc):
    src = edge_index[0]
    dst = edge_index[1]
    zeros = jnp.zeros((ROWS_A, D), jnp.float32)

    h = x
    parts = _sc_aggregate(h, src, dst, zeros)
    h = _tc_mlp(parts, h, W1_0, b1_0, W2_0, b2_0)
    parts = _sc_aggregate(h, src, dst, zeros)
    h = _tc_mlp(parts, h, W1_1, b1_1, W2_1, b2_1)
    parts = _sc_aggregate(h, src, dst, zeros)
    h, logits = _tc_mlp_final(parts, h, W1_2, b1_2, W2_2, b2_2, Wc, bc)
    return (h, logits)

# --- scband reference (transcript-rebuilt; emitter-appended) ---
"""Pipeline reference for scband-pretrain-gin-75076028334404 (READ-ONLY COPY).

The authoritative reference and input builder live on the scoring server;
editing this copy changes nothing except your own understanding.
"""

import jax, jax.numpy as jnp
import numpy as np

N = 10000
E = 320000
D = 128
NUM_LABELS = 40


def setup_inputs(seed: int = 0) -> dict:
    key = jax.random.key(seed)
    ks = jax.random.split(key, 16)
    inp = {}
    inp['x'] = jax.random.normal(ks[0], (N, D), dtype=jnp.float32)
    inp['edge_index'] = jax.random.randint(ks[1], (2, E), 0, N, dtype=jnp.int32)
    s = 1.0 / np.sqrt(D)
    for i in range(3):
        inp['W1_%d' % i] = jax.random.uniform(ks[2 + 4 * i], (D, D), minval=-s, maxval=s, dtype=jnp.float32)
        inp['b1_%d' % i] = jax.random.uniform(ks[3 + 4 * i], (D,), minval=-s, maxval=s, dtype=jnp.float32)
        inp['W2_%d' % i] = jax.random.uniform(ks[4 + 4 * i], (D, D), minval=-s, maxval=s, dtype=jnp.float32)
        inp['b2_%d' % i] = jax.random.uniform(ks[5 + 4 * i], (D,), minval=-s, maxval=s, dtype=jnp.float32)
    inp['Wc'] = jax.random.uniform(ks[14], (D, NUM_LABELS), minval=-s, maxval=s, dtype=jnp.float32)
    inp['bc'] = jax.random.uniform(ks[15], (NUM_LABELS,), minval=-s, maxval=s, dtype=jnp.float32)
    return inp


def _gin_layer(h, src, dst, W1, b1, W2, b2):
    # GINConv (PyG default): out = MLP((1 + eps) * x + sum_{j in N(i)} x_j), eps = 0
    msg = h[src]
    agg = jnp.zeros_like(h).at[dst].add(msg)
    z = agg + h
    z = jnp.maximum(z @ W1 + b1, 0.0)
    return z @ W2 + b2


def reference(x, edge_index, W1_0, b1_0, W2_0, b2_0, W1_1, b1_1, W2_1, b2_1, W1_2, b1_2, W2_2, b2_2, Wc, bc):
    src = edge_index[0]
    dst = edge_index[1]
    h = x
    h = _gin_layer(h, src, dst, W1_0, b1_0, W2_0, b2_0)
    h = _gin_layer(h, src, dst, W1_1, b1_1, W2_1, b2_1)
    h = _gin_layer(h, src, dst, W1_2, b1_2, W2_2, b2_2)
    logits = h @ Wc + bc
    return (h, logits)

if __name__ == "__main__":
    import jax
    _d = setup_inputs()
    print(jax.jit(kernel)(*tuple(_d.values())))

</pallas_src>

<mosaic_0001>
#map = affine_map<(d0, d1) -> (0, 0)>
#map1 = affine_map<(d0, d1) -> (0)>
#map2 = affine_map<(d0, d1) -> (0, 0, 0)>
module attributes {stable_mosaic.version = 14 : i64} {
  func.func @_agg_body(%arg0: i32, %arg1: i32, %arg2: memref<10000x128xf32, #tpu.memory_space<hbm>>, %arg3: memref<320000xi32, #tpu.memory_space<hbm>>, %arg4: memref<320000xi32, #tpu.memory_space<hbm>>, %arg5: memref<624x128xf32, #tpu.memory_space<hbm>>, %arg6: memref<2x10000x128xf32, #tpu.memory_space<hbm>>, %arg7: memref<10000x128xf32, #tpu.memory_space<vmem_shared>>, %arg8: memref<80xi32, #tpu.memory_space<vmem>>, %arg9: memref<80xi32, #tpu.memory_space<vmem>>, %arg10: memref<80xi32, #tpu.memory_space<vmem>>, %arg11: memref<80xi32, #tpu.memory_space<vmem>>, %arg12: memref<80xi32, #tpu.memory_space<vmem>>, %arg13: memref<80xi32, #tpu.memory_space<vmem>>, %arg14: memref<80xi32, #tpu.memory_space<vmem>>, %arg15: memref<80xi32, #tpu.memory_space<vmem>>, %arg16: memref<80xi32, #tpu.memory_space<vmem>>, %arg17: memref<80xi32, #tpu.memory_space<vmem>>, %arg18: memref<80xi32, #tpu.memory_space<vmem>>, %arg19: memref<80xi32, #tpu.memory_space<vmem>>, %arg20: memref<80xi32, #tpu.memory_space<vmem>>, %arg21: memref<80xi32, #tpu.memory_space<vmem>>, %arg22: memref<80xi32, #tpu.memory_space<vmem>>, %arg23: memref<80xi32, #tpu.memory_space<vmem>>, %arg24: memref<80x128xf32, #tpu.memory_space<vmem>>, %arg25: memref<80x128xf32, #tpu.memory_space<vmem>>, %arg26: memref<80x128xf32, #tpu.memory_space<vmem>>, %arg27: memref<80x128xf32, #tpu.memory_space<vmem>>, %arg28: memref<!tpu.dma_semaphore, #tpu.memory_space<semaphore_mem>>, %arg29: memref<!tpu.dma_semaphore, #tpu.memory_space<semaphore_mem>>, %arg30: memref<!tpu.dma_semaphore, #tpu.memory_space<semaphore_mem>>, %arg31: memref<!tpu.dma_semaphore, #tpu.memory_space<semaphore_mem>>, %arg32: memref<!tpu.dma_semaphore, #tpu.memory_space<semaphore_mem>>, %arg33: memref<!tpu.dma_semaphore, #tpu.memory_space<semaphore_mem>>, %arg34: memref<!tpu.dma_semaphore, #tpu.memory_space<semaphore_mem>>, %arg35: memref<!tpu.dma_semaphore, #tpu.memory_space<semaphore_mem>>, %arg36: memref<!tpu.dma_semaphore, #tpu.memory_space<semaphore_mem>>) attributes {dimension_semantics = [#tpu.dimension_semantics<core_parallel>, #tpu.dimension_semantics<subcore_parallel>], iteration_bounds = array<i64: 2, 16>, scalar_prefetch = 0 : i64, scratch_operands = 30 : i64, tpu.core_type = #tpu.core_type<sc_vector_subcore>, window_params = [{transform_indices = #map}, {transform_indices = #map1}, {transform_indices = #map1}, {transform_indices = #map}, {transform_indices = #map2}]} {
    %mul3A = arith.constant 2 : i32
    %mul3A_0 = arith.muli %arg1, %mul3A : i32
    %add3A = arith.addi %mul3A_0, %arg0 : i32
    %mul3A_1 = arith.constant 624 : i32
    %mul3A_2 = arith.muli %arg1, %mul3A_1 : i32
    %dma_start3A = arith.constant 0 : i32
    %dma_start3A_3 = tpu.memref_slice %arg7[%mul3A_2, %dma_start3A] : memref<10000x128xf32, #tpu.memory_space<vmem_shared>> -> memref<624x128xf32, #tpu.memory_space<vmem_shared>>
    tpu.enqueue_dma source(%arg5 : memref<624x128xf32, #tpu.memory_space<hbm>>) target(%dma_start3A_3 : memref<624x128xf32, #tpu.memory_space<vmem_shared>>) target_semaphore(%arg28 : memref<!tpu.dma_semaphore, #tpu.memory_space<semaphore_mem>>)
    %dma_wait3A = arith.constant 0 : i32
    %dma_wait3A_4 = tpu.memref_slice %arg7[%mul3A_2, %dma_wait3A] : memref<10000x128xf32, #tpu.memory_space<vmem_shared>> -> memref<624x128xf32, #tpu.memory_space<vmem_shared>>
    tpu.wait_dma2 semaphore(%arg28 : memref<!tpu.dma_semaphore, #tpu.memory_space<semaphore_mem>>) src(%arg5 : memref<624x128xf32, #tpu.memory_space<hbm>>) dst(%dma_wait3A_4 : memref<624x128xf32, #tpu.memory_space<vmem_shared>>)
    %eq3A = arith.constant 15 : i32
    %eq3A_5 = arith.cmpi eq, %arg1, %eq3A : i32
    %convert_element_type3A = arith.extui %eq3A_5 : i1 to i32
    %cond3A = arith.constant 0 : i32
    %cond3A_6 = arith.cmpi ne, %convert_element_type3A, %cond3A : i32
    scf.if %cond3A_6 {
      "tpu.region"() ({
        %run_scoped3A = tpu.sem_alloc : memref<!tpu.dma_semaphore, #tpu.memory_space<semaphore_mem>>
        %dma_start3A_180 = arith.constant 9984 : i32
        %dma_start3A_181 = arith.constant 0 : i32
        %dma_start3A_182 = tpu.memref_slice %arg7[%dma_start3A_180, %dma_start3A_181] : memref<10000x128xf32, #tpu.memory_space<vmem_shared>> -> memref<16x128xf32, #tpu.memory_space<vmem_shared>>
        %dma_start3A_183 = arith.constant 0 : i32
        %dma_start3A_184 = arith.constant 0 : i32
        %dma_start3A_185 = tpu.memref_slice %arg5[%dma_start3A_183, %dma_start3A_184] : memref<624x128xf32, #tpu.memory_space<hbm>> -> memref<16x128xf32, #tpu.memory_space<hbm>>
        tpu.enqueue_dma source(%dma_start3A_185 : memref<16x128xf32, #tpu.memory_space<hbm>>) target(%dma_start3A_182 : memref<16x128xf32, #tpu.memory_space<vmem_shared>>) target_semaphore(%run_scoped3A : memref<!tpu.dma_semaphore, #tpu.memory_space<semaphore_mem>>)
        %dma_wait3A_186 = arith.constant 9984 : i32
        %dma_wait3A_187 = arith.constant 0 : i32
        %dma_wait3A_188 = tpu.memref_slice %arg7[%dma_wait3A_186, %dma_wait3A_187] : memref<10000x128xf32, #tpu.memory_space<vmem_shared>> -> memref<16x128xf32, #tpu.memory_space<vmem_shared>>
        %dma_wait3A_189 = arith.constant 0 : i32
        %dma_wait3A_190 = arith.constant 0 : i32
        %dma_wait3A_191 = tpu.memref_slice %arg5[%dma_wait3A_189, %dma_wait3A_190] : memref<624x128xf32, #tpu.memory_space<hbm>> -> memref<16x128xf32, #tpu.memory_space<hbm>>
        tpu.wait_dma2 semaphore(%run_scoped3A : memref<!tpu.dma_semaphore, #tpu.memory_space<semaphore_mem>>) src(%dma_wait3A_191 : memref<16x128xf32, #tpu.memory_space<hbm>>) dst(%dma_wait3A_188 : memref<16x128xf32, #tpu.memory_space<vmem_shared>>)
        tpu.yield
      }) : () -> ()
    } else {
    }
    %barrier3A = arith.constant 0 : index
    tpu.barrier barrier_id(%barrier3A)
    %mul3A_7 = arith.constant 10000 : i32
    %mul3A_8 = arith.muli %add3A, %mul3A_7 : i32
    %add3A_9 = arith.constant 9920 : i32
    %add3A_10 = arith.addi %mul3A_8, %add3A_9 : i32
    %dma_start3A_11 = tpu.memref_slice %arg3[%add3A_10] : memref<320000xi32, #tpu.memory_space<hbm>> -> memref<80xi32, #tpu.memory_space<hbm>>
    %dma_start3A_12 = tpu.memref_slice %arg3[%add3A_10] : memref<320000xi32, #tpu.memory_space<hbm>> -> memref<80xi32, #tpu.memory_space<hbm>>
    tpu.enqueue_dma source(%dma_start3A_12 : memref<80xi32, #tpu.memory_space<hbm>>) target(%arg8 : memref<80xi32, #tpu.memory_space<vmem>>) target_semaphore(%arg29 : memref<!tpu.dma_semaphore, #tpu.memory_space<semaphore_mem>>)
    %add3A_13 = arith.constant 9920 : i32
    %add3A_14 = arith.addi %mul3A_8, %add3A_13 : i32
    %dma_start3A_15 = tpu.memref_slice %arg4[%add3A_14] : memref<320000xi32, #tpu.memory_space<hbm>> -> memref<80xi32, #tpu.memory_space<hbm>>
    %dma_start3A_16 = tpu.memref_slice %arg4[%add3A_14] : memref<320000xi32, #tpu.memory_space<hbm>> -> memref<80xi32, #tpu.memory_space<hbm>>
    tpu.enqueue_dma source(%dma_start3A_16 : memref<80xi32, #tpu.memory_space<hbm>>) target(%arg10 : memref<80xi32, #tpu.memory_space<vmem>>) target_semaphore(%arg29 : memref<!tpu.dma_semaphore, #tpu.memory_space<semaphore_mem>>)
    %dma_wait3A_17 = arith.constant 0 : i32
    %dma_wait3A_18 = tpu.memref_slice %arg3[%dma_wait3A_17] : memref<320000xi32, #tpu.memory_space<hbm>> -> memref<80xi32, #tpu.memory_space<hbm>>
    %dma_wait3A_19 = arith.constant 0 : i32
    %dma_wait3A_20 = tpu.memref_slice %arg3[%dma_wait3A_19] : memref<320000xi32, #tpu.memory_space<hbm>> -> memref<80xi32, #tpu.memory_space<hbm>>
    tpu.wait_dma2 semaphore(%arg29 : memref<!tpu.dma_semaphore, #tpu.memory_space<semaphore_mem>>) src(%dma_wait3A_20 : memref<80xi32, #tpu.memory_space<hbm>>) dst(%arg8 : memref<80xi32, #tpu.memory_space<vmem>>)
    %dma_wait3A_21 = arith.constant 0 : i32
    %dma_wait3A_22 = tpu.memref_slice %arg3[%dma_wait3A_21] : memref<320000xi32, #tpu.memory_space<hbm>> -> memref<80xi32, #tpu.memory_space<hbm>>
    %dma_wait3A_23 = arith.constant 0 : i32
    %dma_wait3A_24 = tpu.memref_slice %arg3[%dma_wait3A_23] : memref<320000xi32, #tpu.memory_space<hbm>> -> memref<80xi32, #tpu.memory_space<hbm>>
    tpu.wait_dma2 semaphore(%arg29 : memref<!tpu.dma_semaphore, #tpu.memory_space<semaphore_mem>>) src(%dma_wait3A_24 : memref<80xi32, #tpu.memory_space<hbm>>) dst(%arg10 : memref<80xi32, #tpu.memory_space<vmem>>)
    %dma_start3A_25 = arith.constant 0 : i32
    %dma_start3A_26 = arith.constant 0 : i32
    %dma_start3A_27 = tpu.memref_slice %arg2[%dma_start3A_25, %dma_start3A_26] : memref<10000x128xf32, #tpu.memory_space<hbm>> -> memref<10000x128xf32, #tpu.memory_space<hbm>>
    tpu.enqueue_indirect_dma source(%dma_start3A_27 : memref<10000x128xf32, #tpu.memory_space<hbm>>) target(%arg24 : memref<80x128xf32, #tpu.memory_space<vmem>>) offsets(%arg8 : memref<80xi32, #tpu.memory_space<vmem>>) semaphore(%arg33 : memref<!tpu.dma_semaphore, #tpu.memory_space<semaphore_mem>>)
    %dma_wait3A_28 = arith.constant 0 : i32
    %dma_wait3A_29 = arith.constant 0 : i32
    %dma_wait3A_30 = tpu.memref_slice %arg2[%dma_wait3A_28, %dma_wait3A_29] : memref<10000x128xf32, #tpu.memory_space<hbm>> -> memref<80x128xf32, #tpu.memory_space<hbm>>
    %dma_wait3A_31 = arith.constant 0 : i32
    %dma_wait3A_32 = arith.constant 0 : i32
    %dma_wait3A_33 = tpu.memref_slice %arg2[%dma_wait3A_31, %dma_wait3A_32] : memref<10000x128xf32, #tpu.memory_space<hbm>> -> memref<80x128xf32, #tpu.memory_space<hbm>>
    tpu.wait_dma2 semaphore(%arg33 : memref<!tpu.dma_semaphore, #tpu.memory_space<semaphore_mem>>) src(%dma_wait3A_33 : memref<80x128xf32, #tpu.memory_space<hbm>>) dst(%arg24 : memref<80x128xf32, #tpu.memory_space<vmem>>)
    "tpu.region"() ({
      %run_scoped3A = tpu.sem_alloc : memref<!tpu.dma_semaphore, #tpu.memory_space<semaphore_mem>>
      %dma_start3A_180 = arith.constant 0 : i32
      %dma_start3A_181 = arith.constant 0 : i32
      %dma_start3A_182 = tpu.memref_slice %arg7[%dma_start3A_180, %dma_start3A_181] : memref<10000x128xf32, #tpu.memory_space<vmem_shared>> -> memref<10000x128xf32, #tpu.memory_space<vmem_shared>>
      tpu.enqueue_indirect_dma source(%arg24 : memref<80x128xf32, #tpu.memory_space<vmem>>) target(%dma_start3A_182 : memref<10000x128xf32, #tpu.memory_space<vmem_shared>>) offsets(%arg10 : memref<80xi32, #tpu.memory_space<vmem>>) semaphore(%run_scoped3A : memref<!tpu.dma_semaphore, #tpu.memory_space<semaphore_mem>>) {add = true}
      %dma_wait3A_183 = arith.constant 0 : i32
      %dma_wait3A_184 = arith.constant 0 : i32
      %dma_wait3A_185 = tpu.memref_slice %arg7[%dma_wait3A_183, %dma_wait3A_184] : memref<10000x128xf32, #tpu.memory_space<vmem_shared>> -> memref<10000x128xf32, #tpu.memory_space<vmem_shared>>
      tpu.wait_indirect_dma semaphore(%run_scoped3A : memref<!tpu.dma_semaphore, #tpu.memory_space<semaphore_mem>>) src(%arg24 : memref<80x128xf32, #tpu.memory_space<vmem>>) dst(%dma_wait3A_185 : memref<10000x128xf32, #tpu.memory_space<vmem_shared>>)
      tpu.yield
    }) : () -> ()
    %add3A_34 = arith.constant 0 : i32
    %add3A_35 = arith.addi %mul3A_8, %add3A_34 : i32
    %dma_start3A_36 = tpu.memref_slice %arg3[%add3A_35] : memref<320000xi32, #tpu.memory_space<hbm>> -> memref<80xi32, #tpu.memory_space<hbm>>
    %dma_start3A_37 = tpu.memref_slice %arg3[%add3A_35] : memref<320000xi32, #tpu.memory_space<hbm>> -> memref<80xi32, #tpu.memory_space<hbm>>
    tpu.enqueue_dma source(%dma_start3A_37 : memref<80xi32, #tpu.memory_space<hbm>>) target(%arg8 : memref<80xi32, #tpu.memory_space<vmem>>) target_semaphore(%arg29 : memref<!tpu.dma_semaphore, #tpu.memory_space<semaphore_mem>>)
    %add3A_38 = arith.constant 0 : i32
    %add3A_39 = arith.addi %mul3A_8, %add3A_38 : i32
    %dma_start3A_40 = tpu.memref_slice %arg4[%add3A_39] : memref<320000xi32, #tpu.memory_space<hbm>> -> memref<80xi32, #tpu.memory_space<hbm>>
    %dma_start3A_41 = tpu.memref_slice %arg4[%add3A_39] : memref<320000xi32, #tpu.memory_space<hbm>> -> memref<80xi32, #tpu.memory_space<hbm>>
    tpu.enqueue_dma source(%dma_start3A_41 : memref<80xi32, #tpu.memory_space<hbm>>) target(%arg10 : memref<80xi32, #tpu.memory_space<vmem>>) target_semaphore(%arg29 : memref<!tpu.dma_semaphore, #tpu.memory_space<semaphore_mem>>)
    %add3A_42 = arith.constant 80 : i32
    %add3A_43 = arith.addi %mul3A_8, %add3A_42 : i32
    %dma_start3A_44 = tpu.memref_slice %arg3[%add3A_43] : memref<320000xi32, #tpu.memory_space<hbm>> -> memref<80xi32, #tpu.memory_space<hbm>>
    %dma_start3A_45 = tpu.memref_slice %arg3[%add3A_43] : memref<320000xi32, #tpu.memory_space<hbm>> -> memref<80xi32, #tpu.memory_space<hbm>>
    tpu.enqueue_dma source(%dma_start3A_45 : memref<80xi32, #tpu.memory_space<hbm>>) target(%arg9 : memref<80xi32, #tpu.memory_space<vmem>>) target_semaphore(%arg29 : memref<!tpu.dma_semaphore, #tpu.memory_space<semaphore_mem>>)
    %add3A_46 = arith.constant 80 : i32
    %add3A_47 = arith.addi %mul3A_8, %add3A_46 : i32
    %dma_start3A_48 = tpu.memref_slice %arg4[%add3A_47] : memref<320000xi32, #tpu.memory_space<hbm>> -> memref<80xi32, #tpu.memory_space<hbm>>
    %dma_start3A_49 = tpu.memref_slice %arg4[%add3A_47] : memref<320000xi32, #tpu.memory_space<hbm>> -> memref<80xi32, #tpu.memory_space<hbm>>
    tpu.enqueue_dma source(%dma_start3A_49 : memref<80xi32, #tpu.memory_space<hbm>>) target(%arg11 : memref<80xi32, #tpu.memory_space<vmem>>) target_semaphore(%arg29 : memref<!tpu.dma_semaphore, #tpu.memory_space<semaphore_mem>>)
    %add3A_50 = arith.constant 160 : i32
    %add3A_51 = arith.addi %mul3A_8, %add3A_50 : i32
    %dma_start3A_52 = tpu.memref_slice %arg3[%add3A_51] : memref<320000xi32, #tpu.memory_space<hbm>> -> memref<80xi32, #tpu.memory_space<hbm>>
    %dma_start3A_53 = tpu.memref_slice %arg3[%add3A_51] : memref<320000xi32, #tpu.memory_space<hbm>> -> memref<80xi32, #tpu.memory_space<hbm>>
    tpu.enqueue_dma source(%dma_start3A_53 : memref<80xi32, #tpu.memory_space<hbm>>) target(%arg12 : memref<80xi32, #tpu.memory_space<vmem>>) target_semaphore(%arg30 : memref<!tpu.dma_semaphore, #tpu.memory_space<semaphore_mem>>)
    %add3A_54 = arith.constant 160 : i32
    %add3A_55 = arith.addi %mul3A_8, %add3A_54 : i32
    %dma_start3A_56 = tpu.memref_slice %arg4[%add3A_55] : memref<320000xi32, #tpu.memory_space<hbm>> -> memref<80xi32, #tpu.memory_space<hbm>>
    %dma_start3A_57 = tpu.memref_slice %arg4[%add3A_55] : memref<320000xi32, #tpu.memory_space<hbm>> -> memref<80xi32, #tpu.memory_space<hbm>>
    tpu.enqueue_dma source(%dma_start3A_57 : memref<80xi32, #tpu.memory_space<hbm>>) target(%arg14 : memref<80xi32, #tpu.memory_space<vmem>>) target_semaphore(%arg30 : memref<!tpu.dma_semaphore, #tpu.memory_space<semaphore_mem>>)
    %add3A_58 = arith.constant 240 : i32
    %add3A_59 = arith.addi %mul3A_8, %add3A_58 : i32
    %dma_start3A_60 = tpu.memref_slice %arg3[%add3A_59] : memref<320000xi32, #tpu.memory_space<hbm>> -> memref<80xi32, #tpu.memory_space<hbm>>
    %dma_start3A_61 = tpu.memref_slice %arg3[%add3A_59] : memref<320000xi32, #tpu.memory_space<hbm>> -> memref<80xi32, #tpu.memory_space<hbm>>
    tpu.enqueue_dma source(%dma_start3A_61 : memref<80xi32, #tpu.memory_space<hbm>>) target(%arg13 : memref<80xi32, #tpu.memory_space<vmem>>) target_semaphore(%arg30 : memref<!tpu.dma_semaphore, #tpu.memory_space<semaphore_mem>>)
    %add3A_62 = arith.constant 240 : i32
    %add3A_63 = arith.addi %mul3A_8, %add3A_62 : i32
    %dma_start3A_64 = tpu.memref_slice %arg4[%add3A_63] : memref<320000xi32, #tpu.memory_space<hbm>> -> memref<80xi32, #tpu.memory_space<hbm>>
    %dma_start3A_65 = tpu.memref_slice %arg4[%add3A_63] : memref<320000xi32, #tpu.memory_space<hbm>> -> memref<80xi32, #tpu.memory_space<hbm>>
    tpu.enqueue_dma source(%dma_start3A_65 : memref<80xi32, #tpu.memory_space<hbm>>) target(%arg15 : memref<80xi32, #tpu.memory_space<vmem>>) target_semaphore(%arg30 : memref<!tpu.dma_semaphore, #tpu.memory_space<semaphore_mem>>)
    %add3A_66 = arith.constant 320 : i32
    %add3A_67 = arith.addi %mul3A_8, %add3A_66 : i32
    %dma_start3A_68 = tpu.memref_slice %arg3[%add3A_67] : memref<320000xi32, #tpu.memory_space<hbm>> -> memref<80xi32, #tpu.memory_space<hbm>>
    %dma_start3A_69 = tpu.memref_slice %arg3[%add3A_67] : memref<320000xi32, #tpu.memory_space<hbm>> -> memref<80xi32, #tpu.memory_space<hbm>>
    tpu.enqueue_dma source(%dma_start3A_69 : memref<80xi32, #tpu.memory_space<hbm>>) target(%arg16 : memref<80xi32, #tpu.memory_space<vmem>>) target_semaphore(%arg31 : memref<!tpu.dma_semaphore, #tpu.memory_space<semaphore_mem>>)
    %add3A_70 = arith.constant 320 : i32
    %add3A_71 = arith.addi %mul3A_8, %add3A_70 : i32
    %dma_start3A_72 = tpu.memref_slice %arg4[%add3A_71] : memref<320000xi32, #tpu.memory_space<hbm>> -> memref<80xi32, #tpu.memory_space<hbm>>
    %dma_start3A_73 = tpu.memref_slice %arg4[%add3A_71] : memref<320000xi32, #tpu.memory_space<hbm>> -> memref<80xi32, #tpu.memory_space<hbm>>
    tpu.enqueue_dma source(%dma_start3A_73 : memref<80xi32, #tpu.memory_space<hbm>>) target(%arg18 : memref<80xi32, #tpu.memory_space<vmem>>) target_semaphore(%arg31 : memref<!tpu.dma_semaphore, #tpu.memory_space<semaphore_mem>>)
    %add3A_74 = arith.constant 400 : i32
    %add3A_75 = arith.addi %mul3A_8, %add3A_74 : i32
    %dma_start3A_76 = tpu.memref_slice %arg3[%add3A_75] : memref<320000xi32, #tpu.memory_space<hbm>> -> memref<80xi32, #tpu.memory_space<hbm>>
    %dma_start3A_77 = tpu.memref_slice %arg3[%add3A_75] : memref<320000xi32, #tpu.memory_space<hbm>> -> memref<80xi32, #tpu.memory_space<hbm>>
    tpu.enqueue_dma source(%dma_start3A_77 : memref<80xi32, #tpu.memory_space<hbm>>) target(%arg17 : memref<80xi32, #tpu.memory_space<vmem>>) target_semaphore(%arg31 : memref<!tpu.dma_semaphore, #tpu.memory_space<semaphore_mem>>)
    %add3A_78 = arith.constant 400 : i32
    %add3A_79 = arith.addi %mul3A_8, %add3A_78 : i32
    %dma_start3A_80 = tpu.memref_slice %arg4[%add3A_79] : memref<320000xi32, #tpu.memory_space<hbm>> -> memref<80xi32, #tpu.memory_space<hbm>>
    %dma_start3A_81 = tpu.memref_slice %arg4[%add3A_79] : memref<320000xi32, #tpu.memory_space<hbm>> -> memref<80xi32, #tpu.memory_space<hbm>>
    tpu.enqueue_dma source(%dma_start3A_81 : memref<80xi32, #tpu.memory_space<hbm>>) target(%arg19 : memref<80xi32, #tpu.memory_space<vmem>>) target_semaphore(%arg31 : memref<!tpu.dma_semaphore, #tpu.memory_space<semaphore_mem>>)
    %add3A_82 = arith.constant 480 : i32
    %add3A_83 = arith.addi %mul3A_8, %add3A_82 : i32
    %dma_start3A_84 = tpu.memref_slice %arg3[%add3A_83] : memref<320000xi32, #tpu.memory_space<hbm>> -> memref<80xi32, #tpu.memory_space<hbm>>
    %dma_start3A_85 = tpu.memref_slice %arg3[%add3A_83] : memref<320000xi32, #tpu.memory_space<hbm>> -> memref<80xi32, #tpu.memory_space<hbm>>
    tpu.enqueue_dma source(%dma_start3A_85 : memref<80xi32, #tpu.memory_space<hbm>>) target(%arg20 : memref<80xi32, #tpu.memory_space<vmem>>) target_semaphore(%arg32 : memref<!tpu.dma_semaphore, #tpu.memory_space<semaphore_mem>>)
    %add3A_86 = arith.constant 480 : i32
    %add3A_87 = arith.addi %mul3A_8, %add3A_86 : i32
    %dma_start3A_88 = tpu.memref_slice %arg4[%add3A_87] : memref<320000xi32, #tpu.memory_space<hbm>> -> memref<80xi32, #tpu.memory_space<hbm>>
    %dma_start3A_89 = tpu.memref_slice %arg4[%add3A_87] : memref<320000xi32, #tpu.memory_space<hbm>> -> memref<80xi32, #tpu.memory_space<hbm>>
    tpu.enqueue_dma source(%dma_start3A_89 : memref<80xi32, #tpu.memory_space<hbm>>) target(%arg22 : memref<80xi32, #tpu.memory_space<vmem>>) target_semaphore(%arg32 : memref<!tpu.dma_semaphore, #tpu.memory_space<semaphore_mem>>)
    %add3A_90 = arith.constant 560 : i32
    %add3A_91 = arith.addi %mul3A_8, %add3A_90 : i32
    %dma_start3A_92 = tpu.memref_slice %arg3[%add3A_91] : memref<320000xi32, #tpu.memory_space<hbm>> -> memref<80xi32, #tpu.memory_space<hbm>>
    %dma_start3A_93 = tpu.memref_slice %arg3[%add3A_91] : memref<320000xi32, #tpu.memory_space<hbm>> -> memref<80xi32, #tpu.memory_space<hbm>>
    tpu.enqueue_dma source(%dma_start3A_93 : memref<80xi32, #tpu.memory_space<hbm>>) target(%arg21 : memref<80xi32, #tpu.memory_space<vmem>>) target_semaphore(%arg32 : memref<!tpu.dma_semaphore, #tpu.memory_space<semaphore_mem>>)
    %add3A_94 = arith.constant 560 : i32
    %add3A_95 = arith.addi %mul3A_8, %add3A_94 : i32
    %dma_start3A_96 = tpu.memref_slice %arg4[%add3A_95] : memref<320000xi32, #tpu.memory_space<hbm>> -> memref<80xi32, #tpu.memory_space<hbm>>
    %dma_start3A_97 = tpu.memref_slice %arg4[%add3A_95] : memref<320000xi32, #tpu.memory_space<hbm>> -> memref<80xi32, #tpu.memory_space<hbm>>
    tpu.enqueue_dma source(%dma_start3A_97 : memref<80xi32, #tpu.memory_space<hbm>>) target(%arg23 : memref<80xi32, #tpu.memory_space<vmem>>) target_semaphore(%arg32 : memref<!tpu.dma_semaphore, #tpu.memory_space<semaphore_mem>>)
    %dma_wait3A_98 = arith.constant 0 : i32
    %dma_wait3A_99 = tpu.memref_slice %arg3[%dma_wait3A_98] : memref<320000xi32, #tpu.memory_space<hbm>> -> memref<80xi32, #tpu.memory_space<hbm>>
    %dma_wait3A_100 = arith.constant 0 : i32
    %dma_wait3A_101 = tpu.memref_slice %arg3[%dma_wait3A_100] : memref<320000xi32, #tpu.memory_space<hbm>> -> memref<80xi32, #tpu.memory_space<hbm>>
    tpu.wait_dma2 semaphore(%arg29 : memref<!tpu.dma_semaphore, #tpu.memory_space<semaphore_mem>>) src(%dma_wait3A_101 : memref<80xi32, #tpu.memory_space<hbm>>) dst(%arg8 : memref<80xi32, #tpu.memory_space<vmem>>)
    %dma_wait3A_102 = arith.constant 0 : i32
    %dma_wait3A_103 = tpu.memref_slice %arg3[%dma_wait3A_102] : memref<320000xi32, #tpu.memory_space<hbm>> -> memref<80xi32, #tpu.memory_space<hbm>>
    %dma_wait3A_104 = arith.constant 0 : i32
    %dma_wait3A_105 = tpu.memref_slice %arg3[%dma_wait3A_104] : memref<320000xi32, #tpu.memory_space<hbm>> -> memref<80xi32, #tpu.memory_space<hbm>>
    tpu.wait_dma2 semaphore(%arg29 : memref<!tpu.dma_semaphore, #tpu.memory_space<semaphore_mem>>) src(%dma_wait3A_105 : memref<80xi32, #tpu.memory_space<hbm>>) dst(%arg10 : memref<80xi32, #tpu.memory_space<vmem>>)
    %dma_wait3A_106 = arith.constant 0 : i32
    %dma_wait3A_107 = tpu.memref_slice %arg3[%dma_wait3A_106] : memref<320000xi32, #tpu.memory_space<hbm>> -> memref<80xi32, #tpu.memory_space<hbm>>
    %dma_wait3A_108 = arith.constant 0 : i32
    %dma_wait3A_109 = tpu.memref_slice %arg3[%dma_wait3A_108] : memref<320000xi32, #tpu.memory_space<hbm>> -> memref<80xi32, #tpu.memory_space<hbm>>
    tpu.wait_dma2 semaphore(%arg29 : memref<!tpu.dma_semaphore, #tpu.memory_space<semaphore_mem>>) src(%dma_wait3A_109 : memref<80xi32, #tpu.memory_space<hbm>>) dst(%arg9 : memref<80xi32, #tpu.memory_space<vmem>>)
    %dma_wait3A_110 = arith.constant 0 : i32
    %dma_wait3A_111 = tpu.memref_slice %arg3[%dma_wait3A_110] : memref<320000xi32, #tpu.memory_space<hbm>> -> memref<80xi32, #tpu.memory_space<hbm>>
    %dma_wait3A_112 = arith.constant 0 : i32
    %dma_wait3A_113 = tpu.memref_slice %arg3[%dma_wait3A_112] : memref<320000xi32, #tpu.memory_space<hbm>> -> memref<80xi32, #tpu.memory_space<hbm>>
    tpu.wait_dma2 semaphore(%arg29 : memref<!tpu.dma_semaphore, #tpu.memory_space<semaphore_mem>>) src(%dma_wait3A_113 : memref<80xi32, #tpu.memory_space<hbm>>) dst(%arg11 : memref<80xi32, #tpu.memory_space<vmem>>)
    %dma_start3A_114 = arith.constant 0 : i32
    %dma_start3A_115 = arith.constant 0 : i32
    %dma_start3A_116 = tpu.memref_slice %arg2[%dma_start3A_114, %dma_start3A_115] : memref<10000x128xf32, #tpu.memory_space<hbm>> -> memref<10000x128xf32, #tpu.memory_space<hbm>>
    tpu.enqueue_indirect_dma source(%dma_start3A_116 : memref<10000x128xf32, #tpu.memory_space<hbm>>) target(%arg24 : memref<80x128xf32, #tpu.memory_space<vmem>>) offsets(%arg8 : memref<80xi32, #tpu.memory_space<vmem>>) semaphore(%arg33 : memref<!tpu.dma_semaphore, #tpu.memory_space<semaphore_mem>>)
    %dma_start3A_117 = arith.constant 0 : i32
    %dma_start3A_118 = arith.constant 0 : i32
    %dma_start3A_119 = tpu.memref_slice %arg2[%dma_start3A_117, %dma_start3A_118] : memref<10000x128xf32, #tpu.memory_space<hbm>> -> memref<10000x128xf32, #tpu.memory_space<hbm>>
    tpu.enqueue_indirect_dma source(%dma_start3A_119 : memref<10000x128xf32, #tpu.memory_space<hbm>>) target(%arg25 : memref<80x128xf32, #tpu.memory_space<vmem>>) offsets(%arg9 : memref<80xi32, #tpu.memory_space<vmem>>) semaphore(%arg34 : memref<!tpu.dma_semaphore, #tpu.memory_space<semaphore_mem>>)
    %dma_wait3A_120 = arith.constant 0 : i32
    %dma_wait3A_121 = tpu.memref_slice %arg3[%dma_wait3A_120] : memref<320000xi32, #tpu.memory_space<hbm>> -> memref<80xi32, #tpu.memory_space<hbm>>
    %dma_wait3A_122 = arith.constant 0 : i32
    %dma_wait3A_123 = tpu.memref_slice %arg3[%dma_wait3A_122] : memref<320000xi32, #tpu.memory_space<hbm>> -> memref<80xi32, #tpu.memory_space<hbm>>
    tpu.wait_dma2 semaphore(%arg30 : memref<!tpu.dma_semaphore, #tpu.memory_space<semaphore_mem>>) src(%dma_wait3A_123 : memref<80xi32, #tpu.memory_space<hbm>>) dst(%arg12 : memref<80xi32, #tpu.memory_space<vmem>>)
    %dma_wait3A_124 = arith.constant 0 : i32
    %dma_wait3A_125 = tpu.memref_slice %arg3[%dma_wait3A_124] : memref<320000xi32, #tpu.memory_space<hbm>> -> memref<80xi32, #tpu.memory_space<hbm>>
    %dma_wait3A_126 = arith.constant 0 : i32
    %dma_wait3A_127 = tpu.memref_slice %arg3[%dma_wait3A_126] : memref<320000xi32, #tpu.memory_space<hbm>> -> memref<80xi32, #tpu.memory_space<hbm>>
    tpu.wait_dma2 semaphore(%arg30 : memref<!tpu.dma_semaphore, #tpu.memory_space<semaphore_mem>>) src(%dma_wait3A_127 : memref<80xi32, #tpu.memory_space<hbm>>) dst(%arg14 : memref<80xi32, #tpu.memory_space<vmem>>)
    %dma_wait3A_128 = arith.constant 0 : i32
    %dma_wait3A_129 = tpu.memref_slice %arg3[%dma_wait3A_128] : memref<320000xi32, #tpu.memory_space<hbm>> -> memref<80xi32, #tpu.memory_space<hbm>>
    %dma_wait3A_130 = arith.constant 0 : i32
    %dma_wait3A_131 = tpu.memref_slice %arg3[%dma_wait3A_130] : memref<320000xi32, #tpu.memory_space<hbm>> -> memref<80xi32, #tpu.memory_space<hbm>>
    tpu.wait_dma2 semaphore(%arg30 : memref<!tpu.dma_semaphore, #tpu.memory_space<semaphore_mem>>) src(%dma_wait3A_131 : memref<80xi32, #tpu.memory_space<hbm>>) dst(%arg13 : memref<80xi32, #tpu.memory_space<vmem>>)
    %dma_wait3A_132 = arith.constant 0 : i32
    %dma_wait3A_133 = tpu.memref_slice %arg3[%dma_wait3A_132] : memref<320000xi32, #tpu.memory_space<hbm>> -> memref<80xi32, #tpu.memory_space<hbm>>
    %dma_wait3A_134 = arith.constant 0 : i32
    %dma_wait3A_135 = tpu.memref_slice %arg3[%dma_wait3A_134] : memref<320000xi32, #tpu.memory_space<hbm>> -> memref<80xi32, #tpu.memory_space<hbm>>
    tpu.wait_dma2 semaphore(%arg30 : memref<!tpu.dma_semaphore, #tpu.memory_space<semaphore_mem>>) src(%dma_wait3A_135 : memref<80xi32, #tpu.memory_space<hbm>>) dst(%arg15 : memref<80xi32, #tpu.memory_space<vmem>>)
    %scan3A = arith.constant 0 : i32
    %scan3A_136 = arith.constant 15 : i32
    %scan3A_137 = arith.addi %scan3A, %scan3A_136 : i32
    %scan3A_138 = arith.constant 1 : i32
    scf.for %scan3A_180 = %scan3A to %scan3A_137 step %scan3A_138  : i32 {
      %mul3A_181 = arith.constant 8 : i32
      %mul3A_182 = arith.muli %scan3A_180, %mul3A_181 : i32
      %add3A_183 = arith.constant 0 : i32
      %add3A_184 = arith.addi %add3A_183, %mul3A_182 : i32
      %dma_start3A_185 = arith.constant 0 : i32
      %dma_start3A_186 = arith.constant 0 : i32
      %dma_start3A_187 = tpu.memref_slice %arg2[%dma_start3A_185, %dma_start3A_186] : memref<10000x128xf32, #tpu.memory_space<hbm>> -> memref<10000x128xf32, #tpu.memory_space<hbm>>
      tpu.enqueue_indirect_dma source(%dma_start3A_187 : memref<10000x128xf32, #tpu.memory_space<hbm>>) target(%arg26 : memref<80x128xf32, #tpu.memory_space<vmem>>) offsets(%arg12 : memref<80xi32, #tpu.memory_space<vmem>>) semaphore(%arg35 : memref<!tpu.dma_semaphore, #tpu.memory_space<semaphore_mem>>)
      %dma_start3A_188 = arith.constant 0 : i32
      %dma_start3A_189 = arith.constant 0 : i32
      %dma_start3A_190 = tpu.memref_slice %arg2[%dma_start3A_188, %dma_start3A_189] : memref<10000x128xf32, #tpu.memory_space<hbm>> -> memref<10000x128xf32, #tpu.memory_space<hbm>>
      tpu.enqueue_indirect_dma source(%dma_start3A_190 : memref<10000x128xf32, #tpu.memory_space<hbm>>) target(%arg27 : memref<80x128xf32, #tpu.memory_space<vmem>>) offsets(%arg13 : memref<80xi32, #tpu.memory_space<vmem>>) semaphore(%arg36 : memref<!tpu.dma_semaphore, #tpu.memory_space<semaphore_mem>>)
      %dma_wait3A_191 = arith.constant 0 : i32
      %dma_wait3A_192 = arith.constant 0 : i32
      %dma_wait3A_193 = tpu.memref_slice %arg2[%dma_wait3A_191, %dma_wait3A_192] : memref<10000x128xf32, #tpu.memory_space<hbm>> -> memref<80x128xf32, #tpu.memory_space<hbm>>
      %dma_wait3A_194 = arith.constant 0 : i32
      %dma_wait3A_195 = arith.constant 0 : i32
      %dma_wait3A_196 = tpu.memref_slice %arg2[%dma_wait3A_194, %dma_wait3A_195] : memref<10000x128xf32, #tpu.memory_space<hbm>> -> memref<80x128xf32, #tpu.memory_space<hbm>>
      tpu.wait_dma2 semaphore(%arg33 : memref<!tpu.dma_semaphore, #tpu.memory_space<semaphore_mem>>) src(%dma_wait3A_196 : memref<80x128xf32, #tpu.memory_space<hbm>>) dst(%arg24 : memref<80x128xf32, #tpu.memory_space<vmem>>)
      "tpu.region"() ({
        %run_scoped3A = tpu.sem_alloc : memref<!tpu.dma_semaphore, #tpu.memory_space<semaphore_mem>>
        %dma_start3A_378 = arith.constant 0 : i32
        %dma_start3A_379 = arith.constant 0 : i32
        %dma_start3A_380 = tpu.memref_slice %arg7[%dma_start3A_378, %dma_start3A_379] : memref<10000x128xf32, #tpu.memory_space<vmem_shared>> -> memref<10000x128xf32, #tpu.memory_space<vmem_shared>>
        tpu.enqueue_indirect_dma source(%arg24 : memref<80x128xf32, #tpu.memory_space<vmem>>) target(%dma_start3A_380 : memref<10000x128xf32, #tpu.memory_space<vmem_shared>>) offsets(%arg10 : memref<80xi32, #tpu.memory_space<vmem>>) semaphore(%run_scoped3A : memref<!tpu.dma_semaphore, #tpu.memory_space<semaphore_mem>>) {add = true}
        %dma_wait3A_381 = arith.constant 0 : i32
        %dma_wait3A_382 = arith.constant 0 : i32
        %dma_wait3A_383 = tpu.memref_slice %arg7[%dma_wait3A_381, %dma_wait3A_382] : memref<10000x128xf32, #tpu.memory_space<vmem_shared>> -> memref<10000x128xf32, #tpu.memory_space<vmem_shared>>
        tpu.wait_indirect_dma semaphore(%run_scoped3A : memref<!tpu.dma_semaphore, #tpu.memory_space<semaphore_mem>>) src(%arg24 : memref<80x128xf32, #tpu.memory_space<vmem>>) dst(%dma_wait3A_383 : memref<10000x128xf32, #tpu.memory_space<vmem_shared>>)
        tpu.yield
      }) : () -> ()
      %dma_wait3A_197 = arith.constant 0 : i32
      %dma_wait3A_198 = arith.constant 0 : i32
      %dma_wait3A_199 = tpu.memref_slice %arg2[%dma_wait3A_197, %dma_wait3A_198] : memref<10000x128xf32, #tpu.memory_space<hbm>> -> memref<80x128xf32, #tpu.memory_space<hbm>>
      %dma_wait3A_200 = arith.constant 0 : i32
      %dma_wait3A_201 = arith.constant 0 : i32
      %dma_wait3A_202 = tpu.memref_slice %arg2[%dma_wait3A_200, %dma_wait3A_201] : memref<10000x128xf32, #tpu.memory_space<hbm>> -> memref<80x128xf32, #tpu.memory_space<hbm>>
      tpu.wait_dma2 semaphore(%arg34 : memref<!tpu.dma_semaphore, #tpu.memory_space<semaphore_mem>>) src(%dma_wait3A_202 : memref<80x128xf32, #tpu.memory_space<hbm>>) dst(%arg25 : memref<80x128xf32, #tpu.memory_space<vmem>>)
      "tpu.region"() ({
        %run_scoped3A = tpu.sem_alloc : memref<!tpu.dma_semaphore, #tpu.memory_space<semaphore_mem>>
        %dma_start3A_378 = arith.constant 0 : i32
        %dma_start3A_379 = arith.constant 0 : i32
        %dma_start3A_380 = tpu.memref_slice %arg7[%dma_start3A_378, %dma_start3A_379] : memref<10000x128xf32, #tpu.memory_space<vmem_shared>> -> memref<10000x128xf32, #tpu.memory_space<vmem_shared>>
        tpu.enqueue_indirect_dma source(%arg25 : memref<80x128xf32, #tpu.memory_space<vmem>>) target(%dma_start3A_380 : memref<10000x128xf32, #tpu.memory_space<vmem_shared>>) offsets(%arg11 : memref<80xi32, #tpu.memory_space<vmem>>) semaphore(%run_scoped3A : memref<!tpu.dma_semaphore, #tpu.memory_space<semaphore_mem>>) {add = true}
        %dma_wait3A_381 = arith.constant 0 : i32
        %dma_wait3A_382 = arith.constant 0 : i32
        %dma_wait3A_383 = tpu.memref_slice %arg7[%dma_wait3A_381, %dma_wait3A_382] : memref<10000x128xf32, #tpu.memory_space<vmem_shared>> -> memref<10000x128xf32, #tpu.memory_space<vmem_shared>>
        tpu.wait_indirect_dma semaphore(%run_scoped3A : memref<!tpu.dma_semaphore, #tpu.memory_space<semaphore_mem>>) src(%arg25 : memref<80x128xf32, #tpu.memory_space<vmem>>) dst(%dma_wait3A_383 : memref<10000x128xf32, #tpu.memory_space<vmem_shared>>)
        tpu.yield
      }) : () -> ()
      %add3A_203 = arith.constant 8 : i32
      %add3A_204 = arith.addi %add3A_184, %add3A_203 : i32
      %mul3A_205 = arith.constant 80 : i32
      %mul3A_206 = arith.muli %add3A_204, %mul3A_205 : i32
      %add3A_207 = arith.addi %mul3A_8, %mul3A_206 : i32
      %dma_start3A_208 = tpu.memref_slice %arg3[%add3A_207] : memref<320000xi32, #tpu.memory_space<hbm>> -> memref<80xi32, #tpu.memory_space<hbm>>
      %dma_start3A_209 = tpu.memref_slice %arg3[%add3A_207] : memref<320000xi32, #tpu.memory_space<hbm>> -> memref<80xi32, #tpu.memory_space<hbm>>
      tpu.enqueue_dma source(%dma_start3A_209 : memref<80xi32, #tpu.memory_space<hbm>>) target(%arg8 : memref<80xi32, #tpu.memory_space<vmem>>) target_semaphore(%arg29 : memref<!tpu.dma_semaphore, #tpu.memory_space<semaphore_mem>>)
      %mul3A_210 = arith.constant 80 : i32
      %mul3A_211 = arith.muli %add3A_204, %mul3A_210 : i32
      %add3A_212 = arith.addi %mul3A_8, %mul3A_211 : i32
      %dma_start3A_213 = tpu.memref_slice %arg4[%add3A_212] : memref<320000xi32, #tpu.memory_space<hbm>> -> memref<80xi32, #tpu.memory_space<hbm>>
      %dma_start3A_214 = tpu.memref_slice %arg4[%add3A_212] : memref<320000xi32, #tpu.memory_space<hbm>> -> memref<80xi32, #tpu.memory_space<hbm>>
      tpu.enqueue_dma source(%dma_start3A_214 : memref<80xi32, #tpu.memory_space<hbm>>) target(%arg10 : memref<80xi32, #tpu.memory_space<vmem>>) target_semaphore(%arg29 : memref<!tpu.dma_semaphore, #tpu.memory_space<semaphore_mem>>)
      %add3A_215 = arith.constant 9 : i32
      %add3A_216 = arith.addi %add3A_184, %add3A_215 : i32
      %mul3A_217 = arith.constant 80 : i32
      %mul3A_218 = arith.muli %add3A_216, %mul3A_217 : i32
      %add3A_219 = arith.addi %mul3A_8, %mul3A_218 : i32
      %dma_start3A_220 = tpu.memref_slice %arg3[%add3A_219] : memref<320000xi32, #tpu.memory_space<hbm>> -> memref<80xi32, #tpu.memory_space<hbm>>
      %dma_start3A_221 = tpu.memref_slice %arg3[%add3A_219] : memref<320000xi32, #tpu.memory_space<hbm>> -> memref<80xi32, #tpu.memory_space<hbm>>
      tpu.enqueue_dma source(%dma_start3A_221 : memref<80xi32, #tpu.memory_space<hbm>>) target(%arg9 : memref<80xi32, #tpu.memory_space<vmem>>) target_semaphore(%arg29 : memref<!tpu.dma_semaphore, #tpu.memory_space<semaphore_mem>>)
      %mul3A_222 = arith.constant 80 : i32
      %mul3A_223 = arith.muli %add3A_216, %mul3A_222 : i32
      %add3A_224 = arith.addi %mul3A_8, %mul3A_223 : i32
      %dma_start3A_225 = tpu.memref_slice %arg4[%add3A_224] : memref<320000xi32, #tpu.memory_space<hbm>> -> memref<80xi32, #tpu.memory_space<hbm>>
      %dma_start3A_226 = tpu.memref_slice %arg4[%add3A_224] : memref<320000xi32, #tpu.memory_space<hbm>> -> memref<80xi32, #tpu.memory_space<hbm>>
      tpu.enqueue_dma source(%dma_start3A_226 : memref<80xi32, #tpu.memory_space<hbm>>) target(%arg11 : memref<80xi32, #tpu.memory_space<vmem>>) target_semaphore(%arg29 : memref<!tpu.dma_semaphore, #tpu.memory_space<semaphore_mem>>)
      %dma_wait3A_227 = arith.constant 0 : i32
      %dma_wait3A_228 = tpu.memref_slice %arg3[%dma_wait3A_227] : memref<320000xi32, #tpu.memory_space<hbm>> -> memref<80xi32, #tpu.memory_space<hbm>>
      %dma_wait3A_229 = arith.constant 0 : i32
      %dma_wait3A_230 = tpu.memref_slice %arg3[%dma_wait3A_229] : memref<320000xi32, #tpu.memory_space<hbm>> -> memref<80xi32, #tpu.memory_space<hbm>>
      tpu.wait_dma2 semaphore(%arg31 : memref<!tpu.dma_semaphore, #tpu.memory_space<semaphore_mem>>) src(%dma_wait3A_230 : memref<80xi32, #tpu.memory_space<hbm>>) dst(%arg16 : memref<80xi32, #tpu.memory_space<vmem>>)
      %dma_wait3A_231 = arith.constant 0 : i32
      %dma_wait3A_232 = tpu.memref_slice %arg3[%dma_wait3A_231] : memref<320000xi32, #tpu.memory_space<hbm>> -> memref<80xi32, #tpu.memory_space<hbm>>
      %dma_wait3A_233 = arith.constant 0 : i32
      %dma_wait3A_234 = tpu.memref_slice %arg3[%dma_wait3A_233] : memref<320000xi32, #tpu.memory_space<hbm>> -> memref<80xi32, #tpu.memory_space<hbm>>
      tpu.wait_dma2 semaphore(%arg31 : memref<!tpu.dma_semaphore, #tpu.memory_space<semaphore_mem>>) src(%dma_wait3A_234 : memref<80xi32, #tpu.memory_space<hbm>>) dst(%arg18 : memref<80xi32, #tpu.memory_space<vmem>>)
      %dma_wait3A_235 = arith.constant 0 : i32
      %dma_wait3A_236 = tpu.memref_slice %arg3[%dma_wait3A_235] : memref<320000xi32, #tpu.memory_space<hbm>> -> memref<80xi32, #tpu.memory_space<hbm>>
      %dma_wait3A_237 = arith.constant 0 : i32
      %dma_wait3A_238 = tpu.memref_slice %arg3[%dma_wait3A_237] : memref<320000xi32, #tpu.memory_space<hbm>> -> memref<80xi32, #tpu.memory_space<hbm>>
      tpu.wait_dma2 semaphore(%arg31 : memref<!tpu.dma_semaphore, #tpu.memory_space<semaphore_mem>>) src(%dma_wait3A_238 : memref<80xi32, #tpu.memory_space<hbm>>) dst(%arg17 : memref<80xi32, #tpu.memory_space<vmem>>)
      %dma_wait3A_239 = arith.constant 0 : i32
      %dma_wait3A_240 = tpu.memref_slice %arg3[%dma_wait3A_239] : memref<320000xi32, #tpu.memory_space<hbm>> -> memref<80xi32, #tpu.memory_space<hbm>>
      %dma_wait3A_241 = arith.constant 0 : i32
      %dma_wait3A_242 = tpu.memref_slice %arg3[%dma_wait3A_241] : memref<320000xi32, #tpu.memory_space<hbm>> -> memref<80xi32, #tpu.memory_space<hbm>>
      tpu.wait_dma2 semaphore(%arg31 : memref<!tpu.dma_semaphore, #tpu.memory_space<semaphore_mem>>) src(%dma_wait3A_242 : memref<80xi32, #tpu.memory_space<hbm>>) dst(%arg19 : memref<80xi32, #tpu.memory_space<vmem>>)
      %dma_start3A_243 = arith.constant 0 : i32
      %dma_start3A_244 = arith.constant 0 : i32
      %dma_start3A_245 = tpu.memref_slice %arg2[%dma_start3A_243, %dma_start3A_244] : memref<10000x128xf32, #tpu.memory_space<hbm>> -> memref<10000x128xf32, #tpu.memory_space<hbm>>
      tpu.enqueue_indirect_dma source(%dma_start3A_245 : memref<10000x128xf32, #tpu.memory_space<hbm>>) target(%arg24 : memref<80x128xf32, #tpu.memory_space<vmem>>) offsets(%arg16 : memref<80xi32, #tpu.memory_space<vmem>>) semaphore(%arg33 : memref<!tpu.dma_semaphore, #tpu.memory_space<semaphore_mem>>)
      %dma_start3A_246 = arith.constant 0 : i32
      %dma_start3A_247 = arith.constant 0 : i32
      %dma_start3A_248 = tpu.memref_slice %arg2[%dma_start3A_246, %dma_start3A_247] : memref<10000x128xf32, #tpu.memory_space<hbm>> -> memref<10000x128xf32, #tpu.memory_space<hbm>>
      tpu.enqueue_indirect_dma source(%dma_start3A_248 : memref<10000x128xf32, #tpu.memory_space<hbm>>) target(%arg25 : memref<80x128xf32, #tpu.memory_space<vmem>>) offsets(%arg17 : memref<80xi32, #tpu.memory_space<vmem>>) semaphore(%arg34 : memref<!tpu.dma_semaphore, #tpu.memory_space<semaphore_mem>>)
      %dma_wait3A_249 = arith.constant 0 : i32
      %dma_wait3A_250 = arith.constant 0 : i32
      %dma_wait3A_251 = tpu.memref_slice %arg2[%dma_wait3A_249, %dma_wait3A_250] : memref<10000x128xf32, #tpu.memory_space<hbm>> -> memref<80x128xf32, #tpu.memory_space<hbm>>
      %dma_wait3A_252 = arith.constant 0 : i32
      %dma_wait3A_253 = arith.constant 0 : i32
      %dma_wait3A_254 = tpu.memref_slice %arg2[%dma_wait3A_252, %dma_wait3A_253] : memref<10000x128xf32, #tpu.memory_space<hbm>> -> memref<80x128xf32, #tpu.memory_space<hbm>>
      tpu.wait_dma2 semaphore(%arg35 : memref<!tpu.dma_semaphore, #tpu.memory_space<semaphore_mem>>) src(%dma_wait3A_254 : memref<80x128xf32, #tpu.memory_space<hbm>>) dst(%arg26 : memref<80x128xf32, #tpu.memory_space<vmem>>)
      "tpu.region"() ({
        %run_scoped3A = tpu.sem_alloc : memref<!tpu.dma_semaphore, #tpu.memory_space<semaphore_mem>>
        %dma_start3A_378 = arith.constant 0 : i32
        %dma_start3A_379 = arith.constant 0 : i32
        %dma_start3A_380 = tpu.memref_slice %arg7[%dma_start3A_378, %dma_start3A_379] : memref<10000x128xf32, #tpu.memory_space<vmem_shared>> -> memref<10000x128xf32, #tpu.memory_space<vmem_shared>>
        tpu.enqueue_indirect_dma source(%arg26 : memref<80x128xf32, #tpu.memory_space<vmem>>) target(%dma_start3A_380 : memref<10000x128xf32, #tpu.memory_space<vmem_shared>>) offsets(%arg14 : memref<80xi32, #tpu.memory_space<vmem>>) semaphore(%run_scoped3A : memref<!tpu.dma_semaphore, #tpu.memory_space<semaphore_mem>>) {add = true}
        %dma_wait3A_381 = arith.constant 0 : i32
        %dma_wait3A_382 = arith.constant 0 : i32
        %dma_wait3A_383 = tpu.memref_slice %arg7[%dma_wait3A_381, %dma_wait3A_382] : memref<10000x128xf32, #tpu.memory_space<vmem_shared>> -> memref<10000x128xf32, #tpu.memory_space<vmem_shared>>
        tpu.wait_indirect_dma semaphore(%run_scoped3A : memref<!tpu.dma_semaphore, #tpu.memory_space<semaphore_mem>>) src(%arg26 : memref<80x128xf32, #tpu.memory_space<vmem>>) dst(%dma_wait3A_383 : memref<10000x128xf32, #tpu.memory_space<vmem_shared>>)
        tpu.yield
      }) : () -> ()
      %dma_wait3A_255 = arith.constant 0 : i32
      %dma_wait3A_256 = arith.constant 0 : i32
      %dma_wait3A_257 = tpu.memref_slice %arg2[%dma_wait3A_255, %dma_wait3A_256] : memref<10000x128xf32, #tpu.memory_space<hbm>> -> memref<80x128xf32, #tpu.memory_space<hbm>>
      %dma_wait3A_258 = arith.constant 0 : i32
      %dma_wait3A_259 = arith.constant 0 : i32
      %dma_wait3A_260 = tpu.memref_slice %arg2[%dma_wait3A_258, %dma_wait3A_259] : memref<10000x128xf32, #tpu.memory_space<hbm>> -> memref<80x128xf32, #tpu.memory_space<hbm>>
      tpu.wait_dma2 semaphore(%arg36 : memref<!tpu.dma_semaphore, #tpu.memory_space<semaphore_mem>>) src(%dma_wait3A_260 : memref<80x128xf32, #tpu.memory_space<hbm>>) dst(%arg27 : memref<80x128xf32, #tpu.memory_space<vmem>>)
      "tpu.region"() ({
        %run_scoped3A = tpu.sem_alloc : memref<!tpu.dma_semaphore, #tpu.memory_space<semaphore_mem>>
        %dma_start3A_378 = arith.constant 0 : i32
        %dma_start3A_379 = arith.constant 0 : i32
        %dma_start3A_380 = tpu.memref_slice %arg7[%dma_start3A_378, %dma_start3A_379] : memref<10000x128xf32, #tpu.memory_space<vmem_shared>> -> memref<10000x128xf32, #tpu.memory_space<vmem_shared>>
        tpu.enqueue_indirect_dma source(%arg27 : memref<80x128xf32, #tpu.memory_space<vmem>>) target(%dma_start3A_380 : memref<10000x128xf32, #tpu.memory_space<vmem_shared>>) offsets(%arg15 : memref<80xi32, #tpu.memory_space<vmem>>) semaphore(%run_scoped3A : memref<!tpu.dma_semaphore, #tpu.memory_space<semaphore_mem>>) {add = true}
        %dma_wait3A_381 = arith.constant 0 : i32
        %dma_wait3A_382 = arith.constant 0 : i32
        %dma_wait3A_383 = tpu.memref_slice %arg7[%dma_wait3A_381, %dma_wait3A_382] : memref<10000x128xf32, #tpu.memory_space<vmem_shared>> -> memref<10000x128xf32, #tpu.memory_space<vmem_shared>>
        tpu.wait_indirect_dma semaphore(%run_scoped3A : memref<!tpu.dma_semaphore, #tpu.memory_space<semaphore_mem>>) src(%arg27 : memref<80x128xf32, #tpu.memory_space<vmem>>) dst(%dma_wait3A_383 : memref<10000x128xf32, #tpu.memory_space<vmem_shared>>)
        tpu.yield
      }) : () -> ()
      %add3A_261 = arith.constant 10 : i32
      %add3A_262 = arith.addi %add3A_184, %add3A_261 : i32
      %mul3A_263 = arith.constant 80 : i32
      %mul3A_264 = arith.muli %add3A_262, %mul3A_263 : i32
      %add3A_265 = arith.addi %mul3A_8, %mul3A_264 : i32
      %dma_start3A_266 = tpu.memref_slice %arg3[%add3A_265] : memref<320000xi32, #tpu.memory_space<hbm>> -> memref<80xi32, #tpu.memory_space<hbm>>
      %dma_start3A_267 = tpu.memref_slice %arg3[%add3A_265] : memref<320000xi32, #tpu.memory_space<hbm>> -> memref<80xi32, #tpu.memory_space<hbm>>
      tpu.enqueue_dma source(%dma_start3A_267 : memref<80xi32, #tpu.memory_space<hbm>>) target(%arg12 : memref<80xi32, #tpu.memory_space<vmem>>) target_semaphore(%arg30 : memref<!tpu.dma_semaphore, #tpu.memory_space<semaphore_mem>>)
      %mul3A_268 = arith.constant 80 : i32
      %mul3A_269 = arith.muli %add3A_262, %mul3A_268 : i32
      %add3A_270 = arith.addi %mul3A_8, %mul3A_269 : i32
      %dma_start3A_271 = tpu.memref_slice %arg4[%add3A_270] : memref<320000xi32, #tpu.memory_space<hbm>> -> memref<80xi32, #tpu.memory_space<hbm>>
      %dma_start3A_272 = tpu.memref_slice %arg4[%add3A_270] : memref<320000xi32, #tpu.memory_space<hbm>> -> memref<80xi32, #tpu.memory_space<hbm>>
      tpu.enqueue_dma source(%dma_start3A_272 : memref<80xi32, #tpu.memory_space<hbm>>) target(%arg14 : memref<80xi32, #tpu.memory_space<vmem>>) target_semaphore(%arg30 : memref<!tpu.dma_semaphore, #tpu.memory_space<semaphore_mem>>)
      %add3A_273 = arith.constant 11 : i32
      %add3A_274 = arith.addi %add3A_184, %add3A_273 : i32
      %mul3A_275 = arith.constant 80 : i32
      %mul3A_276 = arith.muli %add3A_274, %mul3A_275 : i32
      %add3A_277 = arith.addi %mul3A_8, %mul3A_276 : i32
      %dma_start3A_278 = tpu.memref_slice %arg3[%add3A_277] : memref<320000xi32, #tpu.memory_space<hbm>> -> memref<80xi32, #tpu.memory_space<hbm>>
      %dma_start3A_279 = tpu.memref_slice %arg3[%add3A_277] : memref<320000xi32, #tpu.memory_space<hbm>> -> memref<80xi32, #tpu.memory_space<hbm>>
      tpu.enqueue_dma source(%dma_start3A_279 : memref<80xi32, #tpu.memory_space<hbm>>) target(%arg13 : memref<80xi32, #tpu.memory_space<vmem>>) target_semaphore(%arg30 : memref<!tpu.dma_semaphore, #tpu.memory_space<semaphore_mem>>)
      %mul3A_280 = arith.constant 80 : i32
      %mul3A_281 = arith.muli %add3A_274, %mul3A_280 : i32
      %add3A_282 = arith.addi %mul3A_8, %mul3A_281 : i32
      %dma_start3A_283 = tpu.memref_slice %arg4[%add3A_282] : memref<320000xi32, #tpu.memory_space<hbm>> -> memref<80xi32, #tpu.memory_space<hbm>>
      %dma_start3A_284 = tpu.memref_slice %arg4[%add3A_282] : memref<320000xi32, #tpu.memory_space<hbm>> -> memref<80xi32, #tpu.memory_space<hbm>>
      tpu.enqueue_dma source(%dma_start3A_284 : memref<80xi32, #tpu.memory_space<hbm>>) target(%arg15 : memref<80xi32, #tpu.memory_space<vmem>>) target_semaphore(%arg30 : memref<!tpu.dma_semaphore, #tpu.memory_space<semaphore_mem>>)
      %dma_wait3A_285 = arith.constant 0 : i32
      %dma_wait3A_286 = tpu.memref_slice %arg3[%dma_wait3A_285] : memref<320000xi32, #tpu.memory_space<hbm>> -> memref<80xi32, #tpu.memory_space<hbm>>
      %dma_wait3A_287 = arith.constant 0 : i32
      %dma_wait3A_288 = tpu.memref_slice %arg3[%dma_wait3A_287] : memref<320000xi32, #tpu.memory_space<hbm>> -> memref<80xi32, #tpu.memory_space<hbm>>
      tpu.wait_dma2 semaphore(%arg32 : memref<!tpu.dma_semaphore, #tpu.memory_space<semaphore_mem>>) src(%dma_wait3A_288 : memref<80xi32, #tpu.memory_space<hbm>>) dst(%arg20 : memref<80xi32, #tpu.memory_space<vmem>>)
      %dma_wait3A_289 = arith.constant 0 : i32
      %dma_wait3A_290 = tpu.memref_slice %arg3[%dma_wait3A_289] : memref<320000xi32, #tpu.memory_space<hbm>> -> memref<80xi32, #tpu.memory_space<hbm>>
      %dma_wait3A_291 = arith.constant 0 : i32
      %dma_wait3A_292 = tpu.memref_slice %arg3[%dma_wait3A_291] : memref<320000xi32, #tpu.memory_space<hbm>> -> memref<80xi32, #tpu.memory_space<hbm>>
      tpu.wait_dma2 semaphore(%arg32 : memref<!tpu.dma_semaphore, #tpu.memory_space<semaphore_mem>>) src(%dma_wait3A_292 : memref<80xi32, #tpu.memory_space<hbm>>) dst(%arg22 : memref<80xi32, #tpu.memory_space<vmem>>)
      %dma_wait3A_293 = arith.constant 0 : i32
      %dma_wait3A_294 = tpu.memref_slice %arg3[%dma_wait3A_293] : memref<320000xi32, #tpu.memory_space<hbm>> -> memref<80xi32, #tpu.memory_space<hbm>>
      %dma_wait3A_295 = arith.constant 0 : i32
      %dma_wait3A_296 = tpu.memref_slice %arg3[%dma_wait3A_295] : memref<320000xi32, #tpu.memory_space<hbm>> -> memref<80xi32, #tpu.memory_space<hbm>>
      tpu.wait_dma2 semaphore(%arg32 : memref<!tpu.dma_semaphore, #tpu.memory_space<semaphore_mem>>) src(%dma_wait3A_296 : memref<80xi32, #tpu.memory_space<hbm>>) dst(%arg21 : memref<80xi32, #tpu.memory_space<vmem>>)
      %dma_wait3A_297 = arith.constant 0 : i32
      %dma_wait3A_298 = tpu.memref_slice %arg3[%dma_wait3A_297] : memref<320000xi32, #tpu.memory_space<hbm>> -> memref<80xi32, #tpu.memory_space<hbm>>
      %dma_wait3A_299 = arith.constant 0 : i32
      %dma_wait3A_300 = tpu.memref_slice %arg3[%dma_wait3A_299] : memref<320000xi32, #tpu.memory_space<hbm>> -> memref<80xi32, #tpu.memory_space<hbm>>
      tpu.wait_dma2 semaphore(%arg32 : memref<!tpu.dma_semaphore, #tpu.memory_space<semaphore_mem>>) src(%dma_wait3A_300 : memref<80xi32, #tpu.memory_space<hbm>>) dst(%arg23 : memref<80xi32, #tpu.memory_space<vmem>>)
      %dma_start3A_301 = arith.constant 0 : i32
      %dma_start3A_302 = arith.constant 0 : i32
      %dma_start3A_303 = tpu.memref_slice %arg2[%dma_start3A_301, %dma_start3A_302] : memref<10000x128xf32, #tpu.memory_space<hbm>> -> memref<10000x128xf32, #tpu.memory_space<hbm>>
      tpu.enqueue_indirect_dma source(%dma_start3A_303 : memref<10000x128xf32, #tpu.memory_space<hbm>>) target(%arg26 : memref<80x128xf32, #tpu.memory_space<vmem>>) offsets(%arg20 : memref<80xi32, #tpu.memory_space<vmem>>) semaphore(%arg35 : memref<!tpu.dma_semaphore, #tpu.memory_space<semaphore_mem>>)
      %dma_start3A_304 = arith.constant 0 : i32
      %dma_start3A_305 = arith.constant 0 : i32
      %dma_start3A_306 = tpu.memref_slice %arg2[%dma_start3A_304, %dma_start3A_305] : memref<10000x128xf32, #tpu.memory_space<hbm>> -> memref<10000x128xf32, #tpu.memory_space<hbm>>
      tpu.enqueue_indirect_dma source(%dma_start3A_306 : memref<10000x128xf32, #tpu.memory_space<hbm>>) target(%arg27 : memref<80x128xf32, #tpu.memory_space<vmem>>) offsets(%arg21 : memref<80xi32, #tpu.memory_space<vmem>>) semaphore(%arg36 : memref<!tpu.dma_semaphore, #tpu.memory_space<semaphore_mem>>)
      %dma_wait3A_307 = arith.constant 0 : i32
      %dma_wait3A_308 = arith.constant 0 : i32
      %dma_wait3A_309 = tpu.memref_slice %arg2[%dma_wait3A_307, %dma_wait3A_308] : memref<10000x128xf32, #tpu.memory_space<hbm>> -> memref<80x128xf32, #tpu.memory_space<hbm>>
      %dma_wait3A_310 = arith.constant 0 : i32
      %dma_wait3A_311 = arith.constant 0 : i32
      %dma_wait3A_312 = tpu.memref_slice %arg2[%dma_wait3A_310, %dma_wait3A_311] : memref<10000x128xf32, #tpu.memory_space<hbm>> -> memref<80x128xf32, #tpu.memory_space<hbm>>
      tpu.wait_dma2 semaphore(%arg33 : memref<!tpu.dma_semaphore, #tpu.memory_space<semaphore_mem>>) src(%dma_wait3A_312 : memref<80x128xf32, #tpu.memory_space<hbm>>) dst(%arg24 : memref<80x128xf32, #tpu.memory_space<vmem>>)
      "tpu.region"() ({
        %run_scoped3A = tpu.sem_alloc : memref<!tpu.dma_semaphore, #tpu.memory_space<semaphore_mem>>
        %dma_start3A_378 = arith.constant 0 : i32
        %dma_start3A_379 = arith.constant 0 : i32
        %dma_start3A_380 = tpu.memref_slice %arg7[%dma_start3A_378, %dma_start3A_379] : memref<10000x128xf32, #tpu.memory_space<vmem_shared>> -> memref<10000x128xf32, #tpu.memory_space<vmem_shared>>
        tpu.enqueue_indirect_dma source(%arg24 : memref<80x128xf32, #tpu.memory_space<vmem>>) target(%dma_start3A_380 : memref<10000x128xf32, #tpu.memory_space<vmem_shared>>) offsets(%arg18 : memref<80xi32, #tpu.memory_space<vmem>>) semaphore(%run_scoped3A : memref<!tpu.dma_semaphore, #tpu.memory_space<semaphore_mem>>) {add = true}
        %dma_wait3A_381 = arith.constant 0 : i32
        %dma_wait3A_382 = arith.constant 0 : i32
        %dma_wait3A_383 = tpu.memref_slice %arg7[%dma_wait3A_381, %dma_wait3A_382] : memref<10000x128xf32, #tpu.memory_space<vmem_shared>> -> memref<10000x128xf32, #tpu.memory_space<vmem_shared>>
        tpu.wait_indirect_dma semaphore(%run_scoped3A : memref<!tpu.dma_semaphore, #tpu.memory_space<semaphore_mem>>) src(%arg24 : memref<80x128xf32, #tpu.memory_space<vmem>>) dst(%dma_wait3A_383 : memref<10000x128xf32, #tpu.memory_space<vmem_shared>>)
        tpu.yield
      }) : () -> ()
      %dma_wait3A_313 = arith.constant 0 : i32
      %dma_wait3A_314 = arith.constant 0 : i32
      %dma_wait3A_315 = tpu.memref_slice %arg2[%dma_wait3A_313, %dma_wait3A_314] : memref<10000x128xf32, #tpu.memory_space<hbm>> -> memref<80x128xf32, #tpu.memory_space<hbm>>
      %dma_wait3A_316 = arith.constant 0 : i32
      %dma_wait3A_317 = arith.constant 0 : i32
      %dma_wait3A_318 = tpu.memref_slice %arg2[%dma_wait3A_316, %dma_wait3A_317] : memref<10000x128xf32, #tpu.memory_space<hbm>> -> memref<80x128xf32, #tpu.memory_space<hbm>>
      tpu.wait_dma2 semaphore(%arg34 : memref<!tpu.dma_semaphore, #tpu.memory_space<semaphore_mem>>) src(%dma_wait3A_318 : memref<80x128xf32, #tpu.memory_space<hbm>>) dst(%arg25 : memref<80x128xf32, #tpu.memory_space<vmem>>)
      "tpu.region"() ({
        %run_scoped3A = tpu.sem_alloc : memref<!tpu.dma_semaphore, #tpu.memory_space<semaphore_mem>>
        %dma_start3A_378 = arith.constant 0 : i32
        %dma_start3A_379 = arith.constant 0 : i32
        %dma_start3A_380 = tpu.memref_slice %arg7[%dma_start3A_378, %dma_start3A_379] : memref<10000x128xf32, #tpu.memory_space<vmem_shared>> -> memref<10000x128xf32, #tpu.memory_space<vmem_shared>>
        tpu.enqueue_indirect_dma source(%arg25 : memref<80x128xf32, #tpu.memory_space<vmem>>) target(%dma_start3A_380 : memref<10000x128xf32, #tpu.memory_space<vmem_shared>>) offsets(%arg19 : memref<80xi32, #tpu.memory_space<vmem>>) semaphore(%run_scoped3A : memref<!tpu.dma_semaphore, #tpu.memory_space<semaphore_mem>>) {add = true}
        %dma_wait3A_381 = arith.constant 0 : i32
        %dma_wait3A_382 = arith.constant 0 : i32
        %dma_wait3A_383 = tpu.memref_slice %arg7[%dma_wait3A_381, %dma_wait3A_382] : memref<10000x128xf32, #tpu.memory_space<vmem_shared>> -> memref<10000x128xf32, #tpu.memory_space<vmem_shared>>
        tpu.wait_indirect_dma semaphore(%run_scoped3A : memref<!tpu.dma_semaphore, #tpu.memory_space<semaphore_mem>>) src(%arg25 : memref<80x128xf32, #tpu.memory_space<vmem>>) dst(%dma_wait3A_383 : memref<10000x128xf32, #tpu.memory_space<vmem_shared>>)
        tpu.yield
      }) : () -> ()
      %lt3A = arith.constant 111 : i32
      %lt3A_319 = arith.cmpi slt, %add3A_184, %lt3A : i32
      %convert_element_type3A_320 = arith.extui %lt3A_319 : i1 to i32
      %cond3A_321 = arith.constant 0 : i32
      %cond3A_322 = arith.cmpi ne, %convert_element_type3A_320, %cond3A_321 : i32
      scf.if %cond3A_322 {
        %add3A_378 = arith.constant 12 : i32
        %add3A_379 = arith.addi %add3A_184, %add3A_378 : i32
        %mul3A_380 = arith.constant 80 : i32
        %mul3A_381 = arith.muli %add3A_379, %mul3A_380 : i32
        %add3A_382 = arith.addi %mul3A_8, %mul3A_381 : i32
        %dma_start3A_383 = tpu.memref_slice %arg3[%add3A_382] : memref<320000xi32, #tpu.memory_space<hbm>> -> memref<80xi32, #tpu.memory_space<hbm>>
        %dma_start3A_384 = tpu.memref_slice %arg3[%add3A_382] : memref<320000xi32, #tpu.memory_space<hbm>> -> memref<80xi32, #tpu.memory_space<hbm>>
        tpu.enqueue_dma source(%dma_start3A_384 : memref<80xi32, #tpu.memory_space<hbm>>) target(%arg16 : memref<80xi32, #tpu.memory_space<vmem>>) target_semaphore(%arg31 : memref<!tpu.dma_semaphore, #tpu.memory_space<semaphore_mem>>)
        %mul3A_385 = arith.constant 80 : i32
        %mul3A_386 = arith.muli %add3A_379, %mul3A_385 : i32
        %add3A_387 = arith.addi %mul3A_8, %mul3A_386 : i32
        %dma_start3A_388 = tpu.memref_slice %arg4[%add3A_387] : memref<320000xi32, #tpu.memory_space<hbm>> -> memref<80xi32, #tpu.memory_space<hbm>>
        %dma_start3A_389 = tpu.memref_slice %arg4[%add3A_387] : memref<320000xi32, #tpu.memory_space<hbm>> -> memref<80xi32, #tpu.memory_space<hbm>>
        tpu.enqueue_dma source(%dma_start3A_389 : memref<80xi32, #tpu.memory_space<hbm>>) target(%arg18 : memref<80xi32, #tpu.memory_space<vmem>>) target_semaphore(%arg31 : memref<!tpu.dma_semaphore, #tpu.memory_space<semaphore_mem>>)
        %add3A_390 = arith.constant 13 : i32
        %add3A_391 = arith.addi %add3A_184, %add3A_390 : i32
        %mul3A_392 = arith.constant 80 : i32
        %mul3A_393 = arith.muli %add3A_391, %mul3A_392 : i32
        %add3A_394 = arith.addi %mul3A_8, %mul3A_393 : i32
        %dma_start3A_395 = tpu.memref_slice %arg3[%add3A_394] : memref<320000xi32, #tpu.memory_space<hbm>> -> memref<80xi32, #tpu.memory_space<hbm>>
        %dma_start3A_396 = tpu.memref_slice %arg3[%add3A_394] : memref<320000xi32, #tpu.memory_space<hbm>> -> memref<80xi32, #tpu.memory_space<hbm>>
        tpu.enqueue_dma source(%dma_start3A_396 : memref<80xi32, #tpu.memory_space<hbm>>) target(%arg17 : memref<80xi32, #tpu.memory_space<vmem>>) target_semaphore(%arg31 : memref<!tpu.dma_semaphore, #tpu.memory_space<semaphore_mem>>)
        %mul3A_397 = arith.constant 80 : i32
        %mul3A_398 = arith.muli %add3A_391, %mul3A_397 : i32
        %add3A_399 = arith.addi %mul3A_8, %mul3A_398 : i32
        %dma_start3A_400 = tpu.memref_slice %arg4[%add3A_399] : memref<320000xi32, #tpu.memory_space<hbm>> -> memref<80xi32, #tpu.memory_space<hbm>>
        %dma_start3A_401 = tpu.memref_slice %arg4[%add3A_399] : memref<320000xi32, #tpu.memory_space<hbm>> -> memref<80xi32, #tpu.memory_space<hbm>>
        tpu.enqueue_dma source(%dma_start3A_401 : memref<80xi32, #tpu.memory_space<hbm>>) target(%arg19 : memref<80xi32, #tpu.memory_space<vmem>>) target_semaphore(%arg31 : memref<!tpu.dma_semaphore, #tpu.memory_space<semaphore_mem>>)
      } else {
      }
      %dma_wait3A_323 = arith.constant 0 : i32
      %dma_wait3A_324 = tpu.memref_slice %arg3[%dma_wait3A_323] : memref<320000xi32, #tpu.memory_space<hbm>> -> memref<80xi32, #tpu.memory_space<hbm>>
      %dma_wait3A_325 = arith.constant 0 : i32
      %dma_wait3A_326 = tpu.memref_slice %arg3[%dma_wait3A_325] : memref<320000xi32, #tpu.memory_space<hbm>> -> memref<80xi32, #tpu.memory_space<hbm>>
      tpu.wait_dma2 semaphore(%arg29 : memref<!tpu.dma_semaphore, #tpu.memory_space<semaphore_mem>>) src(%dma_wait3A_326 : memref<80xi32, #tpu.memory_space<hbm>>) dst(%arg8 : memref<80xi32, #tpu.memory_space<vmem>>)
      %dma_wait3A_327 = arith.constant 0 : i32
      %dma_wait3A_328 = tpu.memref_slice %arg3[%dma_wait3A_327] : memref<320000xi32, #tpu.memory_space<hbm>> -> memref<80xi32, #tpu.memory_space<hbm>>
      %dma_wait3A_329 = arith.constant 0 : i32
      %dma_wait3A_330 = tpu.memref_slice %arg3[%dma_wait3A_329] : memref<320000xi32, #tpu.memory_space<hbm>> -> memref<80xi32, #tpu.memory_space<hbm>>
      tpu.wait_dma2 semaphore(%arg29 : memref<!tpu.dma_semaphore, #tpu.memory_space<semaphore_mem>>) src(%dma_wait3A_330 : memref<80xi32, #tpu.memory_space<hbm>>) dst(%arg10 : memref<80xi32, #tpu.memory_space<vmem>>)
      %dma_wait3A_331 = arith.constant 0 : i32
      %dma_wait3A_332 = tpu.memref_slice %arg3[%dma_wait3A_331] : memref<320000xi32, #tpu.memory_space<hbm>> -> memref<80xi32, #tpu.memory_space<hbm>>
      %dma_wait3A_333 = arith.constant 0 : i32
      %dma_wait3A_334 = tpu.memref_slice %arg3[%dma_wait3A_333] : memref<320000xi32, #tpu.memory_space<hbm>> -> memref<80xi32, #tpu.memory_space<hbm>>
      tpu.wait_dma2 semaphore(%arg29 : memref<!tpu.dma_semaphore, #tpu.memory_space<semaphore_mem>>) src(%dma_wait3A_334 : memref<80xi32, #tpu.memory_space<hbm>>) dst(%arg9 : memref<80xi32, #tpu.memory_space<vmem>>)
      %dma_wait3A_335 = arith.constant 0 : i32
      %dma_wait3A_336 = tpu.memref_slice %arg3[%dma_wait3A_335] : memref<320000xi32, #tpu.memory_space<hbm>> -> memref<80xi32, #tpu.memory_space<hbm>>
      %dma_wait3A_337 = arith.constant 0 : i32
      %dma_wait3A_338 = tpu.memref_slice %arg3[%dma_wait3A_337] : memref<320000xi32, #tpu.memory_space<hbm>> -> memref<80xi32, #tpu.memory_space<hbm>>
      tpu.wait_dma2 semaphore(%arg29 : memref<!tpu.dma_semaphore, #tpu.memory_space<semaphore_mem>>) src(%dma_wait3A_338 : memref<80xi32, #tpu.memory_space<hbm>>) dst(%arg11 : memref<80xi32, #tpu.memory_space<vmem>>)
      %dma_start3A_339 = arith.constant 0 : i32
      %dma_start3A_340 = arith.constant 0 : i32
      %dma_start3A_341 = tpu.memref_slice %arg2[%dma_start3A_339, %dma_start3A_340] : memref<10000x128xf32, #tpu.memory_space<hbm>> -> memref<10000x128xf32, #tpu.memory_space<hbm>>
      tpu.enqueue_indirect_dma source(%dma_start3A_341 : memref<10000x128xf32, #tpu.memory_space<hbm>>) target(%arg24 : memref<80x128xf32, #tpu.memory_space<vmem>>) offsets(%arg8 : memref<80xi32, #tpu.memory_space<vmem>>) semaphore(%arg33 : memref<!tpu.dma_semaphore, #tpu.memory_space<semaphore_mem>>)
      %dma_start3A_342 = arith.constant 0 : i32
      %dma_start3A_343 = arith.constant 0 : i32
      %dma_start3A_344 = tpu.memref_slice %arg2[%dma_start3A_342, %dma_start3A_343] : memref<10000x128xf32, #tpu.memory_space<hbm>> -> memref<10000x128xf32, #tpu.memory_space<hbm>>
      tpu.enqueue_indirect_dma source(%dma_start3A_344 : memref<10000x128xf32, #tpu.memory_space<hbm>>) target(%arg25 : memref<80x128xf32, #tpu.memory_space<vmem>>) offsets(%arg9 : memref<80xi32, #tpu.memory_space<vmem>>) semaphore(%arg34 : memref<!tpu.dma_semaphore, #tpu.memory_space<semaphore_mem>>)
      %dma_wait3A_345 = arith.constant 0 : i32
      %dma_wait3A_346 = arith.constant 0 : i32
      %dma_wait3A_347 = tpu.memref_slice %arg2[%dma_wait3A_345, %dma_wait3A_346] : memref<10000x128xf32, #tpu.memory_space<hbm>> -> memref<80x128xf32, #tpu.memory_space<hbm>>
      %dma_wait3A_348 = arith.constant 0 : i32
      %dma_wait3A_349 = arith.constant 0 : i32
      %dma_wait3A_350 = tpu.memref_slice %arg2[%dma_wait3A_348, %dma_wait3A_349] : memref<10000x128xf32, #tpu.memory_space<hbm>> -> memref<80x128xf32, #tpu.memory_space<hbm>>
      tpu.wait_dma2 semaphore(%arg35 : memref<!tpu.dma_semaphore, #tpu.memory_space<semaphore_mem>>) src(%dma_wait3A_350 : memref<80x128xf32, #tpu.memory_space<hbm>>) dst(%arg26 : memref<80x128xf32, #tpu.memory_space<vmem>>)
      "tpu.region"() ({
        %run_scoped3A = tpu.sem_alloc : memref<!tpu.dma_semaphore, #tpu.memory_space<semaphore_mem>>
        %dma_start3A_378 = arith.constant 0 : i32
        %dma_start3A_379 = arith.constant 0 : i32
        %dma_start3A_380 = tpu.memref_slice %arg7[%dma_start3A_378, %dma_start3A_379] : memref<10000x128xf32, #tpu.memory_space<vmem_shared>> -> memref<10000x128xf32, #tpu.memory_space<vmem_shared>>
        tpu.enqueue_indirect_dma source(%arg26 : memref<80x128xf32, #tpu.memory_space<vmem>>) target(%dma_start3A_380 : memref<10000x128xf32, #tpu.memory_space<vmem_shared>>) offsets(%arg22 : memref<80xi32, #tpu.memory_space<vmem>>) semaphore(%run_scoped3A : memref<!tpu.dma_semaphore, #tpu.memory_space<semaphore_mem>>) {add = true}
        %dma_wait3A_381 = arith.constant 0 : i32
        %dma_wait3A_382 = arith.constant 0 : i32
        %dma_wait3A_383 = tpu.memref_slice %arg7[%dma_wait3A_381, %dma_wait3A_382] : memref<10000x128xf32, #tpu.memory_space<vmem_shared>> -> memref<10000x128xf32, #tpu.memory_space<vmem_shared>>
        tpu.wait_indirect_dma semaphore(%run_scoped3A : memref<!tpu.dma_semaphore, #tpu.memory_space<semaphore_mem>>) src(%arg26 : memref<80x128xf32, #tpu.memory_space<vmem>>) dst(%dma_wait3A_383 : memref<10000x128xf32, #tpu.memory_space<vmem_shared>>)
        tpu.yield
      }) : () -> ()
      %dma_wait3A_351 = arith.constant 0 : i32
      %dma_wait3A_352 = arith.constant 0 : i32
      %dma_wait3A_353 = tpu.memref_slice %arg2[%dma_wait3A_351, %dma_wait3A_352] : memref<10000x128xf32, #tpu.memory_space<hbm>> -> memref<80x128xf32, #tpu.memory_space<hbm>>
      %dma_wait3A_354 = arith.constant 0 : i32
      %dma_wait3A_355 = arith.constant 0 : i32
      %dma_wait3A_356 = tpu.memref_slice %arg2[%dma_wait3A_354, %dma_wait3A_355] : memref<10000x128xf32, #tpu.memory_space<hbm>> -> memref<80x128xf32, #tpu.memory_space<hbm>>
      tpu.wait_dma2 semaphore(%arg36 : memref<!tpu.dma_semaphore, #tpu.memory_space<semaphore_mem>>) src(%dma_wait3A_356 : memref<80x128xf32, #tpu.memory_space<hbm>>) dst(%arg27 : memref<80x128xf32, #tpu.memory_space<vmem>>)
      "tpu.region"() ({
        %run_scoped3A = tpu.sem_alloc : memref<!tpu.dma_semaphore, #tpu.memory_space<semaphore_mem>>
        %dma_start3A_378 = arith.constant 0 : i32
        %dma_start3A_379 = arith.constant 0 : i32
        %dma_start3A_380 = tpu.memref_slice %arg7[%dma_start3A_378, %dma_start3A_379] : memref<10000x128xf32, #tpu.memory_space<vmem_shared>> -> memref<10000x128xf32, #tpu.memory_space<vmem_shared>>
        tpu.enqueue_indirect_dma source(%arg27 : memref<80x128xf32, #tpu.memory_space<vmem>>) target(%dma_start3A_380 : memref<10000x128xf32, #tpu.memory_space<vmem_shared>>) offsets(%arg23 : memref<80xi32, #tpu.memory_space<vmem>>) semaphore(%run_scoped3A : memref<!tpu.dma_semaphore, #tpu.memory_space<semaphore_mem>>) {add = true}
        %dma_wait3A_381 = arith.constant 0 : i32
        %dma_wait3A_382 = arith.constant 0 : i32
        %dma_wait3A_383 = tpu.memref_slice %arg7[%dma_wait3A_381, %dma_wait3A_382] : memref<10000x128xf32, #tpu.memory_space<vmem_shared>> -> memref<10000x128xf32, #tpu.memory_space<vmem_shared>>
        tpu.wait_indirect_dma semaphore(%run_scoped3A : memref<!tpu.dma_semaphore, #tpu.memory_space<semaphore_mem>>) src(%arg27 : memref<80x128xf32, #tpu.memory_space<vmem>>) dst(%dma_wait3A_383 : memref<10000x128xf32, #tpu.memory_space<vmem_shared>>)
        tpu.yield
      }) : () -> ()
      %lt3A_357 = arith.constant 109 : i32
      %lt3A_358 = arith.cmpi slt, %add3A_184, %lt3A_357 : i32
      %convert_element_type3A_359 = arith.extui %lt3A_358 : i1 to i32
      %cond3A_360 = arith.constant 0 : i32
      %cond3A_361 = arith.cmpi ne, %convert_element_type3A_359, %cond3A_360 : i32
      scf.if %cond3A_361 {
        %add3A_378 = arith.constant 14 : i32
        %add3A_379 = arith.addi %add3A_184, %add3A_378 : i32
        %mul3A_380 = arith.constant 80 : i32
        %mul3A_381 = arith.muli %add3A_379, %mul3A_380 : i32
        %add3A_382 = arith.addi %mul3A_8, %mul3A_381 : i32
        %dma_start3A_383 = tpu.memref_slice %arg3[%add3A_382] : memref<320000xi32, #tpu.memory_space<hbm>> -> memref<80xi32, #tpu.memory_space<hbm>>
        %dma_start3A_384 = tpu.memref_slice %arg3[%add3A_382] : memref<320000xi32, #tpu.memory_space<hbm>> -> memref<80xi32, #tpu.memory_space<hbm>>
        tpu.enqueue_dma source(%dma_start3A_384 : memref<80xi32, #tpu.memory_space<hbm>>) target(%arg20 : memref<80xi32, #tpu.memory_space<vmem>>) target_semaphore(%arg32 : memref<!tpu.dma_semaphore, #tpu.memory_space<semaphore_mem>>)
        %mul3A_385 = arith.constant 80 : i32
        %mul3A_386 = arith.muli %add3A_379, %mul3A_385 : i32
        %add3A_387 = arith.addi %mul3A_8, %mul3A_386 : i32
        %dma_start3A_388 = tpu.memref_slice %arg4[%add3A_387] : memref<320000xi32, #tpu.memory_space<hbm>> -> memref<80xi32, #tpu.memory_space<hbm>>
        %dma_start3A_389 = tpu.memref_slice %arg4[%add3A_387] : memref<320000xi32, #tpu.memory_space<hbm>> -> memref<80xi32, #tpu.memory_space<hbm>>
        tpu.enqueue_dma source(%dma_start3A_389 : memref<80xi32, #tpu.memory_space<hbm>>) target(%arg22 : memref<80xi32, #tpu.memory_space<vmem>>) target_semaphore(%arg32 : memref<!tpu.dma_semaphore, #tpu.memory_space<semaphore_mem>>)
        %add3A_390 = arith.constant 15 : i32
        %add3A_391 = arith.addi %add3A_184, %add3A_390 : i32
        %mul3A_392 = arith.constant 80 : i32
        %mul3A_393 = arith.muli %add3A_391, %mul3A_392 : i32
        %add3A_394 = arith.addi %mul3A_8, %mul3A_393 : i32
        %dma_start3A_395 = tpu.memref_slice %arg3[%add3A_394] : memref<320000xi32, #tpu.memory_space<hbm>> -> memref<80xi32, #tpu.memory_space<hbm>>
        %dma_start3A_396 = tpu.memref_slice %arg3[%add3A_394] : memref<320000xi32, #tpu.memory_space<hbm>> -> memref<80xi32, #tpu.memory_space<hbm>>
        tpu.enqueue_dma source(%dma_start3A_396 : memref<80xi32, #tpu.memory_space<hbm>>) target(%arg21 : memref<80xi32, #tpu.memory_space<vmem>>) target_semaphore(%arg32 : memref<!tpu.dma_semaphore, #tpu.memory_space<semaphore_mem>>)
        %mul3A_397 = arith.constant 80 : i32
        %mul3A_398 = arith.muli %add3A_391, %mul3A_397 : i32
        %add3A_399 = arith.addi %mul3A_8, %mul3A_398 : i32
        %dma_start3A_400 = tpu.memref_slice %arg4[%add3A_399] : memref<320000xi32, #tpu.memory_space<hbm>> -> memref<80xi32, #tpu.memory_space<hbm>>
        %dma_start3A_401 = tpu.memref_slice %arg4[%add3A_399] : memref<320000xi32, #tpu.memory_space<hbm>> -> memref<80xi32, #tpu.memory_space<hbm>>
        tpu.enqueue_dma source(%dma_start3A_401 : memref<80xi32, #tpu.memory_space<hbm>>) target(%arg23 : memref<80xi32, #tpu.memory_space<vmem>>) target_semaphore(%arg32 : memref<!tpu.dma_semaphore, #tpu.memory_space<semaphore_mem>>)
      } else {
      }
      %dma_wait3A_362 = arith.constant 0 : i32
      %dma_wait3A_363 = tpu.memref_slice %arg3[%dma_wait3A_362] : memref<320000xi32, #tpu.memory_space<hbm>> -> memref<80xi32, #tpu.memory_space<hbm>>
      %dma_wait3A_364 = arith.constant 0 : i32
      %dma_wait3A_365 = tpu.memref_slice %arg3[%dma_wait3A_364] : memref<320000xi32, #tpu.memory_space<hbm>> -> memref<80xi32, #tpu.memory_space<hbm>>
      tpu.wait_dma2 semaphore(%arg30 : memref<!tpu.dma_semaphore, #tpu.memory_space<semaphore_mem>>) src(%dma_wait3A_365 : memref<80xi32, #tpu.memory_space<hbm>>) dst(%arg12 : memref<80xi32, #tpu.memory_space<vmem>>)
      %dma_wait3A_366 = arith.constant 0 : i32
      %dma_wait3A_367 = tpu.memref_slice %arg3[%dma_wait3A_366] : memref<320000xi32, #tpu.memory_space<hbm>> -> memref<80xi32, #tpu.memory_space<hbm>>
      %dma_wait3A_368 = arith.constant 0 : i32
      %dma_wait3A_369 = tpu.memref_slice %arg3[%dma_wait3A_368] : memref<320000xi32, #tpu.memory_space<hbm>> -> memref<80xi32, #tpu.memory_space<hbm>>
      tpu.wait_dma2 semaphore(%arg30 : memref<!tpu.dma_semaphore, #tpu.memory_space<semaphore_mem>>) src(%dma_wait3A_369 : memref<80xi32, #tpu.memory_space<hbm>>) dst(%arg14 : memref<80xi32, #tpu.memory_space<vmem>>)
      %dma_wait3A_370 = arith.constant 0 : i32
      %dma_wait3A_371 = tpu.memref_slice %arg3[%dma_wait3A_370] : memref<320000xi32, #tpu.memory_space<hbm>> -> memref<80xi32, #tpu.memory_space<hbm>>
      %dma_wait3A_372 = arith.constant 0 : i32
      %dma_wait3A_373 = tpu.memref_slice %arg3[%dma_wait3A_372] : memref<320000xi32, #tpu.memory_space<hbm>> -> memref<80xi32, #tpu.memory_space<hbm>>
      tpu.wait_dma2 semaphore(%arg30 : memref<!tpu.dma_semaphore, #tpu.memory_space<semaphore_mem>>) src(%dma_wait3A_373 : memref<80xi32, #tpu.memory_space<hbm>>) dst(%arg13 : memref<80xi32, #tpu.memory_space<vmem>>)
      %dma_wait3A_374 = arith.constant 0 : i32
      %dma_wait3A_375 = tpu.memref_slice %arg3[%dma_wait3A_374] : memref<320000xi32, #tpu.memory_space<hbm>> -> memref<80xi32, #tpu.memory_space<hbm>>
      %dma_wait3A_376 = arith.constant 0 : i32
      %dma_wait3A_377 = tpu.memref_slice %arg3[%dma_wait3A_376] : memref<320000xi32, #tpu.memory_space<hbm>> -> memref<80xi32, #tpu.memory_space<hbm>>
      tpu.wait_dma2 semaphore(%arg30 : memref<!tpu.dma_semaphore, #tpu.memory_space<semaphore_mem>>) src(%dma_wait3A_377 : memref<80xi32, #tpu.memory_space<hbm>>) dst(%arg15 : memref<80xi32, #tpu.memory_space<vmem>>)
    }
    %scan3A_139 = arith.constant 15 : i32
    %dma_start3A_140 = arith.constant 0 : i32
    %dma_start3A_141 = arith.constant 0 : i32
    %dma_start3A_142 = tpu.memref_slice %arg2[%dma_start3A_140, %dma_start3A_141] : memref<10000x128xf32, #tpu.memory_space<hbm>> -> memref<10000x128xf32, #tpu.memory_space<hbm>>
    tpu.enqueue_indirect_dma source(%dma_start3A_142 : memref<10000x128xf32, #tpu.memory_space<hbm>>) target(%arg26 : memref<80x128xf32, #tpu.memory_space<vmem>>) offsets(%arg12 : memref<80xi32, #tpu.memory_space<vmem>>) semaphore(%arg35 : memref<!tpu.dma_semaphore, #tpu.memory_space<semaphore_mem>>)
    %dma_start3A_143 = arith.constant 0 : i32
    %dma_start3A_144 = arith.constant 0 : i32
    %dma_start3A_145 = tpu.memref_slice %arg2[%dma_start3A_143, %dma_start3A_144] : memref<10000x128xf32, #tpu.memory_space<hbm>> -> memref<10000x128xf32, #tpu.memory_space<hbm>>
    tpu.enqueue_indirect_dma source(%dma_start3A_145 : memref<10000x128xf32, #tpu.memory_space<hbm>>) target(%arg27 : memref<80x128xf32, #tpu.memory_space<vmem>>) offsets(%arg13 : memref<80xi32, #tpu.memory_space<vmem>>) semaphore(%arg36 : memref<!tpu.dma_semaphore, #tpu.memory_space<semaphore_mem>>)
    %dma_wait3A_146 = arith.constant 0 : i32
    %dma_wait3A_147 = arith.constant 0 : i32
    %dma_wait3A_148 = tpu.memref_slice %arg2[%dma_wait3A_146, %dma_wait3A_147] : memref<10000x128xf32, #tpu.memory_space<hbm>> -> memref<80x128xf32, #tpu.memory_space<hbm>>
    %dma_wait3A_149 = arith.constant 0 : i32
    %dma_wait3A_150 = arith.constant 0 : i32
    %dma_wait3A_151 = tpu.memref_slice %arg2[%dma_wait3A_149, %dma_wait3A_150] : memref<10000x128xf32, #tpu.memory_space<hbm>> -> memref<80x128xf32, #tpu.memory_space<hbm>>
    tpu.wait_dma2 semaphore(%arg33 : memref<!tpu.dma_semaphore, #tpu.memory_space<semaphore_mem>>) src(%dma_wait3A_151 : memref<80x128xf32, #tpu.memory_space<hbm>>) dst(%arg24 : memref<80x128xf32, #tpu.memory_space<vmem>>)
    "tpu.region"() ({
      %run_scoped3A = tpu.sem_alloc : memref<!tpu.dma_semaphore, #tpu.memory_space<semaphore_mem>>
      %dma_start3A_180 = arith.constant 0 : i32
      %dma_start3A_181 = arith.constant 0 : i32
      %dma_start3A_182 = tpu.memref_slice %arg7[%dma_start3A_180, %dma_start3A_181] : memref<10000x128xf32, #tpu.memory_space<vmem_shared>> -> memref<10000x128xf32, #tpu.memory_space<vmem_shared>>
      tpu.enqueue_indirect_dma source(%arg24 : memref<80x128xf32, #tpu.memory_space<vmem>>) target(%dma_start3A_182 : memref<10000x128xf32, #tpu.memory_space<vmem_shared>>) offsets(%arg10 : memref<80xi32, #tpu.memory_space<vmem>>) semaphore(%run_scoped3A : memref<!tpu.dma_semaphore, #tpu.memory_space<semaphore_mem>>) {add = true}
      %dma_wait3A_183 = arith.constant 0 : i32
      %dma_wait3A_184 = arith.constant 0 : i32
      %dma_wait3A_185 = tpu.memref_slice %arg7[%dma_wait3A_183, %dma_wait3A_184] : memref<10000x128xf32, #tpu.memory_space<vmem_shared>> -> memref<10000x128xf32, #tpu.memory_space<vmem_shared>>
      tpu.wait_indirect_dma semaphore(%run_scoped3A : memref<!tpu.dma_semaphore, #tpu.memory_space<semaphore_mem>>) src(%arg24 : memref<80x128xf32, #tpu.memory_space<vmem>>) dst(%dma_wait3A_185 : memref<10000x128xf32, #tpu.memory_space<vmem_shared>>)
      tpu.yield
    }) : () -> ()
    %dma_wait3A_152 = arith.constant 0 : i32
    %dma_wait3A_153 = arith.constant 0 : i32
    %dma_wait3A_154 = tpu.memref_slice %arg2[%dma_wait3A_152, %dma_wait3A_153] : memref<10000x128xf32, #tpu.memory_space<hbm>> -> memref<80x128xf32, #tpu.memory_space<hbm>>
    %dma_wait3A_155 = arith.constant 0 : i32
    %dma_wait3A_156 = arith.constant 0 : i32
    %dma_wait3A_157 = tpu.memref_slice %arg2[%dma_wait3A_155, %dma_wait3A_156] : memref<10000x128xf32, #tpu.memory_space<hbm>> -> memref<80x128xf32, #tpu.memory_space<hbm>>
    tpu.wait_dma2 semaphore(%arg34 : memref<!tpu.dma_semaphore, #tpu.memory_space<semaphore_mem>>) src(%dma_wait3A_157 : memref<80x128xf32, #tpu.memory_space<hbm>>) dst(%arg25 : memref<80x128xf32, #tpu.memory_space<vmem>>)
    "tpu.region"() ({
      %run_scoped3A = tpu.sem_alloc : memref<!tpu.dma_semaphore, #tpu.memory_space<semaphore_mem>>
      %dma_start3A_180 = arith.constant 0 : i32
      %dma_start3A_181 = arith.constant 0 : i32
      %dma_start3A_182 = tpu.memref_slice %arg7[%dma_start3A_180, %dma_start3A_181] : memref<10000x128xf32, #tpu.memory_space<vmem_shared>> -> memref<10000x128xf32, #tpu.memory_space<vmem_shared>>
      tpu.enqueue_indirect_dma source(%arg25 : memref<80x128xf32, #tpu.memory_space<vmem>>) target(%dma_start3A_182 : memref<10000x128xf32, #tpu.memory_space<vmem_shared>>) offsets(%arg11 : memref<80xi32, #tpu.memory_space<vmem>>) semaphore(%run_scoped3A : memref<!tpu.dma_semaphore, #tpu.memory_space<semaphore_mem>>) {add = true}
      %dma_wait3A_183 = arith.constant 0 : i32
      %dma_wait3A_184 = arith.constant 0 : i32
      %dma_wait3A_185 = tpu.memref_slice %arg7[%dma_wait3A_183, %dma_wait3A_184] : memref<10000x128xf32, #tpu.memory_space<vmem_shared>> -> memref<10000x128xf32, #tpu.memory_space<vmem_shared>>
      tpu.wait_indirect_dma semaphore(%run_scoped3A : memref<!tpu.dma_semaphore, #tpu.memory_space<semaphore_mem>>) src(%arg25 : memref<80x128xf32, #tpu.memory_space<vmem>>) dst(%dma_wait3A_185 : memref<10000x128xf32, #tpu.memory_space<vmem_shared>>)
      tpu.yield
    }) : () -> ()
    %dma_wait3A_158 = arith.constant 0 : i32
    %dma_wait3A_159 = arith.constant 0 : i32
    %dma_wait3A_160 = tpu.memref_slice %arg2[%dma_wait3A_158, %dma_wait3A_159] : memref<10000x128xf32, #tpu.memory_space<hbm>> -> memref<80x128xf32, #tpu.memory_space<hbm>>
    %dma_wait3A_161 = arith.constant 0 : i32
    %dma_wait3A_162 = arith.constant 0 : i32
    %dma_wait3A_163 = tpu.memref_slice %arg2[%dma_wait3A_161, %dma_wait3A_162] : memref<10000x128xf32, #tpu.memory_space<hbm>> -> memref<80x128xf32, #tpu.memory_space<hbm>>
    tpu.wait_dma2 semaphore(%arg35 : memref<!tpu.dma_semaphore, #tpu.memory_space<semaphore_mem>>) src(%dma_wait3A_163 : memref<80x128xf32, #tpu.memory_space<hbm>>) dst(%arg26 : memref<80x128xf32, #tpu.memory_space<vmem>>)
    "tpu.region"() ({
      %run_scoped3A = tpu.sem_alloc : memref<!tpu.dma_semaphore, #tpu.memory_space<semaphore_mem>>
      %dma_start3A_180 = arith.constant 0 : i32
      %dma_start3A_181 = arith.constant 0 : i32
      %dma_start3A_182 = tpu.memref_slice %arg7[%dma_start3A_180, %dma_start3A_181] : memref<10000x128xf32, #tpu.memory_space<vmem_shared>> -> memref<10000x128xf32, #tpu.memory_space<vmem_shared>>
      tpu.enqueue_indirect_dma source(%arg26 : memref<80x128xf32, #tpu.memory_space<vmem>>) target(%dma_start3A_182 : memref<10000x128xf32, #tpu.memory_space<vmem_shared>>) offsets(%arg14 : memref<80xi32, #tpu.memory_space<vmem>>) semaphore(%run_scoped3A : memref<!tpu.dma_semaphore, #tpu.memory_space<semaphore_mem>>) {add = true}
      %dma_wait3A_183 = arith.constant 0 : i32
      %dma_wait3A_184 = arith.constant 0 : i32
      %dma_wait3A_185 = tpu.memref_slice %arg7[%dma_wait3A_183, %dma_wait3A_184] : memref<10000x128xf32, #tpu.memory_space<vmem_shared>> -> memref<10000x128xf32, #tpu.memory_space<vmem_shared>>
      tpu.wait_indirect_dma semaphore(%run_scoped3A : memref<!tpu.dma_semaphore, #tpu.memory_space<semaphore_mem>>) src(%arg26 : memref<80x128xf32, #tpu.memory_space<vmem>>) dst(%dma_wait3A_185 : memref<10000x128xf32, #tpu.memory_space<vmem_shared>>)
      tpu.yield
    }) : () -> ()
    %dma_wait3A_164 = arith.constant 0 : i32
    %dma_wait3A_165 = arith.constant 0 : i32
    %dma_wait3A_166 = tpu.memref_slice %arg2[%dma_wait3A_164, %dma_wait3A_165] : memref<10000x128xf32, #tpu.memory_space<hbm>> -> memref<80x128xf32, #tpu.memory_space<hbm>>
    %dma_wait3A_167 = arith.constant 0 : i32
    %dma_wait3A_168 = arith.constant 0 : i32
    %dma_wait3A_169 = tpu.memref_slice %arg2[%dma_wait3A_167, %dma_wait3A_168] : memref<10000x128xf32, #tpu.memory_space<hbm>> -> memref<80x128xf32, #tpu.memory_space<hbm>>
    tpu.wait_dma2 semaphore(%arg36 : memref<!tpu.dma_semaphore, #tpu.memory_space<semaphore_mem>>) src(%dma_wait3A_169 : memref<80x128xf32, #tpu.memory_space<hbm>>) dst(%arg27 : memref<80x128xf32, #tpu.memory_space<vmem>>)
    "tpu.region"() ({
      %run_scoped3A = tpu.sem_alloc : memref<!tpu.dma_semaphore, #tpu.memory_space<semaphore_mem>>
      %dma_start3A_180 = arith.constant 0 : i32
      %dma_start3A_181 = arith.constant 0 : i32
      %dma_start3A_182 = tpu.memref_slice %arg7[%dma_start3A_180, %dma_start3A_181] : memref<10000x128xf32, #tpu.memory_space<vmem_shared>> -> memref<10000x128xf32, #tpu.memory_space<vmem_shared>>
      tpu.enqueue_indirect_dma source(%arg27 : memref<80x128xf32, #tpu.memory_space<vmem>>) target(%dma_start3A_182 : memref<10000x128xf32, #tpu.memory_space<vmem_shared>>) offsets(%arg15 : memref<80xi32, #tpu.memory_space<vmem>>) semaphore(%run_scoped3A : memref<!tpu.dma_semaphore, #tpu.memory_space<semaphore_mem>>) {add = true}
      %dma_wait3A_183 = arith.constant 0 : i32
      %dma_wait3A_184 = arith.constant 0 : i32
      %dma_wait3A_185 = tpu.memref_slice %arg7[%dma_wait3A_183, %dma_wait3A_184] : memref<10000x128xf32, #tpu.memory_space<vmem_shared>> -> memref<10000x128xf32, #tpu.memory_space<vmem_shared>>
      tpu.wait_indirect_dma semaphore(%run_scoped3A : memref<!tpu.dma_semaphore, #tpu.memory_space<semaphore_mem>>) src(%arg27 : memref<80x128xf32, #tpu.memory_space<vmem>>) dst(%dma_wait3A_185 : memref<10000x128xf32, #tpu.memory_space<vmem_shared>>)
      tpu.yield
    }) : () -> ()
    %barrier3A_170 = arith.constant 0 : index
    tpu.barrier barrier_id(%barrier3A_170)
    %mul3A_171 = arith.constant 624 : i32
    %mul3A_172 = arith.muli %arg1, %mul3A_171 : i32
    %mul3A_173 = arith.constant 624 : i32
    %mul3A_174 = arith.muli %arg1, %mul3A_173 : i32
    "tpu.region"() ({
      %run_scoped3A = tpu.sem_alloc : memref<!tpu.dma_semaphore, #tpu.memory_space<semaphore_mem>>
      %dma_start3A_180 = arith.constant 0 : i32
      %dma_start3A_181 = tpu.memref_slice %arg6[%arg0, %mul3A_174, %dma_start3A_180] : memref<2x10000x128xf32, #tpu.memory_space<hbm>> -> memref<1x624x128xf32, #tpu.memory_space<hbm>>
      %dma_start3A_182 = tpu.memref_squeeze %dma_start3A_181 : memref<1x624x128xf32, #tpu.memory_space<hbm>> -> memref<624x128xf32, #tpu.memory_space<hbm>>
      %dma_start3A_183 = arith.constant 0 : i32
      %dma_start3A_184 = tpu.memref_slice %arg7[%mul3A_172, %dma_start3A_183] : memref<10000x128xf32, #tpu.memory_space<vmem_shared>> -> memref<624x128xf32, #tpu.memory_space<vmem_shared>>
      tpu.enqueue_dma source(%dma_start3A_184 : memref<624x128xf32, #tpu.memory_space<vmem_shared>>) target(%dma_start3A_182 : memref<624x128xf32, #tpu.memory_space<hbm>>) target_semaphore(%run_scoped3A : memref<!tpu.dma_semaphore, #tpu.memory_space<semaphore_mem>>)
      %dma_wait3A_185 = arith.constant 0 : i32
      %dma_wait3A_186 = tpu.memref_slice %arg6[%arg0, %mul3A_174, %dma_wait3A_185] : memref<2x10000x128xf32, #tpu.memory_space<hbm>> -> memref<1x624x128xf32, #tpu.memory_space<hbm>>
      %dma_wait3A_187 = tpu.memref_squeeze %dma_wait3A_186 : memref<1x624x128xf32, #tpu.memory_space<hbm>> -> memref<624x128xf32, #tpu.memory_space<hbm>>
      %dma_wait3A_188 = arith.constant 0 : i32
      %dma_wait3A_189 = tpu.memref_slice %arg7[%mul3A_172, %dma_wait3A_188] : memref<10000x128xf32, #tpu.memory_space<vmem_shared>> -> memref<624x128xf32, #tpu.memory_space<vmem_shared>>
      tpu.wait_dma2 semaphore(%run_scoped3A : memref<!tpu.dma_semaphore, #tpu.memory_space<semaphore_mem>>) src(%dma_wait3A_189 : memref<624x128xf32, #tpu.memory_space<vmem_shared>>) dst(%dma_wait3A_187 : memref<624x128xf32, #tpu.memory_space<hbm>>)
      tpu.yield
    }) : () -> ()
    %eq3A_175 = arith.constant 15 : i32
    %eq3A_176 = arith.cmpi eq, %arg1, %eq3A_175 : i32
    %convert_element_type3A_177 = arith.extui %eq3A_176 : i1 to i32
    %cond3A_178 = arith.constant 0 : i32
    %cond3A_179 = arith.cmpi ne, %convert_element_type3A_177, %cond3A_178 : i32
    scf.if %cond3A_179 {
      "tpu.region"() ({
        %run_scoped3A = tpu.sem_alloc : memref<!tpu.dma_semaphore, #tpu.memory_space<semaphore_mem>>
        %dma_start3A_180 = arith.constant 9984 : i32
        %dma_start3A_181 = arith.constant 0 : i32
        %dma_start3A_182 = tpu.memref_slice %arg6[%arg0, %dma_start3A_180, %dma_start3A_181] : memref<2x10000x128xf32, #tpu.memory_space<hbm>> -> memref<1x16x128xf32, #tpu.memory_space<hbm>>
        %dma_start3A_183 = tpu.memref_squeeze %dma_start3A_182 : memref<1x16x128xf32, #tpu.memory_space<hbm>> -> memref<16x128xf32, #tpu.memory_space<hbm>>
        %dma_start3A_184 = arith.constant 9984 : i32
        %dma_start3A_185 = arith.constant 0 : i32
        %dma_start3A_186 = tpu.memref_slice %arg7[%dma_start3A_184, %dma_start3A_185] : memref<10000x128xf32, #tpu.memory_space<vmem_shared>> -> memref<16x128xf32, #tpu.memory_space<vmem_shared>>
        tpu.enqueue_dma source(%dma_start3A_186 : memref<16x128xf32, #tpu.memory_space<vmem_shared>>) target(%dma_start3A_183 : memref<16x128xf32, #tpu.memory_space<hbm>>) target_semaphore(%run_scoped3A : memref<!tpu.dma_semaphore, #tpu.memory_space<semaphore_mem>>)
        %dma_wait3A_187 = arith.constant 9984 : i32
        %dma_wait3A_188 = arith.constant 0 : i32
        %dma_wait3A_189 = tpu.memref_slice %arg6[%arg0, %dma_wait3A_187, %dma_wait3A_188] : memref<2x10000x128xf32, #tpu.memory_space<hbm>> -> memref<1x16x128xf32, #tpu.memory_space<hbm>>
        %dma_wait3A_190 = tpu.memref_squeeze %dma_wait3A_189 : memref<1x16x128xf32, #tpu.memory_space<hbm>> -> memref<16x128xf32, #tpu.memory_space<hbm>>
        %dma_wait3A_191 = arith.constant 9984 : i32
        %dma_wait3A_192 = arith.constant 0 : i32
        %dma_wait3A_193 = tpu.memref_slice %arg7[%dma_wait3A_191, %dma_wait3A_192] : memref<10000x128xf32, #tpu.memory_space<vmem_shared>> -> memref<16x128xf32, #tpu.memory_space<vmem_shared>>
        tpu.wait_dma2 semaphore(%run_scoped3A : memref<!tpu.dma_semaphore, #tpu.memory_space<semaphore_mem>>) src(%dma_wait3A_193 : memref<16x128xf32, #tpu.memory_space<vmem_shared>>) dst(%dma_wait3A_190 : memref<16x128xf32, #tpu.memory_space<hbm>>)
        tpu.yield
      }) : () -> ()
    } else {
    }
    return
  }
}

#map = affine_map<(d0, d1) -> (0, 0)>
#map1 = affine_map<(d0, d1) -> (0)>
#map2 = affine_map<(d0, d1) -> (0, 0, 0)>
module attributes {stable_mosaic.version = 14 : i64} {
  func.func @_agg_body(%arg0: i32, %arg1: i32, %arg2: memref<10000x128xf32, #tpu.memory_space<hbm>>, %arg3: memref<320000xi32, #tpu.memory_space<hbm>>, %arg4: memref<320000xi32, #tpu.memory_space<hbm>>, %arg5: memref<624x128xf32, #tpu.memory_space<hbm>>, %arg6: memref<2x10000x128xf32, #tpu.memory_space<hbm>>, %arg7: memref<10000x128xf32, #tpu.memory_space<vmem_shared>>, %arg8: memref<80xi32, #tpu.memory_space<vmem>>, %arg9: memref<80xi32, #tpu.memory_space<vmem>>, %arg10: memref<80xi32, #tpu.memory_space<vmem>>, %arg11: memref<80xi32, #tpu.memory_space<vmem>>, %arg12: memref<80xi32, #tpu.memory_space<vmem>>, %arg13: memref<80xi32, #tpu.memory_space<vmem>>, %arg14: memref<80xi32, #tpu.memory_space<vmem>>, %arg15: memref<80xi32, #tpu.memory_space<vmem>>, %arg16: memref<80xi32, #tpu.memory_space<vmem>>, %arg17: memref<80xi32, #tpu.memory_space<vmem>>, %arg18: memref<80xi32, #tpu.memory_space<vmem>>, %arg19: memref<80xi32, #tpu.memory_space<vmem>>, %arg20: memref<80xi32, #tpu.memory_space<vmem>>, %arg21: memref<80xi32, #tpu.memory_space<vmem>>, %arg22: memref<80xi32, #tpu.memory_space<vmem>>, %arg23: memref<80xi32, #tpu.memory_space<vmem>>, %arg24: memref<80x128xf32, #tpu.memory_space<vmem>>, %arg25: memref<80x128xf32, #tpu.memory_space<vmem>>, %arg26: memref<80x128xf32, #tpu.memory_space<vmem>>, %arg27: memref<80x128xf32, #tpu.memory_space<vmem>>, %arg28: memref<!tpu.dma_semaphore, #tpu.memory_space<semaphore_mem>>, %arg29: memref<!tpu.dma_semaphore, #tpu.memory_space<semaphore_mem>>, %arg30: memref<!tpu.dma_semaphore, #tpu.memory_space<semaphore_mem>>, %arg31: memref<!tpu.dma_semaphore, #tpu.memory_space<semaphore_mem>>, %arg32: memref<!tpu.dma_semaphore, #tpu.memory_space<semaphore_mem>>, %arg33: memref<!tpu.dma_semaphore, #tpu.memory_space<semaphore_mem>>, %arg34: memref<!tpu.dma_semaphore, #tpu.memory_space<semaphore_mem>>, %arg35: memref<!tpu.dma_semaphore, #tpu.memory_space<semaphore_mem>>, %arg36: memref<!tpu.dma_semaphore, #tpu.memory_space<semaphore_mem>>) attributes {dimension_semantics = [#tpu.dimension_semantics<core_parallel>, #tpu.dimension_semantics<subcore_parallel>], iteration_bounds = array<i64: 2, 16>, scalar_prefetch = 0 : i64, scratch_operands = 30 : i64, tpu.core_type = #tpu.core_type<sc_vector_subcore>, window_params = [{transform_indices = #map}, {transform_indices = #map1}, {transform_indices = #map1}, {transform_indices = #map}, {transform_indices = #map2}]} {
    %mul3A = arith.constant 2 : i32
    %mul3A_0 = arith.muli %arg1, %mul3A : i32
    %add3A = arith.addi %mul3A_0, %arg0 : i32
    %mul3A_1 = arith.constant 624 : i32
    %mul3A_2 = arith.muli %arg1, %mul3A_1 : i32
    %dma_start3A = arith.constant 0 : i32
    %dma_start3A_3 = tpu.memref_slice %arg7[%mul3A_2, %dma_start3A] : memref<10000x128xf32, #tpu.memory_space<vmem_shared>> -> memref<624x128xf32, #tpu.memory_space<vmem_shared>>
    tpu.enqueue_dma source(%arg5 : memref<624x128xf32, #tpu.memory_space<hbm>>) target(%dma_start3A_3 : memref<624x128xf32, #tpu.memory_space<vmem_shared>>) target_semaphore(%arg28 : memref<!tpu.dma_semaphore, #tpu.memory_space<semaphore_mem>>)
    %dma_wait3A = arith.constant 0 : i32
    %dma_wait3A_4 = tpu.memref_slice %arg7[%mul3A_2, %dma_wait3A] : memref<10000x128xf32, #tpu.memory_space<vmem_shared>> -> memref<624x128xf32, #tpu.memory_space<vmem_shared>>
    tpu.wait_dma2 semaphore(%arg28 : memref<!tpu.dma_semaphore, #tpu.memory_space<semaphore_mem>>) src(%arg5 : memref<624x128xf32, #tpu.memory_space<hbm>>) dst(%dma_wait3A_4 : memref<624x128xf32, #tpu.memory_space<vmem_shared>>)
    %eq3A = arith.constant 15 : i32
    %eq3A_5 = arith.cmpi eq, %arg1, %eq3A : i32
    %convert_element_type3A = arith.extui %eq3A_5 : i1 to i32
    %cond3A = arith.constant 0 : i32
    %cond3A_6 = arith.cmpi ne, %convert_element_type3A, %cond3A : i32
    scf.if %cond3A_6 {
      "tpu.region"() ({
        %run_scoped3A = tpu.sem_alloc : memref<!tpu.dma_semaphore, #tpu.memory_space<semaphore_mem>>
        %dma_start3A_180 = arith.constant 9984 : i32
        %dma_start3A_181 = arith.constant 0 : i32
        %dma_start3A_182 = tpu.memref_slice %arg7[%dma_start3A_180, %dma_start3A_181] : memref<10000x128xf32, #tpu.memory_space<vmem_shared>> -> memref<16x128xf32, #tpu.memory_space<vmem_shared>>
        %dma_start3A_183 = arith.constant 0 : i32
        %dma_start3A_184 = arith.constant 0 : i32
        %dma_start3A_185 = tpu.memref_slice %arg5[%dma_start3A_183, %dma_start3A_184] : memref<624x128xf32, #tpu.memory_space<hbm>> -> memref<16x128xf32, #tpu.memory_space<hbm>>
        tpu.enqueue_dma source(%dma_start3A_185 : memref<16x128xf32, #tpu.memory_space<hbm>>) target(%dma_start3A_182 : memref<16x128xf32, #tpu.memory_space<vmem_shared>>) target_semaphore(%run_scoped3A : memref<!tpu.dma_semaphore, #tpu.memory_space<semaphore_mem>>)
        %dma_wait3A_186 = arith.constant 9984 : i32
        %dma_wait3A_187 = arith.constant 0 : i32
        %dma_wait3A_188 = tpu.memref_slice %arg7[%dma_wait3A_186, %dma_wait3A_187] : memref<10000x128xf32, #tpu.memory_space<vmem_shared>> -> memref<16x128xf32, #tpu.memory_space<vmem_shared>>
        %dma_wait3A_189 = arith.constant 0 : i32
        %dma_wait3A_190 = arith.constant 0 : i32
        %dma_wait3A_191 = tpu.memref_slice %arg5[%dma_wait3A_189, %dma_wait3A_190] : memref<624x128xf32, #tpu.memory_space<hbm>> -> memref<16x128xf32, #tpu.memory_space<hbm>>
        tpu.wait_dma2 semaphore(%run_scoped3A : memref<!tpu.dma_semaphore, #tpu.memory_space<semaphore_mem>>) src(%dma_wait3A_191 : memref<16x128xf32, #tpu.memory_space<hbm>>) dst(%dma_wait3A_188 : memref<16x128xf32, #tpu.memory_space<vmem_shared>>)
        tpu.yield
      }) : () -> ()
    } else {
    }
    %barrier3A = arith.constant 0 : index
    tpu.barrier barrier_id(%barrier3A)
    %mul3A_7 = arith.constant 10000 : i32
    %mul3A_8 = arith.muli %add3A, %mul3A_7 : i32
    %add3A_9 = arith.constant 9920 : i32
    %add3A_10 = arith.addi %mul3A_8, %add3A_9 : i32
    %dma_start3A_11 = tpu.memref_slice %arg3[%add3A_10] : memref<320000xi32, #tpu.memory_space<hbm>> -> memref<80xi32, #tpu.memory_space<hbm>>
    %dma_start3A_12 = tpu.memref_slice %arg3[%add3A_10] : memref<320000xi32, #tpu.memory_space<hbm>> -> memref<80xi32, #tpu.memory_space<hbm>>
    tpu.enqueue_dma source(%dma_start3A_12 : memref<80xi32, #tpu.memory_space<hbm>>) target(%arg8 : memref<80xi32, #tpu.memory_space<vmem>>) target_semaphore(%arg29 : memref<!tpu.dma_semaphore, #tpu.memory_space<semaphore_mem>>)
    %add3A_13 = arith.constant 9920 : i32
    %add3A_14 = arith.addi %mul3A_8, %add3A_13 : i32
    %dma_start3A_15 = tpu.memref_slice %arg4[%add3A_14] : memref<320000xi32, #tpu.memory_space<hbm>> -> memref<80xi32, #tpu.memory_space<hbm>>
    %dma_start3A_16 = tpu.memref_slice %arg4[%add3A_14] : memref<320000xi32, #tpu.memory_space<hbm>> -> memref<80xi32, #tpu.memory_space<hbm>>
    tpu.enqueue_dma source(%dma_start3A_16 : memref<80xi32, #tpu.memory_space<hbm>>) target(%arg10 : memref<80xi32, #tpu.memory_space<vmem>>) target_semaphore(%arg29 : memref<!tpu.dma_semaphore, #tpu.memory_space<semaphore_mem>>)
    %dma_wait3A_17 = arith.constant 0 : i32
    %dma_wait3A_18 = tpu.memref_slice %arg3[%dma_wait3A_17] : memref<320000xi32, #tpu.memory_space<hbm>> -> memref<80xi32, #tpu.memory_space<hbm>>
    %dma_wait3A_19 = arith.constant 0 : i32
    %dma_wait3A_20 = tpu.memref_slice %arg3[%dma_wait3A_19] : memref<320000xi32, #tpu.memory_space<hbm>> -> memref<80xi32, #tpu.memory_space<hbm>>
    tpu.wait_dma2 semaphore(%arg29 : memref<!tpu.dma_semaphore, #tpu.memory_space<semaphore_mem>>) src(%dma_wait3A_20 : memref<80xi32, #tpu.memory_space<hbm>>) dst(%arg8 : memref<80xi32, #tpu.memory_space<vmem>>)
    %dma_wait3A_21 = arith.constant 0 : i32
    %dma_wait3A_22 = tpu.memref_slice %arg3[%dma_wait3A_21] : memref<320000xi32, #tpu.memory_space<hbm>> -> memref<80xi32, #tpu.memory_space<hbm>>
    %dma_wait3A_23 = arith.constant 0 : i32
    %dma_wait3A_24 = tpu.memref_slice %arg3[%dma_wait3A_23] : memref<320000xi32, #tpu.memory_space<hbm>> -> memref<80xi32, #tpu.memory_space<hbm>>
    tpu.wait_dma2 semaphore(%arg29 : memref<!tpu.dma_semaphore, #tpu.memory_space<semaphore_mem>>) src(%dma_wait3A_24 : memref<80xi32, #tpu.memory_space<hbm>>) dst(%arg10 : memref<80xi32, #tpu.memory_space<vmem>>)
    %dma_start3A_25 = arith.constant 0 : i32
    %dma_start3A_26 = arith.constant 0 : i32
    %dma_start3A_27 = tpu.memref_slice %arg2[%dma_start3A_25, %dma_start3A_26] : memref<10000x128xf32, #tpu.memory_space<hbm>> -> memref<10000x128xf32, #tpu.memory_space<hbm>>
    tpu.enqueue_indirect_dma source(%dma_start3A_27 : memref<10000x128xf32, #tpu.memory_space<hbm>>) target(%arg24 : memref<80x128xf32, #tpu.memory_space<vmem>>) offsets(%arg8 : memref<80xi32, #tpu.memory_space<vmem>>) semaphore(%arg33 : memref<!tpu.dma_semaphore, #tpu.memory_space<semaphore_mem>>)
    %dma_wait3A_28 = arith.constant 0 : i32
    %dma_wait3A_29 = arith.constant 0 : i32
    %dma_wait3A_30 = tpu.memref_slice %arg2[%dma_wait3A_28, %dma_wait3A_29] : memref<10000x128xf32, #tpu.memory_space<hbm>> -> memref<80x128xf32, #tpu.memory_space<hbm>>
    %dma_wait3A_31 = arith.constant 0 : i32
    %dma_wait3A_32 = arith.constant 0 : i32
    %dma_wait3A_33 = tpu.memref_slice %arg2[%dma_wait3A_31, %dma_wait3A_32] : memref<10000x128xf32, #tpu.memory_space<hbm>> -> memref<80x128xf32, #tpu.memory_space<hbm>>
    tpu.wait_dma2 semaphore(%arg33 : memref<!tpu.dma_semaphore, #tpu.memory_space<semaphore_mem>>) src(%dma_wait3A_33 : memref<80x128xf32, #tpu.memory_space<hbm>>) dst(%arg24 : memref<80x128xf32, #tpu.memory_space<vmem>>)
    "tpu.region"() ({
      %run_scoped3A = tpu.sem_alloc : memref<!tpu.dma_semaphore, #tpu.memory_space<semaphore_mem>>
      %dma_start3A_180 = arith.constant 0 : i32
      %dma_start3A_181 = arith.constant 0 : i32
      %dma_start3A_182 = tpu.memref_slice %arg7[%dma_start3A_180, %dma_start3A_181] : memref<10000x128xf32, #tpu.memory_space<vmem_shared>> -> memref<10000x128xf32, #tpu.memory_space<vmem_shared>>
      tpu.enqueue_indirect_dma source(%arg24 : memref<80x128xf32, #tpu.memory_space<vmem>>) target(%dma_start3A_182 : memref<10000x128xf32, #tpu.memory_space<vmem_shared>>) offsets(%arg10 : memref<80xi32, #tpu.memory_space<vmem>>) semaphore(%run_scoped3A : memref<!tpu.dma_semaphore, #tpu.memory_space<semaphore_mem>>) {add = true}
      %dma_wait3A_183 = arith.constant 0 : i32
      %dma_wait3A_184 = arith.constant 0 : i32
      %dma_wait3A_185 = tpu.memref_slice %arg7[%dma_wait3A_183, %dma_wait3A_184] : memref<10000x128xf32, #tpu.memory_space<vmem_shared>> -> memref<10000x128xf32, #tpu.memory_space<vmem_shared>>
      tpu.wait_indirect_dma semaphore(%run_scoped3A : memref<!tpu.dma_semaphore, #tpu.memory_space<semaphore_mem>>) src(%arg24 : memref<80x128xf32, #tpu.memory_space<vmem>>) dst(%dma_wait3A_185 : memref<10000x128xf32, #tpu.memory_space<vmem_shared>>)
      tpu.yield
    }) : () -> ()
    %add3A_34 = arith.constant 0 : i32
    %add3A_35 = arith.addi %mul3A_8, %add3A_34 : i32
    %dma_start3A_36 = tpu.memref_slice %arg3[%add3A_35] : memref<320000xi32, #tpu.memory_space<hbm>> -> memref<80xi32, #tpu.memory_space<hbm>>
    %dma_start3A_37 = tpu.memref_slice %arg3[%add3A_35] : memref<320000xi32, #tpu.memory_space<hbm>> -> memref<80xi32, #tpu.memory_space<hbm>>
    tpu.enqueue_dma source(%dma_start3A_37 : memref<80xi32, #tpu.memory_space<hbm>>) target(%arg8 : memref<80xi32, #tpu.memory_space<vmem>>) target_semaphore(%arg29 : memref<!tpu.dma_semaphore, #tpu.memory_space<semaphore_mem>>)
    %add3A_38 = arith.constant 0 : i32
    %add3A_39 = arith.addi %mul3A_8, %add3A_38 : i32
    %dma_start3A_40 = tpu.memref_slice %arg4[%add3A_39] : memref<320000xi32, #tpu.memory_space<hbm>> -> memref<80xi32, #tpu.memory_space<hbm>>
    %dma_start3A_41 = tpu.memref_slice %arg4[%add3A_39] : memref<320000xi32, #tpu.memory_space<hbm>> -> memref<80xi32, #tpu.memory_space<hbm>>
    tpu.enqueue_dma source(%dma_start3A_41 : memref<80xi32, #tpu.memory_space<hbm>>) target(%arg10 : memref<80xi32, #tpu.memory_space<vmem>>) target_semaphore(%arg29 : memref<!tpu.dma_semaphore, #tpu.memory_space<semaphore_mem>>)
    %add3A_42 = arith.constant 80 : i32
    %add3A_43 = arith.addi %mul3A_8, %add3A_42 : i32
    %dma_start3A_44 = tpu.memref_slice %arg3[%add3A_43] : memref<320000xi32, #tpu.memory_space<hbm>> -> memref<80xi32, #tpu.memory_space<hbm>>
    %dma_start3A_45 = tpu.memref_slice %arg3[%add3A_43] : memref<320000xi32, #tpu.memory_space<hbm>> -> memref<80xi32, #tpu.memory_space<hbm>>
    tpu.enqueue_dma source(%dma_start3A_45 : memref<80xi32, #tpu.memory_space<hbm>>) target(%arg9 : memref<80xi32, #tpu.memory_space<vmem>>) target_semaphore(%arg29 : memref<!tpu.dma_semaphore, #tpu.memory_space<semaphore_mem>>)
    %add3A_46 = arith.constant 80 : i32
    %add3A_47 = arith.addi %mul3A_8, %add3A_46 : i32
    %dma_start3A_48 = tpu.memref_slice %arg4[%add3A_47] : memref<320000xi32, #tpu.memory_space<hbm>> -> memref<80xi32, #tpu.memory_space<hbm>>
    %dma_start3A_49 = tpu.memref_slice %arg4[%add3A_47] : memref<320000xi32, #tpu.memory_space<hbm>> -> memref<80xi32, #tpu.memory_space<hbm>>
    tpu.enqueue_dma source(%dma_start3A_49 : memref<80xi32, #tpu.memory_space<hbm>>) target(%arg11 : memref<80xi32, #tpu.memory_space<vmem>>) target_semaphore(%arg29 : memref<!tpu.dma_semaphore, #tpu.memory_space<semaphore_mem>>)
    %add3A_50 = arith.constant 160 : i32
    %add3A_51 = arith.addi %mul3A_8, %add3A_50 : i32
    %dma_start3A_52 = tpu.memref_slice %arg3[%add3A_51] : memref<320000xi32, #tpu.memory_space<hbm>> -> memref<80xi32, #tpu.memory_space<hbm>>
    %dma_start3A_53 = tpu.memref_slice %arg3[%add3A_51] : memref<320000xi32, #tpu.memory_space<hbm>> -> memref<80xi32, #tpu.memory_space<hbm>>
    tpu.enqueue_dma source(%dma_start3A_53 : memref<80xi32, #tpu.memory_space<hbm>>) target(%arg12 : memref<80xi32, #tpu.memory_space<vmem>>) target_semaphore(%arg30 : memref<!tpu.dma_semaphore, #tpu.memory_space<semaphore_mem>>)
    %add3A_54 = arith.constant 160 : i32
    %add3A_55 = arith.addi %mul3A_8, %add3A_54 : i32
    %dma_start3A_56 = tpu.memref_slice %arg4[%add3A_55] : memref<320000xi32, #tpu.memory_space<hbm>> -> memref<80xi32, #tpu.memory_space<hbm>>
    %dma_start3A_57 = tpu.memref_slice %arg4[%add3A_55] : memref<320000xi32, #tpu.memory_space<hbm>> -> memref<80xi32, #tpu.memory_space<hbm>>
    tpu.enqueue_dma source(%dma_start3A_57 : memref<80xi32, #tpu.memory_space<hbm>>) target(%arg14 : memref<80xi32, #tpu.memory_space<vmem>>) target_semaphore(%arg30 : memref<!tpu.dma_semaphore, #tpu.memory_space<semaphore_mem>>)
    %add3A_58 = arith.constant 240 : i32
    %add3A_59 = arith.addi %mul3A_8, %add3A_58 : i32
    %dma_start3A_60 = tpu.memref_slice %arg3[%add3A_59] : memref<320000xi32, #tpu.memory_space<hbm>> -> memref<80xi32, #tpu.memory_space<hbm>>
    %dma_start3A_61 = tpu.memref_slice %arg3[%add3A_59] : memref<320000xi32, #tpu.memory_space<hbm>> -> memref<80xi32, #tpu.memory_space<hbm>>
    tpu.enqueue_dma source(%dma_start3A_61 : memref<80xi32, #tpu.memory_space<hbm>>) target(%arg13 : memref<80xi32, #tpu.memory_space<vmem>>) target_semaphore(%arg30 : memref<!tpu.dma_semaphore, #tpu.memory_space<semaphore_mem>>)
    %add3A_62 = arith.constant 240 : i32
    %add3A_63 = arith.addi %mul3A_8, %add3A_62 : i32
    %dma_start3A_64 = tpu.memref_slice %arg4[%add3A_63] : memref<320000xi32, #tpu.memory_space<hbm>> -> memref<80xi32, #tpu.memory_space<hbm>>
    %dma_start3A_65 = tpu.memref_slice %arg4[%add3A_63] : memref<320000xi32, #tpu.memory_space<hbm>> -> memref<80xi32, #tpu.memory_space<hbm>>
    tpu.enqueue_dma source(%dma_start3A_65 : memref<80xi32, #tpu.memory_space<hbm>>) target(%arg15 : memref<80xi32, #tpu.memory_space<vmem>>) target_semaphore(%arg30 : memref<!tpu.dma_semaphore, #tpu.memory_space<semaphore_mem>>)
    %add3A_66 = arith.constant 320 : i32
    %add3A_67 = arith.addi %mul3A_8, %add3A_66 : i32
    %dma_start3A_68 = tpu.memref_slice %arg3[%add3A_67] : memref<320000xi32, #tpu.memory_space<hbm>> -> memref<80xi32, #tpu.memory_space<hbm>>
    %dma_start3A_69 = tpu.memref_slice %arg3[%add3A_67] : memref<320000xi32, #tpu.memory_space<hbm>> -> memref<80xi32, #tpu.memory_space<hbm>>
    tpu.enqueue_dma source(%dma_start3A_69 : memref<80xi32, #tpu.memory_space<hbm>>) target(%arg16 : memref<80xi32, #tpu.memory_space<vmem>>) target_semaphore(%arg31 : memref<!tpu.dma_semaphore, #tpu.memory_space<semaphore_mem>>)
    %add3A_70 = arith.constant 320 : i32
    %add3A_71 = arith.addi %mul3A_8, %add3A_70 : i32
    %dma_start3A_72 = tpu.memref_slice %arg4[%add3A_71] : memref<320000xi32, #tpu.memory_space<hbm>> -> memref<80xi32, #tpu.memory_space<hbm>>
    %dma_start3A_73 = tpu.memref_slice %arg4[%add3A_71] : memref<320000xi32, #tpu.memory_space<hbm>> -> memref<80xi32, #tpu.memory_space<hbm>>
    tpu.enqueue_dma source(%dma_start3A_73 : memref<80xi32, #tpu.memory_space<hbm>>) target(%arg18 : memref<80xi32, #tpu.memory_space<vmem>>) target_semaphore(%arg31 : memref<!tpu.dma_semaphore, #tpu.memory_space<semaphore_mem>>)
    %add3A_74 = arith.constant 400 : i32
    %add3A_75 = arith.addi %mul3A_8, %add3A_74 : i32
    %dma_start3A_76 = tpu.memref_slice %arg3[%add3A_75] : memref<320000xi32, #tpu.memory_space<hbm>> -> memref<80xi32, #tpu.memory_space<hbm>>
    %dma_start3A_77 = tpu.memref_slice %arg3[%add3A_75] : memref<320000xi32, #tpu.memory_space<hbm>> -> memref<80xi32, #tpu.memory_space<hbm>>
    tpu.enqueue_dma source(%dma_start3A_77 : memref<80xi32, #tpu.memory_space<hbm>>) target(%arg17 : memref<80xi32, #tpu.memory_space<vmem>>) target_semaphore(%arg31 : memref<!tpu.dma_semaphore, #tpu.memory_space<semaphore_mem>>)
    %add3A_78 = arith.constant 400 : i32
    %add3A_79 = arith.addi %mul3A_8, %add3A_78 : i32
    %dma_start3A_80 = tpu.memref_slice %arg4[%add3A_79] : memref<320000xi32, #tpu.memory_space<hbm>> -> memref<80xi32, #tpu.memory_space<hbm>>
    %dma_start3A_81 = tpu.memref_slice %arg4[%add3A_79] : memref<320000xi32, #tpu.memory_space<hbm>> -> memref<80xi32, #tpu.memory_space<hbm>>
    tpu.enqueue_dma source(%dma_start3A_81 : memref<80xi32, #tpu.memory_space<hbm>>) target(%arg19 : memref<80xi32, #tpu.memory_space<vmem>>) target_semaphore(%arg31 : memref<!tpu.dma_semaphore, #tpu.memory_space<semaphore_mem>>)
    %add3A_82 = arith.constant 480 : i32
    %add3A_83 = arith.addi %mul3A_8, %add3A_82 : i32
    %dma_start3A_84 = tpu.memref_slice %arg3[%add3A_83] : memref<320000xi32, #tpu.memory_space<hbm>> -> memref<80xi32, #tpu.memory_space<hbm>>
    %dma_start3A_85 = tpu.memref_slice %arg3[%add3A_83] : memref<320000xi32, #tpu.memory_space<hbm>> -> memref<80xi32, #tpu.memory_space<hbm>>
    tpu.enqueue_dma source(%dma_start3A_85 : memref<80xi32, #tpu.memory_space<hbm>>) target(%arg20 : memref<80xi32, #tpu.memory_space<vmem>>) target_semaphore(%arg32 : memref<!tpu.dma_semaphore, #tpu.memory_space<semaphore_mem>>)
    %add3A_86 = arith.constant 480 : i32
    %add3A_87 = arith.addi %mul3A_8, %add3A_86 : i32
    %dma_start3A_88 = tpu.memref_slice %arg4[%add3A_87] : memref<320000xi32, #tpu.memory_space<hbm>> -> memref<80xi32, #tpu.memory_space<hbm>>
    %dma_start3A_89 = tpu.memref_slice %arg4[%add3A_87] : memref<320000xi32, #tpu.memory_space<hbm>> -> memref<80xi32, #tpu.memory_space<hbm>>
    tpu.enqueue_dma source(%dma_start3A_89 : memref<80xi32, #tpu.memory_space<hbm>>) target(%arg22 : memref<80xi32, #tpu.memory_space<vmem>>) target_semaphore(%arg32 : memref<!tpu.dma_semaphore, #tpu.memory_space<semaphore_mem>>)
    %add3A_90 = arith.constant 560 : i32
    %add3A_91 = arith.addi %mul3A_8, %add3A_90 : i32
    %dma_start3A_92 = tpu.memref_slice %arg3[%add3A_91] : memref<320000xi32, #tpu.memory_space<hbm>> -> memref<80xi32, #tpu.memory_space<hbm>>
    %dma_start3A_93 = tpu.memref_slice %arg3[%add3A_91] : memref<320000xi32, #tpu.memory_space<hbm>> -> memref<80xi32, #tpu.memory_space<hbm>>
    tpu.enqueue_dma source(%dma_start3A_93 : memref<80xi32, #tpu.memory_space<hbm>>) target(%arg21 : memref<80xi32, #tpu.memory_space<vmem>>) target_semaphore(%arg32 : memref<!tpu.dma_semaphore, #tpu.memory_space<semaphore_mem>>)
    %add3A_94 = arith.constant 560 : i32
    %add3A_95 = arith.addi %mul3A_8, %add3A_94 : i32
    %dma_start3A_96 = tpu.memref_slice %arg4[%add3A_95] : memref<320000xi32, #tpu.memory_space<hbm>> -> memref<80xi32, #tpu.memory_space<hbm>>
    %dma_start3A_97 = tpu.memref_slice %arg4[%add3A_95] : memref<320000xi32, #tpu.memory_space<hbm>> -> memref<80xi32, #tpu.memory_space<hbm>>
    tpu.enqueue_dma source(%dma_start3A_97 : memref<80xi32, #tpu.memory_space<hbm>>) target(%arg23 : memref<80xi32, #tpu.memory_space<vmem>>) target_semaphore(%arg32 : memref<!tpu.dma_semaphore, #tpu.memory_space<semaphore_mem>>)
    %dma_wait3A_98 = arith.constant 0 : i32
    %dma_wait3A_99 = tpu.memref_slice %arg3[%dma_wait3A_98] : memref<320000xi32, #tpu.memory_space<hbm>> -> memref<80xi32, #tpu.memory_space<hbm>>
    %dma_wait3A_100 = arith.constant 0 : i32
    %dma_wait3A_101 = tpu.memref_slice %arg3[%dma_wait3A_100] : memref<320000xi32, #tpu.memory_space<hbm>> -> memref<80xi32, #tpu.memory_space<hbm>>
    tpu.wait_dma2 semaphore(%arg29 : memref<!tpu.dma_semaphore, #tpu.memory_space<semaphore_mem>>) src(%dma_wait3A_101 : memref<80xi32, #tpu.memory_space<hbm>>) dst(%arg8 : memref<80xi32, #tpu.memory_space<vmem>>)
    %dma_wait3A_102 = arith.constant 0 : i32
    %dma_wait3A_103 = tpu.memref_slice %arg3[%dma_wait3A_102] : memref<320000xi32, #tpu.memory_space<hbm>> -> memref<80xi32, #tpu.memory_space<hbm>>
    %dma_wait3A_104 = arith.constant 0 : i32
    %dma_wait3A_105 = tpu.memref_slice %arg3[%dma_wait3A_104] : memref<320000xi32, #tpu.memory_space<hbm>> -> memref<80xi32, #tpu.memory_space<hbm>>
    tpu.wait_dma2 semaphore(%arg29 : memref<!tpu.dma_semaphore, #tpu.memory_space<semaphore_mem>>) src(%dma_wait3A_105 : memref<80xi32, #tpu.memory_space<hbm>>) dst(%arg10 : memref<80xi32, #tpu.memory_space<vmem>>)
    %dma_wait3A_106 = arith.constant 0 : i32
    %dma_wait3A_107 = tpu.memref_slice %arg3[%dma_wait3A_106] : memref<320000xi32, #tpu.memory_space<hbm>> -> memref<80xi32, #tpu.memory_space<hbm>>
    %dma_wait3A_108 = arith.constant 0 : i32
    %dma_wait3A_109 = tpu.memref_slice %arg3[%dma_wait3A_108] : memref<320000xi32, #tpu.memory_space<hbm>> -> memref<80xi32, #tpu.memory_space<hbm>>
    tpu.wait_dma2 semaphore(%arg29 : memref<!tpu.dma_semaphore, #tpu.memory_space<semaphore_mem>>) src(%dma_wait3A_109 : memref<80xi32, #tpu.memory_space<hbm>>) dst(%arg9 : memref<80xi32, #tpu.memory_space<vmem>>)
    %dma_wait3A_110 = arith.constant 0 : i32
    %dma_wait3A_111 = tpu.memref_slice %arg3[%dma_wait3A_110] : memref<320000xi32, #tpu.memory_space<hbm>> -> memref<80xi32, #tpu.memory_space<hbm>>
    %dma_wait3A_112 = arith.constant 0 : i32
    %dma_wait3A_113 = tpu.memref_slice %arg3[%dma_wait3A_112] : memref<320000xi32, #tpu.memory_space<hbm>> -> memref<80xi32, #tpu.memory_space<hbm>>
    tpu.wait_dma2 semaphore(%arg29 : memref<!tpu.dma_semaphore, #tpu.memory_space<semaphore_mem>>) src(%dma_wait3A_113 : memref<80xi32, #tpu.memory_space<hbm>>) dst(%arg11 : memref<80xi32, #tpu.memory_space<vmem>>)
    %dma_start3A_114 = arith.constant 0 : i32
    %dma_start3A_115 = arith.constant 0 : i32
    %dma_start3A_116 = tpu.memref_slice %arg2[%dma_start3A_114, %dma_start3A_115] : memref<10000x128xf32, #tpu.memory_space<hbm>> -> memref<10000x128xf32, #tpu.memory_space<hbm>>
    tpu.enqueue_indirect_dma source(%dma_start3A_116 : memref<10000x128xf32, #tpu.memory_space<hbm>>) target(%arg24 : memref<80x128xf32, #tpu.memory_space<vmem>>) offsets(%arg8 : memref<80xi32, #tpu.memory_space<vmem>>) semaphore(%arg33 : memref<!tpu.dma_semaphore, #tpu.memory_space<semaphore_mem>>)
    %dma_start3A_117 = arith.constant 0 : i32
    %dma_start3A_118 = arith.constant 0 : i32
    %dma_start3A_119 = tpu.memref_slice %arg2[%dma_start3A_117, %dma_start3A_118] : memref<10000x128xf32, #tpu.memory_space<hbm>> -> memref<10000x128xf32, #tpu.memory_space<hbm>>
    tpu.enqueue_indirect_dma source(%dma_start3A_119 : memref<10000x128xf32, #tpu.memory_space<hbm>>) target(%arg25 : memref<80x128xf32, #tpu.memory_space<vmem>>) offsets(%arg9 : memref<80xi32, #tpu.memory_space<vmem>>) semaphore(%arg34 : memref<!tpu.dma_semaphore, #tpu.memory_space<semaphore_mem>>)
    %dma_wait3A_120 = arith.constant 0 : i32
    %dma_wait3A_121 = tpu.memref_slice %arg3[%dma_wait3A_120] : memref<320000xi32, #tpu.memory_space<hbm>> -> memref<80xi32, #tpu.memory_space<hbm>>
    %dma_wait3A_122 = arith.constant 0 : i32
    %dma_wait3A_123 = tpu.memref_slice %arg3[%dma_wait3A_122] : memref<320000xi32, #tpu.memory_space<hbm>> -> memref<80xi32, #tpu.memory_space<hbm>>
    tpu.wait_dma2 semaphore(%arg30 : memref<!tpu.dma_semaphore, #tpu.memory_space<semaphore_mem>>) src(%dma_wait3A_123 : memref<80xi32, #tpu.memory_space<hbm>>) dst(%arg12 : memref<80xi32, #tpu.memory_space<vmem>>)
    %dma_wait3A_124 = arith.constant 0 : i32
    %dma_wait3A_125 = tpu.memref_slice %arg3[%dma_wait3A_124] : memref<320000xi32, #tpu.memory_space<hbm>> -> memref<80xi32, #tpu.memory_space<hbm>>
    %dma_wait3A_126 = arith.constant 0 : i32
    %dma_wait3A_127 = tpu.memref_slice %arg3[%dma_wait3A_126] : memref<320000xi32, #tpu.memory_space<hbm>> -> memref<80xi32, #tpu.memory_space<hbm>>
    tpu.wait_dma2 semaphore(%arg30 : memref<!tpu.dma_semaphore, #tpu.memory_space<semaphore_mem>>) src(%dma_wait3A_127 : memref<80xi32, #tpu.memory_space<hbm>>) dst(%arg14 : memref<80xi32, #tpu.memory_space<vmem>>)
    %dma_wait3A_128 = arith.constant 0 : i32
    %dma_wait3A_129 = tpu.memref_slice %arg3[%dma_wait3A_128] : memref<320000xi32, #tpu.memory_space<hbm>> -> memref<80xi32, #tpu.memory_space<hbm>>
    %dma_wait3A_130 = arith.constant 0 : i32
    %dma_wait3A_131 = tpu.memref_slice %arg3[%dma_wait3A_130] : memref<320000xi32, #tpu.memory_space<hbm>> -> memref<80xi32, #tpu.memory_space<hbm>>
    tpu.wait_dma2 semaphore(%arg30 : memref<!tpu.dma_semaphore, #tpu.memory_space<semaphore_mem>>) src(%dma_wait3A_131 : memref<80xi32, #tpu.memory_space<hbm>>) dst(%arg13 : memref<80xi32, #tpu.memory_space<vmem>>)
    %dma_wait3A_132 = arith.constant 0 : i32
    %dma_wait3A_133 = tpu.memref_slice %arg3[%dma_wait3A_132] : memref<320000xi32, #tpu.memory_space<hbm>> -> memref<80xi32, #tpu.memory_space<hbm>>
    %dma_wait3A_134 = arith.constant 0 : i32
    %dma_wait3A_135 = tpu.memref_slice %arg3[%dma_wait3A_134] : memref<320000xi32, #tpu.memory_space<hbm>> -> memref<80xi32, #tpu.memory_space<hbm>>
    tpu.wait_dma2 semaphore(%arg30 : memref<!tpu.dma_semaphore, #tpu.memory_space<semaphore_mem>>) src(%dma_wait3A_135 : memref<80xi32, #tpu.memory_space<hbm>>) dst(%arg15 : memref<80xi32, #tpu.memory_space<vmem>>)
    %scan3A = arith.constant 0 : i32
    %scan3A_136 = arith.constant 15 : i32
    %scan3A_137 = arith.addi %scan3A, %scan3A_136 : i32
    %scan3A_138 = arith.constant 1 : i32
    scf.for %scan3A_180 = %scan3A to %scan3A_137 step %scan3A_138  : i32 {
      %mul3A_181 = arith.constant 8 : i32
      %mul3A_182 = arith.muli %scan3A_180, %mul3A_181 : i32
      %add3A_183 = arith.constant 0 : i32
      %add3A_184 = arith.addi %add3A_183, %mul3A_182 : i32
      %dma_start3A_185 = arith.constant 0 : i32
      %dma_start3A_186 = arith.constant 0 : i32
      %dma_start3A_187 = tpu.memref_slice %arg2[%dma_start3A_185, %dma_start3A_186] : memref<10000x128xf32, #tpu.memory_space<hbm>> -> memref<10000x128xf32, #tpu.memory_space<hbm>>
      tpu.enqueue_indirect_dma source(%dma_start3A_187 : memref<10000x128xf32, #tpu.memory_space<hbm>>) target(%arg26 : memref<80x128xf32, #tpu.memory_space<vmem>>) offsets(%arg12 : memref<80xi32, #tpu.memory_space<vmem>>) semaphore(%arg35 : memref<!tpu.dma_semaphore, #tpu.memory_space<semaphore_mem>>)
      %dma_start3A_188 = arith.constant 0 : i32
      %dma_start3A_189 = arith.constant 0 : i32
      %dma_start3A_190 = tpu.memref_slice %arg2[%dma_start3A_188, %dma_start3A_189] : memref<10000x128xf32, #tpu.memory_space<hbm>> -> memref<10000x128xf32, #tpu.memory_space<hbm>>
      tpu.enqueue_indirect_dma source(%dma_start3A_190 : memref<10000x128xf32, #tpu.memory_space<hbm>>) target(%arg27 : memref<80x128xf32, #tpu.memory_space<vmem>>) offsets(%arg13 : memref<80xi32, #tpu.memory_space<vmem>>) semaphore(%arg36 : memref<!tpu.dma_semaphore, #tpu.memory_space<semaphore_mem>>)
      %dma_wait3A_191 = arith.constant 0 : i32
      %dma_wait3A_192 = arith.constant 0 : i32
      %dma_wait3A_193 = tpu.memref_slice %arg2[%dma_wait3A_191, %dma_wait3A_192] : memref<10000x128xf32, #tpu.memory_space<hbm>> -> memref<80x128xf32, #tpu.memory_space<hbm>>
      %dma_wait3A_194 = arith.constant 0 : i32
      %dma_wait3A_195 = arith.constant 0 : i32
      %dma_wait3A_196 = tpu.memref_slice %arg2[%dma_wait3A_194, %dma_wait3A_195] : memref<10000x128xf32, #tpu.memory_space<hbm>> -> memref<80x128xf32, #tpu.memory_space<hbm>>
      tpu.wait_dma2 semaphore(%arg33 : memref<!tpu.dma_semaphore, #tpu.memory_space<semaphore_mem>>) src(%dma_wait3A_196 : memref<80x128xf32, #tpu.memory_space<hbm>>) dst(%arg24 : memref<80x128xf32, #tpu.memory_space<vmem>>)
      "tpu.region"() ({
        %run_scoped3A = tpu.sem_alloc : memref<!tpu.dma_semaphore, #tpu.memory_space<semaphore_mem>>
        %dma_start3A_378 = arith.constant 0 : i32
        %dma_start3A_379 = arith.constant 0 : i32
        %dma_start3A_380 = tpu.memref_slice %arg7[%dma_start3A_378, %dma_start3A_379] : memref<10000x128xf32, #tpu.memory_space<vmem_shared>> -> memref<10000x128xf32, #tpu.memory_space<vmem_shared>>
        tpu.enqueue_indirect_dma source(%arg24 : memref<80x128xf32, #tpu.memory_space<vmem>>) target(%dma_start3A_380 : memref<10000x128xf32, #tpu.memory_space<vmem_shared>>) offsets(%arg10 : memref<80xi32, #tpu.memory_space<vmem>>) semaphore(%run_scoped3A : memref<!tpu.dma_semaphore, #tpu.memory_space<semaphore_mem>>) {add = true}
        %dma_wait3A_381 = arith.constant 0 : i32
        %dma_wait3A_382 = arith.constant 0 : i32
        %dma_wait3A_383 = tpu.memref_slice %arg7[%dma_wait3A_381, %dma_wait3A_382] : memref<10000x128xf32, #tpu.memory_space<vmem_shared>> -> memref<10000x128xf32, #tpu.memory_space<vmem_shared>>
        tpu.wait_indirect_dma semaphore(%run_scoped3A : memref<!tpu.dma_semaphore, #tpu.memory_space<semaphore_mem>>) src(%arg24 : memref<80x128xf32, #tpu.memory_space<vmem>>) dst(%dma_wait3A_383 : memref<10000x128xf32, #tpu.memory_space<vmem_shared>>)
        tpu.yield
      }) : () -> ()
      %dma_wait3A_197 = arith.constant 0 : i32
      %dma_wait3A_198 = arith.constant 0 : i32
      %dma_wait3A_199 = tpu.memref_slice %arg2[%dma_wait3A_197, %dma_wait3A_198] : memref<10000x128xf32, #tpu.memory_space<hbm>> -> memref<80x128xf32, #tpu.memory_space<hbm>>
      %dma_wait3A_200 = arith.constant 0 : i32
      %dma_wait3A_201 = arith.constant 0 : i32
      %dma_wait3A_202 = tpu.memref_slice %arg2[%dma_wait3A_200, %dma_wait3A_201] : memref<10000x128xf32, #tpu.memory_space<hbm>> -> memref<80x128xf32, #tpu.memory_space<hbm>>
      tpu.wait_dma2 semaphore(%arg34 : memref<!tpu.dma_semaphore, #tpu.memory_space<semaphore_mem>>) src(%dma_wait3A_202 : memref<80x128xf32, #tpu.memory_space<hbm>>) dst(%arg25 : memref<80x128xf32, #tpu.memory_space<vmem>>)
      "tpu.region"() ({
        %run_scoped3A = tpu.sem_alloc : memref<!tpu.dma_semaphore, #tpu.memory_space<semaphore_mem>>
        %dma_start3A_378 = arith.constant 0 : i32
        %dma_start3A_379 = arith.constant 0 : i32
        %dma_start3A_380 = tpu.memref_slice %arg7[%dma_start3A_378, %dma_start3A_379] : memref<10000x128xf32, #tpu.memory_space<vmem_shared>> -> memref<10000x128xf32, #tpu.memory_space<vmem_shared>>
        tpu.enqueue_indirect_dma source(%arg25 : memref<80x128xf32, #tpu.memory_space<vmem>>) target(%dma_start3A_380 : memref<10000x128xf32, #tpu.memory_space<vmem_shared>>) offsets(%arg11 : memref<80xi32, #tpu.memory_space<vmem>>) semaphore(%run_scoped3A : memref<!tpu.dma_semaphore, #tpu.memory_space<semaphore_mem>>) {add = true}
        %dma_wait3A_381 = arith.constant 0 : i32
        %dma_wait3A_382 = arith.constant 0 : i32
        %dma_wait3A_383 = tpu.memref_slice %arg7[%dma_wait3A_381, %dma_wait3A_382] : memref<10000x128xf32, #tpu.memory_space<vmem_shared>> -> memref<10000x128xf32, #tpu.memory_space<vmem_shared>>
        tpu.wait_indirect_dma semaphore(%run_scoped3A : memref<!tpu.dma_semaphore, #tpu.memory_space<semaphore_mem>>) src(%arg25 : memref<80x128xf32, #tpu.memory_space<vmem>>) dst(%dma_wait3A_383 : memref<10000x128xf32, #tpu.memory_space<vmem_shared>>)
        tpu.yield
      }) : () -> ()
      %add3A_203 = arith.constant 8 : i32
      %add3A_204 = arith.addi %add3A_184, %add3A_203 : i32
      %mul3A_205 = arith.constant 80 : i32
      %mul3A_206 = arith.muli %add3A_204, %mul3A_205 : i32
      %add3A_207 = arith.addi %mul3A_8, %mul3A_206 : i32
      %dma_start3A_208 = tpu.memref_slice %arg3[%add3A_207] : memref<320000xi32, #tpu.memory_space<hbm>> -> memref<80xi32, #tpu.memory_space<hbm>>
      %dma_start3A_209 = tpu.memref_slice %arg3[%add3A_207] : memref<320000xi32, #tpu.memory_space<hbm>> -> memref<80xi32, #tpu.memory_space<hbm>>
      tpu.enqueue_dma source(%dma_start3A_209 : memref<80xi32, #tpu.memory_space<hbm>>) target(%arg8 : memref<80xi32, #tpu.memory_space<vmem>>) target_semaphore(%arg29 : memref<!tpu.dma_semaphore, #tpu.memory_space<semaphore_mem>>)
      %mul3A_210 = arith.constant 80 : i32
      %mul3A_211 = arith.muli %add3A_204, %mul3A_210 : i32
      %add3A_212 = arith.addi %mul3A_8, %mul3A_211 : i32
      %dma_start3A_213 = tpu.memref_slice %arg4[%add3A_212] : memref<320000xi32, #tpu.memory_space<hbm>> -> memref<80xi32, #tpu.memory_space<hbm>>
      %dma_start3A_214 = tpu.memref_slice %arg4[%add3A_212] : memref<320000xi32, #tpu.memory_space<hbm>> -> memref<80xi32, #tpu.memory_space<hbm>>
      tpu.enqueue_dma source(%dma_start3A_214 : memref<80xi32, #tpu.memory_space<hbm>>) target(%arg10 : memref<80xi32, #tpu.memory_space<vmem>>) target_semaphore(%arg29 : memref<!tpu.dma_semaphore, #tpu.memory_space<semaphore_mem>>)
      %add3A_215 = arith.constant 9 : i32
      %add3A_216 = arith.addi %add3A_184, %add3A_215 : i32
      %mul3A_217 = arith.constant 80 : i32
      %mul3A_218 = arith.muli %add3A_216, %mul3A_217 : i32
      %add3A_219 = arith.addi %mul3A_8, %mul3A_218 : i32
      %dma_start3A_220 = tpu.memref_slice %arg3[%add3A_219] : memref<320000xi32, #tpu.memory_space<hbm>> -> memref<80xi32, #tpu.memory_space<hbm>>
      %dma_start3A_221 = tpu.memref_slice %arg3[%add3A_219] : memref<320000xi32, #tpu.memory_space<hbm>> -> memref<80xi32, #tpu.memory_space<hbm>>
      tpu.enqueue_dma source(%dma_start3A_221 : memref<80xi32, #tpu.memory_space<hbm>>) target(%arg9 : memref<80xi32, #tpu.memory_space<vmem>>) target_semaphore(%arg29 : memref<!tpu.dma_semaphore, #tpu.memory_space<semaphore_mem>>)
      %mul3A_222 = arith.constant 80 : i32
      %mul3A_223 = arith.muli %add3A_216, %mul3A_222 : i32
      %add3A_224 = arith.addi %mul3A_8, %mul3A_223 : i32
      %dma_start3A_225 = tpu.memref_slice %arg4[%add3A_224] : memref<320000xi32, #tpu.memory_space<hbm>> -> memref<80xi32, #tpu.memory_space<hbm>>
      %dma_start3A_226 = tpu.memref_slice %arg4[%add3A_224] : memref<320000xi32, #tpu.memory_space<hbm>> -> memref<80xi32, #tpu.memory_space<hbm>>
      tpu.enqueue_dma source(%dma_start3A_226 : memref<80xi32, #tpu.memory_space<hbm>>) target(%arg11 : memref<80xi32, #tpu.memory_space<vmem>>) target_semaphore(%arg29 : memref<!tpu.dma_semaphore, #tpu.memory_space<semaphore_mem>>)
      %dma_wait3A_227 = arith.constant 0 : i32
      %dma_wait3A_228 = tpu.memref_slice %arg3[%dma_wait3A_227] : memref<320000xi32, #tpu.memory_space<hbm>> -> memref<80xi32, #tpu.memory_space<hbm>>
      %dma_wait3A_229 = arith.constant 0 : i32
      %dma_wait3A_230 = tpu.memref_slice %arg3[%dma_wait3A_229] : memref<320000xi32, #tpu.memory_space<hbm>> -> memref<80xi32, #tpu.memory_space<hbm>>
      tpu.wait_dma2 semaphore(%arg31 : memref<!tpu.dma_semaphore, #tpu.memory_space<semaphore_mem>>) src(%dma_wait3A_230 : memref<80xi32, #tpu.memory_space<hbm>>) dst(%arg16 : memref<80xi32, #tpu.memory_space<vmem>>)
      %dma_wait3A_231 = arith.constant 0 : i32
      %dma_wait3A_232 = tpu.memref_slice %arg3[%dma_wait3A_231] : memref<320000xi32, #tpu.memory_space<hbm>> -> memref<80xi32, #tpu.memory_space<hbm>>
      %dma_wait3A_233 = arith.constant 0 : i32
      %dma_wait3A_234 = tpu.memref_slice %arg3[%dma_wait3A_233] : memref<320000xi32, #tpu.memory_space<hbm>> -> memref<80xi32, #tpu.memory_space<hbm>>
      tpu.wait_dma2 semaphore(%arg31 : memref<!tpu.dma_semaphore, #tpu.memory_space<semaphore_mem>>) src(%dma_wait3A_234 : memref<80xi32, #tpu.memory_space<hbm>>) dst(%arg18 : memref<80xi32, #tpu.memory_space<vmem>>)
      %dma_wait3A_235 = arith.constant 0 : i32
      %dma_wait3A_236 = tpu.memref_slice %arg3[%dma_wait3A_235] : memref<320000xi32, #tpu.memory_space<hbm>> -> memref<80xi32, #tpu.memory_space<hbm>>
      %dma_wait3A_237 = arith.constant 0 : i32
      %dma_wait3A_238 = tpu.memref_slice %arg3[%dma_wait3A_237] : memref<320000xi32, #tpu.memory_space<hbm>> -> memref<80xi32, #tpu.memory_space<hbm>>
      tpu.wait_dma2 semaphore(%arg31 : memref<!tpu.dma_semaphore, #tpu.memory_space<semaphore_mem>>) src(%dma_wait3A_238 : memref<80xi32, #tpu.memory_space<hbm>>) dst(%arg17 : memref<80xi32, #tpu.memory_space<vmem>>)
      %dma_wait3A_239 = arith.constant 0 : i32
      %dma_wait3A_240 = tpu.memref_slice %arg3[%dma_wait3A_239] : memref<320000xi32, #tpu.memory_space<hbm>> -> memref<80xi32, #tpu.memory_space<hbm>>
      %dma_wait3A_241 = arith.constant 0 : i32
      %dma_wait3A_242 = tpu.memref_slice %arg3[%dma_wait3A_241] : memref<320000xi32, #tpu.memory_space<hbm>> -> memref<80xi32, #tpu.memory_space<hbm>>
      tpu.wait_dma2 semaphore(%arg31 : memref<!tpu.dma_semaphore, #tpu.memory_space<semaphore_mem>>) src(%dma_wait3A_242 : memref<80xi32, #tpu.memory_space<hbm>>) dst(%arg19 : memref<80xi32, #tpu.memory_space<vmem>>)
      %dma_start3A_243 = arith.constant 0 : i32
      %dma_start3A_244 = arith.constant 0 : i32
      %dma_start3A_245 = tpu.memref_slice %arg2[%dma_start3A_243, %dma_start3A_244] : memref<10000x128xf32, #tpu.memory_space<hbm>> -> memref<10000x128xf32, #tpu.memory_space<hbm>>
      tpu.enqueue_indirect_dma source(%dma_start3A_245 : memref<10000x128xf32, #tpu.memory_space<hbm>>) target(%arg24 : memref<80x128xf32, #tpu.memory_space<vmem>>) offsets(%arg16 : memref<80xi32, #tpu.memory_space<vmem>>) semaphore(%arg33 : memref<!tpu.dma_semaphore, #tpu.memory_space<semaphore_mem>>)
      %dma_start3A_246 = arith.constant 0 : i32
      %dma_start3A_247 = arith.constant 0 : i32
      %dma_start3A_248 = tpu.memref_slice %arg2[%dma_start3A_246, %dma_start3A_247] : memref<10000x128xf32, #tpu.memory_space<hbm>> -> memref<10000x128xf32, #tpu.memory_space<hbm>>
      tpu.enqueue_indirect_dma source(%dma_start3A_248 : memref<10000x128xf32, #tpu.memory_space<hbm>>) target(%arg25 : memref<80x128xf32, #tpu.memory_space<vmem>>) offsets(%arg17 : memref<80xi32, #tpu.memory_space<vmem>>) semaphore(%arg34 : memref<!tpu.dma_semaphore, #tpu.memory_space<semaphore_mem>>)
      %dma_wait3A_249 = arith.constant 0 : i32
      %dma_wait3A_250 = arith.constant 0 : i32
      %dma_wait3A_251 = tpu.memref_slice %arg2[%dma_wait3A_249, %dma_wait3A_250] : memref<10000x128xf32, #tpu.memory_space<hbm>> -> memref<80x128xf32, #tpu.memory_space<hbm>>
      %dma_wait3A_252 = arith.constant 0 : i32
      %dma_wait3A_253 = arith.constant 0 : i32
      %dma_wait3A_254 = tpu.memref_slice %arg2[%dma_wait3A_252, %dma_wait3A_253] : memref<10000x128xf32, #tpu.memory_space<hbm>> -> memref<80x128xf32, #tpu.memory_space<hbm>>
      tpu.wait_dma2 semaphore(%arg35 : memref<!tpu.dma_semaphore, #tpu.memory_space<semaphore_mem>>) src(%dma_wait3A_254 : memref<80x128xf32, #tpu.memory_space<hbm>>) dst(%arg26 : memref<80x128xf32, #tpu.memory_space<vmem>>)
      "tpu.region"() ({
        %run_scoped3A = tpu.sem_alloc : memref<!tpu.dma_semaphore, #tpu.memory_space<semaphore_mem>>
        %dma_start3A_378 = arith.constant 0 : i32
        %dma_start3A_379 = arith.constant 0 : i32
        %dma_start3A_380 = tpu.memref_slice %arg7[%dma_start3A_378, %dma_start3A_379] : memref<10000x128xf32, #tpu.memory_space<vmem_shared>> -> memref<10000x128xf32, #tpu.memory_space<vmem_shared>>
        tpu.enqueue_indirect_dma source(%arg26 : memref<80x128xf32, #tpu.memory_space<vmem>>) target(%dma_start3A_380 : memref<10000x128xf32, #tpu.memory_space<vmem_shared>>) offsets(%arg14 : memref<80xi32, #tpu.memory_space<vmem>>) semaphore(%run_scoped3A : memref<!tpu.dma_semaphore, #tpu.memory_space<semaphore_mem>>) {add = true}
        %dma_wait3A_381 = arith.constant 0 : i32
        %dma_wait3A_382 = arith.constant 0 : i32
        %dma_wait3A_383 = tpu.memref_slice %arg7[%dma_wait3A_381, %dma_wait3A_382] : memref<10000x128xf32, #tpu.memory_space<vmem_shared>> -> memref<10000x128xf32, #tpu.memory_space<vmem_shared>>
        tpu.wait_indirect_dma semaphore(%run_scoped3A : memref<!tpu.dma_semaphore, #tpu.memory_space<semaphore_mem>>) src(%arg26 : memref<80x128xf32, #tpu.memory_space<vmem>>) dst(%dma_wait3A_383 : memref<10000x128xf32, #tpu.memory_space<vmem_shared>>)
        tpu.yield
      }) : () -> ()
      %dma_wait3A_255 = arith.constant 0 : i32
      %dma_wait3A_256 = arith.constant 0 : i32
      %dma_wait3A_257 = tpu.memref_slice %arg2[%dma_wait3A_255, %dma_wait3A_256] : memref<10000x128xf32, #tpu.memory_space<hbm>> -> memref<80x128xf32, #tpu.memory_space<hbm>>
      %dma_wait3A_258 = arith.constant 0 : i32
      %dma_wait3A_259 = arith.constant 0 : i32
      %dma_wait3A_260 = tpu.memref_slice %arg2[%dma_wait3A_258, %dma_wait3A_259] : memref<10000x128xf32, #tpu.memory_space<hbm>> -> memref<80x128xf32, #tpu.memory_space<hbm>>
      tpu.wait_dma2 semaphore(%arg36 : memref<!tpu.dma_semaphore, #tpu.memory_space<semaphore_mem>>) src(%dma_wait3A_260 : memref<80x128xf32, #tpu.memory_space<hbm>>) dst(%arg27 : memref<80x128xf32, #tpu.memory_space<vmem>>)
      "tpu.region"() ({
        %run_scoped3A = tpu.sem_alloc : memref<!tpu.dma_semaphore, #tpu.memory_space<semaphore_mem>>
        %dma_start3A_378 = arith.constant 0 : i32
        %dma_start3A_379 = arith.constant 0 : i32
        %dma_start3A_380 = tpu.memref_slice %arg7[%dma_start3A_378, %dma_start3A_379] : memref<10000x128xf32, #tpu.memory_space<vmem_shared>> -> memref<10000x128xf32, #tpu.memory_space<vmem_shared>>
        tpu.enqueue_indirect_dma source(%arg27 : memref<80x128xf32, #tpu.memory_space<vmem>>) target(%dma_start3A_380 : memref<10000x128xf32, #tpu.memory_space<vmem_shared>>) offsets(%arg15 : memref<80xi32, #tpu.memory_space<vmem>>) semaphore(%run_scoped3A : memref<!tpu.dma_semaphore, #tpu.memory_space<semaphore_mem>>) {add = true}
        %dma_wait3A_381 = arith.constant 0 : i32
        %dma_wait3A_382 = arith.constant 0 : i32
        %dma_wait3A_383 = tpu.memref_slice %arg7[%dma_wait3A_381, %dma_wait3A_382] : memref<10000x128xf32, #tpu.memory_space<vmem_shared>> -> memref<10000x128xf32, #tpu.memory_space<vmem_shared>>
        tpu.wait_indirect_dma semaphore(%run_scoped3A : memref<!tpu.dma_semaphore, #tpu.memory_space<semaphore_mem>>) src(%arg27 : memref<80x128xf32, #tpu.memory_space<vmem>>) dst(%dma_wait3A_383 : memref<10000x128xf32, #tpu.memory_space<vmem_shared>>)
        tpu.yield
      }) : () -> ()
      %add3A_261 = arith.constant 10 : i32
      %add3A_262 = arith.addi %add3A_184, %add3A_261 : i32
      %mul3A_263 = arith.constant 80 : i32
      %mul3A_264 = arith.muli %add3A_262, %mul3A_263 : i32
      %add3A_265 = arith.addi %mul3A_8, %mul3A_264 : i32
      %dma_start3A_266 = tpu.memref_slice %arg3[%add3A_265] : memref<320000xi32, #tpu.memory_space<hbm>> -> memref<80xi32, #tpu.memory_space<hbm>>
      %dma_start3A_267 = tpu.memref_slice %arg3[%add3A_265] : memref<320000xi32, #tpu.memory_space<hbm>> -> memref<80xi32, #tpu.memory_space<hbm>>
      tpu.enqueue_dma source(%dma_start3A_267 : memref<80xi32, #tpu.memory_space<hbm>>) target(%arg12 : memref<80xi32, #tpu.memory_space<vmem>>) target_semaphore(%arg30 : memref<!tpu.dma_semaphore, #tpu.memory_space<semaphore_mem>>)
      %mul3A_268 = arith.constant 80 : i32
      %mul3A_269 = arith.muli %add3A_262, %mul3A_268 : i32
      %add3A_270 = arith.addi %mul3A_8, %mul3A_269 : i32
      %dma_start3A_271 = tpu.memref_slice %arg4[%add3A_270] : memref<320000xi32, #tpu.memory_space<hbm>> -> memref<80xi32, #tpu.memory_space<hbm>>
      %dma_start3A_272 = tpu.memref_slice %arg4[%add3A_270] : memref<320000xi32, #tpu.memory_space<hbm>> -> memref<80xi32, #tpu.memory_space<hbm>>
      tpu.enqueue_dma source(%dma_start3A_272 : memref<80xi32, #tpu.memory_space<hbm>>) target(%arg14 : memref<80xi32, #tpu.memory_space<vmem>>) target_semaphore(%arg30 : memref<!tpu.dma_semaphore, #tpu.memory_space<semaphore_mem>>)
      %add3A_273 = arith.constant 11 : i32
      %add3A_274 = arith.addi %add3A_184, %add3A_273 : i32
      %mul3A_275 = arith.constant 80 : i32
      %mul3A_276 = arith.muli %add3A_274, %mul3A_275 : i32
      %add3A_277 = arith.addi %mul3A_8, %mul3A_276 : i32
      %dma_start3A_278 = tpu.memref_slice %arg3[%add3A_277] : memref<320000xi32, #tpu.memory_space<hbm>> -> memref<80xi32, #tpu.memory_space<hbm>>
      %dma_start3A_279 = tpu.memref_slice %arg3[%add3A_277] : memref<320000xi32, #tpu.memory_space<hbm>> -> memref<80xi32, #tpu.memory_space<hbm>>
      tpu.enqueue_dma source(%dma_start3A_279 : memref<80xi32, #tpu.memory_space<hbm>>) target(%arg13 : memref<80xi32, #tpu.memory_space<vmem>>) target_semaphore(%arg30 : memref<!tpu.dma_semaphore, #tpu.memory_space<semaphore_mem>>)
      %mul3A_280 = arith.constant 80 : i32
      %mul3A_281 = arith.muli %add3A_274, %mul3A_280 : i32
      %add3A_282 = arith.addi %mul3A_8, %mul3A_281 : i32
      %dma_start3A_283 = tpu.memref_slice %arg4[%add3A_282] : memref<320000xi32, #tpu.memory_space<hbm>> -> memref<80xi32, #tpu.memory_space<hbm>>
      %dma_start3A_284 = tpu.memref_slice %arg4[%add3A_282] : memref<320000xi32, #tpu.memory_space<hbm>> -> memref<80xi32, #tpu.memory_space<hbm>>
      tpu.enqueue_dma source(%dma_start3A_284 : memref<80xi32, #tpu.memory_space<hbm>>) target(%arg15 : memref<80xi32, #tpu.memory_space<vmem>>) target_semaphore(%arg30 : memref<!tpu.dma_semaphore, #tpu.memory_space<semaphore_mem>>)
      %dma_wait3A_285 = arith.constant 0 : i32
      %dma_wait3A_286 = tpu.memref_slice %arg3[%dma_wait3A_285] : memref<320000xi32, #tpu.memory_space<hbm>> -> memref<80xi32, #tpu.memory_space<hbm>>
      %dma_wait3A_287 = arith.constant 0 : i32
      %dma_wait3A_288 = tpu.memref_slice %arg3[%dma_wait3A_287] : memref<320000xi32, #tpu.memory_space<hbm>> -> memref<80xi32, #tpu.memory_space<hbm>>
      tpu.wait_dma2 semaphore(%arg32 : memref<!tpu.dma_semaphore, #tpu.memory_space<semaphore_mem>>) src(%dma_wait3A_288 : memref<80xi32, #tpu.memory_space<hbm>>) dst(%arg20 : memref<80xi32, #tpu.memory_space<vmem>>)
      %dma_wait3A_289 = arith.constant 0 : i32
      %dma_wait3A_290 = tpu.memref_slice %arg3[%dma_wait3A_289] : memref<320000xi32, #tpu.memory_space<hbm>> -> memref<80xi32, #tpu.memory_space<hbm>>
      %dma_wait3A_291 = arith.constant 0 : i32
      %dma_wait3A_292 = tpu.memref_slice %arg3[%dma_wait3A_291] : memref<320000xi32, #tpu.memory_space<hbm>> -> memref<80xi32, #tpu.memory_space<hbm>>
      tpu.wait_dma2 semaphore(%arg32 : memref<!tpu.dma_semaphore, #tpu.memory_space<semaphore_mem>>) src(%dma_wait3A_292 : memref<80xi32, #tpu.memory_space<hbm>>) dst(%arg22 : memref<80xi32, #tpu.memory_space<vmem>>)
      %dma_wait3A_293 = arith.constant 0 : i32
      %dma_wait3A_294 = tpu.memref_slice %arg3[%dma_wait3A_293] : memref<320000xi32, #tpu.memory_space<hbm>> -> memref<80xi32, #tpu.memory_space<hbm>>
      %dma_wait3A_295 = arith.constant 0 : i32
      %dma_wait3A_296 = tpu.memref_slice %arg3[%dma_wait3A_295] : memref<320000xi32, #tpu.memory_space<hbm>> -> memref<80xi32, #tpu.memory_space<hbm>>
      tpu.wait_dma2 semaphore(%arg32 : memref<!tpu.dma_semaphore, #tpu.memory_space<semaphore_mem>>) src(%dma_wait3A_296 : memref<80xi32, #tpu.memory_space<hbm>>) dst(%arg21 : memref<80xi32, #tpu.memory_space<vmem>>)
      %dma_wait3A_297 = arith.constant 0 : i32
      %dma_wait3A_298 = tpu.memref_slice %arg3[%dma_wait3A_297] : memref<320000xi32, #tpu.memory_space<hbm>> -> memref<80xi32, #tpu.memory_space<hbm>>
      %dma_wait3A_299 = arith.constant 0 : i32
      %dma_wait3A_300 = tpu.memref_slice %arg3[%dma_wait3A_299] : memref<320000xi32, #tpu.memory_space<hbm>> -> memref<80xi32, #tpu.memory_space<hbm>>
      tpu.wait_dma2 semaphore(%arg32 : memref<!tpu.dma_semaphore, #tpu.memory_space<semaphore_mem>>) src(%dma_wait3A_300 : memref<80xi32, #tpu.memory_space<hbm>>) dst(%arg23 : memref<80xi32, #tpu.memory_space<vmem>>)
      %dma_start3A_301 = arith.constant 0 : i32
      %dma_start3A_302 = arith.constant 0 : i32
      %dma_start3A_303 = tpu.memref_slice %arg2[%dma_start3A_301, %dma_start3A_302] : memref<10000x128xf32, #tpu.memory_space<hbm>> -> memref<10000x128xf32, #tpu.memory_space<hbm>>
      tpu.enqueue_indirect_dma source(%dma_start3A_303 : memref<10000x128xf32, #tpu.memory_space<hbm>>) target(%arg26 : memref<80x128xf32, #tpu.memory_space<vmem>>) offsets(%arg20 : memref<80xi32, #tpu.memory_space<vmem>>) semaphore(%arg35 : memref<!tpu.dma_semaphore, #tpu.memory_space<semaphore_mem>>)
      %dma_start3A_304 = arith.constant 0 : i32
      %dma_start3A_305 = arith.constant 0 : i32
      %dma_start3A_306 = tpu.memref_slice %arg2[%dma_start3A_304, %dma_start3A_305] : memref<10000x128xf32, #tpu.memory_space<hbm>> -> memref<10000x128xf32, #tpu.memory_space<hbm>>
      tpu.enqueue_indirect_dma source(%dma_start3A_306 : memref<10000x128xf32, #tpu.memory_space<hbm>>) target(%arg27 : memref<80x128xf32, #tpu.memory_space<vmem>>) offsets(%arg21 : memref<80xi32, #tpu.memory_space<vmem>>) semaphore(%arg36 : memref<!tpu.dma_semaphore, #tpu.memory_space<semaphore_mem>>)
      %dma_wait3A_307 = arith.constant 0 : i32
      %dma_wait3A_308 = arith.constant 0 : i32
      %dma_wait3A_309 = tpu.memref_slice %arg2[%dma_wait3A_307, %dma_wait3A_308] : memref<10000x128xf32, #tpu.memory_space<hbm>> -> memref<80x128xf32, #tpu.memory_space<hbm>>
      %dma_wait3A_310 = arith.constant 0 : i32
      %dma_wait3A_311 = arith.constant 0 : i32
      %dma_wait3A_312 = tpu.memref_slice %arg2[%dma_wait3A_310, %dma_wait3A_311] : memref<10000x128xf32, #tpu.memory_space<hbm>> -> memref<80x128xf32, #tpu.memory_space<hbm>>
      tpu.wait_dma2 semaphore(%arg33 : memref<!tpu.dma_semaphore, #tpu.memory_space<semaphore_mem>>) src(%dma_wait3A_312 : memref<80x128xf32, #tpu.memory_space<hbm>>) dst(%arg24 : memref<80x128xf32, #tpu.memory_space<vmem>>)
      "tpu.region"() ({
        %run_scoped3A = tpu.sem_alloc : memref<!tpu.dma_semaphore, #tpu.memory_space<semaphore_mem>>
        %dma_start3A_378 = arith.constant 0 : i32
        %dma_start3A_379 = arith.constant 0 : i32
        %dma_start3A_380 = tpu.memref_slice %arg7[%dma_start3A_378, %dma_start3A_379] : memref<10000x128xf32, #tpu.memory_space<vmem_shared>> -> memref<10000x128xf32, #tpu.memory_space<vmem_shared>>
        tpu.enqueue_indirect_dma source(%arg24 : memref<80x128xf32, #tpu.memory_space<vmem>>) target(%dma_start3A_380 : memref<10000x128xf32, #tpu.memory_space<vmem_shared>>) offsets(%arg18 : memref<80xi32, #tpu.memory_space<vmem>>) semaphore(%run_scoped3A : memref<!tpu.dma_semaphore, #tpu.memory_space<semaphore_mem>>) {add = true}
        %dma_wait3A_381 = arith.constant 0 : i32
        %dma_wait3A_382 = arith.constant 0 : i32
        %dma_wait3A_383 = tpu.memref_slice %arg7[%dma_wait3A_381, %dma_wait3A_382] : memref<10000x128xf32, #tpu.memory_space<vmem_shared>> -> memref<10000x128xf32, #tpu.memory_space<vmem_shared>>
        tpu.wait_indirect_dma semaphore(%run_scoped3A : memref<!tpu.dma_semaphore, #tpu.memory_space<semaphore_mem>>) src(%arg24 : memref<80x128xf32, #tpu.memory_space<vmem>>) dst(%dma_wait3A_383 : memref<10000x128xf32, #tpu.memory_space<vmem_shared>>)
        tpu.yield
      }) : () -> ()
      %dma_wait3A_313 = arith.constant 0 : i32
      %dma_wait3A_314 = arith.constant 0 : i32
      %dma_wait3A_315 = tpu.memref_slice %arg2[%dma_wait3A_313, %dma_wait3A_314] : memref<10000x128xf32, #tpu.memory_space<hbm>> -> memref<80x128xf32, #tpu.memory_space<hbm>>
      %dma_wait3A_316 = arith.constant 0 : i32
      %dma_wait3A_317 = arith.constant 0 : i32
      %dma_wait3A_318 = tpu.memref_slice %arg2[%dma_wait3A_316, %dma_wait3A_317] : memref<10000x128xf32, #tpu.memory_space<hbm>> -> memref<80x128xf32, #tpu.memory_space<hbm>>
      tpu.wait_dma2 semaphore(%arg34 : memref<!tpu.dma_semaphore, #tpu.memory_space<semaphore_mem>>) src(%dma_wait3A_318 : memref<80x128xf32, #tpu.memory_space<hbm>>) dst(%arg25 : memref<80x128xf32, #tpu.memory_space<vmem>>)
      "tpu.region"() ({
        %run_scoped3A = tpu.sem_alloc : memref<!tpu.dma_semaphore, #tpu.memory_space<semaphore_mem>>
        %dma_start3A_378 = arith.constant 0 : i32
        %dma_start3A_379 = arith.constant 0 : i32
        %dma_start3A_380 = tpu.memref_slice %arg7[%dma_start3A_378, %dma_start3A_379] : memref<10000x128xf32, #tpu.memory_space<vmem_shared>> -> memref<10000x128xf32, #tpu.memory_space<vmem_shared>>
        tpu.enqueue_indirect_dma source(%arg25 : memref<80x128xf32, #tpu.memory_space<vmem>>) target(%dma_start3A_380 : memref<10000x128xf32, #tpu.memory_space<vmem_shared>>) offsets(%arg19 : memref<80xi32, #tpu.memory_space<vmem>>) semaphore(%run_scoped3A : memref<!tpu.dma_semaphore, #tpu.memory_space<semaphore_mem>>) {add = true}
        %dma_wait3A_381 = arith.constant 0 : i32
        %dma_wait3A_382 = arith.constant 0 : i32
        %dma_wait3A_383 = tpu.memref_slice %arg7[%dma_wait3A_381, %dma_wait3A_382] : memref<10000x128xf32, #tpu.memory_space<vmem_shared>> -> memref<10000x128xf32, #tpu.memory_space<vmem_shared>>
        tpu.wait_indirect_dma semaphore(%run_scoped3A : memref<!tpu.dma_semaphore, #tpu.memory_space<semaphore_mem>>) src(%arg25 : memref<80x128xf32, #tpu.memory_space<vmem>>) dst(%dma_wait3A_383 : memref<10000x128xf32, #tpu.memory_space<vmem_shared>>)
        tpu.yield
      }) : () -> ()
      %lt3A = arith.constant 111 : i32
      %lt3A_319 = arith.cmpi slt, %add3A_184, %lt3A : i32
      %convert_element_type3A_320 = arith.extui %lt3A_319 : i1 to i32
      %cond3A_321 = arith.constant 0 : i32
      %cond3A_322 = arith.cmpi ne, %convert_element_type3A_320, %cond3A_321 : i32
      scf.if %cond3A_322 {
        %add3A_378 = arith.constant 12 : i32
        %add3A_379 = arith.addi %add3A_184, %add3A_378 : i32
        %mul3A_380 = arith.constant 80 : i32
        %mul3A_381 = arith.muli %add3A_379, %mul3A_380 : i32
        %add3A_382 = arith.addi %mul3A_8, %mul3A_381 : i32
        %dma_start3A_383 = tpu.memref_slice %arg3[%add3A_382] : memref<320000xi32, #tpu.memory_space<hbm>> -> memref<80xi32, #tpu.memory_space<hbm>>
        %dma_start3A_384 = tpu.memref_slice %arg3[%add3A_382] : memref<320000xi32, #tpu.memory_space<hbm>> -> memref<80xi32, #tpu.memory_space<hbm>>
        tpu.enqueue_dma source(%dma_start3A_384 : memref<80xi32, #tpu.memory_space<hbm>>) target(%arg16 : memref<80xi32, #tpu.memory_space<vmem>>) target_semaphore(%arg31 : memref<!tpu.dma_semaphore, #tpu.memory_space<semaphore_mem>>)
        %mul3A_385 = arith.constant 80 : i32
        %mul3A_386 = arith.muli %add3A_379, %mul3A_385 : i32
        %add3A_387 = arith.addi %mul3A_8, %mul3A_386 : i32
        %dma_start3A_388 = tpu.memref_slice %arg4[%add3A_387] : memref<320000xi32, #tpu.memory_space<hbm>> -> memref<80xi32, #tpu.memory_space<hbm>>
        %dma_start3A_389 = tpu.memref_slice %arg4[%add3A_387] : memref<320000xi32, #tpu.memory_space<hbm>> -> memref<80xi32, #tpu.memory_space<hbm>>
        tpu.enqueue_dma source(%dma_start3A_389 : memref<80xi32, #tpu.memory_space<hbm>>) target(%arg18 : memref<80xi32, #tpu.memory_space<vmem>>) target_semaphore(%arg31 : memref<!tpu.dma_semaphore, #tpu.memory_space<semaphore_mem>>)
        %add3A_390 = arith.constant 13 : i32
        %add3A_391 = arith.addi %add3A_184, %add3A_390 : i32
        %mul3A_392 = arith.constant 80 : i32
        %mul3A_393 = arith.muli %add3A_391, %mul3A_392 : i32
        %add3A_394 = arith.addi %mul3A_8, %mul3A_393 : i32
        %dma_start3A_395 = tpu.memref_slice %arg3[%add3A_394] : memref<320000xi32, #tpu.memory_space<hbm>> -> memref<80xi32, #tpu.memory_space<hbm>>
        %dma_start3A_396 = tpu.memref_slice %arg3[%add3A_394] : memref<320000xi32, #tpu.memory_space<hbm>> -> memref<80xi32, #tpu.memory_space<hbm>>
        tpu.enqueue_dma source(%dma_start3A_396 : memref<80xi32, #tpu.memory_space<hbm>>) target(%arg17 : memref<80xi32, #tpu.memory_space<vmem>>) target_semaphore(%arg31 : memref<!tpu.dma_semaphore, #tpu.memory_space<semaphore_mem>>)
        %mul3A_397 = arith.constant 80 : i32
        %mul3A_398 = arith.muli %add3A_391, %mul3A_397 : i32
        %add3A_399 = arith.addi %mul3A_8, %mul3A_398 : i32
        %dma_start3A_400 = tpu.memref_slice %arg4[%add3A_399] : memref<320000xi32, #tpu.memory_space<hbm>> -> memref<80xi32, #tpu.memory_space<hbm>>
        %dma_start3A_401 = tpu.memref_slice %arg4[%add3A_399] : memref<320000xi32, #tpu.memory_space<hbm>> -> memref<80xi32, #tpu.memory_space<hbm>>
        tpu.enqueue_dma source(%dma_start3A_401 : memref<80xi32, #tpu.memory_space<hbm>>) target(%arg19 : memref<80xi32, #tpu.memory_space<vmem>>) target_semaphore(%arg31 : memref<!tpu.dma_semaphore, #tpu.memory_space<semaphore_mem>>)
      } else {
      }
      %dma_wait3A_323 = arith.constant 0 : i32
      %dma_wait3A_324 = tpu.memref_slice %arg3[%dma_wait3A_323] : memref<320000xi32, #tpu.memory_space<hbm>> -> memref<80xi32, #tpu.memory_space<hbm>>
      %dma_wait3A_325 = arith.constant 0 : i32
      %dma_wait3A_326 = tpu.memref_slice %arg3[%dma_wait3A_325] : memref<320000xi32, #tpu.memory_space<hbm>> -> memref<80xi32, #tpu.memory_space<hbm>>
      tpu.wait_dma2 semaphore(%arg29 : memref<!tpu.dma_semaphore, #tpu.memory_space<semaphore_mem>>) src(%dma_wait3A_326 : memref<80xi32, #tpu.memory_space<hbm>>) dst(%arg8 : memref<80xi32, #tpu.memory_space<vmem>>)
      %dma_wait3A_327 = arith.constant 0 : i32
      %dma_wait3A_328 = tpu.memref_slice %arg3[%dma_wait3A_327] : memref<320000xi32, #tpu.memory_space<hbm>> -> memref<80xi32, #tpu.memory_space<hbm>>
      %dma_wait3A_329 = arith.constant 0 : i32
      %dma_wait3A_330 = tpu.memref_slice %arg3[%dma_wait3A_329] : memref<320000xi32, #tpu.memory_space<hbm>> -> memref<80xi32, #tpu.memory_space<hbm>>
      tpu.wait_dma2 semaphore(%arg29 : memref<!tpu.dma_semaphore, #tpu.memory_space<semaphore_mem>>) src(%dma_wait3A_330 : memref<80xi32, #tpu.memory_space<hbm>>) dst(%arg10 : memref<80xi32, #tpu.memory_space<vmem>>)
      %dma_wait3A_331 = arith.constant 0 : i32
      %dma_wait3A_332 = tpu.memref_slice %arg3[%dma_wait3A_331] : memref<320000xi32, #tpu.memory_space<hbm>> -> memref<80xi32, #tpu.memory_space<hbm>>
      %dma_wait3A_333 = arith.constant 0 : i32
      %dma_wait3A_334 = tpu.memref_slice %arg3[%dma_wait3A_333] : memref<320000xi32, #tpu.memory_space<hbm>> -> memref<80xi32, #tpu.memory_space<hbm>>
      tpu.wait_dma2 semaphore(%arg29 : memref<!tpu.dma_semaphore, #tpu.memory_space<semaphore_mem>>) src(%dma_wait3A_334 : memref<80xi32, #tpu.memory_space<hbm>>) dst(%arg9 : memref<80xi32, #tpu.memory_space<vmem>>)
      %dma_wait3A_335 = arith.constant 0 : i32
      %dma_wait3A_336 = tpu.memref_slice %arg3[%dma_wait3A_335] : memref<320000xi32, #tpu.memory_space<hbm>> -> memref<80xi32, #tpu.memory_space<hbm>>
      %dma_wait3A_337 = arith.constant 0 : i32
      %dma_wait3A_338 = tpu.memref_slice %arg3[%dma_wait3A_337] : memref<320000xi32, #tpu.memory_space<hbm>> -> memref<80xi32, #tpu.memory_space<hbm>>
      tpu.wait_dma2 semaphore(%arg29 : memref<!tpu.dma_semaphore, #tpu.memory_space<semaphore_mem>>) src(%dma_wait3A_338 : memref<80xi32, #tpu.memory_space<hbm>>) dst(%arg11 : memref<80xi32, #tpu.memory_space<vmem>>)
      %dma_start3A_339 = arith.constant 0 : i32
      %dma_start3A_340 = arith.constant 0 : i32
      %dma_start3A_341 = tpu.memref_slice %arg2[%dma_start3A_339, %dma_start3A_340] : memref<10000x128xf32, #tpu.memory_space<hbm>> -> memref<10000x128xf32, #tpu.memory_space<hbm>>
      tpu.enqueue_indirect_dma source(%dma_start3A_341 : memref<10000x128xf32, #tpu.memory_space<hbm>>) target(%arg24 : memref<80x128xf32, #tpu.memory_space<vmem>>) offsets(%arg8 : memref<80xi32, #tpu.memory_space<vmem>>) semaphore(%arg33 : memref<!tpu.dma_semaphore, #tpu.memory_space<semaphore_mem>>)
      %dma_start3A_342 = arith.constant 0 : i32
      %dma_start3A_343 = arith.constant 0 : i32
      %dma_start3A_344 = tpu.memref_slice %arg2[%dma_start3A_342, %dma_start3A_343] : memref<10000x128xf32, #tpu.memory_space<hbm>> -> memref<10000x128xf32, #tpu.memory_space<hbm>>
      tpu.enqueue_indirect_dma source(%dma_start3A_344 : memref<10000x128xf32, #tpu.memory_space<hbm>>) target(%arg25 : memref<80x128xf32, #tpu.memory_space<vmem>>) offsets(%arg9 : memref<80xi32, #tpu.memory_space<vmem>>) semaphore(%arg34 : memref<!tpu.dma_semaphore, #tpu.memory_space<semaphore_mem>>)
      %dma_wait3A_345 = arith.constant 0 : i32
      %dma_wait3A_346 = arith.constant 0 : i32
      %dma_wait3A_347 = tpu.memref_slice %arg2[%dma_wait3A_345, %dma_wait3A_346] : memref<10000x128xf32, #tpu.memory_space<hbm>> -> memref<80x128xf32, #tpu.memory_space<hbm>>
      %dma_wait3A_348 = arith.constant 0 : i32
      %dma_wait3A_349 = arith.constant 0 : i32
      %dma_wait3A_350 = tpu.memref_slice %arg2[%dma_wait3A_348, %dma_wait3A_349] : memref<10000x128xf32, #tpu.memory_space<hbm>> -> memref<80x128xf32, #tpu.memory_space<hbm>>
      tpu.wait_dma2 semaphore(%arg35 : memref<!tpu.dma_semaphore, #tpu.memory_space<semaphore_mem>>) src(%dma_wait3A_350 : memref<80x128xf32, #tpu.memory_space<hbm>>) dst(%arg26 : memref<80x128xf32, #tpu.memory_space<vmem>>)
      "tpu.region"() ({
        %run_scoped3A = tpu.sem_alloc : memref<!tpu.dma_semaphore, #tpu.memory_space<semaphore_mem>>
        %dma_start3A_378 = arith.constant 0 : i32
        %dma_start3A_379 = arith.constant 0 : i32
        %dma_start3A_380 = tpu.memref_slice %arg7[%dma_start3A_378, %dma_start3A_379] : memref<10000x128xf32, #tpu.memory_space<vmem_shared>> -> memref<10000x128xf32, #tpu.memory_space<vmem_shared>>
        tpu.enqueue_indirect_dma source(%arg26 : memref<80x128xf32, #tpu.memory_space<vmem>>) target(%dma_start3A_380 : memref<10000x128xf32, #tpu.memory_space<vmem_shared>>) offsets(%arg22 : memref<80xi32, #tpu.memory_space<vmem>>) semaphore(%run_scoped3A : memref<!tpu.dma_semaphore, #tpu.memory_space<semaphore_mem>>) {add = true}
        %dma_wait3A_381 = arith.constant 0 : i32
        %dma_wait3A_382 = arith.constant 0 : i32
        %dma_wait3A_383 = tpu.memref_slice %arg7[%dma_wait3A_381, %dma_wait3A_382] : memref<10000x128xf32, #tpu.memory_space<vmem_shared>> -> memref<10000x128xf32, #tpu.memory_space<vmem_shared>>
        tpu.wait_indirect_dma semaphore(%run_scoped3A : memref<!tpu.dma_semaphore, #tpu.memory_space<semaphore_mem>>) src(%arg26 : memref<80x128xf32, #tpu.memory_space<vmem>>) dst(%dma_wait3A_383 : memref<10000x128xf32, #tpu.memory_space<vmem_shared>>)
        tpu.yield
      }) : () -> ()
      %dma_wait3A_351 = arith.constant 0 : i32
      %dma_wait3A_352 = arith.constant 0 : i32
      %dma_wait3A_353 = tpu.memref_slice %arg2[%dma_wait3A_351, %dma_wait3A_352] : memref<10000x128xf32, #tpu.memory_space<hbm>> -> memref<80x128xf32, #tpu.memory_space<hbm>>
      %dma_wait3A_354 = arith.constant 0 : i32
      %dma_wait3A_355 = arith.constant 0 : i32
      %dma_wait3A_356 = tpu.memref_slice %arg2[%dma_wait3A_354, %dma_wait3A_355] : memref<10000x128xf32, #tpu.memory_space<hbm>> -> memref<80x128xf32, #tpu.memory_space<hbm>>
      tpu.wait_dma2 semaphore(%arg36 : memref<!tpu.dma_semaphore, #tpu.memory_space<semaphore_mem>>) src(%dma_wait3A_356 : memref<80x128xf32, #tpu.memory_space<hbm>>) dst(%arg27 : memref<80x128xf32, #tpu.memory_space<vmem>>)
      "tpu.region"() ({
        %run_scoped3A = tpu.sem_alloc : memref<!tpu.dma_semaphore, #tpu.memory_space<semaphore_mem>>
        %dma_start3A_378 = arith.constant 0 : i32
        %dma_start3A_379 = arith.constant 0 : i32
        %dma_start3A_380 = tpu.memref_slice %arg7[%dma_start3A_378, %dma_start3A_379] : memref<10000x128xf32, #tpu.memory_space<vmem_shared>> -> memref<10000x128xf32, #tpu.memory_space<vmem_shared>>
        tpu.enqueue_indirect_dma source(%arg27 : memref<80x128xf32, #tpu.memory_space<vmem>>) target(%dma_start3A_380 : memref<10000x128xf32, #tpu.memory_space<vmem_shared>>) offsets(%arg23 : memref<80xi32, #tpu.memory_space<vmem>>) semaphore(%run_scoped3A : memref<!tpu.dma_semaphore, #tpu.memory_space<semaphore_mem>>) {add = true}
        %dma_wait3A_381 = arith.constant 0 : i32
        %dma_wait3A_382 = arith.constant 0 : i32
        %dma_wait3A_383 = tpu.memref_slice %arg7[%dma_wait3A_381, %dma_wait3A_382] : memref<10000x128xf32, #tpu.memory_space<vmem_shared>> -> memref<10000x128xf32, #tpu.memory_space<vmem_shared>>
        tpu.wait_indirect_dma semaphore(%run_scoped3A : memref<!tpu.dma_semaphore, #tpu.memory_space<semaphore_mem>>) src(%arg27 : memref<80x128xf32, #tpu.memory_space<vmem>>) dst(%dma_wait3A_383 : memref<10000x128xf32, #tpu.memory_space<vmem_shared>>)
        tpu.yield
      }) : () -> ()
      %lt3A_357 = arith.constant 109 : i32
      %lt3A_358 = arith.cmpi slt, %add3A_184, %lt3A_357 : i32
      %convert_element_type3A_359 = arith.extui %lt3A_358 : i1 to i32
      %cond3A_360 = arith.constant 0 : i32
      %cond3A_361 = arith.cmpi ne, %convert_element_type3A_359, %cond3A_360 : i32
      scf.if %cond3A_361 {
        %add3A_378 = arith.constant 14 : i32
        %add3A_379 = arith.addi %add3A_184, %add3A_378 : i32
        %mul3A_380 = arith.constant 80 : i32
        %mul3A_381 = arith.muli %add3A_379, %mul3A_380 : i32
        %add3A_382 = arith.addi %mul3A_8, %mul3A_381 : i32
        %dma_start3A_383 = tpu.memref_slice %arg3[%add3A_382] : memref<320000xi32, #tpu.memory_space<hbm>> -> memref<80xi32, #tpu.memory_space<hbm>>
        %dma_start3A_384 = tpu.memref_slice %arg3[%add3A_382] : memref<320000xi32, #tpu.memory_space<hbm>> -> memref<80xi32, #tpu.memory_space<hbm>>
        tpu.enqueue_dma source(%dma_start3A_384 : memref<80xi32, #tpu.memory_space<hbm>>) target(%arg20 : memref<80xi32, #tpu.memory_space<vmem>>) target_semaphore(%arg32 : memref<!tpu.dma_semaphore, #tpu.memory_space<semaphore_mem>>)
        %mul3A_385 = arith.constant 80 : i32
        %mul3A_386 = arith.muli %add3A_379, %mul3A_385 : i32
        %add3A_387 = arith.addi %mul3A_8, %mul3A_386 : i32
        %dma_start3A_388 = tpu.memref_slice %arg4[%add3A_387] : memref<320000xi32, #tpu.memory_space<hbm>> -> memref<80xi32, #tpu.memory_space<hbm>>
        %dma_start3A_389 = tpu.memref_slice %arg4[%add3A_387] : memref<320000xi32, #tpu.memory_space<hbm>> -> memref<80xi32, #tpu.memory_space<hbm>>
        tpu.enqueue_dma source(%dma_start3A_389 : memref<80xi32, #tpu.memory_space<hbm>>) target(%arg22 : memref<80xi32, #tpu.memory_space<vmem>>) target_semaphore(%arg32 : memref<!tpu.dma_semaphore, #tpu.memory_space<semaphore_mem>>)
        %add3A_390 = arith.constant 15 : i32
        %add3A_391 = arith.addi %add3A_184, %add3A_390 : i32
        %mul3A_392 = arith.constant 80 : i32
        %mul3A_393 = arith.muli %add3A_391, %mul3A_392 : i32
        %add3A_394 = arith.addi %mul3A_8, %mul3A_393 : i32
        %dma_start3A_395 = tpu.memref_slice %arg3[%add3A_394] : memref<320000xi32, #tpu.memory_space<hbm>> -> memref<80xi32, #tpu.memory_space<hbm>>
        %dma_start3A_396 = tpu.memref_slice %arg3[%add3A_394] : memref<320000xi32, #tpu.memory_space<hbm>> -> memref<80xi32, #tpu.memory_space<hbm>>
        tpu.enqueue_dma source(%dma_start3A_396 : memref<80xi32, #tpu.memory_space<hbm>>) target(%arg21 : memref<80xi32, #tpu.memory_space<vmem>>) target_semaphore(%arg32 : memref<!tpu.dma_semaphore, #tpu.memory_space<semaphore_mem>>)
        %mul3A_397 = arith.constant 80 : i32
        %mul3A_398 = arith.muli %add3A_391, %mul3A_397 : i32
        %add3A_399 = arith.addi %mul3A_8, %mul3A_398 : i32
        %dma_start3A_400 = tpu.memref_slice %arg4[%add3A_399] : memref<320000xi32, #tpu.memory_space<hbm>> -> memref<80xi32, #tpu.memory_space<hbm>>
        %dma_start3A_401 = tpu.memref_slice %arg4[%add3A_399] : memref<320000xi32, #tpu.memory_space<hbm>> -> memref<80xi32, #tpu.memory_space<hbm>>
        tpu.enqueue_dma source(%dma_start3A_401 : memref<80xi32, #tpu.memory_space<hbm>>) target(%arg23 : memref<80xi32, #tpu.memory_space<vmem>>) target_semaphore(%arg32 : memref<!tpu.dma_semaphore, #tpu.memory_space<semaphore_mem>>)
      } else {
      }
      %dma_wait3A_362 = arith.constant 0 : i32
      %dma_wait3A_363 = tpu.memref_slice %arg3[%dma_wait3A_362] : memref<320000xi32, #tpu.memory_space<hbm>> -> memref<80xi32, #tpu.memory_space<hbm>>
      %dma_wait3A_364 = arith.constant 0 : i32
      %dma_wait3A_365 = tpu.memref_slice %arg3[%dma_wait3A_364] : memref<320000xi32, #tpu.memory_space<hbm>> -> memref<80xi32, #tpu.memory_space<hbm>>
      tpu.wait_dma2 semaphore(%arg30 : memref<!tpu.dma_semaphore, #tpu.memory_space<semaphore_mem>>) src(%dma_wait3A_365 : memref<80xi32, #tpu.memory_space<hbm>>) dst(%arg12 : memref<80xi32, #tpu.memory_space<vmem>>)
      %dma_wait3A_366 = arith.constant 0 : i32
      %dma_wait3A_367 = tpu.memref_slice %arg3[%dma_wait3A_366] : memref<320000xi32, #tpu.memory_space<hbm>> -> memref<80xi32, #tpu.memory_space<hbm>>
      %dma_wait3A_368 = arith.constant 0 : i32
      %dma_wait3A_369 = tpu.memref_slice %arg3[%dma_wait3A_368] : memref<320000xi32, #tpu.memory_space<hbm>> -> memref<80xi32, #tpu.memory_space<hbm>>
      tpu.wait_dma2 semaphore(%arg30 : memref<!tpu.dma_semaphore, #tpu.memory_space<semaphore_mem>>) src(%dma_wait3A_369 : memref<80xi32, #tpu.memory_space<hbm>>) dst(%arg14 : memref<80xi32, #tpu.memory_space<vmem>>)
      %dma_wait3A_370 = arith.constant 0 : i32
      %dma_wait3A_371 = tpu.memref_slice %arg3[%dma_wait3A_370] : memref<320000xi32, #tpu.memory_space<hbm>> -> memref<80xi32, #tpu.memory_space<hbm>>
      %dma_wait3A_372 = arith.constant 0 : i32
      %dma_wait3A_373 = tpu.memref_slice %arg3[%dma_wait3A_372] : memref<320000xi32, #tpu.memory_space<hbm>> -> memref<80xi32, #tpu.memory_space<hbm>>
      tpu.wait_dma2 semaphore(%arg30 : memref<!tpu.dma_semaphore, #tpu.memory_space<semaphore_mem>>) src(%dma_wait3A_373 : memref<80xi32, #tpu.memory_space<hbm>>) dst(%arg13 : memref<80xi32, #tpu.memory_space<vmem>>)
      %dma_wait3A_374 = arith.constant 0 : i32
      %dma_wait3A_375 = tpu.memref_slice %arg3[%dma_wait3A_374] : memref<320000xi32, #tpu.memory_space<hbm>> -> memref<80xi32, #tpu.memory_space<hbm>>
      %dma_wait3A_376 = arith.constant 0 : i32
      %dma_wait3A_377 = tpu.memref_slice %arg3[%dma_wait3A_376] : memref<320000xi32, #tpu.memory_space<hbm>> -> memref<80xi32, #tpu.memory_space<hbm>>
      tpu.wait_dma2 semaphore(%arg30 : memref<!tpu.dma_semaphore, #tpu.memory_space<semaphore_mem>>) src(%dma_wait3A_377 : memref<80xi32, #tpu.memory_space<hbm>>) dst(%arg15 : memref<80xi32, #tpu.memory_space<vmem>>)
    }
    %scan3A_139 = arith.constant 15 : i32
    %dma_start3A_140 = arith.constant 0 : i32
    %dma_start3A_141 = arith.constant 0 : i32
    %dma_start3A_142 = tpu.memref_slice %arg2[%dma_start3A_140, %dma_start3A_141] : memref<10000x128xf32, #tpu.memory_space<hbm>> -> memref<10000x128xf32, #tpu.memory_space<hbm>>
    tpu.enqueue_indirect_dma source(%dma_start3A_142 : memref<10000x128xf32, #tpu.memory_space<hbm>>) target(%arg26 : memref<80x128xf32, #tpu.memory_space<vmem>>) offsets(%arg12 : memref<80xi32, #tpu.memory_space<vmem>>) semaphore(%arg35 : memref<!tpu.dma_semaphore, #tpu.memory_space<semaphore_mem>>)
    %dma_start3A_143 = arith.constant 0 : i32
    %dma_start3A_144 = arith.constant 0 : i32
    %dma_start3A_145 = tpu.memref_slice %arg2[%dma_start3A_143, %dma_start3A_144] : memref<10000x128xf32, #tpu.memory_space<hbm>> -> memref<10000x128xf32, #tpu.memory_space<hbm>>
    tpu.enqueue_indirect_dma source(%dma_start3A_145 : memref<10000x128xf32, #tpu.memory_space<hbm>>) target(%arg27 : memref<80x128xf32, #tpu.memory_space<vmem>>) offsets(%arg13 : memref<80xi32, #tpu.memory_space<vmem>>) semaphore(%arg36 : memref<!tpu.dma_semaphore, #tpu.memory_space<semaphore_mem>>)
    %dma_wait3A_146 = arith.constant 0 : i32
    %dma_wait3A_147 = arith.constant 0 : i32
    %dma_wait3A_148 = tpu.memref_slice %arg2[%dma_wait3A_146, %dma_wait3A_147] : memref<10000x128xf32, #tpu.memory_space<hbm>> -> memref<80x128xf32, #tpu.memory_space<hbm>>
    %dma_wait3A_149 = arith.constant 0 : i32
    %dma_wait3A_150 = arith.constant 0 : i32
    %dma_wait3A_151 = tpu.memref_slice %arg2[%dma_wait3A_149, %dma_wait3A_150] : memref<10000x128xf32, #tpu.memory_space<hbm>> -> memref<80x128xf32, #tpu.memory_space<hbm>>
    tpu.wait_dma2 semaphore(%arg33 : memref<!tpu.dma_semaphore, #tpu.memory_space<semaphore_mem>>) src(%dma_wait3A_151 : memref<80x128xf32, #tpu.memory_space<hbm>>) dst(%arg24 : memref<80x128xf32, #tpu.memory_space<vmem>>)
    "tpu.region"() ({
      %run_scoped3A = tpu.sem_alloc : memref<!tpu.dma_semaphore, #tpu.memory_space<semaphore_mem>>
      %dma_start3A_180 = arith.constant 0 : i32
      %dma_start3A_181 = arith.constant 0 : i32
      %dma_start3A_182 = tpu.memref_slice %arg7[%dma_start3A_180, %dma_start3A_181] : memref<10000x128xf32, #tpu.memory_space<vmem_shared>> -> memref<10000x128xf32, #tpu.memory_space<vmem_shared>>
      tpu.enqueue_indirect_dma source(%arg24 : memref<80x128xf32, #tpu.memory_space<vmem>>) target(%dma_start3A_182 : memref<10000x128xf32, #tpu.memory_space<vmem_shared>>) offsets(%arg10 : memref<80xi32, #tpu.memory_space<vmem>>) semaphore(%run_scoped3A : memref<!tpu.dma_semaphore, #tpu.memory_space<semaphore_mem>>) {add = true}
      %dma_wait3A_183 = arith.constant 0 : i32
      %dma_wait3A_184 = arith.constant 0 : i32
      %dma_wait3A_185 = tpu.memref_slice %arg7[%dma_wait3A_183, %dma_wait3A_184] : memref<10000x128xf32, #tpu.memory_space<vmem_shared>> -> memref<10000x128xf32, #tpu.memory_space<vmem_shared>>
      tpu.wait_indirect_dma semaphore(%run_scoped3A : memref<!tpu.dma_semaphore, #tpu.memory_space<semaphore_mem>>) src(%arg24 : memref<80x128xf32, #tpu.memory_space<vmem>>) dst(%dma_wait3A_185 : memref<10000x128xf32, #tpu.memory_space<vmem_shared>>)
      tpu.yield
    }) : () -> ()
    %dma_wait3A_152 = arith.constant 0 : i32
    %dma_wait3A_153 = arith.constant 0 : i32
    %dma_wait3A_154 = tpu.memref_slice %arg2[%dma_wait3A_152, %dma_wait3A_153] : memref<10000x128xf32, #tpu.memory_space<hbm>> -> memref<80x128xf32, #tpu.memory_space<hbm>>
    %dma_wait3A_155 = arith.constant 0 : i32
    %dma_wait3A_156 = arith.constant 0 : i32
    %dma_wait3A_157 = tpu.memref_slice %arg2[%dma_wait3A_155, %dma_wait3A_156] : memref<10000x128xf32, #tpu.memory_space<hbm>> -> memref<80x128xf32, #tpu.memory_space<hbm>>
    tpu.wait_dma2 semaphore(%arg34 : memref<!tpu.dma_semaphore, #tpu.memory_space<semaphore_mem>>) src(%dma_wait3A_157 : memref<80x128xf32, #tpu.memory_space<hbm>>) dst(%arg25 : memref<80x128xf32, #tpu.memory_space<vmem>>)
    "tpu.region"() ({
      %run_scoped3A = tpu.sem_alloc : memref<!tpu.dma_semaphore, #tpu.memory_space<semaphore_mem>>
      %dma_start3A_180 = arith.constant 0 : i32
      %dma_start3A_181 = arith.constant 0 : i32
      %dma_start3A_182 = tpu.memref_slice %arg7[%dma_start3A_180, %dma_start3A_181] : memref<10000x128xf32, #tpu.memory_space<vmem_shared>> -> memref<10000x128xf32, #tpu.memory_space<vmem_shared>>
      tpu.enqueue_indirect_dma source(%arg25 : memref<80x128xf32, #tpu.memory_space<vmem>>) target(%dma_start3A_182 : memref<10000x128xf32, #tpu.memory_space<vmem_shared>>) offsets(%arg11 : memref<80xi32, #tpu.memory_space<vmem>>) semaphore(%run_scoped3A : memref<!tpu.dma_semaphore, #tpu.memory_space<semaphore_mem>>) {add = true}
      %dma_wait3A_183 = arith.constant 0 : i32
      %dma_wait3A_184 = arith.constant 0 : i32
      %dma_wait3A_185 = tpu.memref_slice %arg7[%dma_wait3A_183, %dma_wait3A_184] : memref<10000x128xf32, #tpu.memory_space<vmem_shared>> -> memref<10000x128xf32, #tpu.memory_space<vmem_shared>>
      tpu.wait_indirect_dma semaphore(%run_scoped3A : memref<!tpu.dma_semaphore, #tpu.memory_space<semaphore_mem>>) src(%arg25 : memref<80x128xf32, #tpu.memory_space<vmem>>) dst(%dma_wait3A_185 : memref<10000x128xf32, #tpu.memory_space<vmem_shared>>)
      tpu.yield
    }) : () -> ()
    %dma_wait3A_158 = arith.constant 0 : i32
    %dma_wait3A_159 = arith.constant 0 : i32
    %dma_wait3A_160 = tpu.memref_slice %arg2[%dma_wait3A_158, %dma_wait3A_159] : memref<10000x128xf32, #tpu.memory_space<hbm>> -> memref<80x128xf32, #tpu.memory_space<hbm>>
    %dma_wait3A_161 = arith.constant 0 : i32
    %dma_wait3A_162 = arith.constant 0 : i32
    %dma_wait3A_163 = tpu.memref_slice %arg2[%dma_wait3A_161, %dma_wait3A_162] : memref<10000x128xf32, #tpu.memory_space<hbm>> -> memref<80x128xf32, #tpu.memory_space<hbm>>
    tpu.wait_dma2 semaphore(%arg35 : memref<!tpu.dma_semaphore, #tpu.memory_space<semaphore_mem>>) src(%dma_wait3A_163 : memref<80x128xf32, #tpu.memory_space<hbm>>) dst(%arg26 : memref<80x128xf32, #tpu.memory_space<vmem>>)
    "tpu.region"() ({
      %run_scoped3A = tpu.sem_alloc : memref<!tpu.dma_semaphore, #tpu.memory_space<semaphore_mem>>
      %dma_start3A_180 = arith.constant 0 : i32
      %dma_start3A_181 = arith.constant 0 : i32
      %dma_start3A_182 = tpu.memref_slice %arg7[%dma_start3A_180, %dma_start3A_181] : memref<10000x128xf32, #tpu.memory_space<vmem_shared>> -> memref<10000x128xf32, #tpu.memory_space<vmem_shared>>
      tpu.enqueue_indirect_dma source(%arg26 : memref<80x128xf32, #tpu.memory_space<vmem>>) target(%dma_start3A_182 : memref<10000x128xf32, #tpu.memory_space<vmem_shared>>) offsets(%arg14 : memref<80xi32, #tpu.memory_space<vmem>>) semaphore(%run_scoped3A : memref<!tpu.dma_semaphore, #tpu.memory_space<semaphore_mem>>) {add = true}
      %dma_wait3A_183 = arith.constant 0 : i32
      %dma_wait3A_184 = arith.constant 0 : i32
      %dma_wait3A_185 = tpu.memref_slice %arg7[%dma_wait3A_183, %dma_wait3A_184] : memref<10000x128xf32, #tpu.memory_space<vmem_shared>> -> memref<10000x128xf32, #tpu.memory_space<vmem_shared>>
      tpu.wait_indirect_dma semaphore(%run_scoped3A : memref<!tpu.dma_semaphore, #tpu.memory_space<semaphore_mem>>) src(%arg26 : memref<80x128xf32, #tpu.memory_space<vmem>>) dst(%dma_wait3A_185 : memref<10000x128xf32, #tpu.memory_space<vmem_shared>>)
      tpu.yield
    }) : () -> ()
    %dma_wait3A_164 = arith.constant 0 : i32
    %dma_wait3A_165 = arith.constant 0 : i32
    %dma_wait3A_166 = tpu.memref_slice %arg2[%dma_wait3A_164, %dma_wait3A_165] : memref<10000x128xf32, #tpu.memory_space<hbm>> -> memref<80x128xf32, #tpu.memory_space<hbm>>
    %dma_wait3A_167 = arith.constant 0 : i32
    %dma_wait3A_168 = arith.constant 0 : i32
    %dma_wait3A_169 = tpu.memref_slice %arg2[%dma_wait3A_167, %dma_wait3A_168] : memref<10000x128xf32, #tpu.memory_space<hbm>> -> memref<80x128xf32, #tpu.memory_space<hbm>>
    tpu.wait_dma2 semaphore(%arg36 : memref<!tpu.dma_semaphore, #tpu.memory_space<semaphore_mem>>) src(%dma_wait3A_169 : memref<80x128xf32, #tpu.memory_space<hbm>>) dst(%arg27 : memref<80x128xf32, #tpu.memory_space<vmem>>)
    "tpu.region"() ({
      %run_scoped3A = tpu.sem_alloc : memref<!tpu.dma_semaphore, #tpu.memory_space<semaphore_mem>>
      %dma_start3A_180 = arith.constant 0 : i32
      %dma_start3A_181 = arith.constant 0 : i32
      %dma_start3A_182 = tpu.memref_slice %arg7[%dma_start3A_180, %dma_start3A_181] : memref<10000x128xf32, #tpu.memory_space<vmem_shared>> -> memref<10000x128xf32, #tpu.memory_space<vmem_shared>>
      tpu.enqueue_indirect_dma source(%arg27 : memref<80x128xf32, #tpu.memory_space<vmem>>) target(%dma_start3A_182 : memref<10000x128xf32, #tpu.memory_space<vmem_shared>>) offsets(%arg15 : memref<80xi32, #tpu.memory_space<vmem>>) semaphore(%run_scoped3A : memref<!tpu.dma_semaphore, #tpu.memory_space<semaphore_mem>>) {add = true}
      %dma_wait3A_183 = arith.constant 0 : i32
      %dma_wait3A_184 = arith.constant 0 : i32
      %dma_wait3A_185 = tpu.memref_slice %arg7[%dma_wait3A_183, %dma_wait3A_184] : memref<10000x128xf32, #tpu.memory_space<vmem_shared>> -> memref<10000x128xf32, #tpu.memory_space<vmem_shared>>
      tpu.wait_indirect_dma semaphore(%run_scoped3A : memref<!tpu.dma_semaphore, #tpu.memory_space<semaphore_mem>>) src(%arg27 : memref<80x128xf32, #tpu.memory_space<vmem>>) dst(%dma_wait3A_185 : memref<10000x128xf32, #tpu.memory_space<vmem_shared>>)
      tpu.yield
    }) : () -> ()
    %barrier3A_170 = arith.constant 0 : index
    tpu.barrier barrier_id(%barrier3A_170)
    %mul3A_171 = arith.constant 624 : i32
    %mul3A_172 = arith.muli %arg1, %mul3A_171 : i32
    %mul3A_173 = arith.constant 624 : i32
    %mul3A_174 = arith.muli %arg1, %mul3A_173 : i32
    "tpu.region"() ({
      %run_scoped3A = tpu.sem_alloc : memref<!tpu.dma_semaphore, #tpu.memory_space<semaphore_mem>>
      %dma_start3A_180 = arith.constant 0 : i32
      %dma_start3A_181 = tpu.memref_slice %arg6[%arg0, %mul3A_174, %dma_start3A_180] : memref<2x10000x128xf32, #tpu.memory_space<hbm>> -> memref<1x624x128xf32, #tpu.memory_space<hbm>>
      %dma_start3A_182 = tpu.memref_squeeze %dma_start3A_181 : memref<1x624x128xf32, #tpu.memory_space<hbm>> -> memref<624x128xf32, #tpu.memory_space<hbm>>
      %dma_start3A_183 = arith.constant 0 : i32
      %dma_start3A_184 = tpu.memref_slice %arg7[%mul3A_172, %dma_start3A_183] : memref<10000x128xf32, #tpu.memory_space<vmem_shared>> -> memref<624x128xf32, #tpu.memory_space<vmem_shared>>
      tpu.enqueue_dma source(%dma_start3A_184 : memref<624x128xf32, #tpu.memory_space<vmem_shared>>) target(%dma_start3A_182 : memref<624x128xf32, #tpu.memory_space<hbm>>) target_semaphore(%run_scoped3A : memref<!tpu.dma_semaphore, #tpu.memory_space<semaphore_mem>>)
      %dma_wait3A_185 = arith.constant 0 : i32
      %dma_wait3A_186 = tpu.memref_slice %arg6[%arg0, %mul3A_174, %dma_wait3A_185] : memref<2x10000x128xf32, #tpu.memory_space<hbm>> -> memref<1x624x128xf32, #tpu.memory_space<hbm>>
      %dma_wait3A_187 = tpu.memref_squeeze %dma_wait3A_186 : memref<1x624x128xf32, #tpu.memory_space<hbm>> -> memref<624x128xf32, #tpu.memory_space<hbm>>
      %dma_wait3A_188 = arith.constant 0 : i32
      %dma_wait3A_189 = tpu.memref_slice %arg7[%mul3A_172, %dma_wait3A_188] : memref<10000x128xf32, #tpu.memory_space<vmem_shared>> -> memref<624x128xf32, #tpu.memory_space<vmem_shared>>
      tpu.wait_dma2 semaphore(%run_scoped3A : memref<!tpu.dma_semaphore, #tpu.memory_space<semaphore_mem>>) src(%dma_wait3A_189 : memref<624x128xf32, #tpu.memory_space<vmem_shared>>) dst(%dma_wait3A_187 : memref<624x128xf32, #tpu.memory_space<hbm>>)
      tpu.yield
    }) : () -> ()
    %eq3A_175 = arith.constant 15 : i32
    %eq3A_176 = arith.cmpi eq, %arg1, %eq3A_175 : i32
    %convert_element_type3A_177 = arith.extui %eq3A_176 : i1 to i32
    %cond3A_178 = arith.constant 0 : i32
    %cond3A_179 = arith.cmpi ne, %convert_element_type3A_177, %cond3A_178 : i32
    scf.if %cond3A_179 {
      "tpu.region"() ({
        %run_scoped3A = tpu.sem_alloc : memref<!tpu.dma_semaphore, #tpu.memory_space<semaphore_mem>>
        %dma_start3A_180 = arith.constant 9984 : i32
        %dma_start3A_181 = arith.constant 0 : i32
        %dma_start3A_182 = tpu.memref_slice %arg6[%arg0, %dma_start3A_180, %dma_start3A_181] : memref<2x10000x128xf32, #tpu.memory_space<hbm>> -> memref<1x16x128xf32, #tpu.memory_space<hbm>>
        %dma_start3A_183 = tpu.memref_squeeze %dma_start3A_182 : memref<1x16x128xf32, #tpu.memory_space<hbm>> -> memref<16x128xf32, #tpu.memory_space<hbm>>
        %dma_start3A_184 = arith.constant 9984 : i32
        %dma_start3A_185 = arith.constant 0 : i32
        %dma_start3A_186 = tpu.memref_slice %arg7[%dma_start3A_184, %dma_start3A_185] : memref<10000x128xf32, #tpu.memory_space<vmem_shared>> -> memref<16x128xf32, #tpu.memory_space<vmem_shared>>
        tpu.enqueue_dma source(%dma_start3A_186 : memref<16x128xf32, #tpu.memory_space<vmem_shared>>) target(%dma_start3A_183 : memref<16x128xf32, #tpu.memory_space<hbm>>) target_semaphore(%run_scoped3A : memref<!tpu.dma_semaphore, #tpu.memory_space<semaphore_mem>>)
        %dma_wait3A_187 = arith.constant 9984 : i32
        %dma_wait3A_188 = arith.constant 0 : i32
        %dma_wait3A_189 = tpu.memref_slice %arg6[%arg0, %dma_wait3A_187, %dma_wait3A_188] : memref<2x10000x128xf32, #tpu.memory_space<hbm>> -> memref<1x16x128xf32, #tpu.memory_space<hbm>>
        %dma_wait3A_190 = tpu.memref_squeeze %dma_wait3A_189 : memref<1x16x128xf32, #tpu.memory_space<hbm>> -> memref<16x128xf32, #tpu.memory_space<hbm>>
        %dma_wait3A_191 = arith.constant 9984 : i32
        %dma_wait3A_192 = arith.constant 0 : i32
        %dma_wait3A_193 = tpu.memref_slice %arg7[%dma_wait3A_191, %dma_wait3A_192] : memref<10000x128xf32, #tpu.memory_space<vmem_shared>> -> memref<16x128xf32, #tpu.memory_space<vmem_shared>>
        tpu.wait_dma2 semaphore(%run_scoped3A : memref<!tpu.dma_semaphore, #tpu.memory_space<semaphore_mem>>) src(%dma_wait3A_193 : memref<16x128xf32, #tpu.memory_space<vmem_shared>>) dst(%dma_wait3A_190 : memref<16x128xf32, #tpu.memory_space<hbm>>)
        tpu.yield
      }) : () -> ()
    } else {
    }
    return
  }
}

#map = affine_map<(d0, d1) -> (0, 0)>
#map1 = affine_map<(d0, d1) -> (0)>
#map2 = affine_map<(d0, d1) -> (0, 0, 0)>
module attributes {stable_mosaic.version = 14 : i64} {
  func.func @_agg_body(%arg0: i32, %arg1: i32, %arg2: memref<10000x128xf32, #tpu.memory_space<hbm>>, %arg3: memref<320000xi32, #tpu.memory_space<hbm>>, %arg4: memref<320000xi32, #tpu.memory_space<hbm>>, %arg5: memref<624x128xf32, #tpu.memory_space<hbm>>, %arg6: memref<2x10000x128xf32, #tpu.memory_space<hbm>>, %arg7: memref<10000x128xf32, #tpu.memory_space<vmem_shared>>, %arg8: memref<80xi32, #tpu.memory_space<vmem>>, %arg9: memref<80xi32, #tpu.memory_space<vmem>>, %arg10: memref<80xi32, #tpu.memory_space<vmem>>, %arg11: memref<80xi32, #tpu.memory_space<vmem>>, %arg12: memref<80xi32, #tpu.memory_space<vmem>>, %arg13: memref<80xi32, #tpu.memory_space<vmem>>, %arg14: memref<80xi32, #tpu.memory_space<vmem>>, %arg15: memref<80xi32, #tpu.memory_space<vmem>>, %arg16: memref<80xi32, #tpu.memory_space<vmem>>, %arg17: memref<80xi32, #tpu.memory_space<vmem>>, %arg18: memref<80xi32, #tpu.memory_space<vmem>>, %arg19: memref<80xi32, #tpu.memory_space<vmem>>, %arg20: memref<80xi32, #tpu.memory_space<vmem>>, %arg21: memref<80xi32, #tpu.memory_space<vmem>>, %arg22: memref<80xi32, #tpu.memory_space<vmem>>, %arg23: memref<80xi32, #tpu.memory_space<vmem>>, %arg24: memref<80x128xf32, #tpu.memory_space<vmem>>, %arg25: memref<80x128xf32, #tpu.memory_space<vmem>>, %arg26: memref<80x128xf32, #tpu.memory_space<vmem>>, %arg27: memref<80x128xf32, #tpu.memory_space<vmem>>, %arg28: memref<!tpu.dma_semaphore, #tpu.memory_space<semaphore_mem>>, %arg29: memref<!tpu.dma_semaphore, #tpu.memory_space<semaphore_mem>>, %arg30: memref<!tpu.dma_semaphore, #tpu.memory_space<semaphore_mem>>, %arg31: memref<!tpu.dma_semaphore, #tpu.memory_space<semaphore_mem>>, %arg32: memref<!tpu.dma_semaphore, #tpu.memory_space<semaphore_mem>>, %arg33: memref<!tpu.dma_semaphore, #tpu.memory_space<semaphore_mem>>, %arg34: memref<!tpu.dma_semaphore, #tpu.memory_space<semaphore_mem>>, %arg35: memref<!tpu.dma_semaphore, #tpu.memory_space<semaphore_mem>>, %arg36: memref<!tpu.dma_semaphore, #tpu.memory_space<semaphore_mem>>) attributes {dimension_semantics = [#tpu.dimension_semantics<core_parallel>, #tpu.dimension_semantics<subcore_parallel>], iteration_bounds = array<i64: 2, 16>, scalar_prefetch = 0 : i64, scratch_operands = 30 : i64, tpu.core_type = #tpu.core_type<sc_vector_subcore>, window_params = [{transform_indices = #map}, {transform_indices = #map1}, {transform_indices = #map1}, {transform_indices = #map}, {transform_indices = #map2}]} {
    %mul3A = arith.constant 2 : i32
    %mul3A_0 = arith.muli %arg1, %mul3A : i32
    %add3A = arith.addi %mul3A_0, %arg0 : i32
    %mul3A_1 = arith.constant 624 : i32
    %mul3A_2 = arith.muli %arg1, %mul3A_1 : i32
    %dma_start3A = arith.constant 0 : i32
    %dma_start3A_3 = tpu.memref_slice %arg7[%mul3A_2, %dma_start3A] : memref<10000x128xf32, #tpu.memory_space<vmem_shared>> -> memref<624x128xf32, #tpu.memory_space<vmem_shared>>
    tpu.enqueue_dma source(%arg5 : memref<624x128xf32, #tpu.memory_space<hbm>>) target(%dma_start3A_3 : memref<624x128xf32, #tpu.memory_space<vmem_shared>>) target_semaphore(%arg28 : memref<!tpu.dma_semaphore, #tpu.memory_space<semaphore_mem>>)
    %dma_wait3A = arith.constant 0 : i32
    %dma_wait3A_4 = tpu.memref_slice %arg7[%mul3A_2, %dma_wait3A] : memref<10000x128xf32, #tpu.memory_space<vmem_shared>> -> memref<624x128xf32, #tpu.memory_space<vmem_shared>>
    tpu.wait_dma2 semaphore(%arg28 : memref<!tpu.dma_semaphore, #tpu.memory_space<semaphore_mem>>) src(%arg5 : memref<624x128xf32, #tpu.memory_space<hbm>>) dst(%dma_wait3A_4 : memref<624x128xf32, #tpu.memory_space<vmem_shared>>)
    %eq3A = arith.constant 15 : i32
    %eq3A_5 = arith.cmpi eq, %arg1, %eq3A : i32
    %convert_element_type3A = arith.extui %eq3A_5 : i1 to i32
    %cond3A = arith.constant 0 : i32
    %cond3A_6 = arith.cmpi ne, %convert_element_type3A, %cond3A : i32
    scf.if %cond3A_6 {
      "tpu.region"() ({
        %run_scoped3A = tpu.sem_alloc : memref<!tpu.dma_semaphore, #tpu.memory_space<semaphore_mem>>
        %dma_start3A_180 = arith.constant 9984 : i32
        %dma_start3A_181 = arith.constant 0 : i32
        %dma_start3A_182 = tpu.memref_slice %arg7[%dma_start3A_180, %dma_start3A_181] : memref<10000x128xf32, #tpu.memory_space<vmem_shared>> -> memref<16x128xf32, #tpu.memory_space<vmem_shared>>
        %dma_start3A_183 = arith.constant 0 : i32
        %dma_start3A_184 = arith.constant 0 : i32
        %dma_start3A_185 = tpu.memref_slice %arg5[%dma_start3A_183, %dma_start3A_184] : memref<624x128xf32, #tpu.memory_space<hbm>> -> memref<16x128xf32, #tpu.memory_space<hbm>>
        tpu.enqueue_dma source(%dma_start3A_185 : memref<16x128xf32, #tpu.memory_space<hbm>>) target(%dma_start3A_182 : memref<16x128xf32, #tpu.memory_space<vmem_shared>>) target_semaphore(%run_scoped3A : memref<!tpu.dma_semaphore, #tpu.memory_space<semaphore_mem>>)
        %dma_wait3A_186 = arith.constant 9984 : i32
        %dma_wait3A_187 = arith.constant 0 : i32
        %dma_wait3A_188 = tpu.memref_slice %arg7[%dma_wait3A_186, %dma_wait3A_187] : memref<10000x128xf32, #tpu.memory_space<vmem_shared>> -> memref<16x128xf32, #tpu.memory_space<vmem_shared>>
        %dma_wait3A_189 = arith.constant 0 : i32
        %dma_wait3A_190 = arith.constant 0 : i32
        %dma_wait3A_191 = tpu.memref_slice %arg5[%dma_wait3A_189, %dma_wait3A_190] : memref<624x128xf32, #tpu.memory_space<hbm>> -> memref<16x128xf32, #tpu.memory_space<hbm>>
        tpu.wait_dma2 semaphore(%run_scoped3A : memref<!tpu.dma_semaphore, #tpu.memory_space<semaphore_mem>>) src(%dma_wait3A_191 : memref<16x128xf32, #tpu.memory_space<hbm>>) dst(%dma_wait3A_188 : memref<16x128xf32, #tpu.memory_space<vmem_shared>>)
        tpu.yield
      }) : () -> ()
    } else {
    }
    %barrier3A = arith.constant 0 : index
    tpu.barrier barrier_id(%barrier3A)
    %mul3A_7 = arith.constant 10000 : i32
    %mul3A_8 = arith.muli %add3A, %mul3A_7 : i32
    %add3A_9 = arith.constant 9920 : i32
    %add3A_10 = arith.addi %mul3A_8, %add3A_9 : i32
    %dma_start3A_11 = tpu.memref_slice %arg3[%add3A_10] : memref<320000xi32, #tpu.memory_space<hbm>> -> memref<80xi32, #tpu.memory_space<hbm>>
    %dma_start3A_12 = tpu.memref_slice %arg3[%add3A_10] : memref<320000xi32, #tpu.memory_space<hbm>> -> memref<80xi32, #tpu.memory_space<hbm>>
    tpu.enqueue_dma source(%dma_start3A_12 : memref<80xi32, #tpu.memory_space<hbm>>) target(%arg8 : memref<80xi32, #tpu.memory_space<vmem>>) target_semaphore(%arg29 : memref<!tpu.dma_semaphore, #tpu.memory_space<semaphore_mem>>)
    %add3A_13 = arith.constant 9920 : i32
    %add3A_14 = arith.addi %mul3A_8, %add3A_13 : i32
    %dma_start3A_15 = tpu.memref_slice %arg4[%add3A_14] : memref<320000xi32, #tpu.memory_space<hbm>> -> memref<80xi32, #tpu.memory_space<hbm>>
    %dma_start3A_16 = tpu.memref_slice %arg4[%add3A_14] : memref<320000xi32, #tpu.memory_space<hbm>> -> memref<80xi32, #tpu.memory_space<hbm>>
    tpu.enqueue_dma source(%dma_start3A_16 : memref<80xi32, #tpu.memory_space<hbm>>) target(%arg10 : memref<80xi32, #tpu.memory_space<vmem>>) target_semaphore(%arg29 : memref<!tpu.dma_semaphore, #tpu.memory_space<semaphore_mem>>)
    %dma_wait3A_17 = arith.constant 0 : i32
    %dma_wait3A_18 = tpu.memref_slice %arg3[%dma_wait3A_17] : memref<320000xi32, #tpu.memory_space<hbm>> -> memref<80xi32, #tpu.memory_space<hbm>>
    %dma_wait3A_19 = arith.constant 0 : i32
    %dma_wait3A_20 = tpu.memref_slice %arg3[%dma_wait3A_19] : memref<320000xi32, #tpu.memory_space<hbm>> -> memref<80xi32, #tpu.memory_space<hbm>>
    tpu.wait_dma2 semaphore(%arg29 : memref<!tpu.dma_semaphore, #tpu.memory_space<semaphore_mem>>) src(%dma_wait3A_20 : memref<80xi32, #tpu.memory_space<hbm>>) dst(%arg8 : memref<80xi32, #tpu.memory_space<vmem>>)
    %dma_wait3A_21 = arith.constant 0 : i32
    %dma_wait3A_22 = tpu.memref_slice %arg3[%dma_wait3A_21] : memref<320000xi32, #tpu.memory_space<hbm>> -> memref<80xi32, #tpu.memory_space<hbm>>
    %dma_wait3A_23 = arith.constant 0 : i32
    %dma_wait3A_24 = tpu.memref_slice %arg3[%dma_wait3A_23] : memref<320000xi32, #tpu.memory_space<hbm>> -> memref<80xi32, #tpu.memory_space<hbm>>
    tpu.wait_dma2 semaphore(%arg29 : memref<!tpu.dma_semaphore, #tpu.memory_space<semaphore_mem>>) src(%dma_wait3A_24 : memref<80xi32, #tpu.memory_space<hbm>>) dst(%arg10 : memref<80xi32, #tpu.memory_space<vmem>>)
    %dma_start3A_25 = arith.constant 0 : i32
    %dma_start3A_26 = arith.constant 0 : i32
    %dma_start3A_27 = tpu.memref_slice %arg2[%dma_start3A_25, %dma_start3A_26] : memref<10000x128xf32, #tpu.memory_space<hbm>> -> memref<10000x128xf32, #tpu.memory_space<hbm>>
    tpu.enqueue_indirect_dma source(%dma_start3A_27 : memref<10000x128xf32, #tpu.memory_space<hbm>>) target(%arg24 : memref<80x128xf32, #tpu.memory_space<vmem>>) offsets(%arg8 : memref<80xi32, #tpu.memory_space<vmem>>) semaphore(%arg33 : memref<!tpu.dma_semaphore, #tpu.memory_space<semaphore_mem>>)
    %dma_wait3A_28 = arith.constant 0 : i32
    %dma_wait3A_29 = arith.constant 0 : i32
    %dma_wait3A_30 = tpu.memref_slice %arg2[%dma_wait3A_28, %dma_wait3A_29] : memref<10000x128xf32, #tpu.memory_space<hbm>> -> memref<80x128xf32, #tpu.memory_space<hbm>>
    %dma_wait3A_31 = arith.constant 0 : i32
    %dma_wait3A_32 = arith.constant 0 : i32
    %dma_wait3A_33 = tpu.memref_slice %arg2[%dma_wait3A_31, %dma_wait3A_32] : memref<10000x128xf32, #tpu.memory_space<hbm>> -> memref<80x128xf32, #tpu.memory_space<hbm>>
    tpu.wait_dma2 semaphore(%arg33 : memref<!tpu.dma_semaphore, #tpu.memory_space<semaphore_mem>>) src(%dma_wait3A_33 : memref<80x128xf32, #tpu.memory_space<hbm>>) dst(%arg24 : memref<80x128xf32, #tpu.memory_space<vmem>>)
    "tpu.region"() ({
      %run_scoped3A = tpu.sem_alloc : memref<!tpu.dma_semaphore, #tpu.memory_space<semaphore_mem>>
      %dma_start3A_180 = arith.constant 0 : i32
      %dma_start3A_181 = arith.constant 0 : i32
      %dma_start3A_182 = tpu.memref_slice %arg7[%dma_start3A_180, %dma_start3A_181] : memref<10000x128xf32, #tpu.memory_space<vmem_shared>> -> memref<10000x128xf32, #tpu.memory_space<vmem_shared>>
      tpu.enqueue_indirect_dma source(%arg24 : memref<80x128xf32, #tpu.memory_space<vmem>>) target(%dma_start3A_182 : memref<10000x128xf32, #tpu.memory_space<vmem_shared>>) offsets(%arg10 : memref<80xi32, #tpu.memory_space<vmem>>) semaphore(%run_scoped3A : memref<!tpu.dma_semaphore, #tpu.memory_space<semaphore_mem>>) {add = true}
      %dma_wait3A_183 = arith.constant 0 : i32
      %dma_wait3A_184 = arith.constant 0 : i32
      %dma_wait3A_185 = tpu.memref_slice %arg7[%dma_wait3A_183, %dma_wait3A_184] : memref<10000x128xf32, #tpu.memory_space<vmem_shared>> -> memref<10000x128xf32, #tpu.memory_space<vmem_shared>>
      tpu.wait_indirect_dma semaphore(%run_scoped3A : memref<!tpu.dma_semaphore, #tpu.memory_space<semaphore_mem>>) src(%arg24 : memref<80x128xf32, #tpu.memory_space<vmem>>) dst(%dma_wait3A_185 : memref<10000x128xf32, #tpu.memory_space<vmem_shared>>)
      tpu.yield
    }) : () -> ()
    %add3A_34 = arith.constant 0 : i32
    %add3A_35 = arith.addi %mul3A_8, %add3A_34 : i32
    %dma_start3A_36 = tpu.memref_slice %arg3[%add3A_35] : memref<320000xi32, #tpu.memory_space<hbm>> -> memref<80xi32, #tpu.memory_space<hbm>>
    %dma_start3A_37 = tpu.memref_slice %arg3[%add3A_35] : memref<320000xi32, #tpu.memory_space<hbm>> -> memref<80xi32, #tpu.memory_space<hbm>>
    tpu.enqueue_dma source(%dma_start3A_37 : memref<80xi32, #tpu.memory_space<hbm>>) target(%arg8 : memref<80xi32, #tpu.memory_space<vmem>>) target_semaphore(%arg29 : memref<!tpu.dma_semaphore, #tpu.memory_space<semaphore_mem>>)
    %add3A_38 = arith.constant 0 : i32
    %add3A_39 = arith.addi %mul3A_8, %add3A_38 : i32
    %dma_start3A_40 = tpu.memref_slice %arg4[%add3A_39] : memref<320000xi32, #tpu.memory_space<hbm>> -> memref<80xi32, #tpu.memory_space<hbm>>
    %dma_start3A_41 = tpu.memref_slice %arg4[%add3A_39] : memref<320000xi32, #tpu.memory_space<hbm>> -> memref<80xi32, #tpu.memory_space<hbm>>
    tpu.enqueue_dma source(%dma_start3A_41 : memref<80xi32, #tpu.memory_space<hbm>>) target(%arg10 : memref<80xi32, #tpu.memory_space<vmem>>) target_semaphore(%arg29 : memref<!tpu.dma_semaphore, #tpu.memory_space<semaphore_mem>>)
    %add3A_42 = arith.constant 80 : i32
    %add3A_43 = arith.addi %mul3A_8, %add3A_42 : i32
    %dma_start3A_44 = tpu.memref_slice %arg3[%add3A_43] : memref<320000xi32, #tpu.memory_space<hbm>> -> memref<80xi32, #tpu.memory_space<hbm>>
    %dma_start3A_45 = tpu.memref_slice %arg3[%add3A_43] : memref<320000xi32, #tpu.memory_space<hbm>> -> memref<80xi32, #tpu.memory_space<hbm>>
    tpu.enqueue_dma source(%dma_start3A_45 : memref<80xi32, #tpu.memory_space<hbm>>) target(%arg9 : memref<80xi32, #tpu.memory_space<vmem>>) target_semaphore(%arg29 : memref<!tpu.dma_semaphore, #tpu.memory_space<semaphore_mem>>)
    %add3A_46 = arith.constant 80 : i32
    %add3A_47 = arith.addi %mul3A_8, %add3A_46 : i32
    %dma_start3A_48 = tpu.memref_slice %arg4[%add3A_47] : memref<320000xi32, #tpu.memory_space<hbm>> -> memref<80xi32, #tpu.memory_space<hbm>>
    %dma_start3A_49 = tpu.memref_slice %arg4[%add3A_47] : memref<320000xi32, #tpu.memory_space<hbm>> -> memref<80xi32, #tpu.memory_space<hbm>>
    tpu.enqueue_dma source(%dma_start3A_49 : memref<80xi32, #tpu.memory_space<hbm>>) target(%arg11 : memref<80xi32, #tpu.memory_space<vmem>>) target_semaphore(%arg29 : memref<!tpu.dma_semaphore, #tpu.memory_space<semaphore_mem>>)
    %add3A_50 = arith.constant 160 : i32
    %add3A_51 = arith.addi %mul3A_8, %add3A_50 : i32
    %dma_start3A_52 = tpu.memref_slice %arg3[%add3A_51] : memref<320000xi32, #tpu.memory_space<hbm>> -> memref<80xi32, #tpu.memory_space<hbm>>
    %dma_start3A_53 = tpu.memref_slice %arg3[%add3A_51] : memref<320000xi32, #tpu.memory_space<hbm>> -> memref<80xi32, #tpu.memory_space<hbm>>
    tpu.enqueue_dma source(%dma_start3A_53 : memref<80xi32, #tpu.memory_space<hbm>>) target(%arg12 : memref<80xi32, #tpu.memory_space<vmem>>) target_semaphore(%arg30 : memref<!tpu.dma_semaphore, #tpu.memory_space<semaphore_mem>>)
    %add3A_54 = arith.constant 160 : i32
    %add3A_55 = arith.addi %mul3A_8, %add3A_54 : i32
    %dma_start3A_56 = tpu.memref_slice %arg4[%add3A_55] : memref<320000xi32, #tpu.memory_space<hbm>> -> memref<80xi32, #tpu.memory_space<hbm>>
    %dma_start3A_57 = tpu.memref_slice %arg4[%add3A_55] : memref<320000xi32, #tpu.memory_space<hbm>> -> memref<80xi32, #tpu.memory_space<hbm>>
    tpu.enqueue_dma source(%dma_start3A_57 : memref<80xi32, #tpu.memory_space<hbm>>) target(%arg14 : memref<80xi32, #tpu.memory_space<vmem>>) target_semaphore(%arg30 : memref<!tpu.dma_semaphore, #tpu.memory_space<semaphore_mem>>)
    %add3A_58 = arith.constant 240 : i32
    %add3A_59 = arith.addi %mul3A_8, %add3A_58 : i32
    %dma_start3A_60 = tpu.memref_slice %arg3[%add3A_59] : memref<320000xi32, #tpu.memory_space<hbm>> -> memref<80xi32, #tpu.memory_space<hbm>>
    %dma_start3A_61 = tpu.memref_slice %arg3[%add3A_59] : memref<320000xi32, #tpu.memory_space<hbm>> -> memref<80xi32, #tpu.memory_space<hbm>>
    tpu.enqueue_dma source(%dma_start3A_61 : memref<80xi32, #tpu.memory_space<hbm>>) target(%arg13 : memref<80xi32, #tpu.memory_space<vmem>>) target_semaphore(%arg30 : memref<!tpu.dma_semaphore, #tpu.memory_space<semaphore_mem>>)
    %add3A_62 = arith.constant 240 : i32
    %add3A_63 = arith.addi %mul3A_8, %add3A_62 : i32
    %dma_start3A_64 = tpu.memref_slice %arg4[%add3A_63] : memref<320000xi32, #tpu.memory_space<hbm>> -> memref<80xi32, #tpu.memory_space<hbm>>
    %dma_start3A_65 = tpu.memref_slice %arg4[%add3A_63] : memref<320000xi32, #tpu.memory_space<hbm>> -> memref<80xi32, #tpu.memory_space<hbm>>
    tpu.enqueue_dma source(%dma_start3A_65 : memref<80xi32, #tpu.memory_space<hbm>>) target(%arg15 : memref<80xi32, #tpu.memory_space<vmem>>) target_semaphore(%arg30 : memref<!tpu.dma_semaphore, #tpu.memory_space<semaphore_mem>>)
    %add3A_66 = arith.constant 320 : i32
    %add3A_67 = arith.addi %mul3A_8, %add3A_66 : i32
    %dma_start3A_68 = tpu.memref_slice %arg3[%add3A_67] : memref<320000xi32, #tpu.memory_space<hbm>> -> memref<80xi32, #tpu.memory_space<hbm>>
    %dma_start3A_69 = tpu.memref_slice %arg3[%add3A_67] : memref<320000xi32, #tpu.memory_space<hbm>> -> memref<80xi32, #tpu.memory_space<hbm>>
    tpu.enqueue_dma source(%dma_start3A_69 : memref<80xi32, #tpu.memory_space<hbm>>) target(%arg16 : memref<80xi32, #tpu.memory_space<vmem>>) target_semaphore(%arg31 : memref<!tpu.dma_semaphore, #tpu.memory_space<semaphore_mem>>)
    %add3A_70 = arith.constant 320 : i32
    %add3A_71 = arith.addi %mul3A_8, %add3A_70 : i32
    %dma_start3A_72 = tpu.memref_slice %arg4[%add3A_71] : memref<320000xi32, #tpu.memory_space<hbm>> -> memref<80xi32, #tpu.memory_space<hbm>>
    %dma_start3A_73 = tpu.memref_slice %arg4[%add3A_71] : memref<320000xi32, #tpu.memory_space<hbm>> -> memref<80xi32, #tpu.memory_space<hbm>>
    tpu.enqueue_dma source(%dma_start3A_73 : memref<80xi32, #tpu.memory_space<hbm>>) target(%arg18 : memref<80xi32, #tpu.memory_space<vmem>>) target_semaphore(%arg31 : memref<!tpu.dma_semaphore, #tpu.memory_space<semaphore_mem>>)
    %add3A_74 = arith.constant 400 : i32
    %add3A_75 = arith.addi %mul3A_8, %add3A_74 : i32
    %dma_start3A_76 = tpu.memref_slice %arg3[%add3A_75] : memref<320000xi32, #tpu.memory_space<hbm>> -> memref<80xi32, #tpu.memory_space<hbm>>
    %dma_start3A_77 = tpu.memref_slice %arg3[%add3A_75] : memref<320000xi32, #tpu.memory_space<hbm>> -> memref<80xi32, #tpu.memory_space<hbm>>
    tpu.enqueue_dma source(%dma_start3A_77 : memref<80xi32, #tpu.memory_space<hbm>>) target(%arg17 : memref<80xi32, #tpu.memory_space<vmem>>) target_semaphore(%arg31 : memref<!tpu.dma_semaphore, #tpu.memory_space<semaphore_mem>>)
    %add3A_78 = arith.constant 400 : i32
    %add3A_79 = arith.addi %mul3A_8, %add3A_78 : i32
    %dma_start3A_80 = tpu.memref_slice %arg4[%add3A_79] : memref<320000xi32, #tpu.memory_space<hbm>> -> memref<80xi32, #tpu.memory_space<hbm>>
    %dma_start3A_81 = tpu.memref_slice %arg4[%add3A_79] : memref<320000xi32, #tpu.memory_space<hbm>> -> memref<80xi32, #tpu.memory_space<hbm>>
    tpu.enqueue_dma source(%dma_start3A_81 : memref<80xi32, #tpu.memory_space<hbm>>) target(%arg19 : memref<80xi32, #tpu.memory_space<vmem>>) target_semaphore(%arg31 : memref<!tpu.dma_semaphore, #tpu.memory_space<semaphore_mem>>)
    %add3A_82 = arith.constant 480 : i32
    %add3A_83 = arith.addi %mul3A_8, %add3A_82 : i32
    %dma_start3A_84 = tpu.memref_slice %arg3[%add3A_83] : memref<320000xi32, #tpu.memory_space<hbm>> -> memref<80xi32, #tpu.memory_space<hbm>>
    %dma_start3A_85 = tpu.memref_slice %arg3[%add3A_83] : memref<320000xi32, #tpu.memory_space<hbm>> -> memref<80xi32, #tpu.memory_space<hbm>>
    tpu.enqueue_dma source(%dma_start3A_85 : memref<80xi32, #tpu.memory_space<hbm>>) target(%arg20 : memref<80xi32, #tpu.memory_space<vmem>>) target_semaphore(%arg32 : memref<!tpu.dma_semaphore, #tpu.memory_space<semaphore_mem>>)
    %add3A_86 = arith.constant 480 : i32
    %add3A_87 = arith.addi %mul3A_8, %add3A_86 : i32
    %dma_start3A_88 = tpu.memref_slice %arg4[%add3A_87] : memref<320000xi32, #tpu.memory_space<hbm>> -> memref<80xi32, #tpu.memory_space<hbm>>
    %dma_start3A_89 = tpu.memref_slice %arg4[%add3A_87] : memref<320000xi32, #tpu.memory_space<hbm>> -> memref<80xi32, #tpu.memory_space<hbm>>
    tpu.enqueue_dma source(%dma_start3A_89 : memref<80xi32, #tpu.memory_space<hbm>>) target(%arg22 : memref<80xi32, #tpu.memory_space<vmem>>) target_semaphore(%arg32 : memref<!tpu.dma_semaphore, #tpu.memory_space<semaphore_mem>>)
    %add3A_90 = arith.constant 560 : i32
    %add3A_91 = arith.addi %mul3A_8, %add3A_90 : i32
    %dma_start3A_92 = tpu.memref_slice %arg3[%add3A_91] : memref<320000xi32, #tpu.memory_space<hbm>> -> memref<80xi32, #tpu.memory_space<hbm>>
    %dma_start3A_93 = tpu.memref_slice %arg3[%add3A_91] : memref<320000xi32, #tpu.memory_space<hbm>> -> memref<80xi32, #tpu.memory_space<hbm>>
    tpu.enqueue_dma source(%dma_start3A_93 : memref<80xi32, #tpu.memory_space<hbm>>) target(%arg21 : memref<80xi32, #tpu.memory_space<vmem>>) target_semaphore(%arg32 : memref<!tpu.dma_semaphore, #tpu.memory_space<semaphore_mem>>)
    %add3A_94 = arith.constant 560 : i32
    %add3A_95 = arith.addi %mul3A_8, %add3A_94 : i32
    %dma_start3A_96 = tpu.memref_slice %arg4[%add3A_95] : memref<320000xi32, #tpu.memory_space<hbm>> -> memref<80xi32, #tpu.memory_space<hbm>>
    %dma_start3A_97 = tpu.memref_slice %arg4[%add3A_95] : memref<320000xi32, #tpu.memory_space<hbm>> -> memref<80xi32, #tpu.memory_space<hbm>>
    tpu.enqueue_dma source(%dma_start3A_97 : memref<80xi32, #tpu.memory_space<hbm>>) target(%arg23 : memref<80xi32, #tpu.memory_space<vmem>>) target_semaphore(%arg32 : memref<!tpu.dma_semaphore, #tpu.memory_space<semaphore_mem>>)
    %dma_wait3A_98 = arith.constant 0 : i32
    %dma_wait3A_99 = tpu.memref_slice %arg3[%dma_wait3A_98] : memref<320000xi32, #tpu.memory_space<hbm>> -> memref<80xi32, #tpu.memory_space<hbm>>
    %dma_wait3A_100 = arith.constant 0 : i32
    %dma_wait3A_101 = tpu.memref_slice %arg3[%dma_wait3A_100] : memref<320000xi32, #tpu.memory_space<hbm>> -> memref<80xi32, #tpu.memory_space<hbm>>
    tpu.wait_dma2 semaphore(%arg29 : memref<!tpu.dma_semaphore, #tpu.memory_space<semaphore_mem>>) src(%dma_wait3A_101 : memref<80xi32, #tpu.memory_space<hbm>>) dst(%arg8 : memref<80xi32, #tpu.memory_space<vmem>>)
    %dma_wait3A_102 = arith.constant 0 : i32
    %dma_wait3A_103 = tpu.memref_slice %arg3[%dma_wait3A_102] : memref<320000xi32, #tpu.memory_space<hbm>> -> memref<80xi32, #tpu.memory_space<hbm>>
    %dma_wait3A_104 = arith.constant 0 : i32
    %dma_wait3A_105 = tpu.memref_slice %arg3[%dma_wait3A_104] : memref<320000xi32, #tpu.memory_space<hbm>> -> memref<80xi32, #tpu.memory_space<hbm>>
    tpu.wait_dma2 semaphore(%arg29 : memref<!tpu.dma_semaphore, #tpu.memory_space<semaphore_mem>>) src(%dma_wait3A_105 : memref<80xi32, #tpu.memory_space<hbm>>) dst(%arg10 : memref<80xi32, #tpu.memory_space<vmem>>)
    %dma_wait3A_106 = arith.constant 0 : i32
    %dma_wait3A_107 = tpu.memref_slice %arg3[%dma_wait3A_106] : memref<320000xi32, #tpu.memory_space<hbm>> -> memref<80xi32, #tpu.memory_space<hbm>>
    %dma_wait3A_108 = arith.constant 0 : i32
    %dma_wait3A_109 = tpu.memref_slice %arg3[%dma_wait3A_108] : memref<320000xi32, #tpu.memory_space<hbm>> -> memref<80xi32, #tpu.memory_space<hbm>>
    tpu.wait_dma2 semaphore(%arg29 : memref<!tpu.dma_semaphore, #tpu.memory_space<semaphore_mem>>) src(%dma_wait3A_109 : memref<80xi32, #tpu.memory_space<hbm>>) dst(%arg9 : memref<80xi32, #tpu.memory_space<vmem>>)
    %dma_wait3A_110 = arith.constant 0 : i32
    %dma_wait3A_111 = tpu.memref_slice %arg3[%dma_wait3A_110] : memref<320000xi32, #tpu.memory_space<hbm>> -> memref<80xi32, #tpu.memory_space<hbm>>
    %dma_wait3A_112 = arith.constant 0 : i32
    %dma_wait3A_113 = tpu.memref_slice %arg3[%dma_wait3A_112] : memref<320000xi32, #tpu.memory_space<hbm>> -> memref<80xi32, #tpu.memory_space<hbm>>
    tpu.wait_dma2 semaphore(%arg29 : memref<!tpu.dma_semaphore, #tpu.memory_space<semaphore_mem>>) src(%dma_wait3A_113 : memref<80xi32, #tpu.memory_space<hbm>>) dst(%arg11 : memref<80xi32, #tpu.memory_space<vmem>>)
    %dma_start3A_114 = arith.constant 0 : i32
    %dma_start3A_115 = arith.constant 0 : i32
    %dma_start3A_116 = tpu.memref_slice %arg2[%dma_start3A_114, %dma_start3A_115] : memref<10000x128xf32, #tpu.memory_space<hbm>> -> memref<10000x128xf32, #tpu.memory_space<hbm>>
    tpu.enqueue_indirect_dma source(%dma_start3A_116 : memref<10000x128xf32, #tpu.memory_space<hbm>>) target(%arg24 : memref<80x128xf32, #tpu.memory_space<vmem>>) offsets(%arg8 : memref<80xi32, #tpu.memory_space<vmem>>) semaphore(%arg33 : memref<!tpu.dma_semaphore, #tpu.memory_space<semaphore_mem>>)
    %dma_start3A_117 = arith.constant 0 : i32
    %dma_start3A_118 = arith.constant 0 : i32
    %dma_start3A_119 = tpu.memref_slice %arg2[%dma_start3A_117, %dma_start3A_118] : memref<10000x128xf32, #tpu.memory_space<hbm>> -> memref<10000x128xf32, #tpu.memory_space<hbm>>
    tpu.enqueue_indirect_dma source(%dma_start3A_119 : memref<10000x128xf32, #tpu.memory_space<hbm>>) target(%arg25 : memref<80x128xf32, #tpu.memory_space<vmem>>) offsets(%arg9 : memref<80xi32, #tpu.memory_space<vmem>>) semaphore(%arg34 : memref<!tpu.dma_semaphore, #tpu.memory_space<semaphore_mem>>)
    %dma_wait3A_120 = arith.constant 0 : i32
    %dma_wait3A_121 = tpu.memref_slice %arg3[%dma_wait3A_120] : memref<320000xi32, #tpu.memory_space<hbm>> -> memref<80xi32, #tpu.memory_space<hbm>>
    %dma_wait3A_122 = arith.constant 0 : i32
    %dma_wait3A_123 = tpu.memref_slice %arg3[%dma_wait3A_122] : memref<320000xi32, #tpu.memory_space<hbm>> -> memref<80xi32, #tpu.memory_space<hbm>>
    tpu.wait_dma2 semaphore(%arg30 : memref<!tpu.dma_semaphore, #tpu.memory_space<semaphore_mem>>) src(%dma_wait3A_123 : memref<80xi32, #tpu.memory_space<hbm>>) dst(%arg12 : memref<80xi32, #tpu.memory_space<vmem>>)
    %dma_wait3A_124 = arith.constant 0 : i32
    %dma_wait3A_125 = tpu.memref_slice %arg3[%dma_wait3A_124] : memref<320000xi32, #tpu.memory_space<hbm>> -> memref<80xi32, #tpu.memory_space<hbm>>
    %dma_wait3A_126 = arith.constant 0 : i32
    %dma_wait3A_127 = tpu.memref_slice %arg3[%dma_wait3A_126] : memref<320000xi32, #tpu.memory_space<hbm>> -> memref<80xi32, #tpu.memory_space<hbm>>
    tpu.wait_dma2 semaphore(%arg30 : memref<!tpu.dma_semaphore, #tpu.memory_space<semaphore_mem>>) src(%dma_wait3A_127 : memref<80xi32, #tpu.memory_space<hbm>>) dst(%arg14 : memref<80xi32, #tpu.memory_space<vmem>>)
    %dma_wait3A_128 = arith.constant 0 : i32
    %dma_wait3A_129 = tpu.memref_slice %arg3[%dma_wait3A_128] : memref<320000xi32, #tpu.memory_space<hbm>> -> memref<80xi32, #tpu.memory_space<hbm>>
    %dma_wait3A_130 = arith.constant 0 : i32
    %dma_wait3A_131 = tpu.memref_slice %arg3[%dma_wait3A_130] : memref<320000xi32, #tpu.memory_space<hbm>> -> memref<80xi32, #tpu.memory_space<hbm>>
    tpu.wait_dma2 semaphore(%arg30 : memref<!tpu.dma_semaphore, #tpu.memory_space<semaphore_mem>>) src(%dma_wait3A_131 : memref<80xi32, #tpu.memory_space<hbm>>) dst(%arg13 : memref<80xi32, #tpu.memory_space<vmem>>)
    %dma_wait3A_132 = arith.constant 0 : i32
    %dma_wait3A_133 = tpu.memref_slice %arg3[%dma_wait3A_132] : memref<320000xi32, #tpu.memory_space<hbm>> -> memref<80xi32, #tpu.memory_space<hbm>>
    %dma_wait3A_134 = arith.constant 0 : i32
    %dma_wait3A_135 = tpu.memref_slice %arg3[%dma_wait3A_134] : memref<320000xi32, #tpu.memory_space<hbm>> -> memref<80xi32, #tpu.memory_space<hbm>>
    tpu.wait_dma2 semaphore(%arg30 : memref<!tpu.dma_semaphore, #tpu.memory_space<semaphore_mem>>) src(%dma_wait3A_135 : memref<80xi32, #tpu.memory_space<hbm>>) dst(%arg15 : memref<80xi32, #tpu.memory_space<vmem>>)
    %scan3A = arith.constant 0 : i32
    %scan3A_136 = arith.constant 15 : i32
    %scan3A_137 = arith.addi %scan3A, %scan3A_136 : i32
    %scan3A_138 = arith.constant 1 : i32
    scf.for %scan3A_180 = %scan3A to %scan3A_137 step %scan3A_138  : i32 {
      %mul3A_181 = arith.constant 8 : i32
      %mul3A_182 = arith.muli %scan3A_180, %mul3A_181 : i32
      %add3A_183 = arith.constant 0 : i32
      %add3A_184 = arith.addi %add3A_183, %mul3A_182 : i32
      %dma_start3A_185 = arith.constant 0 : i32
      %dma_start3A_186 = arith.constant 0 : i32
      %dma_start3A_187 = tpu.memref_slice %arg2[%dma_start3A_185, %dma_start3A_186] : memref<10000x128xf32, #tpu.memory_space<hbm>> -> memref<10000x128xf32, #tpu.memory_space<hbm>>
      tpu.enqueue_indirect_dma source(%dma_start3A_187 : memref<10000x128xf32, #tpu.memory_space<hbm>>) target(%arg26 : memref<80x128xf32, #tpu.memory_space<vmem>>) offsets(%arg12 : memref<80xi32, #tpu.memory_space<vmem>>) semaphore(%arg35 : memref<!tpu.dma_semaphore, #tpu.memory_space<semaphore_mem>>)
      %dma_start3A_188 = arith.constant 0 : i32
      %dma_start3A_189 = arith.constant 0 : i32
      %dma_start3A_190 = tpu.memref_slice %arg2[%dma_start3A_188, %dma_start3A_189] : memref<10000x128xf32, #tpu.memory_space<hbm>> -> memref<10000x128xf32, #tpu.memory_space<hbm>>
      tpu.enqueue_indirect_dma source(%dma_start3A_190 : memref<10000x128xf32, #tpu.memory_space<hbm>>) target(%arg27 : memref<80x128xf32, #tpu.memory_space<vmem>>) offsets(%arg13 : memref<80xi32, #tpu.memory_space<vmem>>) semaphore(%arg36 : memref<!tpu.dma_semaphore, #tpu.memory_space<semaphore_mem>>)
      %dma_wait3A_191 = arith.constant 0 : i32
      %dma_wait3A_192 = arith.constant 0 : i32
      %dma_wait3A_193 = tpu.memref_slice %arg2[%dma_wait3A_191, %dma_wait3A_192] : memref<10000x128xf32, #tpu.memory_space<hbm>> -> memref<80x128xf32, #tpu.memory_space<hbm>>
      %dma_wait3A_194 = arith.constant 0 : i32
      %dma_wait3A_195 = arith.constant 0 : i32
      %dma_wait3A_196 = tpu.memref_slice %arg2[%dma_wait3A_194, %dma_wait3A_195] : memref<10000x128xf32, #tpu.memory_space<hbm>> -> memref<80x128xf32, #tpu.memory_space<hbm>>
      tpu.wait_dma2 semaphore(%arg33 : memref<!tpu.dma_semaphore, #tpu.memory_space<semaphore_mem>>) src(%dma_wait3A_196 : memref<80x128xf32, #tpu.memory_space<hbm>>) dst(%arg24 : memref<80x128xf32, #tpu.memory_space<vmem>>)
      "tpu.region"() ({
        %run_scoped3A = tpu.sem_alloc : memref<!tpu.dma_semaphore, #tpu.memory_space<semaphore_mem>>
        %dma_start3A_378 = arith.constant 0 : i32
        %dma_start3A_379 = arith.constant 0 : i32
        %dma_start3A_380 = tpu.memref_slice %arg7[%dma_start3A_378, %dma_start3A_379] : memref<10000x128xf32, #tpu.memory_space<vmem_shared>> -> memref<10000x128xf32, #tpu.memory_space<vmem_shared>>
        tpu.enqueue_indirect_dma source(%arg24 : memref<80x128xf32, #tpu.memory_space<vmem>>) target(%dma_start3A_380 : memref<10000x128xf32, #tpu.memory_space<vmem_shared>>) offsets(%arg10 : memref<80xi32, #tpu.memory_space<vmem>>) semaphore(%run_scoped3A : memref<!tpu.dma_semaphore, #tpu.memory_space<semaphore_mem>>) {add = true}
        %dma_wait3A_381 = arith.constant 0 : i32
        %dma_wait3A_382 = arith.constant 0 : i32
        %dma_wait3A_383 = tpu.memref_slice %arg7[%dma_wait3A_381, %dma_wait3A_382] : memref<10000x128xf32, #tpu.memory_space<vmem_shared>> -> memref<10000x128xf32, #tpu.memory_space<vmem_shared>>
        tpu.wait_indirect_dma semaphore(%run_scoped3A : memref<!tpu.dma_semaphore, #tpu.memory_space<semaphore_mem>>) src(%arg24 : memref<80x128xf32, #tpu.memory_space<vmem>>) dst(%dma_wait3A_383 : memref<10000x128xf32, #tpu.memory_space<vmem_shared>>)
        tpu.yield
      }) : () -> ()
      %dma_wait3A_197 = arith.constant 0 : i32
      %dma_wait3A_198 = arith.constant 0 : i32
      %dma_wait3A_199 = tpu.memref_slice %arg2[%dma_wait3A_197, %dma_wait3A_198] : memref<10000x128xf32, #tpu.memory_space<hbm>> -> memref<80x128xf32, #tpu.memory_space<hbm>>
      %dma_wait3A_200 = arith.constant 0 : i32
      %dma_wait3A_201 = arith.constant 0 : i32
      %dma_wait3A_202 = tpu.memref_slice %arg2[%dma_wait3A_200, %dma_wait3A_201] : memref<10000x128xf32, #tpu.memory_space<hbm>> -> memref<80x128xf32, #tpu.memory_space<hbm>>
      tpu.wait_dma2 semaphore(%arg34 : memref<!tpu.dma_semaphore, #tpu.memory_space<semaphore_mem>>) src(%dma_wait3A_202 : memref<80x128xf32, #tpu.memory_space<hbm>>) dst(%arg25 : memref<80x128xf32, #tpu.memory_space<vmem>>)
      "tpu.region"() ({
        %run_scoped3A = tpu.sem_alloc : memref<!tpu.dma_semaphore, #tpu.memory_space<semaphore_mem>>
        %dma_start3A_378 = arith.constant 0 : i32
        %dma_start3A_379 = arith.constant 0 : i32
        %dma_start3A_380 = tpu.memref_slice %arg7[%dma_start3A_378, %dma_start3A_379] : memref<10000x128xf32, #tpu.memory_space<vmem_shared>> -> memref<10000x128xf32, #tpu.memory_space<vmem_shared>>
        tpu.enqueue_indirect_dma source(%arg25 : memref<80x128xf32, #tpu.memory_space<vmem>>) target(%dma_start3A_380 : memref<10000x128xf32, #tpu.memory_space<vmem_shared>>) offsets(%arg11 : memref<80xi32, #tpu.memory_space<vmem>>) semaphore(%run_scoped3A : memref<!tpu.dma_semaphore, #tpu.memory_space<semaphore_mem>>) {add = true}
        %dma_wait3A_381 = arith.constant 0 : i32
        %dma_wait3A_382 = arith.constant 0 : i32
        %dma_wait3A_383 = tpu.memref_slice %arg7[%dma_wait3A_381, %dma_wait3A_382] : memref<10000x128xf32, #tpu.memory_space<vmem_shared>> -> memref<10000x128xf32, #tpu.memory_space<vmem_shared>>
        tpu.wait_indirect_dma semaphore(%run_scoped3A : memref<!tpu.dma_semaphore, #tpu.memory_space<semaphore_mem>>) src(%arg25 : memref<80x128xf32, #tpu.memory_space<vmem>>) dst(%dma_wait3A_383 : memref<10000x128xf32, #tpu.memory_space<vmem_shared>>)
        tpu.yield
      }) : () -> ()
      %add3A_203 = arith.constant 8 : i32
      %add3A_204 = arith.addi %add3A_184, %add3A_203 : i32
      %mul3A_205 = arith.constant 80 : i32
      %mul3A_206 = arith.muli %add3A_204, %mul3A_205 : i32
      %add3A_207 = arith.addi %mul3A_8, %mul3A_206 : i32
      %dma_start3A_208 = tpu.memref_slice %arg3[%add3A_207] : memref<320000xi32, #tpu.memory_space<hbm>> -> memref<80xi32, #tpu.memory_space<hbm>>
      %dma_start3A_209 = tpu.memref_slice %arg3[%add3A_207] : memref<320000xi32, #tpu.memory_space<hbm>> -> memref<80xi32, #tpu.memory_space<hbm>>
      tpu.enqueue_dma source(%dma_start3A_209 : memref<80xi32, #tpu.memory_space<hbm>>) target(%arg8 : memref<80xi32, #tpu.memory_space<vmem>>) target_semaphore(%arg29 : memref<!tpu.dma_semaphore, #tpu.memory_space<semaphore_mem>>)
      %mul3A_210 = arith.constant 80 : i32
      %mul3A_211 = arith.muli %add3A_204, %mul3A_210 : i32
      %add3A_212 = arith.addi %mul3A_8, %mul3A_211 : i32
      %dma_start3A_213 = tpu.memref_slice %arg4[%add3A_212] : memref<320000xi32, #tpu.memory_space<hbm>> -> memref<80xi32, #tpu.memory_space<hbm>>
      %dma_start3A_214 = tpu.memref_slice %arg4[%add3A_212] : memref<320000xi32, #tpu.memory_space<hbm>> -> memref<80xi32, #tpu.memory_space<hbm>>
      tpu.enqueue_dma source(%dma_start3A_214 : memref<80xi32, #tpu.memory_space<hbm>>) target(%arg10 : memref<80xi32, #tpu.memory_space<vmem>>) target_semaphore(%arg29 : memref<!tpu.dma_semaphore, #tpu.memory_space<semaphore_mem>>)
      %add3A_215 = arith.constant 9 : i32
      %add3A_216 = arith.addi %add3A_184, %add3A_215 : i32
      %mul3A_217 = arith.constant 80 : i32
      %mul3A_218 = arith.muli %add3A_216, %mul3A_217 : i32
      %add3A_219 = arith.addi %mul3A_8, %mul3A_218 : i32
      %dma_start3A_220 = tpu.memref_slice %arg3[%add3A_219] : memref<320000xi32, #tpu.memory_space<hbm>> -> memref<80xi32, #tpu.memory_space<hbm>>
      %dma_start3A_221 = tpu.memref_slice %arg3[%add3A_219] : memref<320000xi32, #tpu.memory_space<hbm>> -> memref<80xi32, #tpu.memory_space<hbm>>
      tpu.enqueue_dma source(%dma_start3A_221 : memref<80xi32, #tpu.memory_space<hbm>>) target(%arg9 : memref<80xi32, #tpu.memory_space<vmem>>) target_semaphore(%arg29 : memref<!tpu.dma_semaphore, #tpu.memory_space<semaphore_mem>>)
      %mul3A_222 = arith.constant 80 : i32
      %mul3A_223 = arith.muli %add3A_216, %mul3A_222 : i32
      %add3A_224 = arith.addi %mul3A_8, %mul3A_223 : i32
      %dma_start3A_225 = tpu.memref_slice %arg4[%add3A_224] : memref<320000xi32, #tpu.memory_space<hbm>> -> memref<80xi32, #tpu.memory_space<hbm>>
      %dma_start3A_226 = tpu.memref_slice %arg4[%add3A_224] : memref<320000xi32, #tpu.memory_space<hbm>> -> memref<80xi32, #tpu.memory_space<hbm>>
      tpu.enqueue_dma source(%dma_start3A_226 : memref<80xi32, #tpu.memory_space<hbm>>) target(%arg11 : memref<80xi32, #tpu.memory_space<vmem>>) target_semaphore(%arg29 : memref<!tpu.dma_semaphore, #tpu.memory_space<semaphore_mem>>)
      %dma_wait3A_227 = arith.constant 0 : i32
      %dma_wait3A_228 = tpu.memref_slice %arg3[%dma_wait3A_227] : memref<320000xi32, #tpu.memory_space<hbm>> -> memref<80xi32, #tpu.memory_space<hbm>>
      %dma_wait3A_229 = arith.constant 0 : i32
      %dma_wait3A_230 = tpu.memref_slice %arg3[%dma_wait3A_229] : memref<320000xi32, #tpu.memory_space<hbm>> -> memref<80xi32, #tpu.memory_space<hbm>>
      tpu.wait_dma2 semaphore(%arg31 : memref<!tpu.dma_semaphore, #tpu.memory_space<semaphore_mem>>) src(%dma_wait3A_230 : memref<80xi32, #tpu.memory_space<hbm>>) dst(%arg16 : memref<80xi32, #tpu.memory_space<vmem>>)
      %dma_wait3A_231 = arith.constant 0 : i32
      %dma_wait3A_232 = tpu.memref_slice %arg3[%dma_wait3A_231] : memref<320000xi32, #tpu.memory_space<hbm>> -> memref<80xi32, #tpu.memory_space<hbm>>
      %dma_wait3A_233 = arith.constant 0 : i32
      %dma_wait3A_234 = tpu.memref_slice %arg3[%dma_wait3A_233] : memref<320000xi32, #tpu.memory_space<hbm>> -> memref<80xi32, #tpu.memory_space<hbm>>
      tpu.wait_dma2 semaphore(%arg31 : memref<!tpu.dma_semaphore, #tpu.memory_space<semaphore_mem>>) src(%dma_wait3A_234 : memref<80xi32, #tpu.memory_space<hbm>>) dst(%arg18 : memref<80xi32, #tpu.memory_space<vmem>>)
      %dma_wait3A_235 = arith.constant 0 : i32
      %dma_wait3A_236 = tpu.memref_slice %arg3[%dma_wait3A_235] : memref<320000xi32, #tpu.memory_space<hbm>> -> memref<80xi32, #tpu.memory_space<hbm>>
      %dma_wait3A_237 = arith.constant 0 : i32
      %dma_wait3A_238 = tpu.memref_slice %arg3[%dma_wait3A_237] : memref<320000xi32, #tpu.memory_space<hbm>> -> memref<80xi32, #tpu.memory_space<hbm>>
      tpu.wait_dma2 semaphore(%arg31 : memref<!tpu.dma_semaphore, #tpu.memory_space<semaphore_mem>>) src(%dma_wait3A_238 : memref<80xi32, #tpu.memory_space<hbm>>) dst(%arg17 : memref<80xi32, #tpu.memory_space<vmem>>)
      %dma_wait3A_239 = arith.constant 0 : i32
      %dma_wait3A_240 = tpu.memref_slice %arg3[%dma_wait3A_239] : memref<320000xi32, #tpu.memory_space<hbm>> -> memref<80xi32, #tpu.memory_space<hbm>>
      %dma_wait3A_241 = arith.constant 0 : i32
      %dma_wait3A_242 = tpu.memref_slice %arg3[%dma_wait3A_241] : memref<320000xi32, #tpu.memory_space<hbm>> -> memref<80xi32, #tpu.memory_space<hbm>>
      tpu.wait_dma2 semaphore(%arg31 : memref<!tpu.dma_semaphore, #tpu.memory_space<semaphore_mem>>) src(%dma_wait3A_242 : memref<80xi32, #tpu.memory_space<hbm>>) dst(%arg19 : memref<80xi32, #tpu.memory_space<vmem>>)
      %dma_start3A_243 = arith.constant 0 : i32
      %dma_start3A_244 = arith.constant 0 : i32
      %dma_start3A_245 = tpu.memref_slice %arg2[%dma_start3A_243, %dma_start3A_244] : memref<10000x128xf32, #tpu.memory_space<hbm>> -> memref<10000x128xf32, #tpu.memory_space<hbm>>
      tpu.enqueue_indirect_dma source(%dma_start3A_245 : memref<10000x128xf32, #tpu.memory_space<hbm>>) target(%arg24 : memref<80x128xf32, #tpu.memory_space<vmem>>) offsets(%arg16 : memref<80xi32, #tpu.memory_space<vmem>>) semaphore(%arg33 : memref<!tpu.dma_semaphore, #tpu.memory_space<semaphore_mem>>)
      %dma_start3A_246 = arith.constant 0 : i32
      %dma_start3A_247 = arith.constant 0 : i32
      %dma_start3A_248 = tpu.memref_slice %arg2[%dma_start3A_246, %dma_start3A_247] : memref<10000x128xf32, #tpu.memory_space<hbm>> -> memref<10000x128xf32, #tpu.memory_space<hbm>>
      tpu.enqueue_indirect_dma source(%dma_start3A_248 : memref<10000x128xf32, #tpu.memory_space<hbm>>) target(%arg25 : memref<80x128xf32, #tpu.memory_space<vmem>>) offsets(%arg17 : memref<80xi32, #tpu.memory_space<vmem>>) semaphore(%arg34 : memref<!tpu.dma_semaphore, #tpu.memory_space<semaphore_mem>>)
      %dma_wait3A_249 = arith.constant 0 : i32
      %dma_wait3A_250 = arith.constant 0 : i32
      %dma_wait3A_251 = tpu.memref_slice %arg2[%dma_wait3A_249, %dma_wait3A_250] : memref<10000x128xf32, #tpu.memory_space<hbm>> -> memref<80x128xf32, #tpu.memory_space<hbm>>
      %dma_wait3A_252 = arith.constant 0 : i32
      %dma_wait3A_253 = arith.constant 0 : i32
      %dma_wait3A_254 = tpu.memref_slice %arg2[%dma_wait3A_252, %dma_wait3A_253] : memref<10000x128xf32, #tpu.memory_space<hbm>> -> memref<80x128xf32, #tpu.memory_space<hbm>>
      tpu.wait_dma2 semaphore(%arg35 : memref<!tpu.dma_semaphore, #tpu.memory_space<semaphore_mem>>) src(%dma_wait3A_254 : memref<80x128xf32, #tpu.memory_space<hbm>>) dst(%arg26 : memref<80x128xf32, #tpu.memory_space<vmem>>)
      "tpu.region"() ({
        %run_scoped3A = tpu.sem_alloc : memref<!tpu.dma_semaphore, #tpu.memory_space<semaphore_mem>>
        %dma_start3A_378 = arith.constant 0 : i32
        %dma_start3A_379 = arith.constant 0 : i32
        %dma_start3A_380 = tpu.memref_slice %arg7[%dma_start3A_378, %dma_start3A_379] : memref<10000x128xf32, #tpu.memory_space<vmem_shared>> -> memref<10000x128xf32, #tpu.memory_space<vmem_shared>>
        tpu.enqueue_indirect_dma source(%arg26 : memref<80x128xf32, #tpu.memory_space<vmem>>) target(%dma_start3A_380 : memref<10000x128xf32, #tpu.memory_space<vmem_shared>>) offsets(%arg14 : memref<80xi32, #tpu.memory_space<vmem>>) semaphore(%run_scoped3A : memref<!tpu.dma_semaphore, #tpu.memory_space<semaphore_mem>>) {add = true}
        %dma_wait3A_381 = arith.constant 0 : i32
        %dma_wait3A_382 = arith.constant 0 : i32
        %dma_wait3A_383 = tpu.memref_slice %arg7[%dma_wait3A_381, %dma_wait3A_382] : memref<10000x128xf32, #tpu.memory_space<vmem_shared>> -> memref<10000x128xf32, #tpu.memory_space<vmem_shared>>
        tpu.wait_indirect_dma semaphore(%run_scoped3A : memref<!tpu.dma_semaphore, #tpu.memory_space<semaphore_mem>>) src(%arg26 : memref<80x128xf32, #tpu.memory_space<vmem>>) dst(%dma_wait3A_383 : memref<10000x128xf32, #tpu.memory_space<vmem_shared>>)
        tpu.yield
      }) : () -> ()
      %dma_wait3A_255 = arith.constant 0 : i32
      %dma_wait3A_256 = arith.constant 0 : i32
      %dma_wait3A_257 = tpu.memref_slice %arg2[%dma_wait3A_255, %dma_wait3A_256] : memref<10000x128xf32, #tpu.memory_space<hbm>> -> memref<80x128xf32, #tpu.memory_space<hbm>>
      %dma_wait3A_258 = arith.constant 0 : i32
      %dma_wait3A_259 = arith.constant 0 : i32
      %dma_wait3A_260 = tpu.memref_slice %arg2[%dma_wait3A_258, %dma_wait3A_259] : memref<10000x128xf32, #tpu.memory_space<hbm>> -> memref<80x128xf32, #tpu.memory_space<hbm>>
      tpu.wait_dma2 semaphore(%arg36 : memref<!tpu.dma_semaphore, #tpu.memory_space<semaphore_mem>>) src(%dma_wait3A_260 : memref<80x128xf32, #tpu.memory_space<hbm>>) dst(%arg27 : memref<80x128xf32, #tpu.memory_space<vmem>>)
      "tpu.region"() ({
        %run_scoped3A = tpu.sem_alloc : memref<!tpu.dma_semaphore, #tpu.memory_space<semaphore_mem>>
        %dma_start3A_378 = arith.constant 0 : i32
        %dma_start3A_379 = arith.constant 0 : i32
        %dma_start3A_380 = tpu.memref_slice %arg7[%dma_start3A_378, %dma_start3A_379] : memref<10000x128xf32, #tpu.memory_space<vmem_shared>> -> memref<10000x128xf32, #tpu.memory_space<vmem_shared>>
        tpu.enqueue_indirect_dma source(%arg27 : memref<80x128xf32, #tpu.memory_space<vmem>>) target(%dma_start3A_380 : memref<10000x128xf32, #tpu.memory_space<vmem_shared>>) offsets(%arg15 : memref<80xi32, #tpu.memory_space<vmem>>) semaphore(%run_scoped3A : memref<!tpu.dma_semaphore, #tpu.memory_space<semaphore_mem>>) {add = true}
        %dma_wait3A_381 = arith.constant 0 : i32
        %dma_wait3A_382 = arith.constant 0 : i32
        %dma_wait3A_383 = tpu.memref_slice %arg7[%dma_wait3A_381, %dma_wait3A_382] : memref<10000x128xf32, #tpu.memory_space<vmem_shared>> -> memref<10000x128xf32, #tpu.memory_space<vmem_shared>>
        tpu.wait_indirect_dma semaphore(%run_scoped3A : memref<!tpu.dma_semaphore, #tpu.memory_space<semaphore_mem>>) src(%arg27 : memref<80x128xf32, #tpu.memory_space<vmem>>) dst(%dma_wait3A_383 : memref<10000x128xf32, #tpu.memory_space<vmem_shared>>)
        tpu.yield
      }) : () -> ()
      %add3A_261 = arith.constant 10 : i32
      %add3A_262 = arith.addi %add3A_184, %add3A_261 : i32
      %mul3A_263 = arith.constant 80 : i32
      %mul3A_264 = arith.muli %add3A_262, %mul3A_263 : i32
      %add3A_265 = arith.addi %mul3A_8, %mul3A_264 : i32
      %dma_start3A_266 = tpu.memref_slice %arg3[%add3A_265] : memref<320000xi32, #tpu.memory_space<hbm>> -> memref<80xi32, #tpu.memory_space<hbm>>
      %dma_start3A_267 = tpu.memref_slice %arg3[%add3A_265] : memref<320000xi32, #tpu.memory_space<hbm>> -> memref<80xi32, #tpu.memory_space<hbm>>
      tpu.enqueue_dma source(%dma_start3A_267 : memref<80xi32, #tpu.memory_space<hbm>>) target(%arg12 : memref<80xi32, #tpu.memory_space<vmem>>) target_semaphore(%arg30 : memref<!tpu.dma_semaphore, #tpu.memory_space<semaphore_mem>>)
      %mul3A_268 = arith.constant 80 : i32
      %mul3A_269 = arith.muli %add3A_262, %mul3A_268 : i32
      %add3A_270 = arith.addi %mul3A_8, %mul3A_269 : i32
      %dma_start3A_271 = tpu.memref_slice %arg4[%add3A_270] : memref<320000xi32, #tpu.memory_space<hbm>> -> memref<80xi32, #tpu.memory_space<hbm>>
      %dma_start3A_272 = tpu.memref_slice %arg4[%add3A_270] : memref<320000xi32, #tpu.memory_space<hbm>> -> memref<80xi32, #tpu.memory_space<hbm>>
      tpu.enqueue_dma source(%dma_start3A_272 : memref<80xi32, #tpu.memory_space<hbm>>) target(%arg14 : memref<80xi32, #tpu.memory_space<vmem>>) target_semaphore(%arg30 : memref<!tpu.dma_semaphore, #tpu.memory_space<semaphore_mem>>)
      %add3A_273 = arith.constant 11 : i32
      %add3A_274 = arith.addi %add3A_184, %add3A_273 : i32
      %mul3A_275 = arith.constant 80 : i32
      %mul3A_276 = arith.muli %add3A_274, %mul3A_275 : i32
      %add3A_277 = arith.addi %mul3A_8, %mul3A_276 : i32
      %dma_start3A_278 = tpu.memref_slice %arg3[%add3A_277] : memref<320000xi32, #tpu.memory_space<hbm>> -> memref<80xi32, #tpu.memory_space<hbm>>
      %dma_start3A_279 = tpu.memref_slice %arg3[%add3A_277] : memref<320000xi32, #tpu.memory_space<hbm>> -> memref<80xi32, #tpu.memory_space<hbm>>
      tpu.enqueue_dma source(%dma_start3A_279 : memref<80xi32, #tpu.memory_space<hbm>>) target(%arg13 : memref<80xi32, #tpu.memory_space<vmem>>) target_semaphore(%arg30 : memref<!tpu.dma_semaphore, #tpu.memory_space<semaphore_mem>>)
      %mul3A_280 = arith.constant 80 : i32
      %mul3A_281 = arith.muli %add3A_274, %mul3A_280 : i32
      %add3A_282 = arith.addi %mul3A_8, %mul3A_281 : i32
      %dma_start3A_283 = tpu.memref_slice %arg4[%add3A_282] : memref<320000xi32, #tpu.memory_space<hbm>> -> memref<80xi32, #tpu.memory_space<hbm>>
      %dma_start3A_284 = tpu.memref_slice %arg4[%add3A_282] : memref<320000xi32, #tpu.memory_space<hbm>> -> memref<80xi32, #tpu.memory_space<hbm>>
      tpu.enqueue_dma source(%dma_start3A_284 : memref<80xi32, #tpu.memory_space<hbm>>) target(%arg15 : memref<80xi32, #tpu.memory_space<vmem>>) target_semaphore(%arg30 : memref<!tpu.dma_semaphore, #tpu.memory_space<semaphore_mem>>)
      %dma_wait3A_285 = arith.constant 0 : i32
      %dma_wait3A_286 = tpu.memref_slice %arg3[%dma_wait3A_285] : memref<320000xi32, #tpu.memory_space<hbm>> -> memref<80xi32, #tpu.memory_space<hbm>>
      %dma_wait3A_287 = arith.constant 0 : i32
      %dma_wait3A_288 = tpu.memref_slice %arg3[%dma_wait3A_287] : memref<320000xi32, #tpu.memory_space<hbm>> -> memref<80xi32, #tpu.memory_space<hbm>>
      tpu.wait_dma2 semaphore(%arg32 : memref<!tpu.dma_semaphore, #tpu.memory_space<semaphore_mem>>) src(%dma_wait3A_288 : memref<80xi32, #tpu.memory_space<hbm>>) dst(%arg20 : memref<80xi32, #tpu.memory_space<vmem>>)
      %dma_wait3A_289 = arith.constant 0 : i32
      %dma_wait3A_290 = tpu.memref_slice %arg3[%dma_wait3A_289] : memref<320000xi32, #tpu.memory_space<hbm>> -> memref<80xi32, #tpu.memory_space<hbm>>
      %dma_wait3A_291 = arith.constant 0 : i32
      %dma_wait3A_292 = tpu.memref_slice %arg3[%dma_wait3A_291] : memref<320000xi32, #tpu.memory_space<hbm>> -> memref<80xi32, #tpu.memory_space<hbm>>
      tpu.wait_dma2 semaphore(%arg32 : memref<!tpu.dma_semaphore, #tpu.memory_space<semaphore_mem>>) src(%dma_wait3A_292 : memref<80xi32, #tpu.memory_space<hbm>>) dst(%arg22 : memref<80xi32, #tpu.memory_space<vmem>>)
      %dma_wait3A_293 = arith.constant 0 : i32
      %dma_wait3A_294 = tpu.memref_slice %arg3[%dma_wait3A_293] : memref<320000xi32, #tpu.memory_space<hbm>> -> memref<80xi32, #tpu.memory_space<hbm>>
      %dma_wait3A_295 = arith.constant 0 : i32
      %dma_wait3A_296 = tpu.memref_slice %arg3[%dma_wait3A_295] : memref<320000xi32, #tpu.memory_space<hbm>> -> memref<80xi32, #tpu.memory_space<hbm>>
      tpu.wait_dma2 semaphore(%arg32 : memref<!tpu.dma_semaphore, #tpu.memory_space<semaphore_mem>>) src(%dma_wait3A_296 : memref<80xi32, #tpu.memory_space<hbm>>) dst(%arg21 : memref<80xi32, #tpu.memory_space<vmem>>)
      %dma_wait3A_297 = arith.constant 0 : i32
      %dma_wait3A_298 = tpu.memref_slice %arg3[%dma_wait3A_297] : memref<320000xi32, #tpu.memory_space<hbm>> -> memref<80xi32, #tpu.memory_space<hbm>>
      %dma_wait3A_299 = arith.constant 0 : i32
      %dma_wait3A_300 = tpu.memref_slice %arg3[%dma_wait3A_299] : memref<320000xi32, #tpu.memory_space<hbm>> -> memref<80xi32, #tpu.memory_space<hbm>>
      tpu.wait_dma2 semaphore(%arg32 : memref<!tpu.dma_semaphore, #tpu.memory_space<semaphore_mem>>) src(%dma_wait3A_300 : memref<80xi32, #tpu.memory_space<hbm>>) dst(%arg23 : memref<80xi32, #tpu.memory_space<vmem>>)
      %dma_start3A_301 = arith.constant 0 : i32
      %dma_start3A_302 = arith.constant 0 : i32
      %dma_start3A_303 = tpu.memref_slice %arg2[%dma_start3A_301, %dma_start3A_302] : memref<10000x128xf32, #tpu.memory_space<hbm>> -> memref<10000x128xf32, #tpu.memory_space<hbm>>
      tpu.enqueue_indirect_dma source(%dma_start3A_303 : memref<10000x128xf32, #tpu.memory_space<hbm>>) target(%arg26 : memref<80x128xf32, #tpu.memory_space<vmem>>) offsets(%arg20 : memref<80xi32, #tpu.memory_space<vmem>>) semaphore(%arg35 : memref<!tpu.dma_semaphore, #tpu.memory_space<semaphore_mem>>)
      %dma_start3A_304 = arith.constant 0 : i32
      %dma_start3A_305 = arith.constant 0 : i32
      %dma_start3A_306 = tpu.memref_slice %arg2[%dma_start3A_304, %dma_start3A_305] : memref<10000x128xf32, #tpu.memory_space<hbm>> -> memref<10000x128xf32, #tpu.memory_space<hbm>>
      tpu.enqueue_indirect_dma source(%dma_start3A_306 : memref<10000x128xf32, #tpu.memory_space<hbm>>) target(%arg27 : memref<80x128xf32, #tpu.memory_space<vmem>>) offsets(%arg21 : memref<80xi32, #tpu.memory_space<vmem>>) semaphore(%arg36 : memref<!tpu.dma_semaphore, #tpu.memory_space<semaphore_mem>>)
      %dma_wait3A_307 = arith.constant 0 : i32
      %dma_wait3A_308 = arith.constant 0 : i32
      %dma_wait3A_309 = tpu.memref_slice %arg2[%dma_wait3A_307, %dma_wait3A_308] : memref<10000x128xf32, #tpu.memory_space<hbm>> -> memref<80x128xf32, #tpu.memory_space<hbm>>
      %dma_wait3A_310 = arith.constant 0 : i32
      %dma_wait3A_311 = arith.constant 0 : i32
      %dma_wait3A_312 = tpu.memref_slice %arg2[%dma_wait3A_310, %dma_wait3A_311] : memref<10000x128xf32, #tpu.memory_space<hbm>> -> memref<80x128xf32, #tpu.memory_space<hbm>>
      tpu.wait_dma2 semaphore(%arg33 : memref<!tpu.dma_semaphore, #tpu.memory_space<semaphore_mem>>) src(%dma_wait3A_312 : memref<80x128xf32, #tpu.memory_space<hbm>>) dst(%arg24 : memref<80x128xf32, #tpu.memory_space<vmem>>)
      "tpu.region"() ({
        %run_scoped3A = tpu.sem_alloc : memref<!tpu.dma_semaphore, #tpu.memory_space<semaphore_mem>>
        %dma_start3A_378 = arith.constant 0 : i32
        %dma_start3A_379 = arith.constant 0 : i32
        %dma_start3A_380 = tpu.memref_slice %arg7[%dma_start3A_378, %dma_start3A_379] : memref<10000x128xf32, #tpu.memory_space<vmem_shared>> -> memref<10000x128xf32, #tpu.memory_space<vmem_shared>>
        tpu.enqueue_indirect_dma source(%arg24 : memref<80x128xf32, #tpu.memory_space<vmem>>) target(%dma_start3A_380 : memref<10000x128xf32, #tpu.memory_space<vmem_shared>>) offsets(%arg18 : memref<80xi32, #tpu.memory_space<vmem>>) semaphore(%run_scoped3A : memref<!tpu.dma_semaphore, #tpu.memory_space<semaphore_mem>>) {add = true}
        %dma_wait3A_381 = arith.constant 0 : i32
        %dma_wait3A_382 = arith.constant 0 : i32
        %dma_wait3A_383 = tpu.memref_slice %arg7[%dma_wait3A_381, %dma_wait3A_382] : memref<10000x128xf32, #tpu.memory_space<vmem_shared>> -> memref<10000x128xf32, #tpu.memory_space<vmem_shared>>
        tpu.wait_indirect_dma semaphore(%run_scoped3A : memref<!tpu.dma_semaphore, #tpu.memory_space<semaphore_mem>>) src(%arg24 : memref<80x128xf32, #tpu.memory_space<vmem>>) dst(%dma_wait3A_383 : memref<10000x128xf32, #tpu.memory_space<vmem_shared>>)
        tpu.yield
      }) : () -> ()
      %dma_wait3A_313 = arith.constant 0 : i32
      %dma_wait3A_314 = arith.constant 0 : i32
      %dma_wait3A_315 = tpu.memref_slice %arg2[%dma_wait3A_313, %dma_wait3A_314] : memref<10000x128xf32, #tpu.memory_space<hbm>> -> memref<80x128xf32, #tpu.memory_space<hbm>>
      %dma_wait3A_316 = arith.constant 0 : i32
      %dma_wait3A_317 = arith.constant 0 : i32
      %dma_wait3A_318 = tpu.memref_slice %arg2[%dma_wait3A_316, %dma_wait3A_317] : memref<10000x128xf32, #tpu.memory_space<hbm>> -> memref<80x128xf32, #tpu.memory_space<hbm>>
      tpu.wait_dma2 semaphore(%arg34 : memref<!tpu.dma_semaphore, #tpu.memory_space<semaphore_mem>>) src(%dma_wait3A_318 : memref<80x128xf32, #tpu.memory_space<hbm>>) dst(%arg25 : memref<80x128xf32, #tpu.memory_space<vmem>>)
      "tpu.region"() ({
        %run_scoped3A = tpu.sem_alloc : memref<!tpu.dma_semaphore, #tpu.memory_space<semaphore_mem>>
        %dma_start3A_378 = arith.constant 0 : i32
        %dma_start3A_379 = arith.constant 0 : i32
        %dma_start3A_380 = tpu.memref_slice %arg7[%dma_start3A_378, %dma_start3A_379] : memref<10000x128xf32, #tpu.memory_space<vmem_shared>> -> memref<10000x128xf32, #tpu.memory_space<vmem_shared>>
        tpu.enqueue_indirect_dma source(%arg25 : memref<80x128xf32, #tpu.memory_space<vmem>>) target(%dma_start3A_380 : memref<10000x128xf32, #tpu.memory_space<vmem_shared>>) offsets(%arg19 : memref<80xi32, #tpu.memory_space<vmem>>) semaphore(%run_scoped3A : memref<!tpu.dma_semaphore, #tpu.memory_space<semaphore_mem>>) {add = true}
        %dma_wait3A_381 = arith.constant 0 : i32
        %dma_wait3A_382 = arith.constant 0 : i32
        %dma_wait3A_383 = tpu.memref_slice %arg7[%dma_wait3A_381, %dma_wait3A_382] : memref<10000x128xf32, #tpu.memory_space<vmem_shared>> -> memref<10000x128xf32, #tpu.memory_space<vmem_shared>>
        tpu.wait_indirect_dma semaphore(%run_scoped3A : memref<!tpu.dma_semaphore, #tpu.memory_space<semaphore_mem>>) src(%arg25 : memref<80x128xf32, #tpu.memory_space<vmem>>) dst(%dma_wait3A_383 : memref<10000x128xf32, #tpu.memory_space<vmem_shared>>)
        tpu.yield
      }) : () -> ()
      %lt3A = arith.constant 111 : i32
      %lt3A_319 = arith.cmpi slt, %add3A_184, %lt3A : i32
      %convert_element_type3A_320 = arith.extui %lt3A_319 : i1 to i32
      %cond3A_321 = arith.constant 0 : i32
      %cond3A_322 = arith.cmpi ne, %convert_element_type3A_320, %cond3A_321 : i32
      scf.if %cond3A_322 {
        %add3A_378 = arith.constant 12 : i32
        %add3A_379 = arith.addi %add3A_184, %add3A_378 : i32
        %mul3A_380 = arith.constant 80 : i32
        %mul3A_381 = arith.muli %add3A_379, %mul3A_380 : i32
        %add3A_382 = arith.addi %mul3A_8, %mul3A_381 : i32
        %dma_start3A_383 = tpu.memref_slice %arg3[%add3A_382] : memref<320000xi32, #tpu.memory_space<hbm>> -> memref<80xi32, #tpu.memory_space<hbm>>
        %dma_start3A_384 = tpu.memref_slice %arg3[%add3A_382] : memref<320000xi32, #tpu.memory_space<hbm>> -> memref<80xi32, #tpu.memory_space<hbm>>
        tpu.enqueue_dma source(%dma_start3A_384 : memref<80xi32, #tpu.memory_space<hbm>>) target(%arg16 : memref<80xi32, #tpu.memory_space<vmem>>) target_semaphore(%arg31 : memref<!tpu.dma_semaphore, #tpu.memory_space<semaphore_mem>>)
        %mul3A_385 = arith.constant 80 : i32
        %mul3A_386 = arith.muli %add3A_379, %mul3A_385 : i32
        %add3A_387 = arith.addi %mul3A_8, %mul3A_386 : i32
        %dma_start3A_388 = tpu.memref_slice %arg4[%add3A_387] : memref<320000xi32, #tpu.memory_space<hbm>> -> memref<80xi32, #tpu.memory_space<hbm>>
        %dma_start3A_389 = tpu.memref_slice %arg4[%add3A_387] : memref<320000xi32, #tpu.memory_space<hbm>> -> memref<80xi32, #tpu.memory_space<hbm>>
        tpu.enqueue_dma source(%dma_start3A_389 : memref<80xi32, #tpu.memory_space<hbm>>) target(%arg18 : memref<80xi32, #tpu.memory_space<vmem>>) target_semaphore(%arg31 : memref<!tpu.dma_semaphore, #tpu.memory_space<semaphore_mem>>)
        %add3A_390 = arith.constant 13 : i32
        %add3A_391 = arith.addi %add3A_184, %add3A_390 : i32
        %mul3A_392 = arith.constant 80 : i32
        %mul3A_393 = arith.muli %add3A_391, %mul3A_392 : i32
        %add3A_394 = arith.addi %mul3A_8, %mul3A_393 : i32
        %dma_start3A_395 = tpu.memref_slice %arg3[%add3A_394] : memref<320000xi32, #tpu.memory_space<hbm>> -> memref<80xi32, #tpu.memory_space<hbm>>
        %dma_start3A_396 = tpu.memref_slice %arg3[%add3A_394] : memref<320000xi32, #tpu.memory_space<hbm>> -> memref<80xi32, #tpu.memory_space<hbm>>
        tpu.enqueue_dma source(%dma_start3A_396 : memref<80xi32, #tpu.memory_space<hbm>>) target(%arg17 : memref<80xi32, #tpu.memory_space<vmem>>) target_semaphore(%arg31 : memref<!tpu.dma_semaphore, #tpu.memory_space<semaphore_mem>>)
        %mul3A_397 = arith.constant 80 : i32
        %mul3A_398 = arith.muli %add3A_391, %mul3A_397 : i32
        %add3A_399 = arith.addi %mul3A_8, %mul3A_398 : i32
        %dma_start3A_400 = tpu.memref_slice %arg4[%add3A_399] : memref<320000xi32, #tpu.memory_space<hbm>> -> memref<80xi32, #tpu.memory_space<hbm>>
        %dma_start3A_401 = tpu.memref_slice %arg4[%add3A_399] : memref<320000xi32, #tpu.memory_space<hbm>> -> memref<80xi32, #tpu.memory_space<hbm>>
        tpu.enqueue_dma source(%dma_start3A_401 : memref<80xi32, #tpu.memory_space<hbm>>) target(%arg19 : memref<80xi32, #tpu.memory_space<vmem>>) target_semaphore(%arg31 : memref<!tpu.dma_semaphore, #tpu.memory_space<semaphore_mem>>)
      } else {
      }
      %dma_wait3A_323 = arith.constant 0 : i32
      %dma_wait3A_324 = tpu.memref_slice %arg3[%dma_wait3A_323] : memref<320000xi32, #tpu.memory_space<hbm>> -> memref<80xi32, #tpu.memory_space<hbm>>
      %dma_wait3A_325 = arith.constant 0 : i32
      %dma_wait3A_326 = tpu.memref_slice %arg3[%dma_wait3A_325] : memref<320000xi32, #tpu.memory_space<hbm>> -> memref<80xi32, #tpu.memory_space<hbm>>
      tpu.wait_dma2 semaphore(%arg29 : memref<!tpu.dma_semaphore, #tpu.memory_space<semaphore_mem>>) src(%dma_wait3A_326 : memref<80xi32, #tpu.memory_space<hbm>>) dst(%arg8 : memref<80xi32, #tpu.memory_space<vmem>>)
      %dma_wait3A_327 = arith.constant 0 : i32
      %dma_wait3A_328 = tpu.memref_slice %arg3[%dma_wait3A_327] : memref<320000xi32, #tpu.memory_space<hbm>> -> memref<80xi32, #tpu.memory_space<hbm>>
      %dma_wait3A_329 = arith.constant 0 : i32
      %dma_wait3A_330 = tpu.memref_slice %arg3[%dma_wait3A_329] : memref<320000xi32, #tpu.memory_space<hbm>> -> memref<80xi32, #tpu.memory_space<hbm>>
      tpu.wait_dma2 semaphore(%arg29 : memref<!tpu.dma_semaphore, #tpu.memory_space<semaphore_mem>>) src(%dma_wait3A_330 : memref<80xi32, #tpu.memory_space<hbm>>) dst(%arg10 : memref<80xi32, #tpu.memory_space<vmem>>)
      %dma_wait3A_331 = arith.constant 0 : i32
      %dma_wait3A_332 = tpu.memref_slice %arg3[%dma_wait3A_331] : memref<320000xi32, #tpu.memory_space<hbm>> -> memref<80xi32, #tpu.memory_space<hbm>>
      %dma_wait3A_333 = arith.constant 0 : i32
      %dma_wait3A_334 = tpu.memref_slice %arg3[%dma_wait3A_333] : memref<320000xi32, #tpu.memory_space<hbm>> -> memref<80xi32, #tpu.memory_space<hbm>>
      tpu.wait_dma2 semaphore(%arg29 : memref<!tpu.dma_semaphore, #tpu.memory_space<semaphore_mem>>) src(%dma_wait3A_334 : memref<80xi32, #tpu.memory_space<hbm>>) dst(%arg9 : memref<80xi32, #tpu.memory_space<vmem>>)
      %dma_wait3A_335 = arith.constant 0 : i32
      %dma_wait3A_336 = tpu.memref_slice %arg3[%dma_wait3A_335] : memref<320000xi32, #tpu.memory_space<hbm>> -> memref<80xi32, #tpu.memory_space<hbm>>
      %dma_wait3A_337 = arith.constant 0 : i32
      %dma_wait3A_338 = tpu.memref_slice %arg3[%dma_wait3A_337] : memref<320000xi32, #tpu.memory_space<hbm>> -> memref<80xi32, #tpu.memory_space<hbm>>
      tpu.wait_dma2 semaphore(%arg29 : memref<!tpu.dma_semaphore, #tpu.memory_space<semaphore_mem>>) src(%dma_wait3A_338 : memref<80xi32, #tpu.memory_space<hbm>>) dst(%arg11 : memref<80xi32, #tpu.memory_space<vmem>>)
      %dma_start3A_339 = arith.constant 0 : i32
      %dma_start3A_340 = arith.constant 0 : i32
      %dma_start3A_341 = tpu.memref_slice %arg2[%dma_start3A_339, %dma_start3A_340] : memref<10000x128xf32, #tpu.memory_space<hbm>> -> memref<10000x128xf32, #tpu.memory_space<hbm>>
      tpu.enqueue_indirect_dma source(%dma_start3A_341 : memref<10000x128xf32, #tpu.memory_space<hbm>>) target(%arg24 : memref<80x128xf32, #tpu.memory_space<vmem>>) offsets(%arg8 : memref<80xi32, #tpu.memory_space<vmem>>) semaphore(%arg33 : memref<!tpu.dma_semaphore, #tpu.memory_space<semaphore_mem>>)
      %dma_start3A_342 = arith.constant 0 : i32
      %dma_start3A_343 = arith.constant 0 : i32
      %dma_start3A_344 = tpu.memref_slice %arg2[%dma_start3A_342, %dma_start3A_343] : memref<10000x128xf32, #tpu.memory_space<hbm>> -> memref<10000x128xf32, #tpu.memory_space<hbm>>
      tpu.enqueue_indirect_dma source(%dma_start3A_344 : memref<10000x128xf32, #tpu.memory_space<hbm>>) target(%arg25 : memref<80x128xf32, #tpu.memory_space<vmem>>) offsets(%arg9 : memref<80xi32, #tpu.memory_space<vmem>>) semaphore(%arg34 : memref<!tpu.dma_semaphore, #tpu.memory_space<semaphore_mem>>)
      %dma_wait3A_345 = arith.constant 0 : i32
      %dma_wait3A_346 = arith.constant 0 : i32
      %dma_wait3A_347 = tpu.memref_slice %arg2[%dma_wait3A_345, %dma_wait3A_346] : memref<10000x128xf32, #tpu.memory_space<hbm>> -> memref<80x128xf32, #tpu.memory_space<hbm>>
      %dma_wait3A_348 = arith.constant 0 : i32
      %dma_wait3A_349 = arith.constant 0 : i32
      %dma_wait3A_350 = tpu.memref_slice %arg2[%dma_wait3A_348, %dma_wait3A_349] : memref<10000x128xf32, #tpu.memory_space<hbm>> -> memref<80x128xf32, #tpu.memory_space<hbm>>
      tpu.wait_dma2 semaphore(%arg35 : memref<!tpu.dma_semaphore, #tpu.memory_space<semaphore_mem>>) src(%dma_wait3A_350 : memref<80x128xf32, #tpu.memory_space<hbm>>) dst(%arg26 : memref<80x128xf32, #tpu.memory_space<vmem>>)
      "tpu.region"() ({
        %run_scoped3A = tpu.sem_alloc : memref<!tpu.dma_semaphore, #tpu.memory_space<semaphore_mem>>
        %dma_start3A_378 = arith.constant 0 : i32
        %dma_start3A_379 = arith.constant 0 : i32
        %dma_start3A_380 = tpu.memref_slice %arg7[%dma_start3A_378, %dma_start3A_379] : memref<10000x128xf32, #tpu.memory_space<vmem_shared>> -> memref<10000x128xf32, #tpu.memory_space<vmem_shared>>
        tpu.enqueue_indirect_dma source(%arg26 : memref<80x128xf32, #tpu.memory_space<vmem>>) target(%dma_start3A_380 : memref<10000x128xf32, #tpu.memory_space<vmem_shared>>) offsets(%arg22 : memref<80xi32, #tpu.memory_space<vmem>>) semaphore(%run_scoped3A : memref<!tpu.dma_semaphore, #tpu.memory_space<semaphore_mem>>) {add = true}
        %dma_wait3A_381 = arith.constant 0 : i32
        %dma_wait3A_382 = arith.constant 0 : i32
        %dma_wait3A_383 = tpu.memref_slice %arg7[%dma_wait3A_381, %dma_wait3A_382] : memref<10000x128xf32, #tpu.memory_space<vmem_shared>> -> memref<10000x128xf32, #tpu.memory_space<vmem_shared>>
        tpu.wait_indirect_dma semaphore(%run_scoped3A : memref<!tpu.dma_semaphore, #tpu.memory_space<semaphore_mem>>) src(%arg26 : memref<80x128xf32, #tpu.memory_space<vmem>>) dst(%dma_wait3A_383 : memref<10000x128xf32, #tpu.memory_space<vmem_shared>>)
        tpu.yield
      }) : () -> ()
      %dma_wait3A_351 = arith.constant 0 : i32
      %dma_wait3A_352 = arith.constant 0 : i32
      %dma_wait3A_353 = tpu.memref_slice %arg2[%dma_wait3A_351, %dma_wait3A_352] : memref<10000x128xf32, #tpu.memory_space<hbm>> -> memref<80x128xf32, #tpu.memory_space<hbm>>
      %dma_wait3A_354 = arith.constant 0 : i32
      %dma_wait3A_355 = arith.constant 0 : i32
      %dma_wait3A_356 = tpu.memref_slice %arg2[%dma_wait3A_354, %dma_wait3A_355] : memref<10000x128xf32, #tpu.memory_space<hbm>> -> memref<80x128xf32, #tpu.memory_space<hbm>>
      tpu.wait_dma2 semaphore(%arg36 : memref<!tpu.dma_semaphore, #tpu.memory_space<semaphore_mem>>) src(%dma_wait3A_356 : memref<80x128xf32, #tpu.memory_space<hbm>>) dst(%arg27 : memref<80x128xf32, #tpu.memory_space<vmem>>)
      "tpu.region"() ({
        %run_scoped3A = tpu.sem_alloc : memref<!tpu.dma_semaphore, #tpu.memory_space<semaphore_mem>>
        %dma_start3A_378 = arith.constant 0 : i32
        %dma_start3A_379 = arith.constant 0 : i32
        %dma_start3A_380 = tpu.memref_slice %arg7[%dma_start3A_378, %dma_start3A_379] : memref<10000x128xf32, #tpu.memory_space<vmem_shared>> -> memref<10000x128xf32, #tpu.memory_space<vmem_shared>>
        tpu.enqueue_indirect_dma source(%arg27 : memref<80x128xf32, #tpu.memory_space<vmem>>) target(%dma_start3A_380 : memref<10000x128xf32, #tpu.memory_space<vmem_shared>>) offsets(%arg23 : memref<80xi32, #tpu.memory_space<vmem>>) semaphore(%run_scoped3A : memref<!tpu.dma_semaphore, #tpu.memory_space<semaphore_mem>>) {add = true}
        %dma_wait3A_381 = arith.constant 0 : i32
        %dma_wait3A_382 = arith.constant 0 : i32
        %dma_wait3A_383 = tpu.memref_slice %arg7[%dma_wait3A_381, %dma_wait3A_382] : memref<10000x128xf32, #tpu.memory_space<vmem_shared>> -> memref<10000x128xf32, #tpu.memory_space<vmem_shared>>
        tpu.wait_indirect_dma semaphore(%run_scoped3A : memref<!tpu.dma_semaphore, #tpu.memory_space<semaphore_mem>>) src(%arg27 : memref<80x128xf32, #tpu.memory_space<vmem>>) dst(%dma_wait3A_383 : memref<10000x128xf32, #tpu.memory_space<vmem_shared>>)
        tpu.yield
      }) : () -> ()
      %lt3A_357 = arith.constant 109 : i32
      %lt3A_358 = arith.cmpi slt, %add3A_184, %lt3A_357 : i32
      %convert_element_type3A_359 = arith.extui %lt3A_358 : i1 to i32
      %cond3A_360 = arith.constant 0 : i32
      %cond3A_361 = arith.cmpi ne, %convert_element_type3A_359, %cond3A_360 : i32
      scf.if %cond3A_361 {
        %add3A_378 = arith.constant 14 : i32
        %add3A_379 = arith.addi %add3A_184, %add3A_378 : i32
        %mul3A_380 = arith.constant 80 : i32
        %mul3A_381 = arith.muli %add3A_379, %mul3A_380 : i32
        %add3A_382 = arith.addi %mul3A_8, %mul3A_381 : i32
        %dma_start3A_383 = tpu.memref_slice %arg3[%add3A_382] : memref<320000xi32, #tpu.memory_space<hbm>> -> memref<80xi32, #tpu.memory_space<hbm>>
        %dma_start3A_384 = tpu.memref_slice %arg3[%add3A_382] : memref<320000xi32, #tpu.memory_space<hbm>> -> memref<80xi32, #tpu.memory_space<hbm>>
        tpu.enqueue_dma source(%dma_start3A_384 : memref<80xi32, #tpu.memory_space<hbm>>) target(%arg20 : memref<80xi32, #tpu.memory_space<vmem>>) target_semaphore(%arg32 : memref<!tpu.dma_semaphore, #tpu.memory_space<semaphore_mem>>)
        %mul3A_385 = arith.constant 80 : i32
        %mul3A_386 = arith.muli %add3A_379, %mul3A_385 : i32
        %add3A_387 = arith.addi %mul3A_8, %mul3A_386 : i32
        %dma_start3A_388 = tpu.memref_slice %arg4[%add3A_387] : memref<320000xi32, #tpu.memory_space<hbm>> -> memref<80xi32, #tpu.memory_space<hbm>>
        %dma_start3A_389 = tpu.memref_slice %arg4[%add3A_387] : memref<320000xi32, #tpu.memory_space<hbm>> -> memref<80xi32, #tpu.memory_space<hbm>>
        tpu.enqueue_dma source(%dma_start3A_389 : memref<80xi32, #tpu.memory_space<hbm>>) target(%arg22 : memref<80xi32, #tpu.memory_space<vmem>>) target_semaphore(%arg32 : memref<!tpu.dma_semaphore, #tpu.memory_space<semaphore_mem>>)
        %add3A_390 = arith.constant 15 : i32
        %add3A_391 = arith.addi %add3A_184, %add3A_390 : i32
        %mul3A_392 = arith.constant 80 : i32
        %mul3A_393 = arith.muli %add3A_391, %mul3A_392 : i32
        %add3A_394 = arith.addi %mul3A_8, %mul3A_393 : i32
        %dma_start3A_395 = tpu.memref_slice %arg3[%add3A_394] : memref<320000xi32, #tpu.memory_space<hbm>> -> memref<80xi32, #tpu.memory_space<hbm>>
        %dma_start3A_396 = tpu.memref_slice %arg3[%add3A_394] : memref<320000xi32, #tpu.memory_space<hbm>> -> memref<80xi32, #tpu.memory_space<hbm>>
        tpu.enqueue_dma source(%dma_start3A_396 : memref<80xi32, #tpu.memory_space<hbm>>) target(%arg21 : memref<80xi32, #tpu.memory_space<vmem>>) target_semaphore(%arg32 : memref<!tpu.dma_semaphore, #tpu.memory_space<semaphore_mem>>)
        %mul3A_397 = arith.constant 80 : i32
        %mul3A_398 = arith.muli %add3A_391, %mul3A_397 : i32
        %add3A_399 = arith.addi %mul3A_8, %mul3A_398 : i32
        %dma_start3A_400 = tpu.memref_slice %arg4[%add3A_399] : memref<320000xi32, #tpu.memory_space<hbm>> -> memref<80xi32, #tpu.memory_space<hbm>>
        %dma_start3A_401 = tpu.memref_slice %arg4[%add3A_399] : memref<320000xi32, #tpu.memory_space<hbm>> -> memref<80xi32, #tpu.memory_space<hbm>>
        tpu.enqueue_dma source(%dma_start3A_401 : memref<80xi32, #tpu.memory_space<hbm>>) target(%arg23 : memref<80xi32, #tpu.memory_space<vmem>>) target_semaphore(%arg32 : memref<!tpu.dma_semaphore, #tpu.memory_space<semaphore_mem>>)
      } else {
      }
      %dma_wait3A_362 = arith.constant 0 : i32
      %dma_wait3A_363 = tpu.memref_slice %arg3[%dma_wait3A_362] : memref<320000xi32, #tpu.memory_space<hbm>> -> memref<80xi32, #tpu.memory_space<hbm>>
      %dma_wait3A_364 = arith.constant 0 : i32
      %dma_wait3A_365 = tpu.memref_slice %arg3[%dma_wait3A_364] : memref<320000xi32, #tpu.memory_space<hbm>> -> memref<80xi32, #tpu.memory_space<hbm>>
      tpu.wait_dma2 semaphore(%arg30 : memref<!tpu.dma_semaphore, #tpu.memory_space<semaphore_mem>>) src(%dma_wait3A_365 : memref<80xi32, #tpu.memory_space<hbm>>) dst(%arg12 : memref<80xi32, #tpu.memory_space<vmem>>)
      %dma_wait3A_366 = arith.constant 0 : i32
      %dma_wait3A_367 = tpu.memref_slice %arg3[%dma_wait3A_366] : memref<320000xi32, #tpu.memory_space<hbm>> -> memref<80xi32, #tpu.memory_space<hbm>>
      %dma_wait3A_368 = arith.constant 0 : i32
      %dma_wait3A_369 = tpu.memref_slice %arg3[%dma_wait3A_368] : memref<320000xi32, #tpu.memory_space<hbm>> -> memref<80xi32, #tpu.memory_space<hbm>>
      tpu.wait_dma2 semaphore(%arg30 : memref<!tpu.dma_semaphore, #tpu.memory_space<semaphore_mem>>) src(%dma_wait3A_369 : memref<80xi32, #tpu.memory_space<hbm>>) dst(%arg14 : memref<80xi32, #tpu.memory_space<vmem>>)
      %dma_wait3A_370 = arith.constant 0 : i32
      %dma_wait3A_371 = tpu.memref_slice %arg3[%dma_wait3A_370] : memref<320000xi32, #tpu.memory_space<hbm>> -> memref<80xi32, #tpu.memory_space<hbm>>
      %dma_wait3A_372 = arith.constant 0 : i32
      %dma_wait3A_373 = tpu.memref_slice %arg3[%dma_wait3A_372] : memref<320000xi32, #tpu.memory_space<hbm>> -> memref<80xi32, #tpu.memory_space<hbm>>
      tpu.wait_dma2 semaphore(%arg30 : memref<!tpu.dma_semaphore, #tpu.memory_space<semaphore_mem>>) src(%dma_wait3A_373 : memref<80xi32, #tpu.memory_space<hbm>>) dst(%arg13 : memref<80xi32, #tpu.memory_space<vmem>>)
      %dma_wait3A_374 = arith.constant 0 : i32
      %dma_wait3A_375 = tpu.memref_slice %arg3[%dma_wait3A_374] : memref<320000xi32, #tpu.memory_space<hbm>> -> memref<80xi32, #tpu.memory_space<hbm>>
      %dma_wait3A_376 = arith.constant 0 : i32
      %dma_wait3A_377 = tpu.memref_slice %arg3[%dma_wait3A_376] : memref<320000xi32, #tpu.memory_space<hbm>> -> memref<80xi32, #tpu.memory_space<hbm>>
      tpu.wait_dma2 semaphore(%arg30 : memref<!tpu.dma_semaphore, #tpu.memory_space<semaphore_mem>>) src(%dma_wait3A_377 : memref<80xi32, #tpu.memory_space<hbm>>) dst(%arg15 : memref<80xi32, #tpu.memory_space<vmem>>)
    }
    %scan3A_139 = arith.constant 15 : i32
    %dma_start3A_140 = arith.constant 0 : i32
    %dma_start3A_141 = arith.constant 0 : i32
    %dma_start3A_142 = tpu.memref_slice %arg2[%dma_start3A_140, %dma_start3A_141] : memref<10000x128xf32, #tpu.memory_space<hbm>> -> memref<10000x128xf32, #tpu.memory_space<hbm>>
    tpu.enqueue_indirect_dma source(%dma_start3A_142 : memref<10000x128xf32, #tpu.memory_space<hbm>>) target(%arg26 : memref<80x128xf32, #tpu.memory_space<vmem>>) offsets(%arg12 : memref<80xi32, #tpu.memory_space<vmem>>) semaphore(%arg35 : memref<!tpu.dma_semaphore, #tpu.memory_space<semaphore_mem>>)
    %dma_start3A_143 = arith.constant 0 : i32
    %dma_start3A_144 = arith.constant 0 : i32
    %dma_start3A_145 = tpu.memref_slice %arg2[%dma_start3A_143, %dma_start3A_144] : memref<10000x128xf32, #tpu.memory_space<hbm>> -> memref<10000x128xf32, #tpu.memory_space<hbm>>
    tpu.enqueue_indirect_dma source(%dma_start3A_145 : memref<10000x128xf32, #tpu.memory_space<hbm>>) target(%arg27 : memref<80x128xf32, #tpu.memory_space<vmem>>) offsets(%arg13 : memref<80xi32, #tpu.memory_space<vmem>>) semaphore(%arg36 : memref<!tpu.dma_semaphore, #tpu.memory_space<semaphore_mem>>)
    %dma_wait3A_146 = arith.constant 0 : i32
    %dma_wait3A_147 = arith.constant 0 : i32
    %dma_wait3A_148 = tpu.memref_slice %arg2[%dma_wait3A_146, %dma_wait3A_147] : memref<10000x128xf32, #tpu.memory_space<hbm>> -> memref<80x128xf32, #tpu.memory_space<hbm>>
    %dma_wait3A_149 = arith.constant 0 : i32
    %dma_wait3A_150 = arith.constant 0 : i32
    %dma_wait3A_151 = tpu.memref_slice %arg2[%dma_wait3A_149, %dma_wait3A_150] : memref<10000x128xf32, #tpu.memory_space<hbm>> -> memref<80x128xf32, #tpu.memory_space<hbm>>
    tpu.wait_dma2 semaphore(%arg33 : memref<!tpu.dma_semaphore, #tpu.memory_space<semaphore_mem>>) src(%dma_wait3A_151 : memref<80x128xf32, #tpu.memory_space<hbm>>) dst(%arg24 : memref<80x128xf32, #tpu.memory_space<vmem>>)
    "tpu.region"() ({
      %run_scoped3A = tpu.sem_alloc : memref<!tpu.dma_semaphore, #tpu.memory_space<semaphore_mem>>
      %dma_start3A_180 = arith.constant 0 : i32
      %dma_start3A_181 = arith.constant 0 : i32
      %dma_start3A_182 = tpu.memref_slice %arg7[%dma_start3A_180, %dma_start3A_181] : memref<10000x128xf32, #tpu.memory_space<vmem_shared>> -> memref<10000x128xf32, #tpu.memory_space<vmem_shared>>
      tpu.enqueue_indirect_dma source(%arg24 : memref<80x128xf32, #tpu.memory_space<vmem>>) target(%dma_start3A_182 : memref<10000x128xf32, #tpu.memory_space<vmem_shared>>) offsets(%arg10 : memref<80xi32, #tpu.memory_space<vmem>>) semaphore(%run_scoped3A : memref<!tpu.dma_semaphore, #tpu.memory_space<semaphore_mem>>) {add = true}
      %dma_wait3A_183 = arith.constant 0 : i32
      %dma_wait3A_184 = arith.constant 0 : i32
      %dma_wait3A_185 = tpu.memref_slice %arg7[%dma_wait3A_183, %dma_wait3A_184] : memref<10000x128xf32, #tpu.memory_space<vmem_shared>> -> memref<10000x128xf32, #tpu.memory_space<vmem_shared>>
      tpu.wait_indirect_dma semaphore(%run_scoped3A : memref<!tpu.dma_semaphore, #tpu.memory_space<semaphore_mem>>) src(%arg24 : memref<80x128xf32, #tpu.memory_space<vmem>>) dst(%dma_wait3A_185 : memref<10000x128xf32, #tpu.memory_space<vmem_shared>>)
      tpu.yield
    }) : () -> ()
    %dma_wait3A_152 = arith.constant 0 : i32
    %dma_wait3A_153 = arith.constant 0 : i32
    %dma_wait3A_154 = tpu.memref_slice %arg2[%dma_wait3A_152, %dma_wait3A_153] : memref<10000x128xf32, #tpu.memory_space<hbm>> -> memref<80x128xf32, #tpu.memory_space<hbm>>
    %dma_wait3A_155 = arith.constant 0 : i32
    %dma_wait3A_156 = arith.constant 0 : i32
    %dma_wait3A_157 = tpu.memref_slice %arg2[%dma_wait3A_155, %dma_wait3A_156] : memref<10000x128xf32, #tpu.memory_space<hbm>> -> memref<80x128xf32, #tpu.memory_space<hbm>>
    tpu.wait_dma2 semaphore(%arg34 : memref<!tpu.dma_semaphore, #tpu.memory_space<semaphore_mem>>) src(%dma_wait3A_157 : memref<80x128xf32, #tpu.memory_space<hbm>>) dst(%arg25 : memref<80x128xf32, #tpu.memory_space<vmem>>)
    "tpu.region"() ({
      %run_scoped3A = tpu.sem_alloc : memref<!tpu.dma_semaphore, #tpu.memory_space<semaphore_mem>>
      %dma_start3A_180 = arith.constant 0 : i32
      %dma_start3A_181 = arith.constant 0 : i32
      %dma_start3A_182 = tpu.memref_slice %arg7[%dma_start3A_180, %dma_start3A_181] : memref<10000x128xf32, #tpu.memory_space<vmem_shared>> -> memref<10000x128xf32, #tpu.memory_space<vmem_shared>>
      tpu.enqueue_indirect_dma source(%arg25 : memref<80x128xf32, #tpu.memory_space<vmem>>) target(%dma_start3A_182 : memref<10000x128xf32, #tpu.memory_space<vmem_shared>>) offsets(%arg11 : memref<80xi32, #tpu.memory_space<vmem>>) semaphore(%run_scoped3A : memref<!tpu.dma_semaphore, #tpu.memory_space<semaphore_mem>>) {add = true}
      %dma_wait3A_183 = arith.constant 0 : i32
      %dma_wait3A_184 = arith.constant 0 : i32
      %dma_wait3A_185 = tpu.memref_slice %arg7[%dma_wait3A_183, %dma_wait3A_184] : memref<10000x128xf32, #tpu.memory_space<vmem_shared>> -> memref<10000x128xf32, #tpu.memory_space<vmem_shared>>
      tpu.wait_indirect_dma semaphore(%run_scoped3A : memref<!tpu.dma_semaphore, #tpu.memory_space<semaphore_mem>>) src(%arg25 : memref<80x128xf32, #tpu.memory_space<vmem>>) dst(%dma_wait3A_185 : memref<10000x128xf32, #tpu.memory_space<vmem_shared>>)
      tpu.yield
    }) : () -> ()
    %dma_wait3A_158 = arith.constant 0 : i32
    %dma_wait3A_159 = arith.constant 0 : i32
    %dma_wait3A_160 = tpu.memref_slice %arg2[%dma_wait3A_158, %dma_wait3A_159] : memref<10000x128xf32, #tpu.memory_space<hbm>> -> memref<80x128xf32, #tpu.memory_space<hbm>>
    %dma_wait3A_161 = arith.constant 0 : i32
    %dma_wait3A_162 = arith.constant 0 : i32
    %dma_wait3A_163 = tpu.memref_slice %arg2[%dma_wait3A_161, %dma_wait3A_162] : memref<10000x128xf32, #tpu.memory_space<hbm>> -> memref<80x128xf32, #tpu.memory_space<hbm>>
    tpu.wait_dma2 semaphore(%arg35 : memref<!tpu.dma_semaphore, #tpu.memory_space<semaphore_mem>>) src(%dma_wait3A_163 : memref<80x128xf32, #tpu.memory_space<hbm>>) dst(%arg26 : memref<80x128xf32, #tpu.memory_space<vmem>>)
    "tpu.region"() ({
      %run_scoped3A = tpu.sem_alloc : memref<!tpu.dma_semaphore, #tpu.memory_space<semaphore_mem>>
      %dma_start3A_180 = arith.constant 0 : i32
      %dma_start3A_181 = arith.constant 0 : i32
      %dma_start3A_182 = tpu.memref_slice %arg7[%dma_start3A_180, %dma_start3A_181] : memref<10000x128xf32, #tpu.memory_space<vmem_shared>> -> memref<10000x128xf32, #tpu.memory_space<vmem_shared>>
      tpu.enqueue_indirect_dma source(%arg26 : memref<80x128xf32, #tpu.memory_space<vmem>>) target(%dma_start3A_182 : memref<10000x128xf32, #tpu.memory_space<vmem_shared>>) offsets(%arg14 : memref<80xi32, #tpu.memory_space<vmem>>) semaphore(%run_scoped3A : memref<!tpu.dma_semaphore, #tpu.memory_space<semaphore_mem>>) {add = true}
      %dma_wait3A_183 = arith.constant 0 : i32
      %dma_wait3A_184 = arith.constant 0 : i32
      %dma_wait3A_185 = tpu.memref_slice %arg7[%dma_wait3A_183, %dma_wait3A_184] : memref<10000x128xf32, #tpu.memory_space<vmem_shared>> -> memref<10000x128xf32, #tpu.memory_space<vmem_shared>>
      tpu.wait_indirect_dma semaphore(%run_scoped3A : memref<!tpu.dma_semaphore, #tpu.memory_space<semaphore_mem>>) src(%arg26 : memref<80x128xf32, #tpu.memory_space<vmem>>) dst(%dma_wait3A_185 : memref<10000x128xf32, #tpu.memory_space<vmem_shared>>)
      tpu.yield
    }) : () -> ()
    %dma_wait3A_164 = arith.constant 0 : i32
    %dma_wait3A_165 = arith.constant 0 : i32
    %dma_wait3A_166 = tpu.memref_slice %arg2[%dma_wait3A_164, %dma_wait3A_165] : memref<10000x128xf32, #tpu.memory_space<hbm>> -> memref<80x128xf32, #tpu.memory_space<hbm>>
    %dma_wait3A_167 = arith.constant 0 : i32
    %dma_wait3A_168 = arith.constant 0 : i32
    %dma_wait3A_169 = tpu.memref_slice %arg2[%dma_wait3A_167, %dma_wait3A_168] : memref<10000x128xf32, #tpu.memory_space<hbm>> -> memref<80x128xf32, #tpu.memory_space<hbm>>
    tpu.wait_dma2 semaphore(%arg36 : memref<!tpu.dma_semaphore, #tpu.memory_space<semaphore_mem>>) src(%dma_wait3A_169 : memref<80x128xf32, #tpu.memory_space<hbm>>) dst(%arg27 : memref<80x128xf32, #tpu.memory_space<vmem>>)
    "tpu.region"() ({
      %run_scoped3A = tpu.sem_alloc : memref<!tpu.dma_semaphore, #tpu.memory_space<semaphore_mem>>
      %dma_start3A_180 = arith.constant 0 : i32
      %dma_start3A_181 = arith.constant 0 : i32
      %dma_start3A_182 = tpu.memref_slice %arg7[%dma_start3A_180, %dma_start3A_181] : memref<10000x128xf32, #tpu.memory_space<vmem_shared>> -> memref<10000x128xf32, #tpu.memory_space<vmem_shared>>
      tpu.enqueue_indirect_dma source(%arg27 : memref<80x128xf32, #tpu.memory_space<vmem>>) target(%dma_start3A_182 : memref<10000x128xf32, #tpu.memory_space<vmem_shared>>) offsets(%arg15 : memref<80xi32, #tpu.memory_space<vmem>>) semaphore(%run_scoped3A : memref<!tpu.dma_semaphore, #tpu.memory_space<semaphore_mem>>) {add = true}
      %dma_wait3A_183 = arith.constant 0 : i32
      %dma_wait3A_184 = arith.constant 0 : i32
      %dma_wait3A_185 = tpu.memref_slice %arg7[%dma_wait3A_183, %dma_wait3A_184] : memref<10000x128xf32, #tpu.memory_space<vmem_shared>> -> memref<10000x128xf32, #tpu.memory_space<vmem_shared>>
      tpu.wait_indirect_dma semaphore(%run_scoped3A : memref<!tpu.dma_semaphore, #tpu.memory_space<semaphore_mem>>) src(%arg27 : memref<80x128xf32, #tpu.memory_space<vmem>>) dst(%dma_wait3A_185 : memref<10000x128xf32, #tpu.memory_space<vmem_shared>>)
      tpu.yield
    }) : () -> ()
    %barrier3A_170 = arith.constant 0 : index
    tpu.barrier barrier_id(%barrier3A_170)
    %mul3A_171 = arith.constant 624 : i32
    %mul3A_172 = arith.muli %arg1, %mul3A_171 : i32
    %mul3A_173 = arith.constant 624 : i32
    %mul3A_174 = arith.muli %arg1, %mul3A_173 : i32
    "tpu.region"() ({
      %run_scoped3A = tpu.sem_alloc : memref<!tpu.dma_semaphore, #tpu.memory_space<semaphore_mem>>
      %dma_start3A_180 = arith.constant 0 : i32
      %dma_start3A_181 = tpu.memref_slice %arg6[%arg0, %mul3A_174, %dma_start3A_180] : memref<2x10000x128xf32, #tpu.memory_space<hbm>> -> memref<1x624x128xf32, #tpu.memory_space<hbm>>
      %dma_start3A_182 = tpu.memref_squeeze %dma_start3A_181 : memref<1x624x128xf32, #tpu.memory_space<hbm>> -> memref<624x128xf32, #tpu.memory_space<hbm>>
      %dma_start3A_183 = arith.constant 0 : i32
      %dma_start3A_184 = tpu.memref_slice %arg7[%mul3A_172, %dma_start3A_183] : memref<10000x128xf32, #tpu.memory_space<vmem_shared>> -> memref<624x128xf32, #tpu.memory_space<vmem_shared>>
      tpu.enqueue_dma source(%dma_start3A_184 : memref<624x128xf32, #tpu.memory_space<vmem_shared>>) target(%dma_start3A_182 : memref<624x128xf32, #tpu.memory_space<hbm>>) target_semaphore(%run_scoped3A : memref<!tpu.dma_semaphore, #tpu.memory_space<semaphore_mem>>)
      %dma_wait3A_185 = arith.constant 0 : i32
      %dma_wait3A_186 = tpu.memref_slice %arg6[%arg0, %mul3A_174, %dma_wait3A_185] : memref<2x10000x128xf32, #tpu.memory_space<hbm>> -> memref<1x624x128xf32, #tpu.memory_space<hbm>>
      %dma_wait3A_187 = tpu.memref_squeeze %dma_wait3A_186 : memref<1x624x128xf32, #tpu.memory_space<hbm>> -> memref<624x128xf32, #tpu.memory_space<hbm>>
      %dma_wait3A_188 = arith.constant 0 : i32
      %dma_wait3A_189 = tpu.memref_slice %arg7[%mul3A_172, %dma_wait3A_188] : memref<10000x128xf32, #tpu.memory_space<vmem_shared>> -> memref<624x128xf32, #tpu.memory_space<vmem_shared>>
      tpu.wait_dma2 semaphore(%run_scoped3A : memref<!tpu.dma_semaphore, #tpu.memory_space<semaphore_mem>>) src(%dma_wait3A_189 : memref<624x128xf32, #tpu.memory_space<vmem_shared>>) dst(%dma_wait3A_187 : memref<624x128xf32, #tpu.memory_space<hbm>>)
      tpu.yield
    }) : () -> ()
    %eq3A_175 = arith.constant 15 : i32
    %eq3A_176 = arith.cmpi eq, %arg1, %eq3A_175 : i32
    %convert_element_type3A_177 = arith.extui %eq3A_176 : i1 to i32
    %cond3A_178 = arith.constant 0 : i32
    %cond3A_179 = arith.cmpi ne, %convert_element_type3A_177, %cond3A_178 : i32
    scf.if %cond3A_179 {
      "tpu.region"() ({
        %run_scoped3A = tpu.sem_alloc : memref<!tpu.dma_semaphore, #tpu.memory_space<semaphore_mem>>
        %dma_start3A_180 = arith.constant 9984 : i32
        %dma_start3A_181 = arith.constant 0 : i32
        %dma_start3A_182 = tpu.memref_slice %arg6[%arg0, %dma_start3A_180, %dma_start3A_181] : memref<2x10000x128xf32, #tpu.memory_space<hbm>> -> memref<1x16x128xf32, #tpu.memory_space<hbm>>
        %dma_start3A_183 = tpu.memref_squeeze %dma_start3A_182 : memref<1x16x128xf32, #tpu.memory_space<hbm>> -> memref<16x128xf32, #tpu.memory_space<hbm>>
        %dma_start3A_184 = arith.constant 9984 : i32
        %dma_start3A_185 = arith.constant 0 : i32
        %dma_start3A_186 = tpu.memref_slice %arg7[%dma_start3A_184, %dma_start3A_185] : memref<10000x128xf32, #tpu.memory_space<vmem_shared>> -> memref<16x128xf32, #tpu.memory_space<vmem_shared>>
        tpu.enqueue_dma source(%dma_start3A_186 : memref<16x128xf32, #tpu.memory_space<vmem_shared>>) target(%dma_start3A_183 : memref<16x128xf32, #tpu.memory_space<hbm>>) target_semaphore(%run_scoped3A : memref<!tpu.dma_semaphore, #tpu.memory_space<semaphore_mem>>)
        %dma_wait3A_187 = arith.constant 9984 : i32
        %dma_wait3A_188 = arith.constant 0 : i32
        %dma_wait3A_189 = tpu.memref_slice %arg6[%arg0, %dma_wait3A_187, %dma_wait3A_188] : memref<2x10000x128xf32, #tpu.memory_space<hbm>> -> memref<1x16x128xf32, #tpu.memory_space<hbm>>
        %dma_wait3A_190 = tpu.memref_squeeze %dma_wait3A_189 : memref<1x16x128xf32, #tpu.memory_space<hbm>> -> memref<16x128xf32, #tpu.memory_space<hbm>>
        %dma_wait3A_191 = arith.constant 9984 : i32
        %dma_wait3A_192 = arith.constant 0 : i32
        %dma_wait3A_193 = tpu.memref_slice %arg7[%dma_wait3A_191, %dma_wait3A_192] : memref<10000x128xf32, #tpu.memory_space<vmem_shared>> -> memref<16x128xf32, #tpu.memory_space<vmem_shared>>
        tpu.wait_dma2 semaphore(%run_scoped3A : memref<!tpu.dma_semaphore, #tpu.memory_space<semaphore_mem>>) src(%dma_wait3A_193 : memref<16x128xf32, #tpu.memory_space<vmem_shared>>) dst(%dma_wait3A_190 : memref<16x128xf32, #tpu.memory_space<hbm>>)
        tpu.yield
      }) : () -> ()
    } else {
    }
    return
  }
}

module attributes {stable_mosaic.version = 14 : i64} {
  func.func @_mlp_block(%arg0: i32, %arg1: memref<2x1000x128xf32, #tpu.memory_space<vmem>>, %arg2: memref<1000x128xf32, #tpu.memory_space<vmem>>, %arg3: memref<128x128xf32, #tpu.memory_space<vmem>>, %arg4: memref<1x128xf32, #tpu.memory_space<vmem>>, %arg5: memref<128x128xf32, #tpu.memory_space<vmem>>, %arg6: memref<1x128xf32, #tpu.memory_space<vmem>>, %arg7: memref<1000x128xf32, #tpu.memory_space<vmem>>) attributes {dimension_semantics = [#tpu.dimension_semantics<arbitrary>], iteration_bounds = array<i64: 10>, scalar_prefetch = 0 : i64, scratch_operands = 0 : i64, tpu.core_type = #tpu.core_type<tc>, window_params = [{transform_indices = @transform_0, window_bounds = array<i64: 2, 1000, 128>}, {transform_indices = @transform_1, window_bounds = array<i64: 1000, 128>}, {pipeline_mode = #tpu.pipeline_mode<synchronous>, transform_indices = @transform_2, window_bounds = array<i64: 128, 128>}, {pipeline_mode = #tpu.pipeline_mode<synchronous>, transform_indices = @transform_3, window_bounds = array<i64: 1, 128>}, {pipeline_mode = #tpu.pipeline_mode<synchronous>, transform_indices = @transform_4, window_bounds = array<i64: 128, 128>}, {pipeline_mode = #tpu.pipeline_mode<synchronous>, transform_indices = @transform_5, window_bounds = array<i64: 1, 128>}, {transform_indices = @transform_6, window_bounds = array<i64: 1000, 128>}]} {
    %get3A = arith.constant 0 : index
    %get3A_0 = arith.constant 0 : index
    %get3A_1 = vector.load %arg2[%get3A, %get3A_0] : memref<1000x128xf32, #tpu.memory_space<vmem>>, vector<1000x128xf32>
    %get3A_2 = arith.constant 0 : index
    %get3A_3 = arith.constant 0 : index
    %get3A_4 = arith.constant 0 : index
    %get3A_5 = vector.load %arg1[%get3A_2, %get3A_3, %get3A_4] : memref<2x1000x128xf32, #tpu.memory_space<vmem>>, vector<1x1000x128xf32>
    %get3A_6 = vector.shape_cast %get3A_5 : vector<1x1000x128xf32> to vector<1000x128xf32>
    %add3A = arith.addf %get3A_1, %get3A_6 : vector<1000x128xf32>
    %get3A_7 = arith.constant 1 : index
    %get3A_8 = arith.constant 0 : index
    %get3A_9 = arith.constant 0 : index
    %get3A_10 = vector.load %arg1[%get3A_7, %get3A_8, %get3A_9] : memref<2x1000x128xf32, #tpu.memory_space<vmem>>, vector<1x1000x128xf32>
    %get3A_11 = vector.shape_cast %get3A_10 : vector<1x1000x128xf32> to vector<1000x128xf32>
    %add3A_12 = arith.addf %add3A, %get3A_11 : vector<1000x128xf32>
    %get3A_13 = arith.constant 0 : index
    %get3A_14 = arith.constant 0 : index
    %get3A_15 = vector.load %arg3[%get3A_13, %get3A_14] : memref<128x128xf32, #tpu.memory_space<vmem>>, vector<128x128xf32>
    %dot_general3A = arith.constant dense<0.000000e+00> : vector<1000x128xf32>
    %dot_general3A_16 = tpu.matmul %add3A_12, %get3A_15, %dot_general3A {dimension_numbers = #tpu.dot_dimension_numbers<[1], [0], [0], [1], [0, 0, 1, 1], [], []>, transpose_lhs_hint = false} : vector<1000x128xf32>, vector<128x128xf32>, vector<1000x128xf32> -> vector<1000x128xf32>
    %get3A_17 = arith.constant 0 : index
    %get3A_18 = arith.constant 0 : index
    %get3A_19 = vector.load %arg4[%get3A_17, %get3A_18] : memref<1x128xf32, #tpu.memory_space<vmem>>, vector<1x128xf32>
    %add3A_20 = vector.broadcast %get3A_19 : vector<1x128xf32> to vector<1000x128xf32>
    %add3A_21 = arith.addf %dot_general3A_16, %add3A_20 : vector<1000x128xf32>
    %max3A = arith.constant 0.000000e+00 : f32
    %max3A_22 = vector.broadcast %max3A : f32 to vector<1000x128xf32>
    %max3A_23 = arith.maximumf %add3A_21, %max3A_22 : vector<1000x128xf32>
    %get3A_24 = arith.constant 0 : index
    %get3A_25 = arith.constant 0 : index
    %get3A_26 = vector.load %arg5[%get3A_24, %get3A_25] : memref<128x128xf32, #tpu.memory_space<vmem>>, vector<128x128xf32>
    %dot_general3A_27 = arith.constant dense<0.000000e+00> : vector<1000x128xf32>
    %dot_general3A_28 = tpu.matmul %max3A_23, %get3A_26, %dot_general3A_27 {dimension_numbers = #tpu.dot_dimension_numbers<[1], [0], [0], [1], [0, 0, 1, 1], [], []>, transpose_lhs_hint = false} : vector<1000x128xf32>, vector<128x128xf32>, vector<1000x128xf32> -> vector<1000x128xf32>
    %get3A_29 = arith.constant 0 : index
    %get3A_30 = arith.constant 0 : index
    %get3A_31 = vector.load %arg6[%get3A_29, %get3A_30] : memref<1x128xf32, #tpu.memory_space<vmem>>, vector<1x128xf32>
    %add3A_32 = vector.broadcast %get3A_31 : vector<1x128xf32> to vector<1000x128xf32>
    %add3A_33 = arith.addf %dot_general3A_28, %add3A_32 : vector<1000x128xf32>
    %swap3A = arith.constant 0 : index
    %swap3A_34 = arith.constant 0 : index
    %swap3A_35 = vector.load %arg7[%swap3A, %swap3A_34] : memref<1000x128xf32, #tpu.memory_space<vmem>>, vector<1000x128xf32>
    tpu.vector_store %arg7[%swap3A, %swap3A_34], %add3A_33 {strides = array<i32>} : memref<1000x128xf32, #tpu.memory_space<vmem>>, vector<1000x128xf32>,
    return
  }
  func.func @transform_0(%arg0: i32) -> (i32, i32, i32) {
    %c0_i32 = arith.constant 0 : i32
    %c0_i32_0 = arith.constant 0 : i32
    %c0_i32_1 = arith.constant 0 : i32
    return %c0_i32, %arg0, %c0_i32_0 : i32, i32, i32
  }
  func.func @transform_1(%arg0: i32) -> (i32, i32) {
    %c0_i32 = arith.constant 0 : i32
    %c0_i32_0 = arith.constant 0 : i32
    return %arg0, %c0_i32 : i32, i32
  }
  func.func @transform_2(%arg0: i32) -> (i32, i32) {
    %c0_i32 = arith.constant 0 : i32
    %c0_i32_0 = arith.constant 0 : i32
    %c0_i32_1 = arith.constant 0 : i32
    return %c0_i32, %c0_i32_0 : i32, i32
  }
  func.func @transform_3(%arg0: i32) -> (i32, i32) {
    %c0_i32 = arith.constant 0 : i32
    %c0_i32_0 = arith.constant 0 : i32
    %c0_i32_1 = arith.constant 0 : i32
    return %c0_i32, %c0_i32_0 : i32, i32
  }
  func.func @transform_4(%arg0: i32) -> (i32, i32) {
    %c0_i32 = arith.constant 0 : i32
    %c0_i32_0 = arith.constant 0 : i32
    %c0_i32_1 = arith.constant 0 : i32
    return %c0_i32, %c0_i32_0 : i32, i32
  }
  func.func @transform_5(%arg0: i32) -> (i32, i32) {
    %c0_i32 = arith.constant 0 : i32
    %c0_i32_0 = arith.constant 0 : i32
    %c0_i32_1 = arith.constant 0 : i32
    return %c0_i32, %c0_i32_0 : i32, i32
  }
  func.func @transform_6(%arg0: i32) -> (i32, i32) {
    %c0_i32 = arith.constant 0 : i32
    %c0_i32_0 = arith.constant 0 : i32
    return %arg0, %c0_i32 : i32, i32
  }
}

module attributes {stable_mosaic.version = 14 : i64} {
  func.func @_mlp_final_block(%arg0: i32, %arg1: memref<2x1000x128xf32, #tpu.memory_space<vmem>>, %arg2: memref<1000x128xf32, #tpu.memory_space<vmem>>, %arg3: memref<128x128xf32, #tpu.memory_space<vmem>>, %arg4: memref<1x128xf32, #tpu.memory_space<vmem>>, %arg5: memref<128x128xf32, #tpu.memory_space<vmem>>, %arg6: memref<1x128xf32, #tpu.memory_space<vmem>>, %arg7: memref<128x40xf32, #tpu.memory_space<vmem>>, %arg8: memref<1x40xf32, #tpu.memory_space<vmem>>, %arg9: memref<1000x128xf32, #tpu.memory_space<vmem>>, %arg10: memref<1000x40xf32, #tpu.memory_space<vmem>>) attributes {dimension_semantics = [#tpu.dimension_semantics<arbitrary>], iteration_bounds = array<i64: 10>, scalar_prefetch = 0 : i64, scratch_operands = 0 : i64, tpu.core_type = #tpu.core_type<tc>, window_params = [{transform_indices = @transform_0, window_bounds = array<i64: 2, 1000, 128>}, {transform_indices = @transform_1, window_bounds = array<i64: 1000, 128>}, {pipeline_mode = #tpu.pipeline_mode<synchronous>, transform_indices = @transform_2, window_bounds = array<i64: 128, 128>}, {pipeline_mode = #tpu.pipeline_mode<synchronous>, transform_indices = @transform_3, window_bounds = array<i64: 1, 128>}, {pipeline_mode = #tpu.pipeline_mode<synchronous>, transform_indices = @transform_4, window_bounds = array<i64: 128, 128>}, {pipeline_mode = #tpu.pipeline_mode<synchronous>, transform_indices = @transform_5, window_bounds = array<i64: 1, 128>}, {pipeline_mode = #tpu.pipeline_mode<synchronous>, transform_indices = @transform_6, window_bounds = array<i64: 128, 40>}, {pipeline_mode = #tpu.pipeline_mode<synchronous>, transform_indices = @transform_7, window_bounds = array<i64: 1, 40>}, {transform_indices = @transform_8, window_bounds = array<i64: 1000, 128>}, {transform_indices = @transform_9, window_bounds = array<i64: 1000, 40>}]} {
    %get3A = arith.constant 0 : index
    %get3A_0 = arith.constant 0 : index
    %get3A_1 = vector.load %arg2[%get3A, %get3A_0] : memref<1000x128xf32, #tpu.memory_space<vmem>>, vector<1000x128xf32>
    %get3A_2 = arith.constant 0 : index
    %get3A_3 = arith.constant 0 : index
    %get3A_4 = arith.constant 0 : index
    %get3A_5 = vector.load %arg1[%get3A_2, %get3A_3, %get3A_4] : memref<2x1000x128xf32, #tpu.memory_space<vmem>>, vector<1x1000x128xf32>
    %get3A_6 = vector.shape_cast %get3A_5 : vector<1x1000x128xf32> to vector<1000x128xf32>
    %add3A = arith.addf %get3A_1, %get3A_6 : vector<1000x128xf32>
    %get3A_7 = arith.constant 1 : index
    %get3A_8 = arith.constant 0 : index
    %get3A_9 = arith.constant 0 : index
    %get3A_10 = vector.load %arg1[%get3A_7, %get3A_8, %get3A_9] : memref<2x1000x128xf32, #tpu.memory_space<vmem>>, vector<1x1000x128xf32>
    %get3A_11 = vector.shape_cast %get3A_10 : vector<1x1000x128xf32> to vector<1000x128xf32>
    %add3A_12 = arith.addf %add3A, %get3A_11 : vector<1000x128xf32>
    %get3A_13 = arith.constant 0 : index
    %get3A_14 = arith.constant 0 : index
    %get3A_15 = vector.load %arg3[%get3A_13, %get3A_14] : memref<128x128xf32, #tpu.memory_space<vmem>>, vector<128x128xf32>
    %dot_general3A = arith.constant dense<0.000000e+00> : vector<1000x128xf32>
    %dot_general3A_16 = tpu.matmul %add3A_12, %get3A_15, %dot_general3A {dimension_numbers = #tpu.dot_dimension_numbers<[1], [0], [0], [1], [0, 0, 1, 1], [], []>, transpose_lhs_hint = false} : vector<1000x128xf32>, vector<128x128xf32>, vector<1000x128xf32> -> vector<1000x128xf32>
    %get3A_17 = arith.constant 0 : index
    %get3A_18 = arith.constant 0 : index
    %get3A_19 = vector.load %arg4[%get3A_17, %get3A_18] : memref<1x128xf32, #tpu.memory_space<vmem>>, vector<1x128xf32>
    %add3A_20 = vector.broadcast %get3A_19 : vector<1x128xf32> to vector<1000x128xf32>
    %add3A_21 = arith.addf %dot_general3A_16, %add3A_20 : vector<1000x128xf32>
    %max3A = arith.constant 0.000000e+00 : f32
    %max3A_22 = vector.broadcast %max3A : f32 to vector<1000x128xf32>
    %max3A_23 = arith.maximumf %add3A_21, %max3A_22 : vector<1000x128xf32>
    %get3A_24 = arith.constant 0 : index
    %get3A_25 = arith.constant 0 : index
    %get3A_26 = vector.load %arg5[%get3A_24, %get3A_25] : memref<128x128xf32, #tpu.memory_space<vmem>>, vector<128x128xf32>
    %dot_general3A_27 = arith.constant dense<0.000000e+00> : vector<1000x128xf32>
    %dot_general3A_28 = tpu.matmul %max3A_23, %get3A_26, %dot_general3A_27 {dimension_numbers = #tpu.dot_dimension_numbers<[1], [0], [0], [1], [0, 0, 1, 1], [], []>, transpose_lhs_hint = false} : vector<1000x128xf32>, vector<128x128xf32>, vector<1000x128xf32> -> vector<1000x128xf32>
    %get3A_29 = arith.constant 0 : index
    %get3A_30 = arith.constant 0 : index
    %get3A_31 = vector.load %arg6[%get3A_29, %get3A_30] : memref<1x128xf32, #tpu.memory_space<vmem>>, vector<1x128xf32>
    %add3A_32 = vector.broadcast %get3A_31 : vector<1x128xf32> to vector<1000x128xf32>
    %add3A_33 = arith.addf %dot_general3A_28, %add3A_32 : vector<1000x128xf32>
    %swap3A = arith.constant 0 : index
    %swap3A_34 = arith.constant 0 : index
    %swap3A_35 = vector.load %arg9[%swap3A, %swap3A_34] : memref<1000x128xf32, #tpu.memory_space<vmem>>, vector<1000x128xf32>
    tpu.vector_store %arg9[%swap3A, %swap3A_34], %add3A_33 {strides = array<i32>} : memref<1000x128xf32, #tpu.memory_space<vmem>>, vector<1000x128xf32>,
    %get3A_36 = arith.constant 0 : index
    %get3A_37 = arith.constant 0 : index
    %get3A_38 = vector.load %arg7[%get3A_36, %get3A_37] : memref<128x40xf32, #tpu.memory_space<vmem>>, vector<128x40xf32>
    %dot_general3A_39 = arith.constant dense<0.000000e+00> : vector<1000x40xf32>
    %dot_general3A_40 = tpu.matmul %add3A_33, %get3A_38, %dot_general3A_39 {dimension_numbers = #tpu.dot_dimension_numbers<[1], [0], [0], [1], [0, 0, 1, 1], [], []>, transpose_lhs_hint = false} : vector<1000x128xf32>, vector<128x40xf32>, vector<1000x40xf32> -> vector<1000x40xf32>
    %get3A_41 = arith.constant 0 : index
    %get3A_42 = arith.constant 0 : index
    %get3A_43 = vector.load %arg8[%get3A_41, %get3A_42] : memref<1x40xf32, #tpu.memory_space<vmem>>, vector<1x40xf32>
    %add3A_44 = vector.broadcast %get3A_43 : vector<1x40xf32> to vector<1000x40xf32>
    %add3A_45 = arith.addf %dot_general3A_40, %add3A_44 : vector<1000x40xf32>
    %swap3A_46 = arith.constant 0 : index
    %swap3A_47 = arith.constant 0 : index
    %swap3A_48 = vector.load %arg10[%swap3A_46, %swap3A_47] : memref<1000x40xf32, #tpu.memory_space<vmem>>, vector<1000x40xf32>
    tpu.vector_store %arg10[%swap3A_46, %swap3A_47], %add3A_45 {strides = array<i32>} : memref<1000x40xf32, #tpu.memory_space<vmem>>, vector<1000x40xf32>,
    return
  }
  func.func @transform_0(%arg0: i32) -> (i32, i32, i32) {
    %c0_i32 = arith.constant 0 : i32
    %c0_i32_0 = arith.constant 0 : i32
    %c0_i32_1 = arith.constant 0 : i32
    return %c0_i32, %arg0, %c0_i32_0 : i32, i32, i32
  }
  func.func @transform_1(%arg0: i32) -> (i32, i32) {
    %c0_i32 = arith.constant 0 : i32
    %c0_i32_0 = arith.constant 0 : i32
    return %arg0, %c0_i32 : i32, i32
  }
  func.func @transform_2(%arg0: i32) -> (i32, i32) {
    %c0_i32 = arith.constant 0 : i32
    %c0_i32_0 = arith.constant 0 : i32
    %c0_i32_1 = arith.constant 0 : i32
    return %c0_i32, %c0_i32_0 : i32, i32
  }
  func.func @transform_3(%arg0: i32) -> (i32, i32) {
    %c0_i32 = arith.constant 0 : i32
    %c0_i32_0 = arith.constant 0 : i32
    %c0_i32_1 = arith.constant 0 : i32
    return %c0_i32, %c0_i32_0 : i32, i32
  }
  func.func @transform_4(%arg0: i32) -> (i32, i32) {
    %c0_i32 = arith.constant 0 : i32
    %c0_i32_0 = arith.constant 0 : i32
    %c0_i32_1 = arith.constant 0 : i32
    return %c0_i32, %c0_i32_0 : i32, i32
  }
  func.func @transform_5(%arg0: i32) -> (i32, i32) {
    %c0_i32 = arith.constant 0 : i32
    %c0_i32_0 = arith.constant 0 : i32
    %c0_i32_1 = arith.constant 0 : i32
    return %c0_i32, %c0_i32_0 : i32, i32
  }
  func.func @transform_6(%arg0: i32) -> (i32, i32) {
    %c0_i32 = arith.constant 0 : i32
    %c0_i32_0 = arith.constant 0 : i32
    %c0_i32_1 = arith.constant 0 : i32
    return %c0_i32, %c0_i32_0 : i32, i32
  }
  func.func @transform_7(%arg0: i32) -> (i32, i32) {
    %c0_i32 = arith.constant 0 : i32
    %c0_i32_0 = arith.constant 0 : i32
    %c0_i32_1 = arith.constant 0 : i32
    return %c0_i32, %c0_i32_0 : i32, i32
  }
  func.func @transform_8(%arg0: i32) -> (i32, i32) {
    %c0_i32 = arith.constant 0 : i32
    %c0_i32_0 = arith.constant 0 : i32
    return %arg0, %c0_i32 : i32, i32
  }
  func.func @transform_9(%arg0: i32) -> (i32, i32) {
    %c0_i32 = arith.constant 0 : i32
    %c0_i32_0 = arith.constant 0 : i32
    return %arg0, %c0_i32 : i32, i32
  }
}

</mosaic_0001>

<sc_bundles>
// kernel: kernel.11.cloned.1.call-start
scs
__scs_entry_jumppad:
0x0: {  	(pc) =	sbr.rel $0x88, $3  }
0x1: {  	(tag) =	ssettag $0x0;
	lr =	simm.s32 $0x1  }
0x2: {  	[smem:$0x3F91] =	sst lr;
	_ =	strace $0xD0000000  }
0x3: {  	_ = 	snop  }
0x4: {  	_ = 	snop  }
0x5: {  	_ = 	snop  }
0x6: {  	_ = 	snop  }
0x7: {  	_ = 	snop  }
__scs_overlays_trampoline_lowered:
0x8: {  	[smem:$0x3FA0] =	sst s0  }
0x9: {  	[smem:$0x3FA1] =	sst s1  }
0xa: {  	[smem:$0x3FA2] =	sst s2  }
0xb: {  	[smem:$0x3FA3] =	sst s3  }
0xc: {  	[smem:$0x3FA4] =	sst s4  }
0xd: {  	[smem:$0x3FA5] =	sst s5  }
0xe: {  	[smem:$0x3FA6] =	sst s6  }
0xf: {  	[smem:$0x3FA7] =	sst s7  }
0x10: {  	[smem:$0x3FA8] =	sst s8  }
0x11: {  	[smem:$0x3FA9] =	sst s9;
	s0 =	simm.s32 @!p0 $0x0  }
0x12: {  	s1 =	sld [smem:$0x3F8F];
	s0 =	simm.s32 @p0 $0x1  }
0x13: {  	[smem:$0x3FAA] =	sst s0;
	s0 =	simm.s32 @!p1 $0x0  }
0x14: {  	s2 =	sld [smem:$0x3F8E];
	s0 =	simm.s32 @p1 $0x1  }
0x15: {  	[smem:$0x3FAB] =	sst s0;
	s0 =	simm.s32 @!p2 $0x0  }
0x16: {  	s3 =	sld [smem:$0x3FDB];
	s0 =	simm.s32 @p2 $0x1  }
0x17: {  	s4 =	simm.s32 $0x1BF5;
	[smem:$0x3FAD] =	sst s0  }
0x18: {  	s0 =	sld [smem:$0x3F90];
	_ =	swait.ge [sflag:s4], $0x0  }
0x19: {  	s7 =	sld [smem:$0x3F91]  }
0x1a: {  	s8 =	sadd.s32 $0xFFFFE003, lr  }
0x1b: {  	s9 =	sadd.s32 $0xFFFFFEF7, lr;
	s5 =	simm.s32 $0xFFFFFFFF;
	p2 =	slt.u32 s8, $0xFFFFF086  }
0x1c: {  	p1 =	slt.u32 s9, $0xF7A;
	s5 =	simm.s32 @!p2 $0x0  }
0x1d: {  	s5 =	simm.s32 @p1 $0x1;
	p0 =	seq.s32 s7, s2  }
0x1e: {  	s7 =	smul.u32 @!p0 $0xF7A, s2;
	p2 =	seq.s32 @!p0 s5, $0x0  }
0x1f: {  	s9 =	smul.u32 $0xF7A, s1;
	s8 =	simm.s32 @!p0 $0x1BF5;
	p2 =	por !p2, p0  }
0x20: {  	[sflag:s8] =	ssyncset.s32 @!p0 $0xFFFFF086;
	s6 =	sadd.s32 @!p0 s3, s7;
	s7 =	simm.s32 @!p0 $0x108  }
0x21: {  	s3 =	sadd.s32 s3, s9;
	s6 =	sadd.s32 @!p0 $0x88, s6;
	s7 =	simm.s32 @p2 $0x1082  }
0x22: {  	[simem:s7], [sflag:s8] =	dma.local @!p0 [hbm:s6], $0xF7A  }
0x23: {  	s9 =	sor.u32 $0xD0000000, s2;
	s6 =	simm.s32 $0x108;
	_ =	swait.ge @!p0 [sflag:s8], $0x0  }
0x24: {  	s3 =	sadd.s32 $0x88, s3;
	s6 =	simm.s32 @!p1 $0x1082;
	[sflag:s4] =	ssyncset.s32 $0xFFFFF086  }
0x25: {  	[simem:s6], [sflag:s4] =	dma.local [hbm:s3], $0xF7A  }
0x26: {  	[smem:$0x3F91] =	sst s1;
	(tag) =	ssettag s2;
	_ =	strace s9  }
0x27: {  	s1 =	sld [smem:$0x3FA1]  }
0x28: {  	s2 =	sld [smem:$0x3FA2]  }
0x29: {  	s4 =	sld [smem:$0x3FA4]  }
0x2a: {  	p0 =	seq.s32 s5, $0x0;
	s5 =	sld [smem:$0x3FA5]  }
0x2b: {  	s6 =	sld [smem:$0x3FA6]  }
0x2c: {  	s7 =	sld [smem:$0x3FA7]  }
0x2d: {  	s3 =	simm.s32 $0x108;
	s8 =	sld [smem:$0x3FA8]  }
0x2e: {  	s3 =	simm.s32 @!p0 $0x1082;
	s9 =	sld [smem:$0x3FA9]  }
0x2f: {  	lr =	sadd.s32 s0, s3;
	s0 =	sld [smem:$0x3FA0]  }
0x30: {  	s3 =	sld [smem:$0x3FA3]  }
0x31: {  	[smem:$0x3FAC] =	sst s10  }
0x32: {  	s10 =	sld [smem:$0x3FAA];
	_ =	sdelay $0x3  }
0x33: {  	p0 =	seq.s32 s10, $0x1;
	s10 =	sld [smem:$0x3FAC];
	_ =	sdelay $0x3  }
0x34: {  	[smem:$0x3FAC] =	sst s10  }
0x35: {  	s10 =	sld [smem:$0x3FAB];
	_ =	sdelay $0x3  }
0x36: {  	p1 =	seq.s32 s10, $0x1;
	s10 =	sld [smem:$0x3FAC];
	_ =	sdelay $0x3  }
0x37: {  	[smem:$0x3FAC] =	sst s10  }
0x38: {  	s10 =	sld [smem:$0x3FAD]  }
0x39: {  	_ = 	snop;
	(pc) =	sbr.ind lr, $3  }
0x3a: {  	_ = 	snop  }
0x3b: {  	_ = 	snop  }
0x3c: {  	p2 =	seq.s32 s10, $0x1;
	s10 =	sld [smem:$0x3FAC]  }
0x3d: {  	_ =	shalt  }
0x3e: {  	_ =	shalt  }
0x3f: {  	_ =	shalt  }
0x40: {  	_ =	shalt  }
0x41: {  	_ =	shalt  }
0x42: {  	_ =	shalt  }
0x43: {  	_ =	shalt  }
0x44: {  	_ =	shalt  }
0x45: {  	_ =	shalt  }
0x46: {  	_ =	shalt  }
0x47: {  	_ =	shalt  }
0x48: {  	_ =	shalt  }
0x49: {  	_ =	shalt  }
0x4a: {  	_ =	shalt  }
0x4b: {  	_ =	shalt  }
0x4c: {  	_ =	shalt  }
0x4d: {  	_ =	shalt  }
0x4e: {  	_ =	shalt  }
0x4f: {  	_ =	shalt  }
0x50: {  	_ =	shalt  }
0x51: {  	_ =	shalt  }
0x52: {  	_ =	shalt  }
0x53: {  	_ =	shalt  }
0x54: {  	_ =	shalt  }
0x55: {  	_ =	shalt  }
0x56: {  	_ =	shalt  }
0x57: {  	_ =	shalt  }
0x58: {  	_ =	shalt  }
0x59: {  	_ =	shalt  }
0x5a: {  	_ =	shalt  }
0x5b: {  	_ =	shalt  }
0x5c: {  	_ =	shalt  }
0x5d: {  	_ =	shalt  }
0x5e: {  	_ =	shalt  }
0x5f: {  	_ =	shalt  }
0x60: {  	_ =	shalt  }
0x61: {  	_ =	shalt  }
0x62: {  	_ =	shalt  }
0x63: {  	_ =	shalt  }
0x64: {  	_ =	shalt  }
0x65: {  	_ =	shalt  }
0x66: {  	_ =	shalt  }
0x67: {  	_ =	shalt  }
0x68: {  	_ =	shalt  }
0x69: {  	_ =	shalt  }
0x6a: {  	_ =	shalt  }
0x6b: {  	_ =	shalt  }
0x6c: {  	_ =	shalt  }
0x6d: {  	_ =	shalt  }
0x6e: {  	_ =	shalt  }
0x6f: {  	_ =	shalt  }
0x70: {  	_ =	shalt  }
0x71: {  	_ =	shalt  }
0x72: {  	_ =	shalt  }
0x73: {  	_ =	shalt  }
0x74: {  	_ =	shalt  }
0x75: {  	_ =	shalt  }
0x76: {  	_ =	shalt  }
0x77: {  	_ =	shalt  }
0x78: {  	_ =	shalt  }
0x79: {  	_ =	shalt  }
0x7a: {  	_ =	shalt  }
0x7b: {  	_ =	shalt  }
0x7c: {  	_ =	shalt  }
0x7d: {  	_ =	shalt  }
0x7e: {  	_ =	shalt  }
0x7f: {  	_ =	shalt  }
0x80: {  	_ =	shalt  }
0x81: {  	_ =	shalt  }
0x82: {  	_ =	shalt  }
0x83: {  	_ =	shalt  }
0x84: {  	_ =	shalt  }
0x85: {  	_ =	shalt  }
0x86: {  	_ =	shalt  }
0x87: {  	_ =	shalt  }
.Lfunc_end0:
.L_simem_size_0:
called_computation.1_lowered:
.L_overlay_start_0:
0x88: {  	s2 =	sld [smem:$0x3FD9]  }
0x89: {  	s3 =	sld [smem:$0x3FFE];
	_ =	sdelay $0x1  }
0x8a: {  	s1 =	srdreg.scid  }
0x8b: {  	s0 =	sand.u32 $0x1, s1  }
0x8c: {  	s14 =	sshll.u32 s0, $0xA;
	s2 =	sadd.s32 s3, s2  }
0x8d: {  	s2 =	sadd.s32 s2, s14  }
0x8e: {  	[smem:$0x3FB8] =	sst s2  }
0x8f: {  	_ = 	snop  }
0x90: {  	s2 =	sld [smem:$0x3FD0];
	_ =	sdelay $0x2  }
0x91: {  	s15 =	simm.s32 $0xA;
	s4 =	simm.s32 $0x10  }
0x92: {  	[smem:s4], [sflag:s15] =	dma.local [hbm:s2], $0x1  }
0x93: {  	_ =	swait.eq [sflag:s15], $0x1  }
0x94: {  	[sflag:s15] =	ssyncset.done $0x0  }
0x95: {  	s16 =	sld [smem:$0x10];
	[sflag:s15] =	ssyncadd.s32 $0xFFFFFFFF  }
0x96: {  	s17 =	sld [smem:$0x11];
	(tm) =	ssettm $0x1  }
0x97: {  	s18 =	sld [smem:$0x3FFB];
	_ =	sdelay $0x3  }
0x98: {  	_ =	strace s18  }
0x99: {  	s4 =	sld [smem:$0x3FFC];
	_ =	sdelay $0x3  }
0x9a: {  	_ =	strace s4  }
0x9b: {  	s4 =	sld [smem:$0x3FFD];
	_ =	sdelay $0x3  }
0x9c: {  	_ =	strace s4  }
0x9d: {  	_ =	strace $0x8FFFFFFF  }
0x9e: {  	s19 =	sld [smem:$0x3FDB];
	_ =	sdelay $0x1  }
0x9f: {  	s5 =	simm.s32 $_scs_section_size  }
0xa0: {  	s6 =	simm.s32 $_size__tile_overlayer_lowered;
	s7 =	simm.s32 $_tile_overlayer_lowered  }
0xa1: {  	s22 =	simm.s32 $0x1BFF;
	s21 =	sshll.u32 s7, $0x1;
	s4 =	sadd.s32 s5, s19  }
0xa2: {  	s8 =	simm.s32 $0x0;
	s20 =	sshll.u32 s6, $0x1;
	s6 =	sadd.s32 s21, s4  }
0xa3: {  	[timem:s8], [sflag:s22] =	dma.local [hbm:s6], s20  }
0xa4: {  	_ =	swait.ge [sflag:s22], s20  }
0xa5: {  	s5 =	ssub.s32 $0x0, s20;
	[sflag:s22] =	ssyncset.done $0x0  }
0xa6: {  	[sflag:s22] =	ssyncadd.s32 s5;
	_ =	sdelay $0x1  }
0xa7: {  	s23 =	simm.s32 $0x1B8B  }
0xa8: {  	_ =	swait.ge [sflag:s23], $0x1  }
0xa9: {  	[sflag:s23] =	ssyncset.done $0x0  }
0xaa: {  	s25 =	simm.s32 $0x1B8E;
	s24 =	sld [smem:$0x3FFE];
	[sflag:s23] =	ssyncadd.s32 $0xFFFFFFFF  }
0xab: {  	s26 =	simm.s32 $execute0_lowered;
	[smem:$0x3FD2] =	sst s25  }
0xac: {  	s6 =	sshll.u32 s26, $0x1;
	_ =	strace $0x80000049;
	[dreg:$0x1] =	wrdreg $0xFFFFFFFF  }
0xad: {  	s28 =	simm.s32 $_size_execute0_lowered;
	s4 =	sadd.s32 s4, s6;
	[dreg:$0x0] =	wrdreg $0x0  }
0xae: {  	s6 =	sshll.u32 s28, $0x1;
	[dreg:$0x2] =	wrdreg s4  }
0xaf: {  	[dreg:$0x3] =	wrdreg s6  }
0xb0: {  	[dreg:$0x4] =	wrdreg $0xC0  }
0xb1: {  	_ =	task [dreg:s8], $0x5FFFF  }
0xb2: {  	[dreg:$0x1] =	wrdreg $0xFFFFFFFF  }
0xb3: {  	[dreg:$0x0] =	wrdreg $0x60  }
0xb4: {  	[dreg:$0x2] =	wrdreg s16  }
0xb5: {  	[dreg:$0x3] =	wrdreg s24  }
0xb6: {  	[dreg:$0x4] =	wrdreg s17  }
0xb7: {  	[dreg:$0x5] =	wrdreg $0x0  }
0xb8: {  	[dreg:$0x6] =	wrdreg $0x9  }
0xb9: {  	_ =	task.clear_ibuf [dreg:s8], $0x7FFFF;
	_ =	strace $0x90000049  }
0xba: {  	s29 =	simm.s32 $0x9;
	_ =	strace $0x8000004B  }
0xbb: {  	_ =	swait.ge [sflag:s29], $0x1  }
0xbc: {  	[sflag:s29] =	ssyncadd.s32 $0xFFFFFFFF  }
0xbd: {  	_ =	strace $0x9000004B  }
0xbe: {  	_ =	sfence  }
0xbf: {  	s30 =	sld [smem:$0x0];
	_ =	sdelay $0x2  }
0xc0: {  	s31 =	sshll.u32 s1, $0xD;
	s1 =	sshrl.u32 s1, $0x2  }
0xc1: {  	s3 =	sand.u32 $0x4000, s31;
	s1 =	sadd.s32 s1, s30  }
0xc2: {  	s0 =	sor.u32 s3, s0;
	s1 =	sshll.u32 s1, $0x11  }
0xc3: {  	s0 =	sor.u32 s1, s0  }
0xc4: {  	s0 =	sadd.s32 $0x8F2B, s0  }
0xc5: {  	[sflag:s0] =	ssyncadd.remote.s32 $0x1  }
0xc6: {  	_ =	sfence.sel $0xFFFF  }
0xc7: {  	[dreg:$0x0] =	wrdreg $0xFFFFFFFF;
	(pc) =	sbr.abs _section_cstart, $3  }
0xc8: {  	[dreg:$0x1] =	wrdreg $0xFFFFFFFF  }
0xc9: {  	_ =	task.clear_ibuf [dreg:s8], $0x2FFFF;
	_ =	strace $0x9FFFFFFF  }
0xca: {  	(tm) =	ssettm $0x7FFFFFFF  }
0xcb: {  	_ =	shalt  }
tec
execute0_lowered:
.L_overlay_start_1:
0x0: {  	(tag) =	ssettag $0x1  }
0x1: {  	s0 =	rddreg [dreg:$0x1]  }
0x2: {  	s13 =	rddreg [dreg:$0x2]  }
0x3: {  	s1 =	rddreg [dreg:$0x3]  }
0x4: {  	s2 =	srdreg.scid;
	s6 =	stileid.u32;
	s4 =	simm.s32 $0x0  }
0x5: {  	s3 =	sand.u32 $0x1, s2;
	s17 =	sshll.u32 s6, $0x1;
	s8 =	smul.u32 $0x4E000, s6  }
0x6: {  	[smem:$0x7FF] =	sst s4;
	s7 =	sadd.s32 $0xD600, s0;
	s10 =	smul.u32 $0x13800, s6  }
0x7: {  	s9 =	sadd.s32 $0xFE00, s0;
	s25 =	smul.u32 $0x4E20, s6;
	_ =	strace $0x8000004A  }
0x8: {  	s2 =	sor.u32 s3, s17;
	s17 =	sadd.s32 $0x3800, s0;
	s23 =	smul.u32 $0x138800, s3  }
0x9: {  	[dreg:$0x13] =	wrdreg s7;
	s18 =	ssub.s32 $0x2, s3;
	s3 =	smul.u32 $0x2710, s3  }
0xa: {  	s2 =	smul.u32 $0x2710, s2;
	s19 =	sshrl.u32 s18, $0x1;
	s20 =	sshrl.u32 s8, $0x2  }
0xb: {  	s0 =	ssub.s32 s18, s19;
	s7 =	sadd.s32 s20, s1;
	s10 =	sadd.s32 s10, s23  }
0xc: {  	s3 =	sadd.s32 s3, s25;
	s2 =	sshrl.u32 s2, $0x3;
	[dreg:$0x14] =	wrdreg s7  }
0xd: {  	s10 =	sshrl.u32 s10, $0x3;
	s15 =	sadd.s32 $0x4B0, s3;
	s0 =	smax.u32 s0, $0x1  }
0xe: {  	s21 =	sadd.s32 $0x4D8, s2;
	s10 =	sadd.s32 s9, s10;
	[smem:$0x7F9] =	sst s0  }
0xf: {  	s7 =	sshrl.u32 s23, $0x3;
	s22 =	sadd.s32 s17, s21;
	[dreg:$0x1d] =	wrdreg s10  }
0x10: {  	s24 =	sadd.s32 $0xA, s2;
	s8 =	sadd.s32 s13, s21;
	[dreg:$0x15] =	wrdreg s22  }
0x11: {  	s26 =	sadd.s32 $0x14, s2;
	s11 =	sadd.s32 s17, s24;
	[dreg:$0x16] =	wrdreg s8  }
0x12: {  	s12 =	sadd.s32 $0x1E, s2;
	s14 =	sadd.s32 s17, s26;
	[dreg:$0x17] =	wrdreg s11  }
0x13: {  	s16 =	sshrl.u32 s15, $0x3;
	s5 =	sadd.s32 s17, s12;
	[dreg:$0x19] =	wrdreg s14  }
0x14: {  	s23 =	sadd.s32 $0x410, s3;
	s18 =	sadd.s32 s16, s13;
	[dreg:$0x1b] =	wrdreg s5  }
0x15: {  	s25 =	sshrl.u32 s23, $0x3;
	s20 =	sadd.s32 s16, s17;
	[dreg:$0x5] =	wrdreg s18  }
0x16: {  	s30 =	simm.s32 $0x13D00;
	s10 =	sadd.s32 s25, s17;
	[dreg:$0x6] =	wrdreg s20  }
0x17: {  	s28 =	simm.s32 $0x13E00;
	s8 =	sadd.s32 s13, s24;
	[dreg:$0xa] =	wrdreg s10  }
0x18: {  	s19 =	sadd.s32 $0x460, s3;
	s11 =	sadd.s32 s13, s26;
	[dreg:$0x18] =	wrdreg s8  }
0x19: {  	s21 =	sshrl.u32 s19, $0x3;
	s14 =	sadd.s32 s13, s12;
	[dreg:$0x1a] =	wrdreg s11  }
0x1a: {  	s29 =	simm.s32 $0x13E80;
	s22 =	sadd.s32 s21, s13;
	[dreg:$0x1c] =	wrdreg s14  }
0x1b: {  	s15 =	sadd.s32 $0x370, s3;
	s24 =	sadd.s32 s21, s17;
	[dreg:$0x7] =	wrdreg s22  }
0x1c: {  	s26 =	sadd.s32 s25, s13;
	s18 =	sshrl.u32 s15, $0x3;
	[dreg:$0x8] =	wrdreg s24  }
0x1d: {  	s5 =	sadd.s32 $0x3C0, s3;
	[dreg:$0x9] =	wrdreg s26;
	s19 =	sadd.s32 s18, s13  }
0x1e: {  	s20 =	sadd.s32 $0x320, s3;
	s21 =	sadd.s32 s18, s17;
	[dreg:$0xd] =	wrdreg s19  }
0x1f: {  	s12 =	sshrl.u32 s5, $0x3;
	s18 =	sadd.s32 s17, s2;
	[dreg:$0xe] =	wrdreg s21  }
0x20: {  	s22 =	sshrl.u32 s20, $0x3;
	s20 =	sadd.s32 s13, s2;
	[smem:$0x7F2] =	sst s18  }
0x21: {  	s31 =	simm.s32 $0x3;
	s14 =	sadd.s32 s12, s13;
	[smem:$0x7F3] =	sst s20  }
0x22: {  	p0 =	sne.s32 s6, $0xF;
	s16 =	sadd.s32 s12, s17;
	[dreg:$0xb] =	wrdreg s14  }
0x23: {  	s8 =	sadd.s32 $0x28, s2;
	s23 =	sadd.s32 s22, s13;
	[dreg:$0xc] =	wrdreg s16  }
0x24: {  	s7 =	sadd.s32 s9, s7;
	s5 =	sadd.s32 s17, s8;
	[dreg:$0xf] =	wrdreg s23  }
0x25: {  	s24 =	sadd.s32 $0x2D0, s3;
	s25 =	sadd.s32 s22, s17;
	[dreg:$0x1e] =	wrdreg s5  }
0x26: {  	s11 =	simm.s32 $0x13880;
	s8 =	sadd.s32 s13, s8;
	[dreg:$0x10] =	wrdreg s25  }
0x27: {  	s26 =	sshrl.u32 s24, $0x3;
	s24 =	sshll.u32 s6, $0x6;
	[dreg:$0x1f] =	wrdreg s8  }
0x28: {  	s19 =	sadd.s32 $0x3C, s2;
	s12 =	sadd.s32 s26, s13;
	[smem:$0x7FB] =	sst s24  }
0x29: {  	s18 =	simm.s32 $0x13900;
	s10 =	sadd.s32 s26, s17;
	[dreg:$0x11] =	wrdreg s12  }
0x2a: {  	s14 =	sadd.s32 $0x32, s2;
	s21 =	sadd.s32 s17, s19;
	[dreg:$0x12] =	wrdreg s10  }
0x2b: {  	s2 =	sadd.s32 $0x46, s2;
	s8 =	sadd.s32 s13, s19;
	[smem:$0x7F4] =	sst s21  }
0x2c: {  	s23 =	sadd.s32 $0x27000, s7;
	s25 =	sadd.s32 $0x280, s3;
	[smem:$0x7F5] =	sst s8  }
0x2d: {  	s0 =	sor.u32 $0x1C01, s24;
	s26 =	sadd.s32 $0x138000, s1;
	[smem:$0x7F8] =	sst s23  }
0x2e: {  	s3 =	simm.s32 $0x4;
	s7 =	simm.s32 $0x0;
	[smem:$0x7FA] =	sst s25  }
0x2f: {  	s10 =	smov.u32 s13;
	s15 =	sadd.s32 s17, s14;
	[smem:$0x7FC] =	sst s0  }
0x30: {  	s16 =	sadd.s32 s13, s14;
	s22 =	sadd.s32 s17, s2;
	[smem:$0x7FD] =	sst s26  }
0x31: {  	s2 =	sadd.s32 s13, s2;
	s12 =	simm.s32 $0x2;
	[smem:$0x7F0] =	sst s15  }
0x32: {  	s13 =	simm.s32 $0x50;
	s14 =	simm.s32 $0x13C80;
	[smem:$0x7F1] =	sst s16  }
0x33: {  	s25 =	simm.s32 $0x5;
	s0 =	simm.s32 $0x0;
	[smem:$0x7F6] =	sst s22  }
0x34: {  	[smem:$0x7F7] =	sst s2;
	s16 =	simm.s32 $0xA;
	s22 =	simm.s32 $0x13D80  }
.LBB2_1:
0x35: {  	[smem:$0x7ED] =	sst s0  }
0x36: {  	s2 =	rddreg [dreg:$0x14]  }
0x37: {  	s6 =	sld [smem:$0x7FC]  }
0x38: {  	s9 =	sshrl.u32 s2, $0x3;
	s2 =	rddreg [dreg:$0x13]  }
0x39: {  	s15 =	simm.s32 $0x1;
	[smem:$0x7EE] =	sst s9  }
0x3a: {  	[spmem:s9], [sflag:s6] =	dma.local [hbm:s2], $0x2700  }
0x3b: {  	_ =	swait.ge [sflag:s15], $0x2700  }
0x3c: {  	s6 =	sld [smem:$0x7FD];
	_ =	sdelay $0x2  }
0x3d: {  	[sflag:s15] =	ssyncset.done $0x0;
	s0 =	sshrl.u32 @!p0 s6, $0x3  }
0x3e: {  	s26 =	simm.s32 @!p0 $0x1FCA;
	[sflag:s15] =	ssyncadd.s32 $0xFFFFD900;
	[smem:$0x7EF] =	sst s0  }
0x3f: {  	[spmem:s0], [sflag:s26] =	dma.local @!p0 [hbm:s2], $0x100  }
0x40: {  	s26 =	simm.s32 @!p0 $0xA  }
0x41: {  	_ =	swait.ge @!p0 [sflag:s26], $0x100  }
0x42: {  	[sflag:s26] =	ssyncset.done @!p0 $0x0  }
0x43: {  	[sflag:s26] =	ssyncadd.s32 @!p0 $0xFFFFFF00  }
0x44: {  	[bflag:$0x0] =	sbarrier.arrive $0xFFFF  }
0x45: {  	s19 =	rddreg [dreg:$0x15]  }
0x46: {  	[tilespmem:s11], [sflag:$0x2] =	stream.linear.gather [hbm4b:s19+s4], $0x50, $0x38;
	[tilespmem:$0x1E080] =	vst v63  }
0x47: {  	s6 =	simm.s32 $0x13980;
	s20 =	rddreg [dreg:$0x16]  }
0x48: {  	[tilespmem:s6], [sflag:$0x2] =	stream.linear.gather [hbm4b:s20+s4], $0x50, $0x38;
	[tilespmem:$0x1E080] =	vst v63  }
0x49: {  	_ =	swait.ge [sflag:s12], $0x50  }
0x4a: {  	[sflag:s12] =	ssyncset.done $0x0  }
0x4b: {  	[sflag:s12] =	ssyncadd.s32 $0xFFFFFFB0  }
0x4c: {  	_ =	swait.ge [sflag:s12], $0x50  }
0x4d: {  	[sflag:s12] =	ssyncset.done $0x0  }
0x4e: {  	[sflag:s12] =	ssyncadd.s32 $0xFFFFFFB0  }
0x4f: {  	s9 =	simm.s32 $0x14080;
	s0 =	simm.s32 $0x6;
	s4 =	rddreg [dreg:$0x0]  }
0x50: {  	[tilespmem:s9], [sflag:$0x6] =	stream.indirect.gather [hbm4b:s4+s13], $0x80, s11, s13, $0xb8;
	[tilespmem:$0x1E080] =	vst v63  }
0x51: {  	_ =	swait.ge [sflag:s0], $0x2800  }
0x52: {  	[sflag:s0] =	ssyncset.done $0x0  }
0x53: {  	[sflag:s0] =	ssyncadd.s32 $0xFFFFD800  }
0x54: {  	s5 =	rddreg [dreg:$0x3]  }
0x55: {  	[spmem:s5] =	stream.indirect.scatter.add.f32 [tilespmem:s9], [sflag:$0xA], $0x80, s6, s13, $0xb8;
	[tilespmem:$0x1E080] =	vst v63  }
0x56: {  	_ =	swait.ge [sflag:s16], $0x2800  }
0x57: {  	s21 =	sld [smem:$0x7F2]  }
0x58: {  	[sflag:s16] =	ssyncset.done $0x0  }
0x59: {  	s23 =	sld [smem:$0x7F3];
	[sflag:s16] =	ssyncadd.s32 $0xFFFFD800  }
0x5a: {  	[tilespmem:s11], [sflag:$0x2] =	stream.linear.gather [hbm4b:s21+s7], $0x50, $0x38;
	[tilespmem:$0x1E080] =	vst v63  }
0x5b: {  	s24 =	rddreg [dreg:$0x17]  }
0x5c: {  	[tilespmem:s6], [sflag:$0x2] =	stream.linear.gather [hbm4b:s23+s7], $0x50, $0x38;
	[tilespmem:$0x1E080] =	vst v63  }
0x5d: {  	s26 =	rddreg [dreg:$0x18]  }
0x5e: {  	[tilespmem:s18], [sflag:$0x2] =	stream.linear.gather [hbm4b:s24+s7], $0x50, $0x38;
	[tilespmem:$0x1E080] =	vst v63  }
0x5f: {  	s20 =	simm.s32 $0x13A00;
	s1 =	rddreg [dreg:$0x19]  }
0x60: {  	[tilespmem:s20], [sflag:$0x2] =	stream.linear.gather [hbm4b:s26+s7], $0x50, $0x38;
	[tilespmem:$0x1E080] =	vst v63  }
0x61: {  	s19 =	simm.s32 $0x13A80;
	s8 =	rddreg [dreg:$0x1a]  }
0x62: {  	[tilespmem:s19], [sflag:$0x3] =	stream.linear.gather [hbm4b:s1+s7], $0x50, $0x38;
	[tilespmem:$0x1E080] =	vst v63  }
0x63: {  	s15 =	rddreg [dreg:$0x1b];
	s21 =	simm.s32 $0x13B80  }
0x64: {  	[tilespmem:s21], [sflag:$0x3] =	stream.linear.gather [hbm4b:s8+s7], $0x50, $0x38;
	[tilespmem:$0x1E080] =	vst v63  }
0x65: {  	s23 =	rddreg [dreg:$0x1c];
	s8 =	simm.s32 $0x13B00  }
0x66: {  	[tilespmem:s8], [sflag:$0x3] =	stream.linear.gather [hbm4b:s15+s7], $0x50, $0x38;
	[tilespmem:$0x1E080] =	vst v63  }
0x67: {  	s24 =	simm.s32 $0x13C00;
	s26 =	rddreg [dreg:$0x1e]  }
0x68: {  	[tilespmem:s24], [sflag:$0x3] =	stream.linear.gather [hbm4b:s23+s7], $0x50, $0x38;
	[tilespmem:$0x1E080] =	vst v63  }
0x69: {  	s1 =	rddreg [dreg:$0x1f]  }
0x6a: {  	[tilespmem:s14], [sflag:$0x4] =	stream.linear.gather [hbm4b:s26+s7], $0x50, $0x38;
	[tilespmem:$0x1E080] =	vst v63  }
0x6b: {  	s15 =	sld [smem:$0x7F0]  }
0x6c: {  	[tilespmem:s22], [sflag:$0x4] =	stream.linear.gather [hbm4b:s1+s7], $0x50, $0x38;
	[tilespmem:$0x1E080] =	vst v63  }
0x6d: {  	s23 =	sld [smem:$0x7F1]  }
0x6e: {  	[tilespmem:s30], [sflag:$0x4] =	stream.linear.gather [hbm4b:s15+s7], $0x50, $0x38;
	[tilespmem:$0x1E080] =	vst v63  }
0x6f: {  	s26 =	sld [smem:$0x7F4]  }
0x70: {  	[tilespmem:s28], [sflag:$0x4] =	stream.linear.gather [hbm4b:s23+s7], $0x50, $0x38;
	[tilespmem:$0x1E080] =	vst v63  }
0x71: {  	_ = 	snop  }
0x72: {  	[tilespmem:s29], [sflag:$0x5] =	stream.linear.gather [hbm4b:s26+s7], $0x50, $0x38;
	[tilespmem:$0x1E080] =	vst v63  }
0x73: {  	s29 =	sld [smem:$0x7F5];
	_ =	sdelay $0x1  }
0x74: {  	s1 =	simm.s32 $0x13F80  }
0x75: {  	[tilespmem:s1], [sflag:$0x5] =	stream.linear.gather [hbm4b:s29+s7], $0x50, $0x38;
	[tilespmem:$0x1E080] =	vst v63  }
0x76: {  	s1 =	sld [smem:$0x7F6];
	_ =	sdelay $0x1  }
0x77: {  	s15 =	simm.s32 $0x13F00;
	s23 =	sld [smem:$0x7F7]  }
0x78: {  	[tilespmem:s15], [sflag:$0x5] =	stream.linear.gather [hbm4b:s1+s7], $0x50, $0x38;
	[tilespmem:$0x1E080] =	vst v63  }
0x79: {  	s26 =	simm.s32 $0x14000  }
0x7a: {  	[tilespmem:s26], [sflag:$0x5] =	stream.linear.gather [hbm4b:s23+s7], $0x50, $0x38;
	[tilespmem:$0x1E080] =	vst v63  }
0x7b: {  	_ =	swait.ge [sflag:s12], $0x50  }
0x7c: {  	[sflag:s12] =	ssyncset.done $0x0  }
0x7d: {  	[sflag:s12] =	ssyncadd.s32 $0xFFFFFFB0  }
0x7e: {  	_ =	swait.ge [sflag:s12], $0x50  }
0x7f: {  	[sflag:s12] =	ssyncset.done $0x0  }
0x80: {  	[sflag:s12] =	ssyncadd.s32 $0xFFFFFFB0  }
0x81: {  	_ =	swait.ge [sflag:s12], $0x50  }
0x82: {  	[sflag:s12] =	ssyncset.done $0x0  }
0x83: {  	[sflag:s12] =	ssyncadd.s32 $0xFFFFFFB0  }
0x84: {  	_ =	swait.ge [sflag:s12], $0x50  }
0x85: {  	[sflag:s12] =	ssyncset.done $0x0  }
0x86: {  	[sflag:s12] =	ssyncadd.s32 $0xFFFFFFB0  }
0x87: {  	[tilespmem:s9], [sflag:$0x6] =	stream.indirect.gather [hbm4b:s4+s13], $0x80, s11, s13, $0xb8;
	[tilespmem:$0x1E080] =	vst v63  }
0x88: {  	s11 =	simm.s32 $0x16880  }
0x89: {  	[tilespmem:s11], [sflag:$0x7] =	stream.indirect.gather [hbm4b:s4+s13], $0x80, s18, s13, $0xb8;
	[tilespmem:$0x1E080] =	vst v63  }
0x8a: {  	_ =	swait.ge [sflag:s31], $0x50  }
0x8b: {  	[sflag:s31] =	ssyncset.done $0x0  }
0x8c: {  	[sflag:s31] =	ssyncadd.s32 $0xFFFFFFB0  }
0x8d: {  	_ =	swait.ge [sflag:s31], $0x50  }
0x8e: {  	[sflag:s31] =	ssyncset.done $0x0  }
0x8f: {  	[sflag:s31] =	ssyncadd.s32 $0xFFFFFFB0  }
0x90: {  	_ =	swait.ge [sflag:s31], $0x50  }
0x91: {  	[sflag:s31] =	ssyncset.done $0x0  }
0x92: {  	[sflag:s31] =	ssyncadd.s32 $0xFFFFFFB0  }
0x93: {  	_ =	swait.ge [sflag:s31], $0x50  }
0x94: {  	[sflag:s31] =	ssyncset.done $0x0  }
0x95: {  	s15 =	simm.s32 $0x19080;
	[sflag:s31] =	ssyncadd.s32 $0xFFFFFFB0  }
0x96: {  	[tilespmem:s15], [sflag:$0x8] =	stream.indirect.gather [hbm4b:s4+s13], $0x80, s19, s13, $0xb8;
	[tilespmem:$0x1E080] =	vst v63  }
0x97: {  	s29 =	simm.s32 $0x1B880  }
0x98: {  	[tilespmem:s29], [sflag:$0x9] =	stream.indirect.gather [hbm4b:s4+s13], $0x80, s8, s13, $0xb8;
	[tilespmem:$0x1E080] =	vst v63  }
0x99: {  	_ =	swait.ge [sflag:s0], $0x2800  }
0x9a: {  	[sflag:s0] =	ssyncset.done $0x0  }
0x9b: {  	[sflag:s0] =	ssyncadd.s32 $0xFFFFD800  }
0x9c: {  	[spmem:s5] =	stream.indirect.scatter.add.f32 [tilespmem:s9], [sflag:$0xA], $0x80, s6, s13, $0xb8;
	[tilespmem:$0x1E080] =	vst v63  }
0x9d: {  	_ =	swait.ge [sflag:s16], $0x2800  }
0x9e: {  	[sflag:s16] =	ssyncset.done $0x0  }
0x9f: {  	s23 =	simm.s32 $0x7;
	[sflag:s16] =	ssyncadd.s32 $0xFFFFD800  }
0xa0: {  	_ =	swait.ge [sflag:s23], $0x2800  }
0xa1: {  	[sflag:s23] =	ssyncset.done $0x0  }
0xa2: {  	[sflag:s23] =	ssyncadd.s32 $0xFFFFD800  }
0xa3: {  	[spmem:s5] =	stream.indirect.scatter.add.f32 [tilespmem:s11], [sflag:$0xA], $0x80, s20, s13, $0xb8;
	[tilespmem:$0x1E080] =	vst v63  }
0xa4: {  	_ =	swait.ge [sflag:s16], $0x2800  }
0xa5: {  	s2 =	sld [smem:$0x7FA];
	_ =	sdelay $0x2  }
0xa6: {  	[sflag:s16] =	ssyncset.done $0x0;
	s26 =	sshrl.u32 s2, $0x3  }
0xa7: {  	s1 =	simm.s32 $0x13880;
	[sflag:s16] =	ssyncadd.s32 $0xFFFFD800;
	s28 =	sadd.s32 s17, s26  }
0xa8: {  	[tilespmem:s1], [sflag:$0x2] =	stream.linear.gather [hbm4b:s28+s7], $0x50, $0x38;
	[tilespmem:$0x1E080] =	vst v63  }
0xa9: {  	s29 =	rddreg [dreg:$0x12];
	s26 =	sadd.s32 s10, s26  }
0xaa: {  	[tilespmem:s6], [sflag:$0x2] =	stream.linear.gather [hbm4b:s26+s7], $0x50, $0x38;
	[tilespmem:$0x1E080] =	vst v63  }
0xab: {  	s28 =	rddreg [dreg:$0x11];
	s1 =	sadd.s32 $0x0, s29  }
0xac: {  	[tilespmem:s18], [sflag:$0x2] =	stream.linear.gather [hbm4b:s1+s7], $0x50, $0x38;
	[tilespmem:$0x1E080] =	vst v63  }
0xad: {  	s6 =	sadd.s32 $0x0, s28  }
0xae: {  	[tilespmem:s20], [sflag:$0x2] =	stream.linear.gather [hbm4b:s6+s7], $0x50, $0x38;
	[tilespmem:$0x1E080] =	vst v63  }
0xaf: {  	_ =	swait.ge [sflag:s3], $0x50  }
0xb0: {  	[sflag:s3] =	ssyncset.done $0x0  }
0xb1: {  	[sflag:s3] =	ssyncadd.s32 $0xFFFFFFB0  }
0xb2: {  	_ =	swait.ge [sflag:s3], $0x50  }
0xb3: {  	[sflag:s3] =	ssyncset.done $0x0  }
0xb4: {  	[sflag:s3] =	ssyncadd.s32 $0xFFFFFFB0  }
0xb5: {  	_ =	swait.ge [sflag:s3], $0x50  }
0xb6: {  	[sflag:s3] =	ssyncset.done $0x0  }
0xb7: {  	[sflag:s3] =	ssyncadd.s32 $0xFFFFFFB0  }
0xb8: {  	_ =	swait.ge [sflag:s3], $0x50  }
0xb9: {  	[sflag:s3] =	ssyncset.done $0x0  }
0xba: {  	[sflag:s3] =	ssyncadd.s32 $0xFFFFFFB0  }
0xbb: {  	[tilespmem:s9], [sflag:$0x6] =	stream.indirect.gather [hbm4b:s4+s13], $0x80, s14, s13, $0xb8;
	[tilespmem:$0x1E080] =	vst v63  }
0xbc: {  	s6 =	simm.s32 $0x8  }
0xbd: {  	[tilespmem:s11], [sflag:$0x7] =	stream.indirect.gather [hbm4b:s4+s13], $0x80, s30, s13, $0xb8;
	[tilespmem:$0x1E080] =	vst v63  }
0xbe: {  	_ =	swait.ge [sflag:s6], $0x2800  }
0xbf: {  	[sflag:s6] =	ssyncset.done $0x0  }
0xc0: {  	[sflag:s6] =	ssyncadd.s32 $0xFFFFD800  }
0xc1: {  	[spmem:s5] =	stream.indirect.scatter.add.f32 [tilespmem:s15], [sflag:$0xA], $0x80, s21, s13, $0xb8;
	[tilespmem:$0x1E080] =	vst v63  }
0xc2: {  	_ =	swait.ge [sflag:s16], $0x2800  }
0xc3: {  	[sflag:s16] =	ssyncset.done $0x0  }
0xc4: {  	s1 =	simm.s32 $0x9;
	[sflag:s16] =	ssyncadd.s32 $0xFFFFD800  }
0xc5: {  	_ =	swait.ge [sflag:s1], $0x2800  }
0xc6: {  	[sflag:s1] =	ssyncset.done $0x0  }
0xc7: {  	s26 =	simm.s32 $0x1B880;
	[sflag:s1] =	ssyncadd.s32 $0xFFFFD800  }
0xc8: {  	[spmem:s5] =	stream.indirect.scatter.add.f32 [tilespmem:s26], [sflag:$0xA], $0x80, s24, s13, $0xb8;
	[tilespmem:$0x1E080] =	vst v63  }
0xc9: {  	_ =	swait.ge [sflag:s16], $0x2800  }
0xca: {  	s29 =	rddreg [dreg:$0x10];
	[sflag:s16] =	ssyncset.done $0x0  }
0xcb: {  	s28 =	rddreg [dreg:$0xf];
	[sflag:s16] =	ssyncadd.s32 $0xFFFFD800;
	s26 =	sadd.s32 $0x0, s29  }
0xcc: {  	[tilespmem:s19], [sflag:$0x3] =	stream.linear.gather [hbm4b:s26+s7], $0x50, $0x38;
	[tilespmem:$0x1E080] =	vst v63  }
0xcd: {  	s30 =	rddreg [dreg:$0xe];
	s20 =	sadd.s32 $0x0, s28  }
0xce: {  	[tilespmem:s21], [sflag:$0x3] =	stream.linear.gather [hbm4b:s20+s7], $0x50, $0x38;
	[tilespmem:$0x1E080] =	vst v63  }
0xcf: {  	s28 =	rddreg [dreg:$0xd];
	s30 =	sadd.s32 $0x0, s30  }
0xd0: {  	[tilespmem:s8], [sflag:$0x3] =	stream.linear.gather [hbm4b:s30+s7], $0x50, $0x38;
	[tilespmem:$0x1E080] =	vst v63  }
0xd1: {  	s19 =	sadd.s32 $0x0, s28  }
0xd2: {  	[tilespmem:s24], [sflag:$0x3] =	stream.linear.gather [hbm4b:s19+s7], $0x50, $0x38;
	[tilespmem:$0x1E080] =	vst v63  }
0xd3: {  	_ =	swait.ge [sflag:s25], $0x50  }
0xd4: {  	[sflag:s25] =	ssyncset.done $0x0  }
0xd5: {  	[sflag:s25] =	ssyncadd.s32 $0xFFFFFFB0  }
0xd6: {  	_ =	swait.ge [sflag:s25], $0x50  }
0xd7: {  	[sflag:s25] =	ssyncset.done $0x0  }
0xd8: {  	[sflag:s25] =	ssyncadd.s32 $0xFFFFFFB0  }
0xd9: {  	_ =	swait.ge [sflag:s25], $0x50  }
0xda: {  	[sflag:s25] =	ssyncset.done $0x0  }
0xdb: {  	[sflag:s25] =	ssyncadd.s32 $0xFFFFFFB0  }
0xdc: {  	_ =	swait.ge [sflag:s25], $0x50  }
0xdd: {  	[sflag:s25] =	ssyncset.done $0x0  }
0xde: {  	s20 =	simm.s32 $0x13E80;
	[sflag:s25] =	ssyncadd.s32 $0xFFFFFFB0  }
0xdf: {  	[tilespmem:s15], [sflag:$0x8] =	stream.indirect.gather [hbm4b:s4+s13], $0x80, s20, s13, $0xb8;
	[tilespmem:$0x1E080] =	vst v63  }
0xe0: {  	s14 =	simm.s32 $0x1B880;
	s21 =	simm.s32 $0x13F00  }
0xe1: {  	[tilespmem:s14], [sflag:$0x9] =	stream.indirect.gather [hbm4b:s4+s13], $0x80, s21, s13, $0xb8;
	[tilespmem:$0x1E080] =	vst v63  }
0xe2: {  	_ =	swait.ge [sflag:s0], $0x2800  }
0xe3: {  	[sflag:s0] =	ssyncset.done $0x0  }
0xe4: {  	[sflag:s0] =	ssyncadd.s32 $0xFFFFD800  }
0xe5: {  	[spmem:s5] =	stream.indirect.scatter.add.f32 [tilespmem:s9], [sflag:$0xA], $0x80, s22, s13, $0xb8;
	[tilespmem:$0x1E080] =	vst v63  }
0xe6: {  	_ =	swait.ge [sflag:s16], $0x2800  }
0xe7: {  	[sflag:s16] =	ssyncset.done $0x0  }
0xe8: {  	[sflag:s16] =	ssyncadd.s32 $0xFFFFD800  }
0xe9: {  	_ =	swait.ge [sflag:s23], $0x2800  }
0xea: {  	[sflag:s23] =	ssyncset.done $0x0  }
0xeb: {  	p1 =	por $0x0, $0x0;
	[sflag:s23] =	ssyncadd.s32 $0xFFFFD800;
	s23 =	simm.s32 $0x13E00  }
0xec: {  	[spmem:s5] =	stream.indirect.scatter.add.f32 [tilespmem:s11], [sflag:$0xA], $0x80, s23, s13, $0xb8;
	[tilespmem:$0x1E080] =	vst v63  }
0xed: {  	s28 =	simm.s32 @!p1 $0x13C80;
	_ =	swait.ge [sflag:s16], $0x2800  }
0xee: {  	s30 =	simm.s32 @!p1 $0x0;
	s26 =	rddreg [dreg:$0xc];
	[sflag:s16] =	ssyncset.done $0x0  }
0xef: {  	s29 =	rddreg [dreg:$0xb];
	[sflag:s16] =	ssyncadd.s32 $0xFFFFD800;
	s26 =	sadd.s32 @!p1 $0x0, s26  }
0xf0: {  	[tilespmem:s28], [sflag:$0x4] =	stream.linear.gather @!p1 [hbm4b:s26+s30], $0x50, $0x38;
	[tilespmem:$0x1E080] =	vst v63  }
0xf1: {  	s26 =	rddreg [dreg:$0xa];
	s28 =	sadd.s32 @!p1 $0x0, s29;
	s29 =	simm.s32 @!p1 $0x13D80  }
0xf2: {  	[tilespmem:s29], [sflag:$0x4] =	stream.linear.gather @!p1 [hbm4b:s28+s30], $0x50, $0x38;
	[tilespmem:$0x1E080] =	vst v63  }
0xf3: {  	s26 =	sadd.s32 @!p1 $0x0, s26;
	s28 =	rddreg [dreg:$0x9];
	s29 =	simm.s32 @!p1 $0x13D00  }
0xf4: {  	[tilespmem:s29], [sflag:$0x4] =	stream.linear.gather @!p1 [hbm4b:s26+s30], $0x50, $0x38;
	[tilespmem:$0x1E080] =	vst v63  }
0xf5: {  	s28 =	sadd.s32 @!p1 $0x0, s28;
	s26 =	simm.s32 @!p1 $0x13E00  }
0xf6: {  	[tilespmem:s26], [sflag:$0x4] =	stream.linear.gather @!p1 [hbm4b:s28+s30], $0x50, $0x38;
	[tilespmem:$0x1E080] =	vst v63  }
0xf7: {  	_ =	swait.ge [sflag:s12], $0x50  }
0xf8: {  	[sflag:s12] =	ssyncset.done $0x0  }
0xf9: {  	[sflag:s12] =	ssyncadd.s32 $0xFFFFFFB0  }
0xfa: {  	_ =	swait.ge [sflag:s12], $0x50  }
0xfb: {  	[sflag:s12] =	ssyncset.done $0x0  }
0xfc: {  	[sflag:s12] =	ssyncadd.s32 $0xFFFFFFB0  }
0xfd: {  	_ =	swait.ge [sflag:s12], $0x50  }
0xfe: {  	[sflag:s12] =	ssyncset.done $0x0  }
0xff: {  	[sflag:s12] =	ssyncadd.s32 $0xFFFFFFB0  }
0x100: {  	_ =	swait.ge [sflag:s12], $0x50  }
0x101: {  	[sflag:s12] =	ssyncset.done $0x0  }
0x102: {  	s24 =	simm.s32 $0x13880;
	[sflag:s12] =	ssyncadd.s32 $0xFFFFFFB0  }
0x103: {  	[tilespmem:s9], [sflag:$0x6] =	stream.indirect.gather [hbm4b:s4+s13], $0x80, s24, s13, $0xb8;
	[tilespmem:$0x1E080] =	vst v63  }
0x104: {  	_ = 	snop  }
0x105: {  	[tilespmem:s11], [sflag:$0x7] =	stream.indirect.gather [hbm4b:s4+s13], $0x80, s18, s13, $0xb8;
	[tilespmem:$0x1E080] =	vst v63  }
0x106: {  	_ =	swait.ge [sflag:s6], $0x2800  }
0x107: {  	[sflag:s6] =	ssyncset.done $0x0  }
0x108: {  	s26 =	simm.s32 $0x13F80;
	[sflag:s6] =	ssyncadd.s32 $0xFFFFD800  }
0x109: {  	[spmem:s5] =	stream.indirect.scatter.add.f32 [tilespmem:s15], [sflag:$0xA], $0x80, s26, s13, $0xb8;
	[tilespmem:$0x1E080] =	vst v63  }
0x10a: {  	_ =	swait.ge [sflag:s16], $0x2800  }
0x10b: {  	[sflag:s16] =	ssyncset.done $0x0  }
0x10c: {  	[sflag:s16] =	ssyncadd.s32 $0xFFFFD800  }
0x10d: {  	_ =	swait.ge [sflag:s1], $0x2800  }
0x10e: {  	[sflag:s1] =	ssyncset.done $0x0  }
0x10f: {  	s29 =	simm.s32 $0x14000;
	[sflag:s1] =	ssyncadd.s32 $0xFFFFD800  }
0x110: {  	[spmem:s5] =	stream.indirect.scatter.add.f32 [tilespmem:s14], [sflag:$0xA], $0x80, s29, s13, $0xb8;
	[tilespmem:$0x1E080] =	vst v63  }
0x111: {  	_ =	swait.ge [sflag:s16], $0x2800  }
0x112: {  	s29 =	simm.s32 @!p1 $0x13E80;
	s26 =	rddreg [dreg:$0x8];
	[sflag:s16] =	ssyncset.done $0x0  }
0x113: {  	s28 =	rddreg [dreg:$0x7];
	[sflag:s16] =	ssyncadd.s32 $0xFFFFD800;
	s26 =	sadd.s32 @!p1 $0x0, s26  }
0x114: {  	[tilespmem:s29], [sflag:$0x5] =	stream.linear.gather @!p1 [hbm4b:s26+s30], $0x50, $0x38;
	[tilespmem:$0x1E080] =	vst v63  }
0x115: {  	s28 =	sadd.s32 @!p1 $0x0, s28;
	s26 =	rddreg [dreg:$0x6];
	s29 =	simm.s32 @!p1 $0x13F80  }
0x116: {  	[tilespmem:s29], [sflag:$0x5] =	stream.linear.gather @!p1 [hbm4b:s28+s30], $0x50, $0x38;
	[tilespmem:$0x1E080] =	vst v63  }
0x117: {  	s26 =	sadd.s32 @!p1 $0x0, s26;
	s28 =	rddreg [dreg:$0x5];
	s29 =	simm.s32 @!p1 $0x13F00  }
0x118: {  	[tilespmem:s29], [sflag:$0x5] =	stream.linear.gather @!p1 [hbm4b:s26+s30], $0x50, $0x38;
	[tilespmem:$0x1E080] =	vst v63  }
0x119: {  	s28 =	sadd.s32 @!p1 $0x0, s28;
	s26 =	simm.s32 @!p1 $0x14000  }
0x11a: {  	[tilespmem:s26], [sflag:$0x5] =	stream.linear.gather @!p1 [hbm4b:s28+s30], $0x50, $0x38;
	[tilespmem:$0x1E080] =	vst v63  }
0x11b: {  	_ =	swait.ge [sflag:s31], $0x50  }
0x11c: {  	[sflag:s31] =	ssyncset.done $0x0  }
0x11d: {  	[sflag:s31] =	ssyncadd.s32 $0xFFFFFFB0  }
0x11e: {  	_ =	swait.ge [sflag:s31], $0x50  }
0x11f: {  	[sflag:s31] =	ssyncset.done $0x0  }
0x120: {  	[sflag:s31] =	ssyncadd.s32 $0xFFFFFFB0  }
0x121: {  	s26 =	simm.s32 $0x50;
	s28 =	smov.u32 s2;
	_ =	swait.ge [sflag:s31], $0x50  }
.LBB2_2:
0x122: {  	[sflag:s31] =	ssyncset.done $0x0  }
0x123: {  	[sflag:s31] =	ssyncadd.s32 $0xFFFFFFB0  }
0x124: {  	_ =	swait.ge [sflag:s31], $0x50  }
0x125: {  	[sflag:s31] =	ssyncset.done $0x0  }
0x126: {  	[sflag:s31] =	ssyncadd.s32 $0xFFFFFFB0  }
0x127: {  	s21 =	simm.s32 $0x13A80;
	s23 =	simm.s32 $0x19080;
	s4 =	rddreg [dreg:$0x0]  }
0x128: {  	[tilespmem:s23], [sflag:$0x8] =	stream.indirect.gather [hbm4b:s4+s13], $0x80, s21, s13, $0xb8;
	[tilespmem:$0x1E080] =	vst v63  }
0x129: {  	s8 =	simm.s32 $0x13B00;
	s20 =	simm.s32 $0x1B880;
	s0 =	simm.s32 $0x6  }
0x12a: {  	[tilespmem:s20], [sflag:$0x9] =	stream.indirect.gather [hbm4b:s4+s13], $0x80, s8, s13, $0xb8;
	[tilespmem:$0x1E080] =	vst v63  }
0x12b: {  	_ =	swait.ge [sflag:s0], $0x2800  }
0x12c: {  	[sflag:s0] =	ssyncset.done $0x0  }
0x12d: {  	[sflag:s0] =	ssyncadd.s32 $0xFFFFD800  }
0x12e: {  	s11 =	simm.s32 $0x13980;
	s9 =	simm.s32 $0x14080;
	s5 =	rddreg [dreg:$0x3]  }
0x12f: {  	[spmem:s5] =	stream.indirect.scatter.add.f32 [tilespmem:s9], [sflag:$0xA], $0x80, s11, s13, $0xb8;
	[tilespmem:$0x1E080] =	vst v63  }
0x130: {  	_ =	swait.ge [sflag:s16], $0x2800  }
0x131: {  	[sflag:s16] =	ssyncset.done $0x0  }
0x132: {  	s24 =	simm.s32 $0x7;
	[sflag:s16] =	ssyncadd.s32 $0xFFFFD800  }
0x133: {  	_ =	swait.ge [sflag:s24], $0x2800  }
0x134: {  	[sflag:s24] =	ssyncset.done $0x0  }
0x135: {  	s18 =	simm.s32 $0x13A00;
	s15 =	simm.s32 $0x16880;
	[sflag:s24] =	ssyncadd.s32 $0xFFFFD800  }
0x136: {  	[spmem:s5] =	stream.indirect.scatter.add.f32 [tilespmem:s15], [sflag:$0xA], $0x80, s18, s13, $0xb8;
	[tilespmem:$0x1E080] =	vst v63  }
0x137: {  	s28 =	sadd.s32 $0x280, s28;
	_ =	swait.ge [sflag:s16], $0x2800  }
0x138: {  	s30 =	sshrl.u32 s28, $0x3;
	[sflag:s16] =	ssyncset.done $0x0  }
0x139: {  	s1 =	simm.s32 $0x13880;
	s2 =	sadd.s32 s17, s30;
	[sflag:s16] =	ssyncadd.s32 $0xFFFFD800  }
0x13a: {  	[tilespmem:s1], [sflag:$0x2] =	stream.linear.gather [hbm4b:s2+s7], $0x50, $0x38;
	[tilespmem:$0x1E080] =	vst v63  }
0x13b: {  	s29 =	smov.u32 s26;
	s22 =	sadd.s32 s10, s30;
	s6 =	rddreg [dreg:$0x12]  }
0x13c: {  	[tilespmem:s11], [sflag:$0x2] =	stream.linear.gather [hbm4b:s22+s7], $0x50, $0x38;
	[tilespmem:$0x1E080] =	vst v63  }
0x13d: {  	s19 =	simm.s32 $0x13900;
	s14 =	sadd.s32 s29, s6;
	s1 =	rddreg [dreg:$0x11]  }
0x13e: {  	[tilespmem:s19], [sflag:$0x2] =	stream.linear.gather [hbm4b:s14+s7], $0x50, $0x38;
	[tilespmem:$0x1E080] =	vst v63  }
0x13f: {  	s22 =	sadd.s32 s29, s1  }
0x140: {  	[tilespmem:s18], [sflag:$0x2] =	stream.linear.gather [hbm4b:s22+s7], $0x50, $0x38;
	[tilespmem:$0x1E080] =	vst v63  }
0x141: {  	_ =	swait.ge [sflag:s3], $0x50  }
0x142: {  	[sflag:s3] =	ssyncset.done $0x0  }
0x143: {  	[sflag:s3] =	ssyncadd.s32 $0xFFFFFFB0  }
0x144: {  	_ =	swait.ge [sflag:s3], $0x50  }
0x145: {  	[sflag:s3] =	ssyncset.done $0x0  }
0x146: {  	[sflag:s3] =	ssyncadd.s32 $0xFFFFFFB0  }
0x147: {  	_ =	swait.ge [sflag:s3], $0x50  }
0x148: {  	[sflag:s3] =	ssyncset.done $0x0  }
0x149: {  	[sflag:s3] =	ssyncadd.s32 $0xFFFFFFB0  }
0x14a: {  	_ =	swait.ge [sflag:s3], $0x50  }
0x14b: {  	[sflag:s3] =	ssyncset.done $0x0  }
0x14c: {  	s30 =	simm.s32 $0x13C80;
	[sflag:s3] =	ssyncadd.s32 $0xFFFFFFB0  }
0x14d: {  	[tilespmem:s9], [sflag:$0x6] =	stream.indirect.gather [hbm4b:s4+s13], $0x80, s30, s13, $0xb8;
	[tilespmem:$0x1E080] =	vst v63  }
0x14e: {  	s2 =	simm.s32 $0x13D00;
	s22 =	simm.s32 $0x8  }
0x14f: {  	[tilespmem:s15], [sflag:$0x7] =	stream.indirect.gather [hbm4b:s4+s13], $0x80, s2, s13, $0xb8;
	[tilespmem:$0x1E080] =	vst v63  }
0x150: {  	_ =	swait.ge [sflag:s22], $0x2800  }
0x151: {  	[sflag:s22] =	ssyncset.done $0x0  }
0x152: {  	s11 =	simm.s32 $0x13B80;
	[sflag:s22] =	ssyncadd.s32 $0xFFFFD800  }
0x153: {  	[spmem:s5] =	stream.indirect.scatter.add.f32 [tilespmem:s23], [sflag:$0xA], $0x80, s11, s13, $0xb8;
	[tilespmem:$0x1E080] =	vst v63  }
0x154: {  	_ =	swait.ge [sflag:s16], $0x2800  }
0x155: {  	[sflag:s16] =	ssyncset.done $0x0  }
0x156: {  	s1 =	simm.s32 $0x9;
	[sflag:s16] =	ssyncadd.s32 $0xFFFFD800  }
0x157: {  	_ =	swait.ge [sflag:s1], $0x2800  }
0x158: {  	[sflag:s1] =	ssyncset.done $0x0  }
0x159: {  	s18 =	simm.s32 $0x13C00;
	[sflag:s1] =	ssyncadd.s32 $0xFFFFD800  }
0x15a: {  	[spmem:s5] =	stream.indirect.scatter.add.f32 [tilespmem:s20], [sflag:$0xA], $0x80, s18, s13, $0xb8;
	[tilespmem:$0x1E080] =	vst v63  }
0x15b: {  	_ =	swait.ge [sflag:s16], $0x2800  }
0x15c: {  	s6 =	rddreg [dreg:$0x10];
	[sflag:s16] =	ssyncset.done $0x0  }
0x15d: {  	s14 =	rddreg [dreg:$0xf];
	[sflag:s16] =	ssyncadd.s32 $0xFFFFD800;
	s2 =	sadd.s32 s29, s6  }
0x15e: {  	[tilespmem:s21], [sflag:$0x3] =	stream.linear.gather [hbm4b:s2+s7], $0x50, $0x38;
	[tilespmem:$0x1E080] =	vst v63  }
0x15f: {  	s30 =	rddreg [dreg:$0xe];
	s14 =	sadd.s32 s29, s14  }
0x160: {  	[tilespmem:s11], [sflag:$0x3] =	stream.linear.gather [hbm4b:s14+s7], $0x50, $0x38;
	[tilespmem:$0x1E080] =	vst v63  }
0x161: {  	s30 =	sadd.s32 s29, s30;
	s21 =	rddreg [dreg:$0xd]  }
0x162: {  	[tilespmem:s8], [sflag:$0x3] =	stream.linear.gather [hbm4b:s30+s7], $0x50, $0x38;
	[tilespmem:$0x1E080] =	vst v63  }
0x163: {  	s11 =	sadd.s32 s29, s21  }
0x164: {  	[tilespmem:s18], [sflag:$0x3] =	stream.linear.gather [hbm4b:s11+s7], $0x50, $0x38;
	[tilespmem:$0x1E080] =	vst v63  }
0x165: {  	_ =	swait.ge [sflag:s25], $0x50  }
0x166: {  	[sflag:s25] =	ssyncset.done $0x0  }
0x167: {  	[sflag:s25] =	ssyncadd.s32 $0xFFFFFFB0  }
0x168: {  	_ =	swait.ge [sflag:s25], $0x50  }
0x169: {  	[sflag:s25] =	ssyncset.done $0x0  }
0x16a: {  	[sflag:s25] =	ssyncadd.s32 $0xFFFFFFB0  }
0x16b: {  	_ =	swait.ge [sflag:s25], $0x50  }
0x16c: {  	[sflag:s25] =	ssyncset.done $0x0  }
0x16d: {  	[sflag:s25] =	ssyncadd.s32 $0xFFFFFFB0  }
0x16e: {  	_ =	swait.ge [sflag:s25], $0x50  }
0x16f: {  	[sflag:s25] =	ssyncset.done $0x0  }
0x170: {  	s18 =	simm.s32 $0x13E80;
	[sflag:s25] =	ssyncadd.s32 $0xFFFFFFB0  }
0x171: {  	[tilespmem:s23], [sflag:$0x8] =	stream.indirect.gather [hbm4b:s4+s13], $0x80, s18, s13, $0xb8;
	[tilespmem:$0x1E080] =	vst v63  }
0x172: {  	s30 =	simm.s32 $0x13F00  }
0x173: {  	[tilespmem:s20], [sflag:$0x9] =	stream.indirect.gather [hbm4b:s4+s13], $0x80, s30, s13, $0xb8;
	[tilespmem:$0x1E080] =	vst v63  }
0x174: {  	_ =	swait.ge [sflag:s0], $0x2800  }
0x175: {  	[sflag:s0] =	ssyncset.done $0x0  }
0x176: {  	s6 =	simm.s32 $0x13D80;
	[sflag:s0] =	ssyncadd.s32 $0xFFFFD800  }
0x177: {  	[spmem:s5] =	stream.indirect.scatter.add.f32 [tilespmem:s9], [sflag:$0xA], $0x80, s6, s13, $0xb8;
	[tilespmem:$0x1E080] =	vst v63  }
0x178: {  	_ =	swait.ge [sflag:s16], $0x2800  }
0x179: {  	[sflag:s16] =	ssyncset.done $0x0  }
0x17a: {  	[sflag:s16] =	ssyncadd.s32 $0xFFFFD800  }
0x17b: {  	_ =	swait.ge [sflag:s24], $0x2800  }
0x17c: {  	p2 =	seq.s32 s29, $0x460;
	[sflag:s24] =	ssyncset.done $0x0  }
0x17d: {  	s2 =	simm.s32 @!p2 $0x13C80;
	s8 =	simm.s32 $0x13E00;
	[sflag:s24] =	ssyncadd.s32 $0xFFFFD800  }
0x17e: {  	[spmem:s5] =	stream.indirect.scatter.add.f32 [tilespmem:s15], [sflag:$0xA], $0x80, s8, s13, $0xb8;
	[tilespmem:$0x1E080] =	vst v63  }
0x17f: {  	s18 =	smov.u32 s17;
	s17 =	smov.u32 s10;
	_ =	swait.ge [sflag:s16], $0x2800  }
0x180: {  	s30 =	simm.s32 @!p2 $0x0;
	s6 =	rddreg [dreg:$0xc];
	[sflag:s16] =	ssyncset.done $0x0  }
0x181: {  	s10 =	rddreg [dreg:$0xb];
	[sflag:s16] =	ssyncadd.s32 $0xFFFFD800;
	s6 =	sadd.s32 @!p2 s29, s6  }
0x182: {  	[tilespmem:s2], [sflag:$0x4] =	stream.linear.gather @!p2 [hbm4b:s6+s30], $0x50, $0x38;
	[tilespmem:$0x1E080] =	vst v63  }
0x183: {  	s11 =	rddreg [dreg:$0xa];
	s2 =	sadd.s32 @!p2 s29, s10;
	s6 =	simm.s32 @!p2 $0x13D80  }
0x184: {  	[tilespmem:s6], [sflag:$0x4] =	stream.linear.gather @!p2 [hbm4b:s2+s30], $0x50, $0x38;
	[tilespmem:$0x1E080] =	vst v63  }
0x185: {  	s10 =	rddreg [dreg:$0x9];
	s2 =	sadd.s32 @!p2 s29, s11;
	s6 =	simm.s32 @!p2 $0x13D00  }
0x186: {  	[tilespmem:s6], [sflag:$0x4] =	stream.linear.gather @!p2 [hbm4b:s2+s30], $0x50, $0x38;
	[tilespmem:$0x1E080] =	vst v63  }
0x187: {  	s11 =	simm.s32 @!p2 $0x13E00;
	s2 =	sadd.s32 @!p2 s29, s10  }
0x188: {  	[tilespmem:s11], [sflag:$0x4] =	stream.linear.gather @!p2 [hbm4b:s2+s30], $0x50, $0x38;
	[tilespmem:$0x1E080] =	vst v63  }
0x189: {  	_ =	swait.ge [sflag:s12], $0x50  }
0x18a: {  	[sflag:s12] =	ssyncset.done $0x0  }
0x18b: {  	[sflag:s12] =	ssyncadd.s32 $0xFFFFFFB0  }
0x18c: {  	_ =	swait.ge [sflag:s12], $0x50  }
0x18d: {  	[sflag:s12] =	ssyncset.done $0x0  }
0x18e: {  	[sflag:s12] =	ssyncadd.s32 $0xFFFFFFB0  }
0x18f: {  	_ =	swait.ge [sflag:s12], $0x50  }
0x190: {  	[sflag:s12] =	ssyncset.done $0x0  }
0x191: {  	[sflag:s12] =	ssyncadd.s32 $0xFFFFFFB0  }
0x192: {  	_ =	swait.ge [sflag:s12], $0x50  }
0x193: {  	[sflag:s12] =	ssyncset.done $0x0  }
0x194: {  	s11 =	simm.s32 $0x13880;
	[sflag:s12] =	ssyncadd.s32 $0xFFFFFFB0  }
0x195: {  	[tilespmem:s9], [sflag:$0x6] =	stream.indirect.gather [hbm4b:s4+s13], $0x80, s11, s13, $0xb8;
	[tilespmem:$0x1E080] =	vst v63  }
0x196: {  	_ = 	snop  }
0x197: {  	[tilespmem:s15], [sflag:$0x7] =	stream.indirect.gather [hbm4b:s4+s13], $0x80, s19, s13, $0xb8;
	[tilespmem:$0x1E080] =	vst v63  }
0x198: {  	_ =	swait.ge [sflag:s22], $0x2800  }
0x199: {  	[sflag:s22] =	ssyncset.done $0x0  }
0x19a: {  	[sflag:s22] =	ssyncadd.s32 $0xFFFFD800;
	s22 =	simm.s32 $0x13F80  }
0x19b: {  	[spmem:s5] =	stream.indirect.scatter.add.f32 [tilespmem:s23], [sflag:$0xA], $0x80, s22, s13, $0xb8;
	[tilespmem:$0x1E080] =	vst v63  }
0x19c: {  	_ =	swait.ge [sflag:s16], $0x2800  }
0x19d: {  	[sflag:s16] =	ssyncset.done $0x0  }
0x19e: {  	[sflag:s16] =	ssyncadd.s32 $0xFFFFD800  }
0x19f: {  	_ =	swait.ge [sflag:s1], $0x2800  }
0x1a0: {  	[sflag:s1] =	ssyncset.done $0x0  }
0x1a1: {  	s24 =	simm.s32 $0x14000;
	[sflag:s1] =	ssyncadd.s32 $0xFFFFD800  }
0x1a2: {  	[spmem:s5] =	stream.indirect.scatter.add.f32 [tilespmem:s20], [sflag:$0xA], $0x80, s24, s13, $0xb8;
	[tilespmem:$0x1E080] =	vst v63  }
0x1a3: {  	_ =	swait.ge [sflag:s16], $0x2800  }
0x1a4: {  	s10 =	simm.s32 @!p2 $0x13E80;
	s2 =	rddreg [dreg:$0x8];
	[sflag:s16] =	ssyncset.done $0x0  }
0x1a5: {  	s6 =	rddreg [dreg:$0x7];
	[sflag:s16] =	ssyncadd.s32 $0xFFFFD800;
	s2 =	sadd.s32 @!p2 s29, s2  }
0x1a6: {  	[tilespmem:s10], [sflag:$0x5] =	stream.linear.gather @!p2 [hbm4b:s2+s30], $0x50, $0x38;
	[tilespmem:$0x1E080] =	vst v63  }
0x1a7: {  	s11 =	rddreg [dreg:$0x6];
	s2 =	sadd.s32 @!p2 s29, s6;
	s6 =	simm.s32 @!p2 $0x13F80  }
0x1a8: {  	[tilespmem:s6], [sflag:$0x5] =	stream.linear.gather @!p2 [hbm4b:s2+s30], $0x50, $0x38;
	[tilespmem:$0x1E080] =	vst v63  }
0x1a9: {  	s10 =	rddreg [dreg:$0x5];
	s2 =	sadd.s32 @!p2 s29, s11;
	s6 =	simm.s32 @!p2 $0x13F00  }
0x1aa: {  	[tilespmem:s6], [sflag:$0x5] =	stream.linear.gather @!p2 [hbm4b:s2+s30], $0x50, $0x38;
	[tilespmem:$0x1E080] =	vst v63  }
0x1ab: {  	s11 =	simm.s32 @!p2 $0x14000;
	s2 =	sadd.s32 @!p2 s29, s10  }
0x1ac: {  	[tilespmem:s11], [sflag:$0x5] =	stream.linear.gather @!p2 [hbm4b:s2+s30], $0x50, $0x38;
	[tilespmem:$0x1E080] =	vst v63  }
0x1ad: {  	s26 =	sadd.s32 $0x50, s26;
	_ =	swait.ge [sflag:s31], $0x50  }
0x1ae: {  	p1 =	sne.s32 s26, $0x4B0;
	[sflag:s31] =	ssyncset.done $0x0  }
.Ltmp0:
0x1af: {  	[sflag:s31] =	ssyncadd.s32 $0xFFFFFFB0;
	(pc) =	sbr.rel @p1 .LBB2_2-.Ltmp0, $4  }
0x1b0: {  	_ =	swait.ge [sflag:s31], $0x50  }
0x1b1: {  	s14 =	simm.s32 $0x13B00;
	s21 =	simm.s32 $0x13C00;
	[sflag:s31] =	ssyncset.done $0x0  }
0x1b2: {  	s8 =	simm.s32 $0x14080;
	s9 =	simm.s32 $0x16880;
	[sflag:s31] =	ssyncadd.s32 $0xFFFFFFB0  }
0x1b3: {  	s10 =	smov.u32 s17;
	s17 =	smov.u32 s18;
	_ =	swait.ge [sflag:s31], $0x50  }
0x1b4: {  	[sflag:s31] =	ssyncset.done $0x0  }
0x1b5: {  	[sflag:s31] =	ssyncadd.s32 $0xFFFFFFB0  }
0x1b6: {  	_ =	swait.ge [sflag:s31], $0x50  }
0x1b7: {  	[sflag:s31] =	ssyncset.done $0x0  }
0x1b8: {  	[sflag:s31] =	ssyncadd.s32 $0xFFFFFFB0  }
0x1b9: {  	s2 =	simm.s32 $0x19080;
	s1 =	simm.s32 $0x13A80;
	s0 =	rddreg [dreg:$0x0]  }
0x1ba: {  	[tilespmem:s2], [sflag:$0x8] =	stream.indirect.gather [hbm4b:s0+s13], $0x80, s1, s13, $0xb8;
	[tilespmem:$0x1E080] =	vst v63  }
0x1bb: {  	s6 =	simm.s32 $0x1B880;
	s4 =	simm.s32 $0x6  }
0x1bc: {  	[tilespmem:s6], [sflag:$0x9] =	stream.indirect.gather [hbm4b:s0+s13], $0x80, s14, s13, $0xb8;
	[tilespmem:$0x1E080] =	vst v63  }
0x1bd: {  	_ =	swait.ge [sflag:s4], $0x2800  }
0x1be: {  	[sflag:s4] =	ssyncset.done $0x0  }
0x1bf: {  	[sflag:s4] =	ssyncadd.s32 $0xFFFFD800  }
0x1c0: {  	s5 =	simm.s32 $0x13980;
	s11 =	rddreg [dreg:$0x3]  }
0x1c1: {  	[spmem:s11] =	stream.indirect.scatter.add.f32 [tilespmem:s8], [sflag:$0xA], $0x80, s5, s13, $0xb8;
	[tilespmem:$0x1E080] =	vst v63  }
0x1c2: {  	_ =	swait.ge [sflag:s16], $0x2800  }
0x1c3: {  	[sflag:s16] =	ssyncset.done $0x0  }
0x1c4: {  	s14 =	simm.s32 $0x7;
	[sflag:s16] =	ssyncadd.s32 $0xFFFFD800  }
0x1c5: {  	_ =	swait.ge [sflag:s14], $0x2800  }
0x1c6: {  	[sflag:s14] =	ssyncset.done $0x0  }
0x1c7: {  	s15 =	simm.s32 $0x13A00;
	[sflag:s14] =	ssyncadd.s32 $0xFFFFD800  }
0x1c8: {  	[spmem:s11] =	stream.indirect.scatter.add.f32 [tilespmem:s9], [sflag:$0xA], $0x80, s15, s13, $0xb8;
	[tilespmem:$0x1E080] =	vst v63  }
0x1c9: {  	_ =	swait.ge [sflag:s16], $0x2800  }
0x1ca: {  	[sflag:s16] =	ssyncset.done $0x0  }
0x1cb: {  	s18 =	simm.s32 $0x8;
	[sflag:s16] =	ssyncadd.s32 $0xFFFFD800  }
0x1cc: {  	_ =	swait.ge [sflag:s18], $0x2800  }
0x1cd: {  	[sflag:s18] =	ssyncset.done $0x0  }
0x1ce: {  	s19 =	simm.s32 $0x13B80;
	[sflag:s18] =	ssyncadd.s32 $0xFFFFD800  }
0x1cf: {  	[spmem:s11] =	stream.indirect.scatter.add.f32 [tilespmem:s2], [sflag:$0xA], $0x80, s19, s13, $0xb8;
	[tilespmem:$0x1E080] =	vst v63  }
0x1d0: {  	_ =	swait.ge [sflag:s16], $0x2800  }
0x1d1: {  	[sflag:s16] =	ssyncset.done $0x0  }
0x1d2: {  	s20 =	simm.s32 $0x9;
	[sflag:s16] =	ssyncadd.s32 $0xFFFFD800  }
0x1d3: {  	_ =	swait.ge [sflag:s20], $0x2800  }
0x1d4: {  	[sflag:s20] =	ssyncset.done $0x0  }
0x1d5: {  	[sflag:s20] =	ssyncadd.s32 $0xFFFFD800  }
0x1d6: {  	[spmem:s11] =	stream.indirect.scatter.add.f32 [tilespmem:s6], [sflag:$0xA], $0x80, s21, s13, $0xb8;
	[tilespmem:$0x1E080] =	vst v63  }
0x1d7: {  	_ =	swait.ge [sflag:s16], $0x2800  }
0x1d8: {  	[sflag:s16] =	ssyncset.done $0x0  }
0x1d9: {  	[sflag:s16] =	ssyncadd.s32 $0xFFFFD800  }
0x1da: {  	[bflag:$0x0] =	sbarrier.arrive $0xFFFF  }
0x1db: {  	s21 =	sld [smem:$0x7FB]  }
0x1dc: {  	s23 =	sld [smem:$0x7EE];
	_ =	sdelay $0x1  }
0x1dd: {  	s22 =	rddreg [dreg:$0x1d];
	s2 =	sor.u32 $0x1C0A, s21  }
0x1de: {  	[hbm:s22], [sflag:s2] =	dma.local [spmem:s23], $0x2700  }
0x1df: {  	_ =	swait.ge [sflag:s16], $0x2700  }
0x1e0: {  	s6 =	sld [smem:$0x7F8]  }
0x1e1: {  	s0 =	sld [smem:$0x7EF]  }
0x1e2: {  	[sflag:s16] =	ssyncset.done $0x0  }
0x1e3: {  	[sflag:s16] =	ssyncadd.s32 $0xFFFFD900  }
0x1e4: {  	[hbm:s6], [sflag:s2] =	dma.local @!p0 [spmem:s0], $0x100  }
0x1e5: {  	s2 =	simm.s32 @!p0 $0xA  }
0x1e6: {  	_ =	swait.ge @!p0 [sflag:s2], $0x100  }
0x1e7: {  	s24 =	sld [smem:$0x7ED]  }
0x1e8: {  	s26 =	sld [smem:$0x7F9];
	_ =	sdelay $0x1  }
0x1e9: {  	s0 =	sadd.s32 $0x1, s24  }
0x1ea: {  	p1 =	sne.s32 s0, s26  }
.Ltmp1:
0x1eb: {  	_ = 	snop;
	(pc) =	sbr.rel @p1 .LBB2_1-.Ltmp1, $4  }
0x1ec: {  	s30 =	simm.s32 $0x13D00  }
0x1ed: {  	s28 =	simm.s32 $0x13E00;
	s29 =	simm.s32 $0x13E80;
	s4 =	simm.s32 $0x0  }
0x1ee: {  	s14 =	simm.s32 $0x13C80;
	s18 =	simm.s32 $0x13900;
	[sflag:s2] =	ssyncset.done @!p0 $0x0  }
0x1ef: {  	s11 =	simm.s32 $0x13880;
	s22 =	simm.s32 $0x13D80;
	[sflag:s2] =	ssyncadd.s32 @!p0 $0xFFFFFF00  }
0x1f0: {  	_ =	sfence.sel $0x180000  }
0x1f1: {  	[bflag:$0x0] =	sbarrier.arrive $0xFFFF  }
0x1f2: {  	_ =	strace $0x9000004A  }
0x1f3: {  	s0 =	stileid.u32;
	[bflag:$0x2] =	sbarrier.arrive $0xFFFF  }
0x1f4: {  	p0 =	sne.s32 s0, $0x0;
	s0 =	rddreg [dreg:$0x4]  }
0x1f5: {  	s0 =	sadd.s32 @!p0 $0x100000, s0  }
0x1f6: {  	[sflag:s0] =	ssyncadd.tile.s32 @!p0 $0x1;
	_ =	shalt  }
.Lfunc_end2:
_tile_overlayer_lowered:
.L_overlay_start_2:
0x1f7: {  	(tag) =	ssettag $0x2  }
0x1f8: {  	s0 =	rddreg [dreg:$0x0];
	s2 =	stileid.u32  }
0x1f9: {  	s1 =	rddreg [dreg:$0x1];
	p0 =	sne.s32 s2, $0x0  }
0x1fa: {  	s3 =	rddreg [dreg:$0x2];
	[bflag:$0x3] =	sbarrier.arrive $0xFFFF;
	s2 =	simm.s32 @!p0 $0x1C0A  }
0x1fb: {  	[timem:s3], [sflag:s2] =	dma.local @!p0 [hbm:s0], s1  }
0x1fc: {  	s0 =	simm.s32 @!p0 $0xA  }
0x1fd: {  	_ =	swait.ge @!p0 [sflag:s0], s1  }
0x1fe: {  	s1 =	ssub.s32 @!p0 $0x0, s1;
	[sflag:s0] =	ssyncset.done @!p0 $0x0  }
0x1ff: {  	[sflag:s0] =	ssyncadd.s32 @!p0 s1  }
0x200: {  	[bflag:$0x3] =	sbarrier.arrive $0xFFFF  }
0x201: {  	_ =	shalt  }

// kernel: kernel.14.cloned.1.call-start
scs
__scs_entry_jumppad:
0x0: {  	(pc) =	sbr.rel $0x88, $3  }
0x1: {  	(tag) =	ssettag $0x0;
	lr =	simm.s32 $0x1  }
0x2: {  	[smem:$0x3F91] =	sst lr;
	_ =	strace $0xD0000000  }
0x3: {  	_ = 	snop  }
0x4: {  	_ = 	snop  }
0x5: {  	_ = 	snop  }
0x6: {  	_ = 	snop  }
0x7: {  	_ = 	snop  }
__scs_overlays_trampoline_lowered:
0x8: {  	[smem:$0x3FA0] =	sst s0  }
0x9: {  	[smem:$0x3FA1] =	sst s1  }
0xa: {  	[smem:$0x3FA2] =	sst s2  }
0xb: {  	[smem:$0x3FA3] =	sst s3  }
0xc: {  	[smem:$0x3FA4] =	sst s4  }
0xd: {  	[smem:$0x3FA5] =	sst s5  }
0xe: {  	[smem:$0x3FA6] =	sst s6  }
0xf: {  	[smem:$0x3FA7] =	sst s7  }
0x10: {  	[smem:$0x3FA8] =	sst s8  }
0x11: {  	[smem:$0x3FA9] =	sst s9;
	s0 =	simm.s32 @!p0 $0x0  }
0x12: {  	s1 =	sld [smem:$0x3F8F];
	s0 =	simm.s32 @p0 $0x1  }
0x13: {  	[smem:$0x3FAA] =	sst s0;
	s0 =	simm.s32 @!p1 $0x0  }
0x14: {  	s2 =	sld [smem:$0x3F8E];
	s0 =	simm.s32 @p1 $0x1  }
0x15: {  	[smem:$0x3FAB] =	sst s0;
	s0 =	simm.s32 @!p2 $0x0  }
0x16: {  	s3 =	sld [smem:$0x3FDB];
	s0 =	simm.s32 @p2 $0x1  }
0x17: {  	s4 =	simm.s32 $0x1BF5;
	[smem:$0x3FAD] =	sst s0  }
0x18: {  	s0 =	sld [smem:$0x3F90];
	_ =	swait.ge [sflag:s4], $0x0  }
0x19: {  	s7 =	sld [smem:$0x3F91]  }
0x1a: {  	s8 =	sadd.s32 $0xFFFFE003, lr  }
0x1b: {  	s9 =	sadd.s32 $0xFFFFFEF7, lr;
	s5 =	simm.s32 $0xFFFFFFFF;
	p2 =	slt.u32 s8, $0xFFFFF086  }
0x1c: {  	p1 =	slt.u32 s9, $0xF7A;
	s5 =	simm.s32 @!p2 $0x0  }
0x1d: {  	s5 =	simm.s32 @p1 $0x1;
	p0 =	seq.s32 s7, s2  }
0x1e: {  	s7 =	smul.u32 @!p0 $0xF7A, s2;
	p2 =	seq.s32 @!p0 s5, $0x0  }
0x1f: {  	s9 =	smul.u32 $0xF7A, s1;
	s8 =	simm.s32 @!p0 $0x1BF5;
	p2 =	por !p2, p0  }
0x20: {  	[sflag:s8] =	ssyncset.s32 @!p0 $0xFFFFF086;
	s6 =	sadd.s32 @!p0 s3, s7;
	s7 =	simm.s32 @!p0 $0x108  }
0x21: {  	s3 =	sadd.s32 s3, s9;
	s6 =	sadd.s32 @!p0 $0x88, s6;
	s7 =	simm.s32 @p2 $0x1082  }
0x22: {  	[simem:s7], [sflag:s8] =	dma.local @!p0 [hbm:s6], $0xF7A  }
0x23: {  	s9 =	sor.u32 $0xD0000000, s2;
	s6 =	simm.s32 $0x108;
	_ =	swait.ge @!p0 [sflag:s8], $0x0  }
0x24: {  	s3 =	sadd.s32 $0x88, s3;
	s6 =	simm.s32 @!p1 $0x1082;
	[sflag:s4] =	ssyncset.s32 $0xFFFFF086  }
0x25: {  	[simem:s6], [sflag:s4] =	dma.local [hbm:s3], $0xF7A  }
0x26: {  	[smem:$0x3F91] =	sst s1;
	(tag) =	ssettag s2;
	_ =	strace s9  }
0x27: {  	s1 =	sld [smem:$0x3FA1]  }
0x28: {  	s2 =	sld [smem:$0x3FA2]  }
0x29: {  	s4 =	sld [smem:$0x3FA4]  }
0x2a: {  	p0 =	seq.s32 s5, $0x0;
	s5 =	sld [smem:$0x3FA5]  }
0x2b: {  	s6 =	sld [smem:$0x3FA6]  }
0x2c: {  	s7 =	sld [smem:$0x3FA7]  }
0x2d: {  	s3 =	simm.s32 $0x108;
	s8 =	sld [smem:$0x3FA8]  }
0x2e: {  	s3 =	simm.s32 @!p0 $0x1082;
	s9 =	sld [smem:$0x3FA9]  }
0x2f: {  	lr =	sadd.s32 s0, s3;
	s0 =	sld [smem:$0x3FA0]  }
0x30: {  	s3 =	sld [smem:$0x3FA3]  }
0x31: {  	[smem:$0x3FAC] =	sst s10  }
0x32: {  	s10 =	sld [smem:$0x3FAA];
	_ =	sdelay $0x3  }
0x33: {  	p0 =	seq.s32 s10, $0x1;
	s10 =	sld [smem:$0x3FAC];
	_ =	sdelay $0x3  }
0x34: {  	[smem:$0x3FAC] =	sst s10  }
0x35: {  	s10 =	sld [smem:$0x3FAB];
	_ =	sdelay $0x3  }
0x36: {  	p1 =	seq.s32 s10, $0x1;
	s10 =	sld [smem:$0x3FAC];
	_ =	sdelay $0x3  }
0x37: {  	[smem:$0x3FAC] =	sst s10  }
0x38: {  	s10 =	sld [smem:$0x3FAD]  }
0x39: {  	_ = 	snop;
	(pc) =	sbr.ind lr, $3  }
0x3a: {  	_ = 	snop  }
0x3b: {  	_ = 	snop  }
0x3c: {  	p2 =	seq.s32 s10, $0x1;
	s10 =	sld [smem:$0x3FAC]  }
0x3d: {  	_ =	shalt  }
0x3e: {  	_ =	shalt  }
0x3f: {  	_ =	shalt  }
0x40: {  	_ =	shalt  }
0x41: {  	_ =	shalt  }
0x42: {  	_ =	shalt  }
0x43: {  	_ =	shalt  }
0x44: {  	_ =	shalt  }
0x45: {  	_ =	shalt  }
0x46: {  	_ =	shalt  }
0x47: {  	_ =	shalt  }
0x48: {  	_ =	shalt  }
0x49: {  	_ =	shalt  }
0x4a: {  	_ =	shalt  }
0x4b: {  	_ =	shalt  }
0x4c: {  	_ =	shalt  }
0x4d: {  	_ =	shalt  }
0x4e: {  	_ =	shalt  }
0x4f: {  	_ =	shalt  }
0x50: {  	_ =	shalt  }
0x51: {  	_ =	shalt  }
0x52: {  	_ =	shalt  }
0x53: {  	_ =	shalt  }
0x54: {  	_ =	shalt  }
0x55: {  	_ =	shalt  }
0x56: {  	_ =	shalt  }
0x57: {  	_ =	shalt  }
0x58: {  	_ =	shalt  }
0x59: {  	_ =	shalt  }
0x5a: {  	_ =	shalt  }
0x5b: {  	_ =	shalt  }
0x5c: {  	_ =	shalt  }
0x5d: {  	_ =	shalt  }
0x5e: {  	_ =	shalt  }
0x5f: {  	_ =	shalt  }
0x60: {  	_ =	shalt  }
0x61: {  	_ =	shalt  }
0x62: {  	_ =	shalt  }
0x63: {  	_ =	shalt  }
0x64: {  	_ =	shalt  }
0x65: {  	_ =	shalt  }
0x66: {  	_ =	shalt  }
0x67: {  	_ =	shalt  }
0x68: {  	_ =	shalt  }
0x69: {  	_ =	shalt  }
0x6a: {  	_ =	shalt  }
0x6b: {  	_ =	shalt  }
0x6c: {  	_ =	shalt  }
0x6d: {  	_ =	shalt  }
0x6e: {  	_ =	shalt  }
0x6f: {  	_ =	shalt  }
0x70: {  	_ =	shalt  }
0x71: {  	_ =	shalt  }
0x72: {  	_ =	shalt  }
0x73: {  	_ =	shalt  }
0x74: {  	_ =	shalt  }
0x75: {  	_ =	shalt  }
0x76: {  	_ =	shalt  }
0x77: {  	_ =	shalt  }
0x78: {  	_ =	shalt  }
0x79: {  	_ =	shalt  }
0x7a: {  	_ =	shalt  }
0x7b: {  	_ =	shalt  }
0x7c: {  	_ =	shalt  }
0x7d: {  	_ =	shalt  }
0x7e: {  	_ =	shalt  }
0x7f: {  	_ =	shalt  }
0x80: {  	_ =	shalt  }
0x81: {  	_ =	shalt  }
0x82: {  	_ =	shalt  }
0x83: {  	_ =	shalt  }
0x84: {  	_ =	shalt  }
0x85: {  	_ =	shalt  }
0x86: {  	_ =	shalt  }
0x87: {  	_ =	shalt  }
.Lfunc_end0:
.L_simem_size_0:
called_computation.2_lowered:
.L_overlay_start_0:
0x88: {  	s2 =	sld [smem:$0x3FD9]  }
0x89: {  	s3 =	sld [smem:$0x3FFE];
	_ =	sdelay $0x1  }
0x8a: {  	s1 =	srdreg.scid  }
0x8b: {  	s0 =	sand.u32 $0x1, s1  }
0x8c: {  	s14 =	sshll.u32 s0, $0xA;
	s2 =	sadd.s32 s3, s2  }
0x8d: {  	s2 =	sadd.s32 s2, s14  }
0x8e: {  	[smem:$0x3FB8] =	sst s2  }
0x8f: {  	_ = 	snop  }
0x90: {  	s2 =	sld [smem:$0x3FD0];
	_ =	sdelay $0x2  }
0x91: {  	s15 =	simm.s32 $0xA;
	s4 =	simm.s32 $0x10  }
0x92: {  	[smem:s4], [sflag:s15] =	dma.local [hbm:s2], $0x1  }
0x93: {  	_ =	swait.eq [sflag:s15], $0x1  }
0x94: {  	[sflag:s15] =	ssyncset.done $0x0  }
0x95: {  	s16 =	sld [smem:$0x10];
	[sflag:s15] =	ssyncadd.s32 $0xFFFFFFFF  }
0x96: {  	s17 =	sld [smem:$0x11];
	(tm) =	ssettm $0x1  }
0x97: {  	s18 =	sld [smem:$0x3FFB];
	_ =	sdelay $0x3  }
0x98: {  	_ =	strace s18  }
0x99: {  	s4 =	sld [smem:$0x3FFC];
	_ =	sdelay $0x3  }
0x9a: {  	_ =	strace s4  }
0x9b: {  	s4 =	sld [smem:$0x3FFD];
	_ =	sdelay $0x3  }
0x9c: {  	_ =	strace s4  }
0x9d: {  	_ =	strace $0x8FFFFFFF  }
0x9e: {  	s19 =	sld [smem:$0x3FDB];
	_ =	sdelay $0x1  }
0x9f: {  	s5 =	simm.s32 $_scs_section_size  }
0xa0: {  	s6 =	simm.s32 $_size__tile_overlayer_lowered;
	s7 =	simm.s32 $_tile_overlayer_lowered  }
0xa1: {  	s22 =	simm.s32 $0x1BFF;
	s21 =	sshll.u32 s7, $0x1;
	s4 =	sadd.s32 s5, s19  }
0xa2: {  	s8 =	simm.s32 $0x0;
	s20 =	sshll.u32 s6, $0x1;
	s6 =	sadd.s32 s21, s4  }
0xa3: {  	[timem:s8], [sflag:s22] =	dma.local [hbm:s6], s20  }
0xa4: {  	_ =	swait.ge [sflag:s22], s20  }
0xa5: {  	s5 =	ssub.s32 $0x0, s20;
	[sflag:s22] =	ssyncset.done $0x0  }
0xa6: {  	[sflag:s22] =	ssyncadd.s32 s5;
	_ =	sdelay $0x1  }
0xa7: {  	s23 =	simm.s32 $0x1B8B  }
0xa8: {  	_ =	swait.ge [sflag:s23], $0x1  }
0xa9: {  	[sflag:s23] =	ssyncset.done $0x0  }
0xaa: {  	s25 =	simm.s32 $0x1B8E;
	s24 =	sld [smem:$0x3FFE];
	[sflag:s23] =	ssyncadd.s32 $0xFFFFFFFF  }
0xab: {  	s26 =	simm.s32 $execute0_lowered;
	[smem:$0x3FD2] =	sst s25  }
0xac: {  	s6 =	sshll.u32 s26, $0x1;
	_ =	strace $0x8000004C;
	[dreg:$0x1] =	wrdreg $0xFFFFFFFF  }
0xad: {  	s28 =	simm.s32 $_size_execute0_lowered;
	s4 =	sadd.s32 s4, s6;
	[dreg:$0x0] =	wrdreg $0x0  }
0xae: {  	s6 =	sshll.u32 s28, $0x1;
	[dreg:$0x2] =	wrdreg s4  }
0xaf: {  	[dreg:$0x3] =	wrdreg s6  }
0xb0: {  	[dreg:$0x4] =	wrdreg $0xC0  }
0xb1: {  	_ =	task [dreg:s8], $0x5FFFF  }
0xb2: {  	[dreg:$0x1] =	wrdreg $0xFFFFFFFF  }
0xb3: {  	[dreg:$0x0] =	wrdreg $0x60  }
0xb4: {  	[dreg:$0x2] =	wrdreg s16  }
0xb5: {  	[dreg:$0x3] =	wrdreg s24  }
0xb6: {  	[dreg:$0x4] =	wrdreg s17  }
0xb7: {  	[dreg:$0x5] =	wrdreg $0x0  }
0xb8: {  	[dreg:$0x6] =	wrdreg $0x9  }
0xb9: {  	_ =	task.clear_ibuf [dreg:s8], $0x7FFFF;
	_ =	strace $0x9000004C  }
0xba: {  	s29 =	simm.s32 $0x9;
	_ =	strace $0x8000004E  }
0xbb: {  	_ =	swait.ge [sflag:s29], $0x1  }
0xbc: {  	[sflag:s29] =	ssyncadd.s32 $0xFFFFFFFF  }
0xbd: {  	_ =	strace $0x9000004E  }
0xbe: {  	_ =	sfence  }
0xbf: {  	s30 =	sld [smem:$0x0];
	_ =	sdelay $0x2  }
0xc0: {  	s31 =	sshll.u32 s1, $0xD;
	s1 =	sshrl.u32 s1, $0x2  }
0xc1: {  	s3 =	sand.u32 $0x4000, s31;
	s1 =	sadd.s32 s1, s30  }
0xc2: {  	s0 =	sor.u32 s3, s0;
	s1 =	sshll.u32 s1, $0x11  }
0xc3: {  	s0 =	sor.u32 s1, s0  }
0xc4: {  	s0 =	sadd.s32 $0x8F2B, s0  }
0xc5: {  	[sflag:s0] =	ssyncadd.remote.s32 $0x1  }
0xc6: {  	_ =	sfence.sel $0xFFFF  }
0xc7: {  	[dreg:$0x0] =	wrdreg $0xFFFFFFFF;
	(pc) =	sbr.abs _section_cstart, $3  }
0xc8: {  	[dreg:$0x1] =	wrdreg $0xFFFFFFFF  }
0xc9: {  	_ =	task.clear_ibuf [dreg:s8], $0x2FFFF;
	_ =	strace $0x9FFFFFFF  }
0xca: {  	(tm) =	ssettm $0x7FFFFFFF  }
0xcb: {  	_ =	shalt  }
tec
execute0_lowered:
.L_overlay_start_1:
0x0: {  	(tag) =	ssettag $0x1  }
0x1: {  	s0 =	rddreg [dreg:$0x1]  }
0x2: {  	s13 =	rddreg [dreg:$0x2]  }
0x3: {  	s1 =	rddreg [dreg:$0x3]  }
0x4: {  	s2 =	srdreg.scid;
	s6 =	stileid.u32;
	s4 =	simm.s32 $0x0  }
0x5: {  	s3 =	sand.u32 $0x1, s2;
	s17 =	sshll.u32 s6, $0x1;
	s8 =	smul.u32 $0x4E000, s6  }
0x6: {  	[smem:$0x7FF] =	sst s4;
	s7 =	sadd.s32 $0xD600, s0;
	s10 =	smul.u32 $0x13800, s6  }
0x7: {  	s9 =	sadd.s32 $0xFE00, s0;
	s25 =	smul.u32 $0x4E20, s6;
	_ =	strace $0x8000004D  }
0x8: {  	s2 =	sor.u32 s3, s17;
	s17 =	sadd.s32 $0x3800, s0;
	s23 =	smul.u32 $0x138800, s3  }
0x9: {  	[dreg:$0x13] =	wrdreg s7;
	s18 =	ssub.s32 $0x2, s3;
	s3 =	smul.u32 $0x2710, s3  }
0xa: {  	s2 =	smul.u32 $0x2710, s2;
	s19 =	sshrl.u32 s18, $0x1;
	s20 =	sshrl.u32 s8, $0x2  }
0xb: {  	s0 =	ssub.s32 s18, s19;
	s7 =	sadd.s32 s20, s1;
	s10 =	sadd.s32 s10, s23  }
0xc: {  	s3 =	sadd.s32 s3, s25;
	s2 =	sshrl.u32 s2, $0x3;
	[dreg:$0x14] =	wrdreg s7  }
0xd: {  	s10 =	sshrl.u32 s10, $0x3;
	s15 =	sadd.s32 $0x4B0, s3;
	s0 =	smax.u32 s0, $0x1  }
0xe: {  	s21 =	sadd.s32 $0x4D8, s2;
	s10 =	sadd.s32 s9, s10;
	[smem:$0x7F9] =	sst s0  }
0xf: {  	s7 =	sshrl.u32 s23, $0x3;
	s22 =	sadd.s32 s17, s21;
	[dreg:$0x1d] =	wrdreg s10  }
0x10: {  	s24 =	sadd.s32 $0xA, s2;
	s8 =	sadd.s32 s13, s21;
	[dreg:$0x15] =	wrdreg s22  }
0x11: {  	s26 =	sadd.s32 $0x14, s2;
	s11 =	sadd.s32 s17, s24;
	[dreg:$0x16] =	wrdreg s8  }
0x12: {  	s12 =	sadd.s32 $0x1E, s2;
	s14 =	sadd.s32 s17, s26;
	[dreg:$0x17] =	wrdreg s11  }
0x13: {  	s16 =	sshrl.u32 s15, $0x3;
	s5 =	sadd.s32 s17, s12;
	[dreg:$0x19] =	wrdreg s14  }
0x14: {  	s23 =	sadd.s32 $0x410, s3;
	s18 =	sadd.s32 s16, s13;
	[dreg:$0x1b] =	wrdreg s5  }
0x15: {  	s25 =	sshrl.u32 s23, $0x3;
	s20 =	sadd.s32 s16, s17;
	[dreg:$0x5] =	wrdreg s18  }
0x16: {  	s30 =	simm.s32 $0x13D00;
	s10 =	sadd.s32 s25, s17;
	[dreg:$0x6] =	wrdreg s20  }
0x17: {  	s28 =	simm.s32 $0x13E00;
	s8 =	sadd.s32 s13, s24;
	[dreg:$0xa] =	wrdreg s10  }
0x18: {  	s19 =	sadd.s32 $0x460, s3;
	s11 =	sadd.s32 s13, s26;
	[dreg:$0x18] =	wrdreg s8  }
0x19: {  	s21 =	sshrl.u32 s19, $0x3;
	s14 =	sadd.s32 s13, s12;
	[dreg:$0x1a] =	wrdreg s11  }
0x1a: {  	s29 =	simm.s32 $0x13E80;
	s22 =	sadd.s32 s21, s13;
	[dreg:$0x1c] =	wrdreg s14  }
0x1b: {  	s15 =	sadd.s32 $0x370, s3;
	s24 =	sadd.s32 s21, s17;
	[dreg:$0x7] =	wrdreg s22  }
0x1c: {  	s26 =	sadd.s32 s25, s13;
	s18 =	sshrl.u32 s15, $0x3;
	[dreg:$0x8] =	wrdreg s24  }
0x1d: {  	s5 =	sadd.s32 $0x3C0, s3;
	[dreg:$0x9] =	wrdreg s26;
	s19 =	sadd.s32 s18, s13  }
0x1e: {  	s20 =	sadd.s32 $0x320, s3;
	s21 =	sadd.s32 s18, s17;
	[dreg:$0xd] =	wrdreg s19  }
0x1f: {  	s12 =	sshrl.u32 s5, $0x3;
	s18 =	sadd.s32 s17, s2;
	[dreg:$0xe] =	wrdreg s21  }
0x20: {  	s22 =	sshrl.u32 s20, $0x3;
	s20 =	sadd.s32 s13, s2;
	[smem:$0x7F2] =	sst s18  }
0x21: {  	s31 =	simm.s32 $0x3;
	s14 =	sadd.s32 s12, s13;
	[smem:$0x7F3] =	sst s20  }
0x22: {  	p0 =	sne.s32 s6, $0xF;
	s16 =	sadd.s32 s12, s17;
	[dreg:$0xb] =	wrdreg s14  }
0x23: {  	s8 =	sadd.s32 $0x28, s2;
	s23 =	sadd.s32 s22, s13;
	[dreg:$0xc] =	wrdreg s16  }
0x24: {  	s7 =	sadd.s32 s9, s7;
	s5 =	sadd.s32 s17, s8;
	[dreg:$0xf] =	wrdreg s23  }
0x25: {  	s24 =	sadd.s32 $0x2D0, s3;
	s25 =	sadd.s32 s22, s17;
	[dreg:$0x1e] =	wrdreg s5  }
0x26: {  	s11 =	simm.s32 $0x13880;
	s8 =	sadd.s32 s13, s8;
	[dreg:$0x10] =	wrdreg s25  }
0x27: {  	s26 =	sshrl.u32 s24, $0x3;
	s24 =	sshll.u32 s6, $0x6;
	[dreg:$0x1f] =	wrdreg s8  }
0x28: {  	s19 =	sadd.s32 $0x3C, s2;
	s12 =	sadd.s32 s26, s13;
	[smem:$0x7FB] =	sst s24  }
0x29: {  	s18 =	simm.s32 $0x13900;
	s10 =	sadd.s32 s26, s17;
	[dreg:$0x11] =	wrdreg s12  }
0x2a: {  	s14 =	sadd.s32 $0x32, s2;
	s21 =	sadd.s32 s17, s19;
	[dreg:$0x12] =	wrdreg s10  }
0x2b: {  	s2 =	sadd.s32 $0x46, s2;
	s8 =	sadd.s32 s13, s19;
	[smem:$0x7F4] =	sst s21  }
0x2c: {  	s23 =	sadd.s32 $0x27000, s7;
	s25 =	sadd.s32 $0x280, s3;
	[smem:$0x7F5] =	sst s8  }
0x2d: {  	s0 =	sor.u32 $0x1C01, s24;
	s26 =	sadd.s32 $0x138000, s1;
	[smem:$0x7F8] =	sst s23  }
0x2e: {  	s3 =	simm.s32 $0x4;
	s7 =	simm.s32 $0x0;
	[smem:$0x7FA] =	sst s25  }
0x2f: {  	s10 =	smov.u32 s13;
	s15 =	sadd.s32 s17, s14;
	[smem:$0x7FC] =	sst s0  }
0x30: {  	s16 =	sadd.s32 s13, s14;
	s22 =	sadd.s32 s17, s2;
	[smem:$0x7FD] =	sst s26  }
0x31: {  	s2 =	sadd.s32 s13, s2;
	s12 =	simm.s32 $0x2;
	[smem:$0x7F0] =	sst s15  }
0x32: {  	s13 =	simm.s32 $0x50;
	s14 =	simm.s32 $0x13C80;
	[smem:$0x7F1] =	sst s16  }
0x33: {  	s25 =	simm.s32 $0x5;
	s0 =	simm.s32 $0x0;
	[smem:$0x7F6] =	sst s22  }
0x34: {  	[smem:$0x7F7] =	sst s2;
	s16 =	simm.s32 $0xA;
	s22 =	simm.s32 $0x13D80  }
.LBB2_1:
0x35: {  	[smem:$0x7ED] =	sst s0  }
0x36: {  	s2 =	rddreg [dreg:$0x14]  }
0x37: {  	s6 =	sld [smem:$0x7FC]  }
0x38: {  	s9 =	sshrl.u32 s2, $0x3;
	s2 =	rddreg [dreg:$0x13]  }
0x39: {  	s15 =	simm.s32 $0x1;
	[smem:$0x7EE] =	sst s9  }
0x3a: {  	[spmem:s9], [sflag:s6] =	dma.local [hbm:s2], $0x2700  }
0x3b: {  	_ =	swait.ge [sflag:s15], $0x2700  }
0x3c: {  	s6 =	sld [smem:$0x7FD];
	_ =	sdelay $0x2  }
0x3d: {  	[sflag:s15] =	ssyncset.done $0x0;
	s0 =	sshrl.u32 @!p0 s6, $0x3  }
0x3e: {  	s26 =	simm.s32 @!p0 $0x1FCA;
	[sflag:s15] =	ssyncadd.s32 $0xFFFFD900;
	[smem:$0x7EF] =	sst s0  }
0x3f: {  	[spmem:s0], [sflag:s26] =	dma.local @!p0 [hbm:s2], $0x100  }
0x40: {  	s26 =	simm.s32 @!p0 $0xA  }
0x41: {  	_ =	swait.ge @!p0 [sflag:s26], $0x100  }
0x42: {  	[sflag:s26] =	ssyncset.done @!p0 $0x0  }
0x43: {  	[sflag:s26] =	ssyncadd.s32 @!p0 $0xFFFFFF00  }
0x44: {  	[bflag:$0x0] =	sbarrier.arrive $0xFFFF  }
0x45: {  	s19 =	rddreg [dreg:$0x15]  }
0x46: {  	[tilespmem:s11], [sflag:$0x2] =	stream.linear.gather [hbm4b:s19+s4], $0x50, $0x38;
	[tilespmem:$0x1E080] =	vst v63  }
0x47: {  	s6 =	simm.s32 $0x13980;
	s20 =	rddreg [dreg:$0x16]  }
0x48: {  	[tilespmem:s6], [sflag:$0x2] =	stream.linear.gather [hbm4b:s20+s4], $0x50, $0x38;
	[tilespmem:$0x1E080] =	vst v63  }
0x49: {  	_ =	swait.ge [sflag:s12], $0x50  }
0x4a: {  	[sflag:s12] =	ssyncset.done $0x0  }
0x4b: {  	[sflag:s12] =	ssyncadd.s32 $0xFFFFFFB0  }
0x4c: {  	_ =	swait.ge [sflag:s12], $0x50  }
0x4d: {  	[sflag:s12] =	ssyncset.done $0x0  }
0x4e: {  	[sflag:s12] =	ssyncadd.s32 $0xFFFFFFB0  }
0x4f: {  	s9 =	simm.s32 $0x14080;
	s0 =	simm.s32 $0x6;
	s4 =	rddreg [dreg:$0x0]  }
0x50: {  	[tilespmem:s9], [sflag:$0x6] =	stream.indirect.gather [hbm4b:s4+s13], $0x80, s11, s13, $0xb8;
	[tilespmem:$0x1E080] =	vst v63  }
0x51: {  	_ =	swait.ge [sflag:s0], $0x2800  }
0x52: {  	[sflag:s0] =	ssyncset.done $0x0  }
0x53: {  	[sflag:s0] =	ssyncadd.s32 $0xFFFFD800  }
0x54: {  	s5 =	rddreg [dreg:$0x3]  }
0x55: {  	[spmem:s5] =	stream.indirect.scatter.add.f32 [tilespmem:s9], [sflag:$0xA], $0x80, s6, s13, $0xb8;
	[tilespmem:$0x1E080] =	vst v63  }
0x56: {  	_ =	swait.ge [sflag:s16], $0x2800  }
0x57: {  	s21 =	sld [smem:$0x7F2]  }
0x58: {  	[sflag:s16] =	ssyncset.done $0x0  }
0x59: {  	s23 =	sld [smem:$0x7F3];
	[sflag:s16] =	ssyncadd.s32 $0xFFFFD800  }
0x5a: {  	[tilespmem:s11], [sflag:$0x2] =	stream.linear.gather [hbm4b:s21+s7], $0x50, $0x38;
	[tilespmem:$0x1E080] =	vst v63  }
0x5b: {  	s24 =	rddreg [dreg:$0x17]  }
0x5c: {  	[tilespmem:s6], [sflag:$0x2] =	stream.linear.gather [hbm4b:s23+s7], $0x50, $0x38;
	[tilespmem:$0x1E080] =	vst v63  }
0x5d: {  	s26 =	rddreg [dreg:$0x18]  }
0x5e: {  	[tilespmem:s18], [sflag:$0x2] =	stream.linear.gather [hbm4b:s24+s7], $0x50, $0x38;
	[tilespmem:$0x1E080] =	vst v63  }
0x5f: {  	s20 =	simm.s32 $0x13A00;
	s1 =	rddreg [dreg:$0x19]  }
0x60: {  	[tilespmem:s20], [sflag:$0x2] =	stream.linear.gather [hbm4b:s26+s7], $0x50, $0x38;
	[tilespmem:$0x1E080] =	vst v63  }
0x61: {  	s19 =	simm.s32 $0x13A80;
	s8 =	rddreg [dreg:$0x1a]  }
0x62: {  	[tilespmem:s19], [sflag:$0x3] =	stream.linear.gather [hbm4b:s1+s7], $0x50, $0x38;
	[tilespmem:$0x1E080] =	vst v63  }
0x63: {  	s15 =	rddreg [dreg:$0x1b];
	s21 =	simm.s32 $0x13B80  }
0x64: {  	[tilespmem:s21], [sflag:$0x3] =	stream.linear.gather [hbm4b:s8+s7], $0x50, $0x38;
	[tilespmem:$0x1E080] =	vst v63  }
0x65: {  	s23 =	rddreg [dreg:$0x1c];
	s8 =	simm.s32 $0x13B00  }
0x66: {  	[tilespmem:s8], [sflag:$0x3] =	stream.linear.gather [hbm4b:s15+s7], $0x50, $0x38;
	[tilespmem:$0x1E080] =	vst v63  }
0x67: {  	s24 =	simm.s32 $0x13C00;
	s26 =	rddreg [dreg:$0x1e]  }
0x68: {  	[tilespmem:s24], [sflag:$0x3] =	stream.linear.gather [hbm4b:s23+s7], $0x50, $0x38;
	[tilespmem:$0x1E080] =	vst v63  }
0x69: {  	s1 =	rddreg [dreg:$0x1f]  }
0x6a: {  	[tilespmem:s14], [sflag:$0x4] =	stream.linear.gather [hbm4b:s26+s7], $0x50, $0x38;
	[tilespmem:$0x1E080] =	vst v63  }
0x6b: {  	s15 =	sld [smem:$0x7F0]  }
0x6c: {  	[tilespmem:s22], [sflag:$0x4] =	stream.linear.gather [hbm4b:s1+s7], $0x50, $0x38;
	[tilespmem:$0x1E080] =	vst v63  }
0x6d: {  	s23 =	sld [smem:$0x7F1]  }
0x6e: {  	[tilespmem:s30], [sflag:$0x4] =	stream.linear.gather [hbm4b:s15+s7], $0x50, $0x38;
	[tilespmem:$0x1E080] =	vst v63  }
0x6f: {  	s26 =	sld [smem:$0x7F4]  }
0x70: {  	[tilespmem:s28], [sflag:$0x4] =	stream.linear.gather [hbm4b:s23+s7], $0x50, $0x38;
	[tilespmem:$0x1E080] =	vst v63  }
0x71: {  	_ = 	snop  }
0x72: {  	[tilespmem:s29], [sflag:$0x5] =	stream.linear.gather [hbm4b:s26+s7], $0x50, $0x38;
	[tilespmem:$0x1E080] =	vst v63  }
0x73: {  	s29 =	sld [smem:$0x7F5];
	_ =	sdelay $0x1  }
0x74: {  	s1 =	simm.s32 $0x13F80  }
0x75: {  	[tilespmem:s1], [sflag:$0x5] =	stream.linear.gather [hbm4b:s29+s7], $0x50, $0x38;
	[tilespmem:$0x1E080] =	vst v63  }
0x76: {  	s1 =	sld [smem:$0x7F6];
	_ =	sdelay $0x1  }
0x77: {  	s15 =	simm.s32 $0x13F00;
	s23 =	sld [smem:$0x7F7]  }
0x78: {  	[tilespmem:s15], [sflag:$0x5] =	stream.linear.gather [hbm4b:s1+s7], $0x50, $0x38;
	[tilespmem:$0x1E080] =	vst v63  }
0x79: {  	s26 =	simm.s32 $0x14000  }
0x7a: {  	[tilespmem:s26], [sflag:$0x5] =	stream.linear.gather [hbm4b:s23+s7], $0x50, $0x38;
	[tilespmem:$0x1E080] =	vst v63  }
0x7b: {  	_ =	swait.ge [sflag:s12], $0x50  }
0x7c: {  	[sflag:s12] =	ssyncset.done $0x0  }
0x7d: {  	[sflag:s12] =	ssyncadd.s32 $0xFFFFFFB0  }
0x7e: {  	_ =	swait.ge [sflag:s12], $0x50  }
0x7f: {  	[sflag:s12] =	ssyncset.done $0x0  }
0x80: {  	[sflag:s12] =	ssyncadd.s32 $0xFFFFFFB0  }
0x81: {  	_ =	swait.ge [sflag:s12], $0x50  }
0x82: {  	[sflag:s12] =	ssyncset.done $0x0  }
0x83: {  	[sflag:s12] =	ssyncadd.s32 $0xFFFFFFB0  }
0x84: {  	_ =	swait.ge [sflag:s12], $0x50  }
0x85: {  	[sflag:s12] =	ssyncset.done $0x0  }
0x86: {  	[sflag:s12] =	ssyncadd.s32 $0xFFFFFFB0  }
0x87: {  	[tilespmem:s9], [sflag:$0x6] =	stream.indirect.gather [hbm4b:s4+s13], $0x80, s11, s13, $0xb8;
	[tilespmem:$0x1E080] =	vst v63  }
0x88: {  	s11 =	simm.s32 $0x16880  }
0x89: {  	[tilespmem:s11], [sflag:$0x7] =	stream.indirect.gather [hbm4b:s4+s13], $0x80, s18, s13, $0xb8;
	[tilespmem:$0x1E080] =	vst v63  }
0x8a: {  	_ =	swait.ge [sflag:s31], $0x50  }
0x8b: {  	[sflag:s31] =	ssyncset.done $0x0  }
0x8c: {  	[sflag:s31] =	ssyncadd.s32 $0xFFFFFFB0  }
0x8d: {  	_ =	swait.ge [sflag:s31], $0x50  }
0x8e: {  	[sflag:s31] =	ssyncset.done $0x0  }
0x8f: {  	[sflag:s31] =	ssyncadd.s32 $0xFFFFFFB0  }
0x90: {  	_ =	swait.ge [sflag:s31], $0x50  }
0x91: {  	[sflag:s31] =	ssyncset.done $0x0  }
0x92: {  	[sflag:s31] =	ssyncadd.s32 $0xFFFFFFB0  }
0x93: {  	_ =	swait.ge [sflag:s31], $0x50  }
0x94: {  	[sflag:s31] =	ssyncset.done $0x0  }
0x95: {  	s15 =	simm.s32 $0x19080;
	[sflag:s31] =	ssyncadd.s32 $0xFFFFFFB0  }
0x96: {  	[tilespmem:s15], [sflag:$0x8] =	stream.indirect.gather [hbm4b:s4+s13], $0x80, s19, s13, $0xb8;
	[tilespmem:$0x1E080] =	vst v63  }
0x97: {  	s29 =	simm.s32 $0x1B880  }
0x98: {  	[tilespmem:s29], [sflag:$0x9] =	stream.indirect.gather [hbm4b:s4+s13], $0x80, s8, s13, $0xb8;
	[tilespmem:$0x1E080] =	vst v63  }
0x99: {  	_ =	swait.ge [sflag:s0], $0x2800  }
0x9a: {  	[sflag:s0] =	ssyncset.done $0x0  }
0x9b: {  	[sflag:s0] =	ssyncadd.s32 $0xFFFFD800  }
0x9c: {  	[spmem:s5] =	stream.indirect.scatter.add.f32 [tilespmem:s9], [sflag:$0xA], $0x80, s6, s13, $0xb8;
	[tilespmem:$0x1E080] =	vst v63  }
0x9d: {  	_ =	swait.ge [sflag:s16], $0x2800  }
0x9e: {  	[sflag:s16] =	ssyncset.done $0x0  }
0x9f: {  	s23 =	simm.s32 $0x7;
	[sflag:s16] =	ssyncadd.s32 $0xFFFFD800  }
0xa0: {  	_ =	swait.ge [sflag:s23], $0x2800  }
0xa1: {  	[sflag:s23] =	ssyncset.done $0x0  }
0xa2: {  	[sflag:s23] =	ssyncadd.s32 $0xFFFFD800  }
0xa3: {  	[spmem:s5] =	stream.indirect.scatter.add.f32 [tilespmem:s11], [sflag:$0xA], $0x80, s20, s13, $0xb8;
	[tilespmem:$0x1E080] =	vst v63  }
0xa4: {  	_ =	swait.ge [sflag:s16], $0x2800  }
0xa5: {  	s2 =	sld [smem:$0x7FA];
	_ =	sdelay $0x2  }
0xa6: {  	[sflag:s16] =	ssyncset.done $0x0;
	s26 =	sshrl.u32 s2, $0x3  }
0xa7: {  	s1 =	simm.s32 $0x13880;
	[sflag:s16] =	ssyncadd.s32 $0xFFFFD800;
	s28 =	sadd.s32 s17, s26  }
0xa8: {  	[tilespmem:s1], [sflag:$0x2] =	stream.linear.gather [hbm4b:s28+s7], $0x50, $0x38;
	[tilespmem:$0x1E080] =	vst v63  }
0xa9: {  	s29 =	rddreg [dreg:$0x12];
	s26 =	sadd.s32 s10, s26  }
0xaa: {  	[tilespmem:s6], [sflag:$0x2] =	stream.linear.gather [hbm4b:s26+s7], $0x50, $0x38;
	[tilespmem:$0x1E080] =	vst v63  }
0xab: {  	s28 =	rddreg [dreg:$0x11];
	s1 =	sadd.s32 $0x0, s29  }
0xac: {  	[tilespmem:s18], [sflag:$0x2] =	stream.linear.gather [hbm4b:s1+s7], $0x50, $0x38;
	[tilespmem:$0x1E080] =	vst v63  }
0xad: {  	s6 =	sadd.s32 $0x0, s28  }
0xae: {  	[tilespmem:s20], [sflag:$0x2] =	stream.linear.gather [hbm4b:s6+s7], $0x50, $0x38;
	[tilespmem:$0x1E080] =	vst v63  }
0xaf: {  	_ =	swait.ge [sflag:s3], $0x50  }
0xb0: {  	[sflag:s3] =	ssyncset.done $0x0  }
0xb1: {  	[sflag:s3] =	ssyncadd.s32 $0xFFFFFFB0  }
0xb2: {  	_ =	swait.ge [sflag:s3], $0x50  }
0xb3: {  	[sflag:s3] =	ssyncset.done $0x0  }
0xb4: {  	[sflag:s3] =	ssyncadd.s32 $0xFFFFFFB0  }
0xb5: {  	_ =	swait.ge [sflag:s3], $0x50  }
0xb6: {  	[sflag:s3] =	ssyncset.done $0x0  }
0xb7: {  	[sflag:s3] =	ssyncadd.s32 $0xFFFFFFB0  }
0xb8: {  	_ =	swait.ge [sflag:s3], $0x50  }
0xb9: {  	[sflag:s3] =	ssyncset.done $0x0  }
0xba: {  	[sflag:s3] =	ssyncadd.s32 $0xFFFFFFB0  }
0xbb: {  	[tilespmem:s9], [sflag:$0x6] =	stream.indirect.gather [hbm4b:s4+s13], $0x80, s14, s13, $0xb8;
	[tilespmem:$0x1E080] =	vst v63  }
0xbc: {  	s6 =	simm.s32 $0x8  }
0xbd: {  	[tilespmem:s11], [sflag:$0x7] =	stream.indirect.gather [hbm4b:s4+s13], $0x80, s30, s13, $0xb8;
	[tilespmem:$0x1E080] =	vst v63  }
0xbe: {  	_ =	swait.ge [sflag:s6], $0x2800  }
0xbf: {  	[sflag:s6] =	ssyncset.done $0x0  }
0xc0: {  	[sflag:s6] =	ssyncadd.s32 $0xFFFFD800  }
0xc1: {  	[spmem:s5] =	stream.indirect.scatter.add.f32 [tilespmem:s15], [sflag:$0xA], $0x80, s21, s13, $0xb8;
	[tilespmem:$0x1E080] =	vst v63  }
0xc2: {  	_ =	swait.ge [sflag:s16], $0x2800  }
0xc3: {  	[sflag:s16] =	ssyncset.done $0x0  }
0xc4: {  	s1 =	simm.s32 $0x9;
	[sflag:s16] =	ssyncadd.s32 $0xFFFFD800  }
0xc5: {  	_ =	swait.ge [sflag:s1], $0x2800  }
0xc6: {  	[sflag:s1] =	ssyncset.done $0x0  }
0xc7: {  	s26 =	simm.s32 $0x1B880;
	[sflag:s1] =	ssyncadd.s32 $0xFFFFD800  }
0xc8: {  	[spmem:s5] =	stream.indirect.scatter.add.f32 [tilespmem:s26], [sflag:$0xA], $0x80, s24, s13, $0xb8;
	[tilespmem:$0x1E080] =	vst v63  }
0xc9: {  	_ =	swait.ge [sflag:s16], $0x2800  }
0xca: {  	s29 =	rddreg [dreg:$0x10];
	[sflag:s16] =	ssyncset.done $0x0  }
0xcb: {  	s28 =	rddreg [dreg:$0xf];
	[sflag:s16] =	ssyncadd.s32 $0xFFFFD800;
	s26 =	sadd.s32 $0x0, s29  }
0xcc: {  	[tilespmem:s19], [sflag:$0x3] =	stream.linear.gather [hbm4b:s26+s7], $0x50, $0x38;
	[tilespmem:$0x1E080] =	vst v63  }
0xcd: {  	s30 =	rddreg [dreg:$0xe];
	s20 =	sadd.s32 $0x0, s28  }
0xce: {  	[tilespmem:s21], [sflag:$0x3] =	stream.linear.gather [hbm4b:s20+s7], $0x50, $0x38;
	[tilespmem:$0x1E080] =	vst v63  }
0xcf: {  	s28 =	rddreg [dreg:$0xd];
	s30 =	sadd.s32 $0x0, s30  }
0xd0: {  	[tilespmem:s8], [sflag:$0x3] =	stream.linear.gather [hbm4b:s30+s7], $0x50, $0x38;
	[tilespmem:$0x1E080] =	vst v63  }
0xd1: {  	s19 =	sadd.s32 $0x0, s28  }
0xd2: {  	[tilespmem:s24], [sflag:$0x3] =	stream.linear.gather [hbm4b:s19+s7], $0x50, $0x38;
	[tilespmem:$0x1E080] =	vst v63  }
0xd3: {  	_ =	swait.ge [sflag:s25], $0x50  }
0xd4: {  	[sflag:s25] =	ssyncset.done $0x0  }
0xd5: {  	[sflag:s25] =	ssyncadd.s32 $0xFFFFFFB0  }
0xd6: {  	_ =	swait.ge [sflag:s25], $0x50  }
0xd7: {  	[sflag:s25] =	ssyncset.done $0x0  }
0xd8: {  	[sflag:s25] =	ssyncadd.s32 $0xFFFFFFB0  }
0xd9: {  	_ =	swait.ge [sflag:s25], $0x50  }
0xda: {  	[sflag:s25] =	ssyncset.done $0x0  }
0xdb: {  	[sflag:s25] =	ssyncadd.s32 $0xFFFFFFB0  }
0xdc: {  	_ =	swait.ge [sflag:s25], $0x50  }
0xdd: {  	[sflag:s25] =	ssyncset.done $0x0  }
0xde: {  	s20 =	simm.s32 $0x13E80;
	[sflag:s25] =	ssyncadd.s32 $0xFFFFFFB0  }
0xdf: {  	[tilespmem:s15], [sflag:$0x8] =	stream.indirect.gather [hbm4b:s4+s13], $0x80, s20, s13, $0xb8;
	[tilespmem:$0x1E080] =	vst v63  }
0xe0: {  	s14 =	simm.s32 $0x1B880;
	s21 =	simm.s32 $0x13F00  }
0xe1: {  	[tilespmem:s14], [sflag:$0x9] =	stream.indirect.gather [hbm4b:s4+s13], $0x80, s21, s13, $0xb8;
	[tilespmem:$0x1E080] =	vst v63  }
0xe2: {  	_ =	swait.ge [sflag:s0], $0x2800  }
0xe3: {  	[sflag:s0] =	ssyncset.done $0x0  }
0xe4: {  	[sflag:s0] =	ssyncadd.s32 $0xFFFFD800  }
0xe5: {  	[spmem:s5] =	stream.indirect.scatter.add.f32 [tilespmem:s9], [sflag:$0xA], $0x80, s22, s13, $0xb8;
	[tilespmem:$0x1E080] =	vst v63  }
0xe6: {  	_ =	swait.ge [sflag:s16], $0x2800  }
0xe7: {  	[sflag:s16] =	ssyncset.done $0x0  }
0xe8: {  	[sflag:s16] =	ssyncadd.s32 $0xFFFFD800  }
0xe9: {  	_ =	swait.ge [sflag:s23], $0x2800  }
0xea: {  	[sflag:s23] =	ssyncset.done $0x0  }
0xeb: {  	p1 =	por $0x0, $0x0;
	[sflag:s23] =	ssyncadd.s32 $0xFFFFD800;
	s23 =	simm.s32 $0x13E00  }
0xec: {  	[spmem:s5] =	stream.indirect.scatter.add.f32 [tilespmem:s11], [sflag:$0xA], $0x80, s23, s13, $0xb8;
	[tilespmem:$0x1E080] =	vst v63  }
0xed: {  	s28 =	simm.s32 @!p1 $0x13C80;
	_ =	swait.ge [sflag:s16], $0x2800  }
0xee: {  	s30 =	simm.s32 @!p1 $0x0;
	s26 =	rddreg [dreg:$0xc];
	[sflag:s16] =	ssyncset.done $0x0  }
0xef: {  	s29 =	rddreg [dreg:$0xb];
	[sflag:s16] =	ssyncadd.s32 $0xFFFFD800;
	s26 =	sadd.s32 @!p1 $0x0, s26  }
0xf0: {  	[tilespmem:s28], [sflag:$0x4] =	stream.linear.gather @!p1 [hbm4b:s26+s30], $0x50, $0x38;
	[tilespmem:$0x1E080] =	vst v63  }
0xf1: {  	s26 =	rddreg [dreg:$0xa];
	s28 =	sadd.s32 @!p1 $0x0, s29;
	s29 =	simm.s32 @!p1 $0x13D80  }
0xf2: {  	[tilespmem:s29], [sflag:$0x4] =	stream.linear.gather @!p1 [hbm4b:s28+s30], $0x50, $0x38;
	[tilespmem:$0x1E080] =	vst v63  }
0xf3: {  	s26 =	sadd.s32 @!p1 $0x0, s26;
	s28 =	rddreg [dreg:$0x9];
	s29 =	simm.s32 @!p1 $0x13D00  }
0xf4: {  	[tilespmem:s29], [sflag:$0x4] =	stream.linear.gather @!p1 [hbm4b:s26+s30], $0x50, $0x38;
	[tilespmem:$0x1E080] =	vst v63  }
0xf5: {  	s28 =	sadd.s32 @!p1 $0x0, s28;
	s26 =	simm.s32 @!p1 $0x13E00  }
0xf6: {  	[tilespmem:s26], [sflag:$0x4] =	stream.linear.gather @!p1 [hbm4b:s28+s30], $0x50, $0x38;
	[tilespmem:$0x1E080] =	vst v63  }
0xf7: {  	_ =	swait.ge [sflag:s12], $0x50  }
0xf8: {  	[sflag:s12] =	ssyncset.done $0x0  }
0xf9: {  	[sflag:s12] =	ssyncadd.s32 $0xFFFFFFB0  }
0xfa: {  	_ =	swait.ge [sflag:s12], $0x50  }
0xfb: {  	[sflag:s12] =	ssyncset.done $0x0  }
0xfc: {  	[sflag:s12] =	ssyncadd.s32 $0xFFFFFFB0  }
0xfd: {  	_ =	swait.ge [sflag:s12], $0x50  }
0xfe: {  	[sflag:s12] =	ssyncset.done $0x0  }
0xff: {  	[sflag:s12] =	ssyncadd.s32 $0xFFFFFFB0  }
0x100: {  	_ =	swait.ge [sflag:s12], $0x50  }
0x101: {  	[sflag:s12] =	ssyncset.done $0x0  }
0x102: {  	s24 =	simm.s32 $0x13880;
	[sflag:s12] =	ssyncadd.s32 $0xFFFFFFB0  }
0x103: {  	[tilespmem:s9], [sflag:$0x6] =	stream.indirect.gather [hbm4b:s4+s13], $0x80, s24, s13, $0xb8;
	[tilespmem:$0x1E080] =	vst v63  }
0x104: {  	_ = 	snop  }
0x105: {  	[tilespmem:s11], [sflag:$0x7] =	stream.indirect.gather [hbm4b:s4+s13], $0x80, s18, s13, $0xb8;
	[tilespmem:$0x1E080] =	vst v63  }
0x106: {  	_ =	swait.ge [sflag:s6], $0x2800  }
0x107: {  	[sflag:s6] =	ssyncset.done $0x0  }
0x108: {  	s26 =	simm.s32 $0x13F80;
	[sflag:s6] =	ssyncadd.s32 $0xFFFFD800  }
0x109: {  	[spmem:s5] =	stream.indirect.scatter.add.f32 [tilespmem:s15], [sflag:$0xA], $0x80, s26, s13, $0xb8;
	[tilespmem:$0x1E080] =	vst v63  }
0x10a: {  	_ =	swait.ge [sflag:s16], $0x2800  }
0x10b: {  	[sflag:s16] =	ssyncset.done $0x0  }
0x10c: {  	[sflag:s16] =	ssyncadd.s32 $0xFFFFD800  }
0x10d: {  	_ =	swait.ge [sflag:s1], $0x2800  }
0x10e: {  	[sflag:s1] =	ssyncset.done $0x0  }
0x10f: {  	s29 =	simm.s32 $0x14000;
	[sflag:s1] =	ssyncadd.s32 $0xFFFFD800  }
0x110: {  	[spmem:s5] =	stream.indirect.scatter.add.f32 [tilespmem:s14], [sflag:$0xA], $0x80, s29, s13, $0xb8;
	[tilespmem:$0x1E080] =	vst v63  }
0x111: {  	_ =	swait.ge [sflag:s16], $0x2800  }
0x112: {  	s29 =	simm.s32 @!p1 $0x13E80;
	s26 =	rddreg [dreg:$0x8];
	[sflag:s16] =	ssyncset.done $0x0  }
0x113: {  	s28 =	rddreg [dreg:$0x7];
	[sflag:s16] =	ssyncadd.s32 $0xFFFFD800;
	s26 =	sadd.s32 @!p1 $0x0, s26  }
0x114: {  	[tilespmem:s29], [sflag:$0x5] =	stream.linear.gather @!p1 [hbm4b:s26+s30], $0x50, $0x38;
	[tilespmem:$0x1E080] =	vst v63  }
0x115: {  	s28 =	sadd.s32 @!p1 $0x0, s28;
	s26 =	rddreg [dreg:$0x6];
	s29 =	simm.s32 @!p1 $0x13F80  }
0x116: {  	[tilespmem:s29], [sflag:$0x5] =	stream.linear.gather @!p1 [hbm4b:s28+s30], $0x50, $0x38;
	[tilespmem:$0x1E080] =	vst v63  }
0x117: {  	s26 =	sadd.s32 @!p1 $0x0, s26;
	s28 =	rddreg [dreg:$0x5];
	s29 =	simm.s32 @!p1 $0x13F00  }
0x118: {  	[tilespmem:s29], [sflag:$0x5] =	stream.linear.gather @!p1 [hbm4b:s26+s30], $0x50, $0x38;
	[tilespmem:$0x1E080] =	vst v63  }
0x119: {  	s28 =	sadd.s32 @!p1 $0x0, s28;
	s26 =	simm.s32 @!p1 $0x14000  }
0x11a: {  	[tilespmem:s26], [sflag:$0x5] =	stream.linear.gather @!p1 [hbm4b:s28+s30], $0x50, $0x38;
	[tilespmem:$0x1E080] =	vst v63  }
0x11b: {  	_ =	swait.ge [sflag:s31], $0x50  }
0x11c: {  	[sflag:s31] =	ssyncset.done $0x0  }
0x11d: {  	[sflag:s31] =	ssyncadd.s32 $0xFFFFFFB0  }
0x11e: {  	_ =	swait.ge [sflag:s31], $0x50  }
0x11f: {  	[sflag:s31] =	ssyncset.done $0x0  }
0x120: {  	[sflag:s31] =	ssyncadd.s32 $0xFFFFFFB0  }
0x121: {  	s26 =	simm.s32 $0x50;
	s28 =	smov.u32 s2;
	_ =	swait.ge [sflag:s31], $0x50  }
.LBB2_2:
0x122: {  	[sflag:s31] =	ssyncset.done $0x0  }
0x123: {  	[sflag:s31] =	ssyncadd.s32 $0xFFFFFFB0  }
0x124: {  	_ =	swait.ge [sflag:s31], $0x50  }
0x125: {  	[sflag:s31] =	ssyncset.done $0x0  }
0x126: {  	[sflag:s31] =	ssyncadd.s32 $0xFFFFFFB0  }
0x127: {  	s21 =	simm.s32 $0x13A80;
	s23 =	simm.s32 $0x19080;
	s4 =	rddreg [dreg:$0x0]  }
0x128: {  	[tilespmem:s23], [sflag:$0x8] =	stream.indirect.gather [hbm4b:s4+s13], $0x80, s21, s13, $0xb8;
	[tilespmem:$0x1E080] =	vst v63  }
0x129: {  	s8 =	simm.s32 $0x13B00;
	s20 =	simm.s32 $0x1B880;
	s0 =	simm.s32 $0x6  }
0x12a: {  	[tilespmem:s20], [sflag:$0x9] =	stream.indirect.gather [hbm4b:s4+s13], $0x80, s8, s13, $0xb8;
	[tilespmem:$0x1E080] =	vst v63  }
0x12b: {  	_ =	swait.ge [sflag:s0], $0x2800  }
0x12c: {  	[sflag:s0] =	ssyncset.done $0x0  }
0x12d: {  	[sflag:s0] =	ssyncadd.s32 $0xFFFFD800  }
0x12e: {  	s11 =	simm.s32 $0x13980;
	s9 =	simm.s32 $0x14080;
	s5 =	rddreg [dreg:$0x3]  }
0x12f: {  	[spmem:s5] =	stream.indirect.scatter.add.f32 [tilespmem:s9], [sflag:$0xA], $0x80, s11, s13, $0xb8;
	[tilespmem:$0x1E080] =	vst v63  }
0x130: {  	_ =	swait.ge [sflag:s16], $0x2800  }
0x131: {  	[sflag:s16] =	ssyncset.done $0x0  }
0x132: {  	s24 =	simm.s32 $0x7;
	[sflag:s16] =	ssyncadd.s32 $0xFFFFD800  }
0x133: {  	_ =	swait.ge [sflag:s24], $0x2800  }
0x134: {  	[sflag:s24] =	ssyncset.done $0x0  }
0x135: {  	s18 =	simm.s32 $0x13A00;
	s15 =	simm.s32 $0x16880;
	[sflag:s24] =	ssyncadd.s32 $0xFFFFD800  }
0x136: {  	[spmem:s5] =	stream.indirect.scatter.add.f32 [tilespmem:s15], [sflag:$0xA], $0x80, s18, s13, $0xb8;
	[tilespmem:$0x1E080] =	vst v63  }
0x137: {  	s28 =	sadd.s32 $0x280, s28;
	_ =	swait.ge [sflag:s16], $0x2800  }
0x138: {  	s30 =	sshrl.u32 s28, $0x3;
	[sflag:s16] =	ssyncset.done $0x0  }
0x139: {  	s1 =	simm.s32 $0x13880;
	s2 =	sadd.s32 s17, s30;
	[sflag:s16] =	ssyncadd.s32 $0xFFFFD800  }
0x13a: {  	[tilespmem:s1], [sflag:$0x2] =	stream.linear.gather [hbm4b:s2+s7], $0x50, $0x38;
	[tilespmem:$0x1E080] =	vst v63  }
0x13b: {  	s29 =	smov.u32 s26;
	s22 =	sadd.s32 s10, s30;
	s6 =	rddreg [dreg:$0x12]  }
0x13c: {  	[tilespmem:s11], [sflag:$0x2] =	stream.linear.gather [hbm4b:s22+s7], $0x50, $0x38;
	[tilespmem:$0x1E080] =	vst v63  }
0x13d: {  	s19 =	simm.s32 $0x13900;
	s14 =	sadd.s32 s29, s6;
	s1 =	rddreg [dreg:$0x11]  }
0x13e: {  	[tilespmem:s19], [sflag:$0x2] =	stream.linear.gather [hbm4b:s14+s7], $0x50, $0x38;
	[tilespmem:$0x1E080] =	vst v63  }
0x13f: {  	s22 =	sadd.s32 s29, s1  }
0x140: {  	[tilespmem:s18], [sflag:$0x2] =	stream.linear.gather [hbm4b:s22+s7], $0x50, $0x38;
	[tilespmem:$0x1E080] =	vst v63  }
0x141: {  	_ =	swait.ge [sflag:s3], $0x50  }
0x142: {  	[sflag:s3] =	ssyncset.done $0x0  }
0x143: {  	[sflag:s3] =	ssyncadd.s32 $0xFFFFFFB0  }
0x144: {  	_ =	swait.ge [sflag:s3], $0x50  }
0x145: {  	[sflag:s3] =	ssyncset.done $0x0  }
0x146: {  	[sflag:s3] =	ssyncadd.s32 $0xFFFFFFB0  }
0x147: {  	_ =	swait.ge [sflag:s3], $0x50  }
0x148: {  	[sflag:s3] =	ssyncset.done $0x0  }
0x149: {  	[sflag:s3] =	ssyncadd.s32 $0xFFFFFFB0  }
0x14a: {  	_ =	swait.ge [sflag:s3], $0x50  }
0x14b: {  	[sflag:s3] =	ssyncset.done $0x0  }
0x14c: {  	s30 =	simm.s32 $0x13C80;
	[sflag:s3] =	ssyncadd.s32 $0xFFFFFFB0  }
0x14d: {  	[tilespmem:s9], [sflag:$0x6] =	stream.indirect.gather [hbm4b:s4+s13], $0x80, s30, s13, $0xb8;
	[tilespmem:$0x1E080] =	vst v63  }
0x14e: {  	s2 =	simm.s32 $0x13D00;
	s22 =	simm.s32 $0x8  }
0x14f: {  	[tilespmem:s15], [sflag:$0x7] =	stream.indirect.gather [hbm4b:s4+s13], $0x80, s2, s13, $0xb8;
	[tilespmem:$0x1E080] =	vst v63  }
0x150: {  	_ =	swait.ge [sflag:s22], $0x2800  }
0x151: {  	[sflag:s22] =	ssyncset.done $0x0  }
0x152: {  	s11 =	simm.s32 $0x13B80;
	[sflag:s22] =	ssyncadd.s32 $0xFFFFD800  }
0x153: {  	[spmem:s5] =	stream.indirect.scatter.add.f32 [tilespmem:s23], [sflag:$0xA], $0x80, s11, s13, $0xb8;
	[tilespmem:$0x1E080] =	vst v63  }
0x154: {  	_ =	swait.ge [sflag:s16], $0x2800  }
0x155: {  	[sflag:s16] =	ssyncset.done $0x0  }
0x156: {  	s1 =	simm.s32 $0x9;
	[sflag:s16] =	ssyncadd.s32 $0xFFFFD800  }
0x157: {  	_ =	swait.ge [sflag:s1], $0x2800  }
0x158: {  	[sflag:s1] =	ssyncset.done $0x0  }
0x159: {  	s18 =	simm.s32 $0x13C00;
	[sflag:s1] =	ssyncadd.s32 $0xFFFFD800  }
0x15a: {  	[spmem:s5] =	stream.indirect.scatter.add.f32 [tilespmem:s20], [sflag:$0xA], $0x80, s18, s13, $0xb8;
	[tilespmem:$0x1E080] =	vst v63  }
0x15b: {  	_ =	swait.ge [sflag:s16], $0x2800  }
0x15c: {  	s6 =	rddreg [dreg:$0x10];
	[sflag:s16] =	ssyncset.done $0x0  }
0x15d: {  	s14 =	rddreg [dreg:$0xf];
	[sflag:s16] =	ssyncadd.s32 $0xFFFFD800;
	s2 =	sadd.s32 s29, s6  }
0x15e: {  	[tilespmem:s21], [sflag:$0x3] =	stream.linear.gather [hbm4b:s2+s7], $0x50, $0x38;
	[tilespmem:$0x1E080] =	vst v63  }
0x15f: {  	s30 =	rddreg [dreg:$0xe];
	s14 =	sadd.s32 s29, s14  }
0x160: {  	[tilespmem:s11], [sflag:$0x3] =	stream.linear.gather [hbm4b:s14+s7], $0x50, $0x38;
	[tilespmem:$0x1E080] =	vst v63  }
0x161: {  	s30 =	sadd.s32 s29, s30;
	s21 =	rddreg [dreg:$0xd]  }
0x162: {  	[tilespmem:s8], [sflag:$0x3] =	stream.linear.gather [hbm4b:s30+s7], $0x50, $0x38;
	[tilespmem:$0x1E080] =	vst v63  }
0x163: {  	s11 =	sadd.s32 s29, s21  }
0x164: {  	[tilespmem:s18], [sflag:$0x3] =	stream.linear.gather [hbm4b:s11+s7], $0x50, $0x38;
	[tilespmem:$0x1E080] =	vst v63  }
0x165: {  	_ =	swait.ge [sflag:s25], $0x50  }
0x166: {  	[sflag:s25] =	ssyncset.done $0x0  }
0x167: {  	[sflag:s25] =	ssyncadd.s32 $0xFFFFFFB0  }
0x168: {  	_ =	swait.ge [sflag:s25], $0x50  }
0x169: {  	[sflag:s25] =	ssyncset.done $0x0  }
0x16a: {  	[sflag:s25] =	ssyncadd.s32 $0xFFFFFFB0  }
0x16b: {  	_ =	swait.ge [sflag:s25], $0x50  }
0x16c: {  	[sflag:s25] =	ssyncset.done $0x0  }
0x16d: {  	[sflag:s25] =	ssyncadd.s32 $0xFFFFFFB0  }
0x16e: {  	_ =	swait.ge [sflag:s25], $0x50  }
0x16f: {  	[sflag:s25] =	ssyncset.done $0x0  }
0x170: {  	s18 =	simm.s32 $0x13E80;
	[sflag:s25] =	ssyncadd.s32 $0xFFFFFFB0  }
0x171: {  	[tilespmem:s23], [sflag:$0x8] =	stream.indirect.gather [hbm4b:s4+s13], $0x80, s18, s13, $0xb8;
	[tilespmem:$0x1E080] =	vst v63  }
0x172: {  	s30 =	simm.s32 $0x13F00  }
0x173: {  	[tilespmem:s20], [sflag:$0x9] =	stream.indirect.gather [hbm4b:s4+s13], $0x80, s30, s13, $0xb8;
	[tilespmem:$0x1E080] =	vst v63  }
0x174: {  	_ =	swait.ge [sflag:s0], $0x2800  }
0x175: {  	[sflag:s0] =	ssyncset.done $0x0  }
0x176: {  	s6 =	simm.s32 $0x13D80;
	[sflag:s0] =	ssyncadd.s32 $0xFFFFD800  }
0x177: {  	[spmem:s5] =	stream.indirect.scatter.add.f32 [tilespmem:s9], [sflag:$0xA], $0x80, s6, s13, $0xb8;
	[tilespmem:$0x1E080] =	vst v63  }
0x178: {  	_ =	swait.ge [sflag:s16], $0x2800  }
0x179: {  	[sflag:s16] =	ssyncset.done $0x0  }
0x17a: {  	[sflag:s16] =	ssyncadd.s32 $0xFFFFD800  }
0x17b: {  	_ =	swait.ge [sflag:s24], $0x2800  }
0x17c: {  	p2 =	seq.s32 s29, $0x460;
	[sflag:s24] =	ssyncset.done $0x0  }
0x17d: {  	s2 =	simm.s32 @!p2 $0x13C80;
	s8 =	simm.s32 $0x13E00;
	[sflag:s24] =	ssyncadd.s32 $0xFFFFD800  }
0x17e: {  	[spmem:s5] =	stream.indirect.scatter.add.f32 [tilespmem:s15], [sflag:$0xA], $0x80, s8, s13, $0xb8;
	[tilespmem:$0x1E080] =	vst v63  }
0x17f: {  	s18 =	smov.u32 s17;
	s17 =	smov.u32 s10;
	_ =	swait.ge [sflag:s16], $0x2800  }
0x180: {  	s30 =	simm.s32 @!p2 $0x0;
	s6 =	rddreg [dreg:$0xc];
	[sflag:s16] =	ssyncset.done $0x0  }
0x181: {  	s10 =	rddreg [dreg:$0xb];
	[sflag:s16] =	ssyncadd.s32 $0xFFFFD800;
	s6 =	sadd.s32 @!p2 s29, s6  }
0x182: {  	[tilespmem:s2], [sflag:$0x4] =	stream.linear.gather @!p2 [hbm4b:s6+s30], $0x50, $0x38;
	[tilespmem:$0x1E080] =	vst v63  }
0x183: {  	s11 =	rddreg [dreg:$0xa];
	s2 =	sadd.s32 @!p2 s29, s10;
	s6 =	simm.s32 @!p2 $0x13D80  }
0x184: {  	[tilespmem:s6], [sflag:$0x4] =	stream.linear.gather @!p2 [hbm4b:s2+s30], $0x50, $0x38;
	[tilespmem:$0x1E080] =	vst v63  }
0x185: {  	s10 =	rddreg [dreg:$0x9];
	s2 =	sadd.s32 @!p2 s29, s11;
	s6 =	simm.s32 @!p2 $0x13D00  }
0x186: {  	[tilespmem:s6], [sflag:$0x4] =	stream.linear.gather @!p2 [hbm4b:s2+s30], $0x50, $0x38;
	[tilespmem:$0x1E080] =	vst v63  }
0x187: {  	s11 =	simm.s32 @!p2 $0x13E00;
	s2 =	sadd.s32 @!p2 s29, s10  }
0x188: {  	[tilespmem:s11], [sflag:$0x4] =	stream.linear.gather @!p2 [hbm4b:s2+s30], $0x50, $0x38;
	[tilespmem:$0x1E080] =	vst v63  }
0x189: {  	_ =	swait.ge [sflag:s12], $0x50  }
0x18a: {  	[sflag:s12] =	ssyncset.done $0x0  }
0x18b: {  	[sflag:s12] =	ssyncadd.s32 $0xFFFFFFB0  }
0x18c: {  	_ =	swait.ge [sflag:s12], $0x50  }
0x18d: {  	[sflag:s12] =	ssyncset.done $0x0  }
0x18e: {  	[sflag:s12] =	ssyncadd.s32 $0xFFFFFFB0  }
0x18f: {  	_ =	swait.ge [sflag:s12], $0x50  }
0x190: {  	[sflag:s12] =	ssyncset.done $0x0  }
0x191: {  	[sflag:s12] =	ssyncadd.s32 $0xFFFFFFB0  }
0x192: {  	_ =	swait.ge [sflag:s12], $0x50  }
0x193: {  	[sflag:s12] =	ssyncset.done $0x0  }
0x194: {  	s11 =	simm.s32 $0x13880;
	[sflag:s12] =	ssyncadd.s32 $0xFFFFFFB0  }
0x195: {  	[tilespmem:s9], [sflag:$0x6] =	stream.indirect.gather [hbm4b:s4+s13], $0x80, s11, s13, $0xb8;
	[tilespmem:$0x1E080] =	vst v63  }
0x196: {  	_ = 	snop  }
0x197: {  	[tilespmem:s15], [sflag:$0x7] =	stream.indirect.gather [hbm4b:s4+s13], $0x80, s19, s13, $0xb8;
	[tilespmem:$0x1E080] =	vst v63  }
0x198: {  	_ =	swait.ge [sflag:s22], $0x2800  }
0x199: {  	[sflag:s22] =	ssyncset.done $0x0  }
0x19a: {  	[sflag:s22] =	ssyncadd.s32 $0xFFFFD800;
	s22 =	simm.s32 $0x13F80  }
0x19b: {  	[spmem:s5] =	stream.indirect.scatter.add.f32 [tilespmem:s23], [sflag:$0xA], $0x80, s22, s13, $0xb8;
	[tilespmem:$0x1E080] =	vst v63  }
0x19c: {  	_ =	swait.ge [sflag:s16], $0x2800  }
0x19d: {  	[sflag:s16] =	ssyncset.done $0x0  }
0x19e: {  	[sflag:s16] =	ssyncadd.s32 $0xFFFFD800  }
0x19f: {  	_ =	swait.ge [sflag:s1], $0x2800  }
0x1a0: {  	[sflag:s1] =	ssyncset.done $0x0  }
0x1a1: {  	s24 =	simm.s32 $0x14000;
	[sflag:s1] =	ssyncadd.s32 $0xFFFFD800  }
0x1a2: {  	[spmem:s5] =	stream.indirect.scatter.add.f32 [tilespmem:s20], [sflag:$0xA], $0x80, s24, s13, $0xb8;
	[tilespmem:$0x1E080] =	vst v63  }
0x1a3: {  	_ =	swait.ge [sflag:s16], $0x2800  }
0x1a4: {  	s10 =	simm.s32 @!p2 $0x13E80;
	s2 =	rddreg [dreg:$0x8];
	[sflag:s16] =	ssyncset.done $0x0  }
0x1a5: {  	s6 =	rddreg [dreg:$0x7];
	[sflag:s16] =	ssyncadd.s32 $0xFFFFD800;
	s2 =	sadd.s32 @!p2 s29, s2  }
0x1a6: {  	[tilespmem:s10], [sflag:$0x5] =	stream.linear.gather @!p2 [hbm4b:s2+s30], $0x50, $0x38;
	[tilespmem:$0x1E080] =	vst v63  }
0x1a7: {  	s11 =	rddreg [dreg:$0x6];
	s2 =	sadd.s32 @!p2 s29, s6;
	s6 =	simm.s32 @!p2 $0x13F80  }
0x1a8: {  	[tilespmem:s6], [sflag:$0x5] =	stream.linear.gather @!p2 [hbm4b:s2+s30], $0x50, $0x38;
	[tilespmem:$0x1E080] =	vst v63  }
0x1a9: {  	s10 =	rddreg [dreg:$0x5];
	s2 =	sadd.s32 @!p2 s29, s11;
	s6 =	simm.s32 @!p2 $0x13F00  }
0x1aa: {  	[tilespmem:s6], [sflag:$0x5] =	stream.linear.gather @!p2 [hbm4b:s2+s30], $0x50, $0x38;
	[tilespmem:$0x1E080] =	vst v63  }
0x1ab: {  	s11 =	simm.s32 @!p2 $0x14000;
	s2 =	sadd.s32 @!p2 s29, s10  }
0x1ac: {  	[tilespmem:s11], [sflag:$0x5] =	stream.linear.gather @!p2 [hbm4b:s2+s30], $0x50, $0x38;
	[tilespmem:$0x1E080] =	vst v63  }
0x1ad: {  	s26 =	sadd.s32 $0x50, s26;
	_ =	swait.ge [sflag:s31], $0x50  }
0x1ae: {  	p1 =	sne.s32 s26, $0x4B0;
	[sflag:s31] =	ssyncset.done $0x0  }
.Ltmp0:
0x1af: {  	[sflag:s31] =	ssyncadd.s32 $0xFFFFFFB0;
	(pc) =	sbr.rel @p1 .LBB2_2-.Ltmp0, $4  }
0x1b0: {  	_ =	swait.ge [sflag:s31], $0x50  }
0x1b1: {  	s14 =	simm.s32 $0x13B00;
	s21 =	simm.s32 $0x13C00;
	[sflag:s31] =	ssyncset.done $0x0  }
0x1b2: {  	s8 =	simm.s32 $0x14080;
	s9 =	simm.s32 $0x16880;
	[sflag:s31] =	ssyncadd.s32 $0xFFFFFFB0  }
0x1b3: {  	s10 =	smov.u32 s17;
	s17 =	smov.u32 s18;
	_ =	swait.ge [sflag:s31], $0x50  }
0x1b4: {  	[sflag:s31] =	ssyncset.done $0x0  }
0x1b5: {  	[sflag:s31] =	ssyncadd.s32 $0xFFFFFFB0  }
0x1b6: {  	_ =	swait.ge [sflag:s31], $0x50  }
0x1b7: {  	[sflag:s31] =	ssyncset.done $0x0  }
0x1b8: {  	[sflag:s31] =	ssyncadd.s32 $0xFFFFFFB0  }
0x1b9: {  	s2 =	simm.s32 $0x19080;
	s1 =	simm.s32 $0x13A80;
	s0 =	rddreg [dreg:$0x0]  }
0x1ba: {  	[tilespmem:s2], [sflag:$0x8] =	stream.indirect.gather [hbm4b:s0+s13], $0x80, s1, s13, $0xb8;
	[tilespmem:$0x1E080] =	vst v63  }
0x1bb: {  	s6 =	simm.s32 $0x1B880;
	s4 =	simm.s32 $0x6  }
0x1bc: {  	[tilespmem:s6], [sflag:$0x9] =	stream.indirect.gather [hbm4b:s0+s13], $0x80, s14, s13, $0xb8;
	[tilespmem:$0x1E080] =	vst v63  }
0x1bd: {  	_ =	swait.ge [sflag:s4], $0x2800  }
0x1be: {  	[sflag:s4] =	ssyncset.done $0x0  }
0x1bf: {  	[sflag:s4] =	ssyncadd.s32 $0xFFFFD800  }
0x1c0: {  	s5 =	simm.s32 $0x13980;
	s11 =	rddreg [dreg:$0x3]  }
0x1c1: {  	[spmem:s11] =	stream.indirect.scatter.add.f32 [tilespmem:s8], [sflag:$0xA], $0x80, s5, s13, $0xb8;
	[tilespmem:$0x1E080] =	vst v63  }
0x1c2: {  	_ =	swait.ge [sflag:s16], $0x2800  }
0x1c3: {  	[sflag:s16] =	ssyncset.done $0x0  }
0x1c4: {  	s14 =	simm.s32 $0x7;
	[sflag:s16] =	ssyncadd.s32 $0xFFFFD800  }
0x1c5: {  	_ =	swait.ge [sflag:s14], $0x2800  }
0x1c6: {  	[sflag:s14] =	ssyncset.done $0x0  }
0x1c7: {  	s15 =	simm.s32 $0x13A00;
	[sflag:s14] =	ssyncadd.s32 $0xFFFFD800  }
0x1c8: {  	[spmem:s11] =	stream.indirect.scatter.add.f32 [tilespmem:s9], [sflag:$0xA], $0x80, s15, s13, $0xb8;
	[tilespmem:$0x1E080] =	vst v63  }
0x1c9: {  	_ =	swait.ge [sflag:s16], $0x2800  }
0x1ca: {  	[sflag:s16] =	ssyncset.done $0x0  }
0x1cb: {  	s18 =	simm.s32 $0x8;
	[sflag:s16] =	ssyncadd.s32 $0xFFFFD800  }
0x1cc: {  	_ =	swait.ge [sflag:s18], $0x2800  }
0x1cd: {  	[sflag:s18] =	ssyncset.done $0x0  }
0x1ce: {  	s19 =	simm.s32 $0x13B80;
	[sflag:s18] =	ssyncadd.s32 $0xFFFFD800  }
0x1cf: {  	[spmem:s11] =	stream.indirect.scatter.add.f32 [tilespmem:s2], [sflag:$0xA], $0x80, s19, s13, $0xb8;
	[tilespmem:$0x1E080] =	vst v63  }
0x1d0: {  	_ =	swait.ge [sflag:s16], $0x2800  }
0x1d1: {  	[sflag:s16] =	ssyncset.done $0x0  }
0x1d2: {  	s20 =	simm.s32 $0x9;
	[sflag:s16] =	ssyncadd.s32 $0xFFFFD800  }
0x1d3: {  	_ =	swait.ge [sflag:s20], $0x2800  }
0x1d4: {  	[sflag:s20] =	ssyncset.done $0x0  }
0x1d5: {  	[sflag:s20] =	ssyncadd.s32 $0xFFFFD800  }
0x1d6: {  	[spmem:s11] =	stream.indirect.scatter.add.f32 [tilespmem:s6], [sflag:$0xA], $0x80, s21, s13, $0xb8;
	[tilespmem:$0x1E080] =	vst v63  }
0x1d7: {  	_ =	swait.ge [sflag:s16], $0x2800  }
0x1d8: {  	[sflag:s16] =	ssyncset.done $0x0  }
0x1d9: {  	[sflag:s16] =	ssyncadd.s32 $0xFFFFD800  }
0x1da: {  	[bflag:$0x0] =	sbarrier.arrive $0xFFFF  }
0x1db: {  	s21 =	sld [smem:$0x7FB]  }
0x1dc: {  	s23 =	sld [smem:$0x7EE];
	_ =	sdelay $0x1  }
0x1dd: {  	s22 =	rddreg [dreg:$0x1d];
	s2 =	sor.u32 $0x1C0A, s21  }
0x1de: {  	[hbm:s22], [sflag:s2] =	dma.local [spmem:s23], $0x2700  }
0x1df: {  	_ =	swait.ge [sflag:s16], $0x2700  }
0x1e0: {  	s6 =	sld [smem:$0x7F8]  }
0x1e1: {  	s0 =	sld [smem:$0x7EF]  }
0x1e2: {  	[sflag:s16] =	ssyncset.done $0x0  }
0x1e3: {  	[sflag:s16] =	ssyncadd.s32 $0xFFFFD900  }
0x1e4: {  	[hbm:s6], [sflag:s2] =	dma.local @!p0 [spmem:s0], $0x100  }
0x1e5: {  	s2 =	simm.s32 @!p0 $0xA  }
0x1e6: {  	_ =	swait.ge @!p0 [sflag:s2], $0x100  }
0x1e7: {  	s24 =	sld [smem:$0x7ED]  }
0x1e8: {  	s26 =	sld [smem:$0x7F9];
	_ =	sdelay $0x1  }
0x1e9: {  	s0 =	sadd.s32 $0x1, s24  }
0x1ea: {  	p1 =	sne.s32 s0, s26  }
.Ltmp1:
0x1eb: {  	_ = 	snop;
	(pc) =	sbr.rel @p1 .LBB2_1-.Ltmp1, $4  }
0x1ec: {  	s30 =	simm.s32 $0x13D00  }
0x1ed: {  	s28 =	simm.s32 $0x13E00;
	s29 =	simm.s32 $0x13E80;
	s4 =	simm.s32 $0x0  }
0x1ee: {  	s14 =	simm.s32 $0x13C80;
	s18 =	simm.s32 $0x13900;
	[sflag:s2] =	ssyncset.done @!p0 $0x0  }
0x1ef: {  	s11 =	simm.s32 $0x13880;
	s22 =	simm.s32 $0x13D80;
	[sflag:s2] =	ssyncadd.s32 @!p0 $0xFFFFFF00  }
0x1f0: {  	_ =	sfence.sel $0x180000  }
0x1f1: {  	[bflag:$0x0] =	sbarrier.arrive $0xFFFF  }
0x1f2: {  	_ =	strace $0x9000004D  }
0x1f3: {  	s0 =	stileid.u32;
	[bflag:$0x2] =	sbarrier.arrive $0xFFFF  }
0x1f4: {  	p0 =	sne.s32 s0, $0x0;
	s0 =	rddreg [dreg:$0x4]  }
0x1f5: {  	s0 =	sadd.s32 @!p0 $0x100000, s0  }
0x1f6: {  	[sflag:s0] =	ssyncadd.tile.s32 @!p0 $0x1;
	_ =	shalt  }
.Lfunc_end2:
_tile_overlayer_lowered:
.L_overlay_start_2:
0x1f7: {  	(tag) =	ssettag $0x2  }
0x1f8: {  	s0 =	rddreg [dreg:$0x0];
	s2 =	stileid.u32  }
0x1f9: {  	s1 =	rddreg [dreg:$0x1];
	p0 =	sne.s32 s2, $0x0  }
0x1fa: {  	s3 =	rddreg [dreg:$0x2];
	[bflag:$0x3] =	sbarrier.arrive $0xFFFF;
	s2 =	simm.s32 @!p0 $0x1C0A  }
0x1fb: {  	[timem:s3], [sflag:s2] =	dma.local @!p0 [hbm:s0], s1  }
0x1fc: {  	s0 =	simm.s32 @!p0 $0xA  }
0x1fd: {  	_ =	swait.ge @!p0 [sflag:s0], s1  }
0x1fe: {  	s1 =	ssub.s32 @!p0 $0x0, s1;
	[sflag:s0] =	ssyncset.done @!p0 $0x0  }
0x1ff: {  	[sflag:s0] =	ssyncadd.s32 @!p0 s1  }
0x200: {  	[bflag:$0x3] =	sbarrier.arrive $0xFFFF  }
0x201: {  	_ =	shalt  }

// kernel: kernel.8.cloned.1.call-start
scs
__scs_entry_jumppad:
0x0: {  	(pc) =	sbr.rel $0x88, $3  }
0x1: {  	(tag) =	ssettag $0x0;
	lr =	simm.s32 $0x1  }
0x2: {  	[smem:$0x3F91] =	sst lr;
	_ =	strace $0xD0000000  }
0x3: {  	_ = 	snop  }
0x4: {  	_ = 	snop  }
0x5: {  	_ = 	snop  }
0x6: {  	_ = 	snop  }
0x7: {  	_ = 	snop  }
__scs_overlays_trampoline_lowered:
0x8: {  	[smem:$0x3FA0] =	sst s0  }
0x9: {  	[smem:$0x3FA1] =	sst s1  }
0xa: {  	[smem:$0x3FA2] =	sst s2  }
0xb: {  	[smem:$0x3FA3] =	sst s3  }
0xc: {  	[smem:$0x3FA4] =	sst s4  }
0xd: {  	[smem:$0x3FA5] =	sst s5  }
0xe: {  	[smem:$0x3FA6] =	sst s6  }
0xf: {  	[smem:$0x3FA7] =	sst s7  }
0x10: {  	[smem:$0x3FA8] =	sst s8  }
0x11: {  	[smem:$0x3FA9] =	sst s9;
	s0 =	simm.s32 @!p0 $0x0  }
0x12: {  	s1 =	sld [smem:$0x3F8F];
	s0 =	simm.s32 @p0 $0x1  }
0x13: {  	[smem:$0x3FAA] =	sst s0;
	s0 =	simm.s32 @!p1 $0x0  }
0x14: {  	s2 =	sld [smem:$0x3F8E];
	s0 =	simm.s32 @p1 $0x1  }
0x15: {  	[smem:$0x3FAB] =	sst s0;
	s0 =	simm.s32 @!p2 $0x0  }
0x16: {  	s3 =	sld [smem:$0x3FDB];
	s0 =	simm.s32 @p2 $0x1  }
0x17: {  	s4 =	simm.s32 $0x1BF5;
	[smem:$0x3FAD] =	sst s0  }
0x18: {  	s0 =	sld [smem:$0x3F90];
	_ =	swait.ge [sflag:s4], $0x0  }
0x19: {  	s7 =	sld [smem:$0x3F91]  }
0x1a: {  	s8 =	sadd.s32 $0xFFFFE003, lr  }
0x1b: {  	s9 =	sadd.s32 $0xFFFFFEF7, lr;
	s5 =	simm.s32 $0xFFFFFFFF;
	p2 =	slt.u32 s8, $0xFFFFF086  }
0x1c: {  	p1 =	slt.u32 s9, $0xF7A;
	s5 =	simm.s32 @!p2 $0x0  }
0x1d: {  	s5 =	simm.s32 @p1 $0x1;
	p0 =	seq.s32 s7, s2  }
0x1e: {  	s7 =	smul.u32 @!p0 $0xF7A, s2;
	p2 =	seq.s32 @!p0 s5, $0x0  }
0x1f: {  	s9 =	smul.u32 $0xF7A, s1;
	s8 =	simm.s32 @!p0 $0x1BF5;
	p2 =	por !p2, p0  }
0x20: {  	[sflag:s8] =	ssyncset.s32 @!p0 $0xFFFFF086;
	s6 =	sadd.s32 @!p0 s3, s7;
	s7 =	simm.s32 @!p0 $0x108  }
0x21: {  	s3 =	sadd.s32 s3, s9;
	s6 =	sadd.s32 @!p0 $0x88, s6;
	s7 =	simm.s32 @p2 $0x1082  }
0x22: {  	[simem:s7], [sflag:s8] =	dma.local @!p0 [hbm:s6], $0xF7A  }
0x23: {  	s9 =	sor.u32 $0xD0000000, s2;
	s6 =	simm.s32 $0x108;
	_ =	swait.ge @!p0 [sflag:s8], $0x0  }
0x24: {  	s3 =	sadd.s32 $0x88, s3;
	s6 =	simm.s32 @!p1 $0x1082;
	[sflag:s4] =	ssyncset.s32 $0xFFFFF086  }
0x25: {  	[simem:s6], [sflag:s4] =	dma.local [hbm:s3], $0xF7A  }
0x26: {  	[smem:$0x3F91] =	sst s1;
	(tag) =	ssettag s2;
	_ =	strace s9  }
0x27: {  	s1 =	sld [smem:$0x3FA1]  }
0x28: {  	s2 =	sld [smem:$0x3FA2]  }
0x29: {  	s4 =	sld [smem:$0x3FA4]  }
0x2a: {  	p0 =	seq.s32 s5, $0x0;
	s5 =	sld [smem:$0x3FA5]  }
0x2b: {  	s6 =	sld [smem:$0x3FA6]  }
0x2c: {  	s7 =	sld [smem:$0x3FA7]  }
0x2d: {  	s3 =	simm.s32 $0x108;
	s8 =	sld [smem:$0x3FA8]  }
0x2e: {  	s3 =	simm.s32 @!p0 $0x1082;
	s9 =	sld [smem:$0x3FA9]  }
0x2f: {  	lr =	sadd.s32 s0, s3;
	s0 =	sld [smem:$0x3FA0]  }
0x30: {  	s3 =	sld [smem:$0x3FA3]  }
0x31: {  	[smem:$0x3FAC] =	sst s10  }
0x32: {  	s10 =	sld [smem:$0x3FAA];
	_ =	sdelay $0x3  }
0x33: {  	p0 =	seq.s32 s10, $0x1;
	s10 =	sld [smem:$0x3FAC];
	_ =	sdelay $0x3  }
0x34: {  	[smem:$0x3FAC] =	sst s10  }
0x35: {  	s10 =	sld [smem:$0x3FAB];
	_ =	sdelay $0x3  }
0x36: {  	p1 =	seq.s32 s10, $0x1;
	s10 =	sld [smem:$0x3FAC];
	_ =	sdelay $0x3  }
0x37: {  	[smem:$0x3FAC] =	sst s10  }
0x38: {  	s10 =	sld [smem:$0x3FAD]  }
0x39: {  	_ = 	snop;
	(pc) =	sbr.ind lr, $3  }
0x3a: {  	_ = 	snop  }
0x3b: {  	_ = 	snop  }
0x3c: {  	p2 =	seq.s32 s10, $0x1;
	s10 =	sld [smem:$0x3FAC]  }
0x3d: {  	_ =	shalt  }
0x3e: {  	_ =	shalt  }
0x3f: {  	_ =	shalt  }
0x40: {  	_ =	shalt  }
0x41: {  	_ =	shalt  }
0x42: {  	_ =	shalt  }
0x43: {  	_ =	shalt  }
0x44: {  	_ =	shalt  }
0x45: {  	_ =	shalt  }
0x46: {  	_ =	shalt  }
0x47: {  	_ =	shalt  }
0x48: {  	_ =	shalt  }
0x49: {  	_ =	shalt  }
0x4a: {  	_ =	shalt  }
0x4b: {  	_ =	shalt  }
0x4c: {  	_ =	shalt  }
0x4d: {  	_ =	shalt  }
0x4e: {  	_ =	shalt  }
0x4f: {  	_ =	shalt  }
0x50: {  	_ =	shalt  }
0x51: {  	_ =	shalt  }
0x52: {  	_ =	shalt  }
0x53: {  	_ =	shalt  }
0x54: {  	_ =	shalt  }
0x55: {  	_ =	shalt  }
0x56: {  	_ =	shalt  }
0x57: {  	_ =	shalt  }
0x58: {  	_ =	shalt  }
0x59: {  	_ =	shalt  }
0x5a: {  	_ =	shalt  }
0x5b: {  	_ =	shalt  }
0x5c: {  	_ =	shalt  }
0x5d: {  	_ =	shalt  }
0x5e: {  	_ =	shalt  }
0x5f: {  	_ =	shalt  }
0x60: {  	_ =	shalt  }
0x61: {  	_ =	shalt  }
0x62: {  	_ =	shalt  }
0x63: {  	_ =	shalt  }
0x64: {  	_ =	shalt  }
0x65: {  	_ =	shalt  }
0x66: {  	_ =	shalt  }
0x67: {  	_ =	shalt  }
0x68: {  	_ =	shalt  }
0x69: {  	_ =	shalt  }
0x6a: {  	_ =	shalt  }
0x6b: {  	_ =	shalt  }
0x6c: {  	_ =	shalt  }
0x6d: {  	_ =	shalt  }
0x6e: {  	_ =	shalt  }
0x6f: {  	_ =	shalt  }
0x70: {  	_ =	shalt  }
0x71: {  	_ =	shalt  }
0x72: {  	_ =	shalt  }
0x73: {  	_ =	shalt  }
0x74: {  	_ =	shalt  }
0x75: {  	_ =	shalt  }
0x76: {  	_ =	shalt  }
0x77: {  	_ =	shalt  }
0x78: {  	_ =	shalt  }
0x79: {  	_ =	shalt  }
0x7a: {  	_ =	shalt  }
0x7b: {  	_ =	shalt  }
0x7c: {  	_ =	shalt  }
0x7d: {  	_ =	shalt  }
0x7e: {  	_ =	shalt  }
0x7f: {  	_ =	shalt  }
0x80: {  	_ =	shalt  }
0x81: {  	_ =	shalt  }
0x82: {  	_ =	shalt  }
0x83: {  	_ =	shalt  }
0x84: {  	_ =	shalt  }
0x85: {  	_ =	shalt  }
0x86: {  	_ =	shalt  }
0x87: {  	_ =	shalt  }
.Lfunc_end0:
.L_simem_size_0:
called_computation_lowered:
.L_overlay_start_0:
0x88: {  	s2 =	sld [smem:$0x3FD9]  }
0x89: {  	s3 =	sld [smem:$0x3FFE];
	_ =	sdelay $0x1  }
0x8a: {  	s1 =	srdreg.scid  }
0x8b: {  	s0 =	sand.u32 $0x1, s1  }
0x8c: {  	s14 =	sshll.u32 s0, $0xA;
	s2 =	sadd.s32 s3, s2  }
0x8d: {  	s2 =	sadd.s32 s2, s14  }
0x8e: {  	[smem:$0x3FB8] =	sst s2  }
0x8f: {  	_ = 	snop  }
0x90: {  	s2 =	sld [smem:$0x3FD0];
	_ =	sdelay $0x2  }
0x91: {  	s4 =	simm.s32 $0xA;
	s5 =	simm.s32 $0x10;
	s15 =	sld [smem:$0x3FC9]  }
0x92: {  	[smem:s5], [sflag:s4] =	dma.local [hbm:s2], $0x1  }
0x93: {  	_ =	swait.eq [sflag:s4], $0x1  }
0x94: {  	[sflag:s4] =	ssyncset.done $0x0  }
0x95: {  	[sflag:s4] =	ssyncadd.s32 $0xFFFFFFFF  }
0x96: {  	s16 =	sld [smem:$0x11];
	(tm) =	ssettm $0x1  }
0x97: {  	s17 =	sld [smem:$0x3FFB];
	_ =	sdelay $0x3  }
0x98: {  	_ =	strace s17  }
0x99: {  	s4 =	sld [smem:$0x3FFC];
	_ =	sdelay $0x3  }
0x9a: {  	_ =	strace s4  }
0x9b: {  	s4 =	sld [smem:$0x3FFD];
	_ =	sdelay $0x3  }
0x9c: {  	_ =	strace s4  }
0x9d: {  	_ =	strace $0x8FFFFFFF  }
0x9e: {  	s18 =	sld [smem:$0x3FDB];
	_ =	sdelay $0x1  }
0x9f: {  	s19 =	simm.s32 $_scs_section_size  }
0xa0: {  	s6 =	simm.s32 $_size__tile_overlayer_lowered;
	s7 =	simm.s32 $_tile_overlayer_lowered  }
0xa1: {  	s22 =	simm.s32 $0x1BFF;
	s21 =	sshll.u32 s7, $0x1;
	s4 =	sadd.s32 s19, s18  }
0xa2: {  	s8 =	simm.s32 $0x0;
	s20 =	sshll.u32 s6, $0x1;
	s6 =	sadd.s32 s21, s4  }
0xa3: {  	[timem:s8], [sflag:s22] =	dma.local [hbm:s6], s20  }
0xa4: {  	_ =	swait.ge [sflag:s22], s20  }
0xa5: {  	s5 =	ssub.s32 $0x0, s20;
	[sflag:s22] =	ssyncset.done $0x0  }
0xa6: {  	[sflag:s22] =	ssyncadd.s32 s5;
	_ =	sdelay $0x1  }
0xa7: {  	s23 =	simm.s32 $0x1B8B  }
0xa8: {  	_ =	swait.ge [sflag:s23], $0x1  }
0xa9: {  	[sflag:s23] =	ssyncset.done $0x0  }
0xaa: {  	s25 =	simm.s32 $0x1B8E;
	s24 =	sld [smem:$0x3FFE];
	[sflag:s23] =	ssyncadd.s32 $0xFFFFFFFF  }
0xab: {  	s26 =	simm.s32 $execute0_lowered;
	[smem:$0x3FD2] =	sst s25  }
0xac: {  	s6 =	sshll.u32 s26, $0x1;
	_ =	strace $0x80000046;
	[dreg:$0x1] =	wrdreg $0xFFFFFFFF  }
0xad: {  	s28 =	simm.s32 $_size_execute0_lowered;
	s4 =	sadd.s32 s4, s6;
	[dreg:$0x0] =	wrdreg $0x0  }
0xae: {  	s6 =	sshll.u32 s28, $0x1;
	[dreg:$0x2] =	wrdreg s4  }
0xaf: {  	[dreg:$0x3] =	wrdreg s6  }
0xb0: {  	[dreg:$0x4] =	wrdreg $0xC0  }
0xb1: {  	_ =	task [dreg:s8], $0x5FFFF  }
0xb2: {  	[dreg:$0x1] =	wrdreg $0xFFFFFFFF  }
0xb3: {  	[dreg:$0x0] =	wrdreg $0x60  }
0xb4: {  	[dreg:$0x2] =	wrdreg s15  }
0xb5: {  	[dreg:$0x3] =	wrdreg s24  }
0xb6: {  	[dreg:$0x4] =	wrdreg s16  }
0xb7: {  	[dreg:$0x5] =	wrdreg $0x0  }
0xb8: {  	[dreg:$0x6] =	wrdreg $0x9  }
0xb9: {  	_ =	task.clear_ibuf [dreg:s8], $0x7FFFF;
	_ =	strace $0x90000046  }
0xba: {  	s29 =	simm.s32 $0x9;
	_ =	strace $0x80000048  }
0xbb: {  	_ =	swait.ge [sflag:s29], $0x1  }
0xbc: {  	[sflag:s29] =	ssyncadd.s32 $0xFFFFFFFF  }
0xbd: {  	_ =	strace $0x90000048  }
0xbe: {  	_ =	sfence  }
0xbf: {  	s30 =	sld [smem:$0x0];
	_ =	sdelay $0x2  }
0xc0: {  	s31 =	sshll.u32 s1, $0xD;
	s1 =	sshrl.u32 s1, $0x2  }
0xc1: {  	s3 =	sand.u32 $0x4000, s31;
	s1 =	sadd.s32 s1, s30  }
0xc2: {  	s0 =	sor.u32 s3, s0;
	s1 =	sshll.u32 s1, $0x11  }
0xc3: {  	s0 =	sor.u32 s1, s0  }
0xc4: {  	s0 =	sadd.s32 $0x8F2B, s0  }
0xc5: {  	[sflag:s0] =	ssyncadd.remote.s32 $0x1  }
0xc6: {  	_ =	sfence.sel $0xFFFF  }
0xc7: {  	[dreg:$0x0] =	wrdreg $0xFFFFFFFF;
	(pc) =	sbr.abs _section_cstart, $3  }
0xc8: {  	[dreg:$0x1] =	wrdreg $0xFFFFFFFF  }
0xc9: {  	_ =	task.clear_ibuf [dreg:s8], $0x2FFFF;
	_ =	strace $0x9FFFFFFF  }
0xca: {  	(tm) =	ssettm $0x7FFFFFFF  }
0xcb: {  	_ =	shalt  }
tec
execute0_lowered:
.L_overlay_start_1:
0x0: {  	(tag) =	ssettag $0x1  }
0x1: {  	s0 =	rddreg [dreg:$0x1]  }
0x2: {  	s13 =	rddreg [dreg:$0x2]  }
0x3: {  	s1 =	rddreg [dreg:$0x3]  }
0x4: {  	s2 =	srdreg.scid;
	s6 =	stileid.u32;
	s4 =	simm.s32 $0x0  }
0x5: {  	s3 =	sand.u32 $0x1, s2;
	s17 =	sshll.u32 s6, $0x1;
	s8 =	smul.u32 $0x4E000, s6  }
0x6: {  	[smem:$0x7FF] =	sst s4;
	s7 =	sadd.s32 $0xD600, s0;
	s10 =	smul.u32 $0x13800, s6  }
0x7: {  	s9 =	sadd.s32 $0xFE00, s0;
	s25 =	smul.u32 $0x4E20, s6;
	_ =	strace $0x80000047  }
0x8: {  	s2 =	sor.u32 s3, s17;
	s17 =	sadd.s32 $0x3800, s0;
	s23 =	smul.u32 $0x138800, s3  }
0x9: {  	[dreg:$0x13] =	wrdreg s7;
	s18 =	ssub.s32 $0x2, s3;
	s3 =	smul.u32 $0x2710, s3  }
0xa: {  	s2 =	smul.u32 $0x2710, s2;
	s19 =	sshrl.u32 s18, $0x1;
	s20 =	sshrl.u32 s8, $0x2  }
0xb: {  	s0 =	ssub.s32 s18, s19;
	s7 =	sadd.s32 s20, s1;
	s10 =	sadd.s32 s10, s23  }
0xc: {  	s3 =	sadd.s32 s3, s25;
	s2 =	sshrl.u32 s2, $0x3;
	[dreg:$0x14] =	wrdreg s7  }
0xd: {  	s10 =	sshrl.u32 s10, $0x3;
	s15 =	sadd.s32 $0x4B0, s3;
	s0 =	smax.u32 s0, $0x1  }
0xe: {  	s21 =	sadd.s32 $0x4D8, s2;
	s10 =	sadd.s32 s9, s10;
	[smem:$0x7F9] =	sst s0  }
0xf: {  	s7 =	sshrl.u32 s23, $0x3;
	s22 =	sadd.s32 s17, s21;
	[dreg:$0x1d] =	wrdreg s10  }
0x10: {  	s24 =	sadd.s32 $0xA, s2;
	s8 =	sadd.s32 s13, s21;
	[dreg:$0x15] =	wrdreg s22  }
0x11: {  	s26 =	sadd.s32 $0x14, s2;
	s11 =	sadd.s32 s17, s24;
	[dreg:$0x16] =	wrdreg s8  }
0x12: {  	s12 =	sadd.s32 $0x1E, s2;
	s14 =	sadd.s32 s17, s26;
	[dreg:$0x17] =	wrdreg s11  }
0x13: {  	s16 =	sshrl.u32 s15, $0x3;
	s5 =	sadd.s32 s17, s12;
	[dreg:$0x19] =	wrdreg s14  }
0x14: {  	s23 =	sadd.s32 $0x410, s3;
	s18 =	sadd.s32 s16, s13;
	[dreg:$0x1b] =	wrdreg s5  }
0x15: {  	s25 =	sshrl.u32 s23, $0x3;
	s20 =	sadd.s32 s16, s17;
	[dreg:$0x5] =	wrdreg s18  }
0x16: {  	s30 =	simm.s32 $0x13D00;
	s10 =	sadd.s32 s25, s17;
	[dreg:$0x6] =	wrdreg s20  }
0x17: {  	s28 =	simm.s32 $0x13E00;
	s8 =	sadd.s32 s13, s24;
	[dreg:$0xa] =	wrdreg s10  }
0x18: {  	s19 =	sadd.s32 $0x460, s3;
	s11 =	sadd.s32 s13, s26;
	[dreg:$0x18] =	wrdreg s8  }
0x19: {  	s21 =	sshrl.u32 s19, $0x3;
	s14 =	sadd.s32 s13, s12;
	[dreg:$0x1a] =	wrdreg s11  }
0x1a: {  	s29 =	simm.s32 $0x13E80;
	s22 =	sadd.s32 s21, s13;
	[dreg:$0x1c] =	wrdreg s14  }
0x1b: {  	s15 =	sadd.s32 $0x370, s3;
	s24 =	sadd.s32 s21, s17;
	[dreg:$0x7] =	wrdreg s22  }
0x1c: {  	s26 =	sadd.s32 s25, s13;
	s18 =	sshrl.u32 s15, $0x3;
	[dreg:$0x8] =	wrdreg s24  }
0x1d: {  	s5 =	sadd.s32 $0x3C0, s3;
	[dreg:$0x9] =	wrdreg s26;
	s19 =	sadd.s32 s18, s13  }
0x1e: {  	s20 =	sadd.s32 $0x320, s3;
	s21 =	sadd.s32 s18, s17;
	[dreg:$0xd] =	wrdreg s19  }
0x1f: {  	s12 =	sshrl.u32 s5, $0x3;
	s18 =	sadd.s32 s17, s2;
	[dreg:$0xe] =	wrdreg s21  }
0x20: {  	s22 =	sshrl.u32 s20, $0x3;
	s20 =	sadd.s32 s13, s2;
	[smem:$0x7F2] =	sst s18  }
0x21: {  	s31 =	simm.s32 $0x3;
	s14 =	sadd.s32 s12, s13;
	[smem:$0x7F3] =	sst s20  }
0x22: {  	p0 =	sne.s32 s6, $0xF;
	s16 =	sadd.s32 s12, s17;
	[dreg:$0xb] =	wrdreg s14  }
0x23: {  	s8 =	sadd.s32 $0x28, s2;
	s23 =	sadd.s32 s22, s13;
	[dreg:$0xc] =	wrdreg s16  }
0x24: {  	s7 =	sadd.s32 s9, s7;
	s5 =	sadd.s32 s17, s8;
	[dreg:$0xf] =	wrdreg s23  }
0x25: {  	s24 =	sadd.s32 $0x2D0, s3;
	s25 =	sadd.s32 s22, s17;
	[dreg:$0x1e] =	wrdreg s5  }
0x26: {  	s11 =	simm.s32 $0x13880;
	s8 =	sadd.s32 s13, s8;
	[dreg:$0x10] =	wrdreg s25  }
0x27: {  	s26 =	sshrl.u32 s24, $0x3;
	s24 =	sshll.u32 s6, $0x6;
	[dreg:$0x1f] =	wrdreg s8  }
0x28: {  	s19 =	sadd.s32 $0x3C, s2;
	s12 =	sadd.s32 s26, s13;
	[smem:$0x7FB] =	sst s24  }
0x29: {  	s18 =	simm.s32 $0x13900;
	s10 =	sadd.s32 s26, s17;
	[dreg:$0x11] =	wrdreg s12  }
0x2a: {  	s14 =	sadd.s32 $0x32, s2;
	s21 =	sadd.s32 s17, s19;
	[dreg:$0x12] =	wrdreg s10  }
0x2b: {  	s2 =	sadd.s32 $0x46, s2;
	s8 =	sadd.s32 s13, s19;
	[smem:$0x7F4] =	sst s21  }
0x2c: {  	s23 =	sadd.s32 $0x27000, s7;
	s25 =	sadd.s32 $0x280, s3;
	[smem:$0x7F5] =	sst s8  }
0x2d: {  	s0 =	sor.u32 $0x1C01, s24;
	s26 =	sadd.s32 $0x138000, s1;
	[smem:$0x7F8] =	sst s23  }
0x2e: {  	s3 =	simm.s32 $0x4;
	s7 =	simm.s32 $0x0;
	[smem:$0x7FA] =	sst s25  }
0x2f: {  	s10 =	smov.u32 s13;
	s15 =	sadd.s32 s17, s14;
	[smem:$0x7FC] =	sst s0  }
0x30: {  	s16 =	sadd.s32 s13, s14;
	s22 =	sadd.s32 s17, s2;
	[smem:$0x7FD] =	sst s26  }
0x31: {  	s2 =	sadd.s32 s13, s2;
	s12 =	simm.s32 $0x2;
	[smem:$0x7F0] =	sst s15  }
0x32: {  	s13 =	simm.s32 $0x50;
	s14 =	simm.s32 $0x13C80;
	[smem:$0x7F1] =	sst s16  }
0x33: {  	s25 =	simm.s32 $0x5;
	s0 =	simm.s32 $0x0;
	[smem:$0x7F6] =	sst s22  }
0x34: {  	[smem:$0x7F7] =	sst s2;
	s16 =	simm.s32 $0xA;
	s22 =	simm.s32 $0x13D80  }
.LBB2_1:
0x35: {  	[smem:$0x7ED] =	sst s0  }
0x36: {  	s2 =	rddreg [dreg:$0x14]  }
0x37: {  	s6 =	sld [smem:$0x7FC]  }
0x38: {  	s9 =	sshrl.u32 s2, $0x3;
	s2 =	rddreg [dreg:$0x13]  }
0x39: {  	s15 =	simm.s32 $0x1;
	[smem:$0x7EE] =	sst s9  }
0x3a: {  	[spmem:s9], [sflag:s6] =	dma.local [hbm:s2], $0x2700  }
0x3b: {  	_ =	swait.ge [sflag:s15], $0x2700  }
0x3c: {  	s6 =	sld [smem:$0x7FD];
	_ =	sdelay $0x2  }
0x3d: {  	[sflag:s15] =	ssyncset.done $0x0;
	s0 =	sshrl.u32 @!p0 s6, $0x3  }
0x3e: {  	s26 =	simm.s32 @!p0 $0x1FCA;
	[sflag:s15] =	ssyncadd.s32 $0xFFFFD900;
	[smem:$0x7EF] =	sst s0  }
0x3f: {  	[spmem:s0], [sflag:s26] =	dma.local @!p0 [hbm:s2], $0x100  }
0x40: {  	s26 =	simm.s32 @!p0 $0xA  }
0x41: {  	_ =	swait.ge @!p0 [sflag:s26], $0x100  }
0x42: {  	[sflag:s26] =	ssyncset.done @!p0 $0x0  }
0x43: {  	[sflag:s26] =	ssyncadd.s32 @!p0 $0xFFFFFF00  }
0x44: {  	[bflag:$0x0] =	sbarrier.arrive $0xFFFF  }
0x45: {  	s19 =	rddreg [dreg:$0x15]  }
0x46: {  	[tilespmem:s11], [sflag:$0x2] =	stream.linear.gather [hbm4b:s19+s4], $0x50, $0x38;
	[tilespmem:$0x1E080] =	vst v63  }
0x47: {  	s6 =	simm.s32 $0x13980;
	s20 =	rddreg [dreg:$0x16]  }
0x48: {  	[tilespmem:s6], [sflag:$0x2] =	stream.linear.gather [hbm4b:s20+s4], $0x50, $0x38;
	[tilespmem:$0x1E080] =	vst v63  }
0x49: {  	_ =	swait.ge [sflag:s12], $0x50  }
0x4a: {  	[sflag:s12] =	ssyncset.done $0x0  }
0x4b: {  	[sflag:s12] =	ssyncadd.s32 $0xFFFFFFB0  }
0x4c: {  	_ =	swait.ge [sflag:s12], $0x50  }
0x4d: {  	[sflag:s12] =	ssyncset.done $0x0  }
0x4e: {  	[sflag:s12] =	ssyncadd.s32 $0xFFFFFFB0  }
0x4f: {  	s9 =	simm.s32 $0x14080;
	s0 =	simm.s32 $0x6;
	s4 =	rddreg [dreg:$0x0]  }
0x50: {  	[tilespmem:s9], [sflag:$0x6] =	stream.indirect.gather [hbm4b:s4+s13], $0x80, s11, s13, $0xb8;
	[tilespmem:$0x1E080] =	vst v63  }
0x51: {  	_ =	swait.ge [sflag:s0], $0x2800  }
0x52: {  	[sflag:s0] =	ssyncset.done $0x0  }
0x53: {  	[sflag:s0] =	ssyncadd.s32 $0xFFFFD800  }
0x54: {  	s5 =	rddreg [dreg:$0x3]  }
0x55: {  	[spmem:s5] =	stream.indirect.scatter.add.f32 [tilespmem:s9], [sflag:$0xA], $0x80, s6, s13, $0xb8;
	[tilespmem:$0x1E080] =	vst v63  }
0x56: {  	_ =	swait.ge [sflag:s16], $0x2800  }
0x57: {  	s21 =	sld [smem:$0x7F2]  }
0x58: {  	[sflag:s16] =	ssyncset.done $0x0  }
0x59: {  	s23 =	sld [smem:$0x7F3];
	[sflag:s16] =	ssyncadd.s32 $0xFFFFD800  }
0x5a: {  	[tilespmem:s11], [sflag:$0x2] =	stream.linear.gather [hbm4b:s21+s7], $0x50, $0x38;
	[tilespmem:$0x1E080] =	vst v63  }
0x5b: {  	s24 =	rddreg [dreg:$0x17]  }
0x5c: {  	[tilespmem:s6], [sflag:$0x2] =	stream.linear.gather [hbm4b:s23+s7], $0x50, $0x38;
	[tilespmem:$0x1E080] =	vst v63  }
0x5d: {  	s26 =	rddreg [dreg:$0x18]  }
0x5e: {  	[tilespmem:s18], [sflag:$0x2] =	stream.linear.gather [hbm4b:s24+s7], $0x50, $0x38;
	[tilespmem:$0x1E080] =	vst v63  }
0x5f: {  	s20 =	simm.s32 $0x13A00;
	s1 =	rddreg [dreg:$0x19]  }
0x60: {  	[tilespmem:s20], [sflag:$0x2] =	stream.linear.gather [hbm4b:s26+s7], $0x50, $0x38;
	[tilespmem:$0x1E080] =	vst v63  }
0x61: {  	s19 =	simm.s32 $0x13A80;
	s8 =	rddreg [dreg:$0x1a]  }
0x62: {  	[tilespmem:s19], [sflag:$0x3] =	stream.linear.gather [hbm4b:s1+s7], $0x50, $0x38;
	[tilespmem:$0x1E080] =	vst v63  }
0x63: {  	s15 =	rddreg [dreg:$0x1b];
	s21 =	simm.s32 $0x13B80  }
0x64: {  	[tilespmem:s21], [sflag:$0x3] =	stream.linear.gather [hbm4b:s8+s7], $0x50, $0x38;
	[tilespmem:$0x1E080] =	vst v63  }
0x65: {  	s23 =	rddreg [dreg:$0x1c];
	s8 =	simm.s32 $0x13B00  }
0x66: {  	[tilespmem:s8], [sflag:$0x3] =	stream.linear.gather [hbm4b:s15+s7], $0x50, $0x38;
	[tilespmem:$0x1E080] =	vst v63  }
0x67: {  	s24 =	simm.s32 $0x13C00;
	s26 =	rddreg [dreg:$0x1e]  }
0x68: {  	[tilespmem:s24], [sflag:$0x3] =	stream.linear.gather [hbm4b:s23+s7], $0x50, $0x38;
	[tilespmem:$0x1E080] =	vst v63  }
0x69: {  	s1 =	rddreg [dreg:$0x1f]  }
0x6a: {  	[tilespmem:s14], [sflag:$0x4] =	stream.linear.gather [hbm4b:s26+s7], $0x50, $0x38;
	[tilespmem:$0x1E080] =	vst v63  }
0x6b: {  	s15 =	sld [smem:$0x7F0]  }
0x6c: {  	[tilespmem:s22], [sflag:$0x4] =	stream.linear.gather [hbm4b:s1+s7], $0x50, $0x38;
	[tilespmem:$0x1E080] =	vst v63  }
0x6d: {  	s23 =	sld [smem:$0x7F1]  }
0x6e: {  	[tilespmem:s30], [sflag:$0x4] =	stream.linear.gather [hbm4b:s15+s7], $0x50, $0x38;
	[tilespmem:$0x1E080] =	vst v63  }
0x6f: {  	s26 =	sld [smem:$0x7F4]  }
0x70: {  	[tilespmem:s28], [sflag:$0x4] =	stream.linear.gather [hbm4b:s23+s7], $0x50, $0x38;
	[tilespmem:$0x1E080] =	vst v63  }
0x71: {  	_ = 	snop  }
0x72: {  	[tilespmem:s29], [sflag:$0x5] =	stream.linear.gather [hbm4b:s26+s7], $0x50, $0x38;
	[tilespmem:$0x1E080] =	vst v63  }
0x73: {  	s29 =	sld [smem:$0x7F5];
	_ =	sdelay $0x1  }
0x74: {  	s1 =	simm.s32 $0x13F80  }
0x75: {  	[tilespmem:s1], [sflag:$0x5] =	stream.linear.gather [hbm4b:s29+s7], $0x50, $0x38;
	[tilespmem:$0x1E080] =	vst v63  }
0x76: {  	s1 =	sld [smem:$0x7F6];
	_ =	sdelay $0x1  }
0x77: {  	s15 =	simm.s32 $0x13F00;
	s23 =	sld [smem:$0x7F7]  }
0x78: {  	[tilespmem:s15], [sflag:$0x5] =	stream.linear.gather [hbm4b:s1+s7], $0x50, $0x38;
	[tilespmem:$0x1E080] =	vst v63  }
0x79: {  	s26 =	simm.s32 $0x14000  }
0x7a: {  	[tilespmem:s26], [sflag:$0x5] =	stream.linear.gather [hbm4b:s23+s7], $0x50, $0x38;
	[tilespmem:$0x1E080] =	vst v63  }
0x7b: {  	_ =	swait.ge [sflag:s12], $0x50  }
0x7c: {  	[sflag:s12] =	ssyncset.done $0x0  }
0x7d: {  	[sflag:s12] =	ssyncadd.s32 $0xFFFFFFB0  }
0x7e: {  	_ =	swait.ge [sflag:s12], $0x50  }
0x7f: {  	[sflag:s12] =	ssyncset.done $0x0  }
0x80: {  	[sflag:s12] =	ssyncadd.s32 $0xFFFFFFB0  }
0x81: {  	_ =	swait.ge [sflag:s12], $0x50  }
0x82: {  	[sflag:s12] =	ssyncset.done $0x0  }
0x83: {  	[sflag:s12] =	ssyncadd.s32 $0xFFFFFFB0  }
0x84: {  	_ =	swait.ge [sflag:s12], $0x50  }
0x85: {  	[sflag:s12] =	ssyncset.done $0x0  }
0x86: {  	[sflag:s12] =	ssyncadd.s32 $0xFFFFFFB0  }
0x87: {  	[tilespmem:s9], [sflag:$0x6] =	stream.indirect.gather [hbm4b:s4+s13], $0x80, s11, s13, $0xb8;
	[tilespmem:$0x1E080] =	vst v63  }
0x88: {  	s11 =	simm.s32 $0x16880  }
0x89: {  	[tilespmem:s11], [sflag:$0x7] =	stream.indirect.gather [hbm4b:s4+s13], $0x80, s18, s13, $0xb8;
	[tilespmem:$0x1E080] =	vst v63  }
0x8a: {  	_ =	swait.ge [sflag:s31], $0x50  }
0x8b: {  	[sflag:s31] =	ssyncset.done $0x0  }
0x8c: {  	[sflag:s31] =	ssyncadd.s32 $0xFFFFFFB0  }
0x8d: {  	_ =	swait.ge [sflag:s31], $0x50  }
0x8e: {  	[sflag:s31] =	ssyncset.done $0x0  }
0x8f: {  	[sflag:s31] =	ssyncadd.s32 $0xFFFFFFB0  }
0x90: {  	_ =	swait.ge [sflag:s31], $0x50  }
0x91: {  	[sflag:s31] =	ssyncset.done $0x0  }
0x92: {  	[sflag:s31] =	ssyncadd.s32 $0xFFFFFFB0  }
0x93: {  	_ =	swait.ge [sflag:s31], $0x50  }
0x94: {  	[sflag:s31] =	ssyncset.done $0x0  }
0x95: {  	s15 =	simm.s32 $0x19080;
	[sflag:s31] =	ssyncadd.s32 $0xFFFFFFB0  }
0x96: {  	[tilespmem:s15], [sflag:$0x8] =	stream.indirect.gather [hbm4b:s4+s13], $0x80, s19, s13, $0xb8;
	[tilespmem:$0x1E080] =	vst v63  }
0x97: {  	s29 =	simm.s32 $0x1B880  }
0x98: {  	[tilespmem:s29], [sflag:$0x9] =	stream.indirect.gather [hbm4b:s4+s13], $0x80, s8, s13, $0xb8;
	[tilespmem:$0x1E080] =	vst v63  }
0x99: {  	_ =	swait.ge [sflag:s0], $0x2800  }
0x9a: {  	[sflag:s0] =	ssyncset.done $0x0  }
0x9b: {  	[sflag:s0] =	ssyncadd.s32 $0xFFFFD800  }
0x9c: {  	[spmem:s5] =	stream.indirect.scatter.add.f32 [tilespmem:s9], [sflag:$0xA], $0x80, s6, s13, $0xb8;
	[tilespmem:$0x1E080] =	vst v63  }
0x9d: {  	_ =	swait.ge [sflag:s16], $0x2800  }
0x9e: {  	[sflag:s16] =	ssyncset.done $0x0  }
0x9f: {  	s23 =	simm.s32 $0x7;
	[sflag:s16] =	ssyncadd.s32 $0xFFFFD800  }
0xa0: {  	_ =	swait.ge [sflag:s23], $0x2800  }
0xa1: {  	[sflag:s23] =	ssyncset.done $0x0  }
0xa2: {  	[sflag:s23] =	ssyncadd.s32 $0xFFFFD800  }
0xa3: {  	[spmem:s5] =	stream.indirect.scatter.add.f32 [tilespmem:s11], [sflag:$0xA], $0x80, s20, s13, $0xb8;
	[tilespmem:$0x1E080] =	vst v63  }
0xa4: {  	_ =	swait.ge [sflag:s16], $0x2800  }
0xa5: {  	s2 =	sld [smem:$0x7FA];
	_ =	sdelay $0x2  }
0xa6: {  	[sflag:s16] =	ssyncset.done $0x0;
	s26 =	sshrl.u32 s2, $0x3  }
0xa7: {  	s1 =	simm.s32 $0x13880;
	[sflag:s16] =	ssyncadd.s32 $0xFFFFD800;
	s28 =	sadd.s32 s17, s26  }
0xa8: {  	[tilespmem:s1], [sflag:$0x2] =	stream.linear.gather [hbm4b:s28+s7], $0x50, $0x38;
	[tilespmem:$0x1E080] =	vst v63  }
0xa9: {  	s29 =	rddreg [dreg:$0x12];
	s26 =	sadd.s32 s10, s26  }
0xaa: {  	[tilespmem:s6], [sflag:$0x2] =	stream.linear.gather [hbm4b:s26+s7], $0x50, $0x38;
	[tilespmem:$0x1E080] =	vst v63  }
0xab: {  	s28 =	rddreg [dreg:$0x11];
	s1 =	sadd.s32 $0x0, s29  }
0xac: {  	[tilespmem:s18], [sflag:$0x2] =	stream.linear.gather [hbm4b:s1+s7], $0x50, $0x38;
	[tilespmem:$0x1E080] =	vst v63  }
0xad: {  	s6 =	sadd.s32 $0x0, s28  }
0xae: {  	[tilespmem:s20], [sflag:$0x2] =	stream.linear.gather [hbm4b:s6+s7], $0x50, $0x38;
	[tilespmem:$0x1E080] =	vst v63  }
0xaf: {  	_ =	swait.ge [sflag:s3], $0x50  }
0xb0: {  	[sflag:s3] =	ssyncset.done $0x0  }
0xb1: {  	[sflag:s3] =	ssyncadd.s32 $0xFFFFFFB0  }
0xb2: {  	_ =	swait.ge [sflag:s3], $0x50  }
0xb3: {  	[sflag:s3] =	ssyncset.done $0x0  }
0xb4: {  	[sflag:s3] =	ssyncadd.s32 $0xFFFFFFB0  }
0xb5: {  	_ =	swait.ge [sflag:s3], $0x50  }
0xb6: {  	[sflag:s3] =	ssyncset.done $0x0  }
0xb7: {  	[sflag:s3] =	ssyncadd.s32 $0xFFFFFFB0  }
0xb8: {  	_ =	swait.ge [sflag:s3], $0x50  }
0xb9: {  	[sflag:s3] =	ssyncset.done $0x0  }
0xba: {  	[sflag:s3] =	ssyncadd.s32 $0xFFFFFFB0  }
0xbb: {  	[tilespmem:s9], [sflag:$0x6] =	stream.indirect.gather [hbm4b:s4+s13], $0x80, s14, s13, $0xb8;
	[tilespmem:$0x1E080] =	vst v63  }
0xbc: {  	s6 =	simm.s32 $0x8  }
0xbd: {  	[tilespmem:s11], [sflag:$0x7] =	stream.indirect.gather [hbm4b:s4+s13], $0x80, s30, s13, $0xb8;
	[tilespmem:$0x1E080] =	vst v63  }
0xbe: {  	_ =	swait.ge [sflag:s6], $0x2800  }
0xbf: {  	[sflag:s6] =	ssyncset.done $0x0  }
0xc0: {  	[sflag:s6] =	ssyncadd.s32 $0xFFFFD800  }
0xc1: {  	[spmem:s5] =	stream.indirect.scatter.add.f32 [tilespmem:s15], [sflag:$0xA], $0x80, s21, s13, $0xb8;
	[tilespmem:$0x1E080] =	vst v63  }
0xc2: {  	_ =	swait.ge [sflag:s16], $0x2800  }
0xc3: {  	[sflag:s16] =	ssyncset.done $0x0  }
0xc4: {  	s1 =	simm.s32 $0x9;
	[sflag:s16] =	ssyncadd.s32 $0xFFFFD800  }
0xc5: {  	_ =	swait.ge [sflag:s1], $0x2800  }
0xc6: {  	[sflag:s1] =	ssyncset.done $0x0  }
0xc7: {  	s26 =	simm.s32 $0x1B880;
	[sflag:s1] =	ssyncadd.s32 $0xFFFFD800  }
0xc8: {  	[spmem:s5] =	stream.indirect.scatter.add.f32 [tilespmem:s26], [sflag:$0xA], $0x80, s24, s13, $0xb8;
	[tilespmem:$0x1E080] =	vst v63  }
0xc9: {  	_ =	swait.ge [sflag:s16], $0x2800  }
0xca: {  	s29 =	rddreg [dreg:$0x10];
	[sflag:s16] =	ssyncset.done $0x0  }
0xcb: {  	s28 =	rddreg [dreg:$0xf];
	[sflag:s16] =	ssyncadd.s32 $0xFFFFD800;
	s26 =	sadd.s32 $0x0, s29  }
0xcc: {  	[tilespmem:s19], [sflag:$0x3] =	stream.linear.gather [hbm4b:s26+s7], $0x50, $0x38;
	[tilespmem:$0x1E080] =	vst v63  }
0xcd: {  	s30 =	rddreg [dreg:$0xe];
	s20 =	sadd.s32 $0x0, s28  }
0xce: {  	[tilespmem:s21], [sflag:$0x3] =	stream.linear.gather [hbm4b:s20+s7], $0x50, $0x38;
	[tilespmem:$0x1E080] =	vst v63  }
0xcf: {  	s28 =	rddreg [dreg:$0xd];
	s30 =	sadd.s32 $0x0, s30  }
0xd0: {  	[tilespmem:s8], [sflag:$0x3] =	stream.linear.gather [hbm4b:s30+s7], $0x50, $0x38;
	[tilespmem:$0x1E080] =	vst v63  }
0xd1: {  	s19 =	sadd.s32 $0x0, s28  }
0xd2: {  	[tilespmem:s24], [sflag:$0x3] =	stream.linear.gather [hbm4b:s19+s7], $0x50, $0x38;
	[tilespmem:$0x1E080] =	vst v63  }
0xd3: {  	_ =	swait.ge [sflag:s25], $0x50  }
0xd4: {  	[sflag:s25] =	ssyncset.done $0x0  }
0xd5: {  	[sflag:s25] =	ssyncadd.s32 $0xFFFFFFB0  }
0xd6: {  	_ =	swait.ge [sflag:s25], $0x50  }
0xd7: {  	[sflag:s25] =	ssyncset.done $0x0  }
0xd8: {  	[sflag:s25] =	ssyncadd.s32 $0xFFFFFFB0  }
0xd9: {  	_ =	swait.ge [sflag:s25], $0x50  }
0xda: {  	[sflag:s25] =	ssyncset.done $0x0  }
0xdb: {  	[sflag:s25] =	ssyncadd.s32 $0xFFFFFFB0  }
0xdc: {  	_ =	swait.ge [sflag:s25], $0x50  }
0xdd: {  	[sflag:s25] =	ssyncset.done $0x0  }
0xde: {  	s20 =	simm.s32 $0x13E80;
	[sflag:s25] =	ssyncadd.s32 $0xFFFFFFB0  }
0xdf: {  	[tilespmem:s15], [sflag:$0x8] =	stream.indirect.gather [hbm4b:s4+s13], $0x80, s20, s13, $0xb8;
	[tilespmem:$0x1E080] =	vst v63  }
0xe0: {  	s14 =	simm.s32 $0x1B880;
	s21 =	simm.s32 $0x13F00  }
0xe1: {  	[tilespmem:s14], [sflag:$0x9] =	stream.indirect.gather [hbm4b:s4+s13], $0x80, s21, s13, $0xb8;
	[tilespmem:$0x1E080] =	vst v63  }
0xe2: {  	_ =	swait.ge [sflag:s0], $0x2800  }
0xe3: {  	[sflag:s0] =	ssyncset.done $0x0  }
0xe4: {  	[sflag:s0] =	ssyncadd.s32 $0xFFFFD800  }
0xe5: {  	[spmem:s5] =	stream.indirect.scatter.add.f32 [tilespmem:s9], [sflag:$0xA], $0x80, s22, s13, $0xb8;
	[tilespmem:$0x1E080] =	vst v63  }
0xe6: {  	_ =	swait.ge [sflag:s16], $0x2800  }
0xe7: {  	[sflag:s16] =	ssyncset.done $0x0  }
0xe8: {  	[sflag:s16] =	ssyncadd.s32 $0xFFFFD800  }
0xe9: {  	_ =	swait.ge [sflag:s23], $0x2800  }
0xea: {  	[sflag:s23] =	ssyncset.done $0x0  }
0xeb: {  	p1 =	por $0x0, $0x0;
	[sflag:s23] =	ssyncadd.s32 $0xFFFFD800;
	s23 =	simm.s32 $0x13E00  }
0xec: {  	[spmem:s5] =	stream.indirect.scatter.add.f32 [tilespmem:s11], [sflag:$0xA], $0x80, s23, s13, $0xb8;
	[tilespmem:$0x1E080] =	vst v63  }
0xed: {  	s28 =	simm.s32 @!p1 $0x13C80;
	_ =	swait.ge [sflag:s16], $0x2800  }
0xee: {  	s30 =	simm.s32 @!p1 $0x0;
	s26 =	rddreg [dreg:$0xc];
	[sflag:s16] =	ssyncset.done $0x0  }
0xef: {  	s29 =	rddreg [dreg:$0xb];
	[sflag:s16] =	ssyncadd.s32 $0xFFFFD800;
	s26 =	sadd.s32 @!p1 $0x0, s26  }
0xf0: {  	[tilespmem:s28], [sflag:$0x4] =	stream.linear.gather @!p1 [hbm4b:s26+s30], $0x50, $0x38;
	[tilespmem:$0x1E080] =	vst v63  }
0xf1: {  	s26 =	rddreg [dreg:$0xa];
	s28 =	sadd.s32 @!p1 $0x0, s29;
	s29 =	simm.s32 @!p1 $0x13D80  }
0xf2: {  	[tilespmem:s29], [sflag:$0x4] =	stream.linear.gather @!p1 [hbm4b:s28+s30], $0x50, $0x38;
	[tilespmem:$0x1E080] =	vst v63  }
0xf3: {  	s26 =	sadd.s32 @!p1 $0x0, s26;
	s28 =	rddreg [dreg:$0x9];
	s29 =	simm.s32 @!p1 $0x13D00  }
0xf4: {  	[tilespmem:s29], [sflag:$0x4] =	stream.linear.gather @!p1 [hbm4b:s26+s30], $0x50, $0x38;
	[tilespmem:$0x1E080] =	vst v63  }
0xf5: {  	s28 =	sadd.s32 @!p1 $0x0, s28;
	s26 =	simm.s32 @!p1 $0x13E00  }
0xf6: {  	[tilespmem:s26], [sflag:$0x4] =	stream.linear.gather @!p1 [hbm4b:s28+s30], $0x50, $0x38;
	[tilespmem:$0x1E080] =	vst v63  }
0xf7: {  	_ =	swait.ge [sflag:s12], $0x50  }
0xf8: {  	[sflag:s12] =	ssyncset.done $0x0  }
0xf9: {  	[sflag:s12] =	ssyncadd.s32 $0xFFFFFFB0  }
0xfa: {  	_ =	swait.ge [sflag:s12], $0x50  }
0xfb: {  	[sflag:s12] =	ssyncset.done $0x0  }
0xfc: {  	[sflag:s12] =	ssyncadd.s32 $0xFFFFFFB0  }
0xfd: {  	_ =	swait.ge [sflag:s12], $0x50  }
0xfe: {  	[sflag:s12] =	ssyncset.done $0x0  }
0xff: {  	[sflag:s12] =	ssyncadd.s32 $0xFFFFFFB0  }
0x100: {  	_ =	swait.ge [sflag:s12], $0x50  }
0x101: {  	[sflag:s12] =	ssyncset.done $0x0  }
0x102: {  	s24 =	simm.s32 $0x13880;
	[sflag:s12] =	ssyncadd.s32 $0xFFFFFFB0  }
0x103: {  	[tilespmem:s9], [sflag:$0x6] =	stream.indirect.gather [hbm4b:s4+s13], $0x80, s24, s13, $0xb8;
	[tilespmem:$0x1E080] =	vst v63  }
0x104: {  	_ = 	snop  }
0x105: {  	[tilespmem:s11], [sflag:$0x7] =	stream.indirect.gather [hbm4b:s4+s13], $0x80, s18, s13, $0xb8;
	[tilespmem:$0x1E080] =	vst v63  }
0x106: {  	_ =	swait.ge [sflag:s6], $0x2800  }
0x107: {  	[sflag:s6] =	ssyncset.done $0x0  }
0x108: {  	s26 =	simm.s32 $0x13F80;
	[sflag:s6] =	ssyncadd.s32 $0xFFFFD800  }
0x109: {  	[spmem:s5] =	stream.indirect.scatter.add.f32 [tilespmem:s15], [sflag:$0xA], $0x80, s26, s13, $0xb8;
	[tilespmem:$0x1E080] =	vst v63  }
0x10a: {  	_ =	swait.ge [sflag:s16], $0x2800  }
0x10b: {  	[sflag:s16] =	ssyncset.done $0x0  }
0x10c: {  	[sflag:s16] =	ssyncadd.s32 $0xFFFFD800  }
0x10d: {  	_ =	swait.ge [sflag:s1], $0x2800  }
0x10e: {  	[sflag:s1] =	ssyncset.done $0x0  }
0x10f: {  	s29 =	simm.s32 $0x14000;
	[sflag:s1] =	ssyncadd.s32 $0xFFFFD800  }
0x110: {  	[spmem:s5] =	stream.indirect.scatter.add.f32 [tilespmem:s14], [sflag:$0xA], $0x80, s29, s13, $0xb8;
	[tilespmem:$0x1E080] =	vst v63  }
0x111: {  	_ =	swait.ge [sflag:s16], $0x2800  }
0x112: {  	s29 =	simm.s32 @!p1 $0x13E80;
	s26 =	rddreg [dreg:$0x8];
	[sflag:s16] =	ssyncset.done $0x0  }
0x113: {  	s28 =	rddreg [dreg:$0x7];
	[sflag:s16] =	ssyncadd.s32 $0xFFFFD800;
	s26 =	sadd.s32 @!p1 $0x0, s26  }
0x114: {  	[tilespmem:s29], [sflag:$0x5] =	stream.linear.gather @!p1 [hbm4b:s26+s30], $0x50, $0x38;
	[tilespmem:$0x1E080] =	vst v63  }
0x115: {  	s28 =	sadd.s32 @!p1 $0x0, s28;
	s26 =	rddreg [dreg:$0x6];
	s29 =	simm.s32 @!p1 $0x13F80  }
0x116: {  	[tilespmem:s29], [sflag:$0x5] =	stream.linear.gather @!p1 [hbm4b:s28+s30], $0x50, $0x38;
	[tilespmem:$0x1E080] =	vst v63  }
0x117: {  	s26 =	sadd.s32 @!p1 $0x0, s26;
	s28 =	rddreg [dreg:$0x5];
	s29 =	simm.s32 @!p1 $0x13F00  }
0x118: {  	[tilespmem:s29], [sflag:$0x5] =	stream.linear.gather @!p1 [hbm4b:s26+s30], $0x50, $0x38;
	[tilespmem:$0x1E080] =	vst v63  }
0x119: {  	s28 =	sadd.s32 @!p1 $0x0, s28;
	s26 =	simm.s32 @!p1 $0x14000  }
0x11a: {  	[tilespmem:s26], [sflag:$0x5] =	stream.linear.gather @!p1 [hbm4b:s28+s30], $0x50, $0x38;
	[tilespmem:$0x1E080] =	vst v63  }
0x11b: {  	_ =	swait.ge [sflag:s31], $0x50  }
0x11c: {  	[sflag:s31] =	ssyncset.done $0x0  }
0x11d: {  	[sflag:s31] =	ssyncadd.s32 $0xFFFFFFB0  }
0x11e: {  	_ =	swait.ge [sflag:s31], $0x50  }
0x11f: {  	[sflag:s31] =	ssyncset.done $0x0  }
0x120: {  	[sflag:s31] =	ssyncadd.s32 $0xFFFFFFB0  }
0x121: {  	s26 =	simm.s32 $0x50;
	s28 =	smov.u32 s2;
	_ =	swait.ge [sflag:s31], $0x50  }
.LBB2_2:
0x122: {  	[sflag:s31] =	ssyncset.done $0x0  }
0x123: {  	[sflag:s31] =	ssyncadd.s32 $0xFFFFFFB0  }
0x124: {  	_ =	swait.ge [sflag:s31], $0x50  }
0x125: {  	[sflag:s31] =	ssyncset.done $0x0  }
0x126: {  	[sflag:s31] =	ssyncadd.s32 $0xFFFFFFB0  }
0x127: {  	s21 =	simm.s32 $0x13A80;
	s23 =	simm.s32 $0x19080;
	s4 =	rddreg [dreg:$0x0]  }
0x128: {  	[tilespmem:s23], [sflag:$0x8] =	stream.indirect.gather [hbm4b:s4+s13], $0x80, s21, s13, $0xb8;
	[tilespmem:$0x1E080] =	vst v63  }
0x129: {  	s8 =	simm.s32 $0x13B00;
	s20 =	simm.s32 $0x1B880;
	s0 =	simm.s32 $0x6  }
0x12a: {  	[tilespmem:s20], [sflag:$0x9] =	stream.indirect.gather [hbm4b:s4+s13], $0x80, s8, s13, $0xb8;
	[tilespmem:$0x1E080] =	vst v63  }
0x12b: {  	_ =	swait.ge [sflag:s0], $0x2800  }
0x12c: {  	[sflag:s0] =	ssyncset.done $0x0  }
0x12d: {  	[sflag:s0] =	ssyncadd.s32 $0xFFFFD800  }
0x12e: {  	s11 =	simm.s32 $0x13980;
	s9 =	simm.s32 $0x14080;
	s5 =	rddreg [dreg:$0x3]  }
0x12f: {  	[spmem:s5] =	stream.indirect.scatter.add.f32 [tilespmem:s9], [sflag:$0xA], $0x80, s11, s13, $0xb8;
	[tilespmem:$0x1E080] =	vst v63  }
0x130: {  	_ =	swait.ge [sflag:s16], $0x2800  }
0x131: {  	[sflag:s16] =	ssyncset.done $0x0  }
0x132: {  	s24 =	simm.s32 $0x7;
	[sflag:s16] =	ssyncadd.s32 $0xFFFFD800  }
0x133: {  	_ =	swait.ge [sflag:s24], $0x2800  }
0x134: {  	[sflag:s24] =	ssyncset.done $0x0  }
0x135: {  	s18 =	simm.s32 $0x13A00;
	s15 =	simm.s32 $0x16880;
	[sflag:s24] =	ssyncadd.s32 $0xFFFFD800  }
0x136: {  	[spmem:s5] =	stream.indirect.scatter.add.f32 [tilespmem:s15], [sflag:$0xA], $0x80, s18, s13, $0xb8;
	[tilespmem:$0x1E080] =	vst v63  }
0x137: {  	s28 =	sadd.s32 $0x280, s28;
	_ =	swait.ge [sflag:s16], $0x2800  }
0x138: {  	s30 =	sshrl.u32 s28, $0x3;
	[sflag:s16] =	ssyncset.done $0x0  }
0x139: {  	s1 =	simm.s32 $0x13880;
	s2 =	sadd.s32 s17, s30;
	[sflag:s16] =	ssyncadd.s32 $0xFFFFD800  }
0x13a: {  	[tilespmem:s1], [sflag:$0x2] =	stream.linear.gather [hbm4b:s2+s7], $0x50, $0x38;
	[tilespmem:$0x1E080] =	vst v63  }
0x13b: {  	s29 =	smov.u32 s26;
	s22 =	sadd.s32 s10, s30;
	s6 =	rddreg [dreg:$0x12]  }
0x13c: {  	[tilespmem:s11], [sflag:$0x2] =	stream.linear.gather [hbm4b:s22+s7], $0x50, $0x38;
	[tilespmem:$0x1E080] =	vst v63  }
0x13d: {  	s19 =	simm.s32 $0x13900;
	s14 =	sadd.s32 s29, s6;
	s1 =	rddreg [dreg:$0x11]  }
0x13e: {  	[tilespmem:s19], [sflag:$0x2] =	stream.linear.gather [hbm4b:s14+s7], $0x50, $0x38;
	[tilespmem:$0x1E080] =	vst v63  }
0x13f: {  	s22 =	sadd.s32 s29, s1  }
0x140: {  	[tilespmem:s18], [sflag:$0x2] =	stream.linear.gather [hbm4b:s22+s7], $0x50, $0x38;
	[tilespmem:$0x1E080] =	vst v63  }
0x141: {  	_ =	swait.ge [sflag:s3], $0x50  }
0x142: {  	[sflag:s3] =	ssyncset.done $0x0  }
0x143: {  	[sflag:s3] =	ssyncadd.s32 $0xFFFFFFB0  }
0x144: {  	_ =	swait.ge [sflag:s3], $0x50  }
0x145: {  	[sflag:s3] =	ssyncset.done $0x0  }
0x146: {  	[sflag:s3] =	ssyncadd.s32 $0xFFFFFFB0  }
0x147: {  	_ =	swait.ge [sflag:s3], $0x50  }
0x148: {  	[sflag:s3] =	ssyncset.done $0x0  }
0x149: {  	[sflag:s3] =	ssyncadd.s32 $0xFFFFFFB0  }
0x14a: {  	_ =	swait.ge [sflag:s3], $0x50  }
0x14b: {  	[sflag:s3] =	ssyncset.done $0x0  }
0x14c: {  	s30 =	simm.s32 $0x13C80;
	[sflag:s3] =	ssyncadd.s32 $0xFFFFFFB0  }
0x14d: {  	[tilespmem:s9], [sflag:$0x6] =	stream.indirect.gather [hbm4b:s4+s13], $0x80, s30, s13, $0xb8;
	[tilespmem:$0x1E080] =	vst v63  }
0x14e: {  	s2 =	simm.s32 $0x13D00;
	s22 =	simm.s32 $0x8  }
0x14f: {  	[tilespmem:s15], [sflag:$0x7] =	stream.indirect.gather [hbm4b:s4+s13], $0x80, s2, s13, $0xb8;
	[tilespmem:$0x1E080] =	vst v63  }
0x150: {  	_ =	swait.ge [sflag:s22], $0x2800  }
0x151: {  	[sflag:s22] =	ssyncset.done $0x0  }
0x152: {  	s11 =	simm.s32 $0x13B80;
	[sflag:s22] =	ssyncadd.s32 $0xFFFFD800  }
0x153: {  	[spmem:s5] =	stream.indirect.scatter.add.f32 [tilespmem:s23], [sflag:$0xA], $0x80, s11, s13, $0xb8;
	[tilespmem:$0x1E080] =	vst v63  }
0x154: {  	_ =	swait.ge [sflag:s16], $0x2800  }
0x155: {  	[sflag:s16] =	ssyncset.done $0x0  }
0x156: {  	s1 =	simm.s32 $0x9;
	[sflag:s16] =	ssyncadd.s32 $0xFFFFD800  }
0x157: {  	_ =	swait.ge [sflag:s1], $0x2800  }
0x158: {  	[sflag:s1] =	ssyncset.done $0x0  }
0x159: {  	s18 =	simm.s32 $0x13C00;
	[sflag:s1] =	ssyncadd.s32 $0xFFFFD800  }
0x15a: {  	[spmem:s5] =	stream.indirect.scatter.add.f32 [tilespmem:s20], [sflag:$0xA], $0x80, s18, s13, $0xb8;
	[tilespmem:$0x1E080] =	vst v63  }
0x15b: {  	_ =	swait.ge [sflag:s16], $0x2800  }
0x15c: {  	s6 =	rddreg [dreg:$0x10];
	[sflag:s16] =	ssyncset.done $0x0  }
0x15d: {  	s14 =	rddreg [dreg:$0xf];
	[sflag:s16] =	ssyncadd.s32 $0xFFFFD800;
	s2 =	sadd.s32 s29, s6  }
0x15e: {  	[tilespmem:s21], [sflag:$0x3] =	stream.linear.gather [hbm4b:s2+s7], $0x50, $0x38;
	[tilespmem:$0x1E080] =	vst v63  }
0x15f: {  	s30 =	rddreg [dreg:$0xe];
	s14 =	sadd.s32 s29, s14  }
0x160: {  	[tilespmem:s11], [sflag:$0x3] =	stream.linear.gather [hbm4b:s14+s7], $0x50, $0x38;
	[tilespmem:$0x1E080] =	vst v63  }
0x161: {  	s30 =	sadd.s32 s29, s30;
	s21 =	rddreg [dreg:$0xd]  }
0x162: {  	[tilespmem:s8], [sflag:$0x3] =	stream.linear.gather [hbm4b:s30+s7], $0x50, $0x38;
	[tilespmem:$0x1E080] =	vst v63  }
0x163: {  	s11 =	sadd.s32 s29, s21  }
0x164: {  	[tilespmem:s18], [sflag:$0x3] =	stream.linear.gather [hbm4b:s11+s7], $0x50, $0x38;
	[tilespmem:$0x1E080] =	vst v63  }
0x165: {  	_ =	swait.ge [sflag:s25], $0x50  }
0x166: {  	[sflag:s25] =	ssyncset.done $0x0  }
0x167: {  	[sflag:s25] =	ssyncadd.s32 $0xFFFFFFB0  }
0x168: {  	_ =	swait.ge [sflag:s25], $0x50  }
0x169: {  	[sflag:s25] =	ssyncset.done $0x0  }
0x16a: {  	[sflag:s25] =	ssyncadd.s32 $0xFFFFFFB0  }
0x16b: {  	_ =	swait.ge [sflag:s25], $0x50  }
0x16c: {  	[sflag:s25] =	ssyncset.done $0x0  }
0x16d: {  	[sflag:s25] =	ssyncadd.s32 $0xFFFFFFB0  }
0x16e: {  	_ =	swait.ge [sflag:s25], $0x50  }
0x16f: {  	[sflag:s25] =	ssyncset.done $0x0  }
0x170: {  	s18 =	simm.s32 $0x13E80;
	[sflag:s25] =	ssyncadd.s32 $0xFFFFFFB0  }
0x171: {  	[tilespmem:s23], [sflag:$0x8] =	stream.indirect.gather [hbm4b:s4+s13], $0x80, s18, s13, $0xb8;
	[tilespmem:$0x1E080] =	vst v63  }
0x172: {  	s30 =	simm.s32 $0x13F00  }
0x173: {  	[tilespmem:s20], [sflag:$0x9] =	stream.indirect.gather [hbm4b:s4+s13], $0x80, s30, s13, $0xb8;
	[tilespmem:$0x1E080] =	vst v63  }
0x174: {  	_ =	swait.ge [sflag:s0], $0x2800  }
0x175: {  	[sflag:s0] =	ssyncset.done $0x0  }
0x176: {  	s6 =	simm.s32 $0x13D80;
	[sflag:s0] =	ssyncadd.s32 $0xFFFFD800  }
0x177: {  	[spmem:s5] =	stream.indirect.scatter.add.f32 [tilespmem:s9], [sflag:$0xA], $0x80, s6, s13, $0xb8;
	[tilespmem:$0x1E080] =	vst v63  }
0x178: {  	_ =	swait.ge [sflag:s16], $0x2800  }
0x179: {  	[sflag:s16] =	ssyncset.done $0x0  }
0x17a: {  	[sflag:s16] =	ssyncadd.s32 $0xFFFFD800  }
0x17b: {  	_ =	swait.ge [sflag:s24], $0x2800  }
0x17c: {  	p2 =	seq.s32 s29, $0x460;
	[sflag:s24] =	ssyncset.done $0x0  }
0x17d: {  	s2 =	simm.s32 @!p2 $0x13C80;
	s8 =	simm.s32 $0x13E00;
	[sflag:s24] =	ssyncadd.s32 $0xFFFFD800  }
0x17e: {  	[spmem:s5] =	stream.indirect.scatter.add.f32 [tilespmem:s15], [sflag:$0xA], $0x80, s8, s13, $0xb8;
	[tilespmem:$0x1E080] =	vst v63  }
0x17f: {  	s18 =	smov.u32 s17;
	s17 =	smov.u32 s10;
	_ =	swait.ge [sflag:s16], $0x2800  }
0x180: {  	s30 =	simm.s32 @!p2 $0x0;
	s6 =	rddreg [dreg:$0xc];
	[sflag:s16] =	ssyncset.done $0x0  }
0x181: {  	s10 =	rddreg [dreg:$0xb];
	[sflag:s16] =	ssyncadd.s32 $0xFFFFD800;
	s6 =	sadd.s32 @!p2 s29, s6  }
0x182: {  	[tilespmem:s2], [sflag:$0x4] =	stream.linear.gather @!p2 [hbm4b:s6+s30], $0x50, $0x38;
	[tilespmem:$0x1E080] =	vst v63  }
0x183: {  	s11 =	rddreg [dreg:$0xa];
	s2 =	sadd.s32 @!p2 s29, s10;
	s6 =	simm.s32 @!p2 $0x13D80  }
0x184: {  	[tilespmem:s6], [sflag:$0x4] =	stream.linear.gather @!p2 [hbm4b:s2+s30], $0x50, $0x38;
	[tilespmem:$0x1E080] =	vst v63  }
0x185: {  	s10 =	rddreg [dreg:$0x9];
	s2 =	sadd.s32 @!p2 s29, s11;
	s6 =	simm.s32 @!p2 $0x13D00  }
0x186: {  	[tilespmem:s6], [sflag:$0x4] =	stream.linear.gather @!p2 [hbm4b:s2+s30], $0x50, $0x38;
	[tilespmem:$0x1E080] =	vst v63  }
0x187: {  	s11 =	simm.s32 @!p2 $0x13E00;
	s2 =	sadd.s32 @!p2 s29, s10  }
0x188: {  	[tilespmem:s11], [sflag:$0x4] =	stream.linear.gather @!p2 [hbm4b:s2+s30], $0x50, $0x38;
	[tilespmem:$0x1E080] =	vst v63  }
0x189: {  	_ =	swait.ge [sflag:s12], $0x50  }
0x18a: {  	[sflag:s12] =	ssyncset.done $0x0  }
0x18b: {  	[sflag:s12] =	ssyncadd.s32 $0xFFFFFFB0  }
0x18c: {  	_ =	swait.ge [sflag:s12], $0x50  }
0x18d: {  	[sflag:s12] =	ssyncset.done $0x0  }
0x18e: {  	[sflag:s12] =	ssyncadd.s32 $0xFFFFFFB0  }
0x18f: {  	_ =	swait.ge [sflag:s12], $0x50  }
0x190: {  	[sflag:s12] =	ssyncset.done $0x0  }
0x191: {  	[sflag:s12] =	ssyncadd.s32 $0xFFFFFFB0  }
0x192: {  	_ =	swait.ge [sflag:s12], $0x50  }
0x193: {  	[sflag:s12] =	ssyncset.done $0x0  }
0x194: {  	s11 =	simm.s32 $0x13880;
	[sflag:s12] =	ssyncadd.s32 $0xFFFFFFB0  }
0x195: {  	[tilespmem:s9], [sflag:$0x6] =	stream.indirect.gather [hbm4b:s4+s13], $0x80, s11, s13, $0xb8;
	[tilespmem:$0x1E080] =	vst v63  }
0x196: {  	_ = 	snop  }
0x197: {  	[tilespmem:s15], [sflag:$0x7] =	stream.indirect.gather [hbm4b:s4+s13], $0x80, s19, s13, $0xb8;
	[tilespmem:$0x1E080] =	vst v63  }
0x198: {  	_ =	swait.ge [sflag:s22], $0x2800  }
0x199: {  	[sflag:s22] =	ssyncset.done $0x0  }
0x19a: {  	[sflag:s22] =	ssyncadd.s32 $0xFFFFD800;
	s22 =	simm.s32 $0x13F80  }
0x19b: {  	[spmem:s5] =	stream.indirect.scatter.add.f32 [tilespmem:s23], [sflag:$0xA], $0x80, s22, s13, $0xb8;
	[tilespmem:$0x1E080] =	vst v63  }
0x19c: {  	_ =	swait.ge [sflag:s16], $0x2800  }
0x19d: {  	[sflag:s16] =	ssyncset.done $0x0  }
0x19e: {  	[sflag:s16] =	ssyncadd.s32 $0xFFFFD800  }
0x19f: {  	_ =	swait.ge [sflag:s1], $0x2800  }
0x1a0: {  	[sflag:s1] =	ssyncset.done $0x0  }
0x1a1: {  	s24 =	simm.s32 $0x14000;
	[sflag:s1] =	ssyncadd.s32 $0xFFFFD800  }
0x1a2: {  	[spmem:s5] =	stream.indirect.scatter.add.f32 [tilespmem:s20], [sflag:$0xA], $0x80, s24, s13, $0xb8;
	[tilespmem:$0x1E080] =	vst v63  }
0x1a3: {  	_ =	swait.ge [sflag:s16], $0x2800  }
0x1a4: {  	s10 =	simm.s32 @!p2 $0x13E80;
	s2 =	rddreg [dreg:$0x8];
	[sflag:s16] =	ssyncset.done $0x0  }
0x1a5: {  	s6 =	rddreg [dreg:$0x7];
	[sflag:s16] =	ssyncadd.s32 $0xFFFFD800;
	s2 =	sadd.s32 @!p2 s29, s2  }
0x1a6: {  	[tilespmem:s10], [sflag:$0x5] =	stream.linear.gather @!p2 [hbm4b:s2+s30], $0x50, $0x38;
	[tilespmem:$0x1E080] =	vst v63  }
0x1a7: {  	s11 =	rddreg [dreg:$0x6];
	s2 =	sadd.s32 @!p2 s29, s6;
	s6 =	simm.s32 @!p2 $0x13F80  }
0x1a8: {  	[tilespmem:s6], [sflag:$0x5] =	stream.linear.gather @!p2 [hbm4b:s2+s30], $0x50, $0x38;
	[tilespmem:$0x1E080] =	vst v63  }
0x1a9: {  	s10 =	rddreg [dreg:$0x5];
	s2 =	sadd.s32 @!p2 s29, s11;
	s6 =	simm.s32 @!p2 $0x13F00  }
0x1aa: {  	[tilespmem:s6], [sflag:$0x5] =	stream.linear.gather @!p2 [hbm4b:s2+s30], $0x50, $0x38;
	[tilespmem:$0x1E080] =	vst v63  }
0x1ab: {  	s11 =	simm.s32 @!p2 $0x14000;
	s2 =	sadd.s32 @!p2 s29, s10  }
0x1ac: {  	[tilespmem:s11], [sflag:$0x5] =	stream.linear.gather @!p2 [hbm4b:s2+s30], $0x50, $0x38;
	[tilespmem:$0x1E080] =	vst v63  }
0x1ad: {  	s26 =	sadd.s32 $0x50, s26;
	_ =	swait.ge [sflag:s31], $0x50  }
0x1ae: {  	p1 =	sne.s32 s26, $0x4B0;
	[sflag:s31] =	ssyncset.done $0x0  }
.Ltmp0:
0x1af: {  	[sflag:s31] =	ssyncadd.s32 $0xFFFFFFB0;
	(pc) =	sbr.rel @p1 .LBB2_2-.Ltmp0, $4  }
0x1b0: {  	_ =	swait.ge [sflag:s31], $0x50  }
0x1b1: {  	s14 =	simm.s32 $0x13B00;
	s21 =	simm.s32 $0x13C00;
	[sflag:s31] =	ssyncset.done $0x0  }
0x1b2: {  	s8 =	simm.s32 $0x14080;
	s9 =	simm.s32 $0x16880;
	[sflag:s31] =	ssyncadd.s32 $0xFFFFFFB0  }
0x1b3: {  	s10 =	smov.u32 s17;
	s17 =	smov.u32 s18;
	_ =	swait.ge [sflag:s31], $0x50  }
0x1b4: {  	[sflag:s31] =	ssyncset.done $0x0  }
0x1b5: {  	[sflag:s31] =	ssyncadd.s32 $0xFFFFFFB0  }
0x1b6: {  	_ =	swait.ge [sflag:s31], $0x50  }
0x1b7: {  	[sflag:s31] =	ssyncset.done $0x0  }
0x1b8: {  	[sflag:s31] =	ssyncadd.s32 $0xFFFFFFB0  }
0x1b9: {  	s2 =	simm.s32 $0x19080;
	s1 =	simm.s32 $0x13A80;
	s0 =	rddreg [dreg:$0x0]  }
0x1ba: {  	[tilespmem:s2], [sflag:$0x8] =	stream.indirect.gather [hbm4b:s0+s13], $0x80, s1, s13, $0xb8;
	[tilespmem:$0x1E080] =	vst v63  }
0x1bb: {  	s6 =	simm.s32 $0x1B880;
	s4 =	simm.s32 $0x6  }
0x1bc: {  	[tilespmem:s6], [sflag:$0x9] =	stream.indirect.gather [hbm4b:s0+s13], $0x80, s14, s13, $0xb8;
	[tilespmem:$0x1E080] =	vst v63  }
0x1bd: {  	_ =	swait.ge [sflag:s4], $0x2800  }
0x1be: {  	[sflag:s4] =	ssyncset.done $0x0  }
0x1bf: {  	[sflag:s4] =	ssyncadd.s32 $0xFFFFD800  }
0x1c0: {  	s5 =	simm.s32 $0x13980;
	s11 =	rddreg [dreg:$0x3]  }
0x1c1: {  	[spmem:s11] =	stream.indirect.scatter.add.f32 [tilespmem:s8], [sflag:$0xA], $0x80, s5, s13, $0xb8;
	[tilespmem:$0x1E080] =	vst v63  }
0x1c2: {  	_ =	swait.ge [sflag:s16], $0x2800  }
0x1c3: {  	[sflag:s16] =	ssyncset.done $0x0  }
0x1c4: {  	s14 =	simm.s32 $0x7;
	[sflag:s16] =	ssyncadd.s32 $0xFFFFD800  }
0x1c5: {  	_ =	swait.ge [sflag:s14], $0x2800  }
0x1c6: {  	[sflag:s14] =	ssyncset.done $0x0  }
0x1c7: {  	s15 =	simm.s32 $0x13A00;
	[sflag:s14] =	ssyncadd.s32 $0xFFFFD800  }
0x1c8: {  	[spmem:s11] =	stream.indirect.scatter.add.f32 [tilespmem:s9], [sflag:$0xA], $0x80, s15, s13, $0xb8;
	[tilespmem:$0x1E080] =	vst v63  }
0x1c9: {  	_ =	swait.ge [sflag:s16], $0x2800  }
0x1ca: {  	[sflag:s16] =	ssyncset.done $0x0  }
0x1cb: {  	s18 =	simm.s32 $0x8;
	[sflag:s16] =	ssyncadd.s32 $0xFFFFD800  }
0x1cc: {  	_ =	swait.ge [sflag:s18], $0x2800  }
0x1cd: {  	[sflag:s18] =	ssyncset.done $0x0  }
0x1ce: {  	s19 =	simm.s32 $0x13B80;
	[sflag:s18] =	ssyncadd.s32 $0xFFFFD800  }
0x1cf: {  	[spmem:s11] =	stream.indirect.scatter.add.f32 [tilespmem:s2], [sflag:$0xA], $0x80, s19, s13, $0xb8;
	[tilespmem:$0x1E080] =	vst v63  }
0x1d0: {  	_ =	swait.ge [sflag:s16], $0x2800  }
0x1d1: {  	[sflag:s16] =	ssyncset.done $0x0  }
0x1d2: {  	s20 =	simm.s32 $0x9;
	[sflag:s16] =	ssyncadd.s32 $0xFFFFD800  }
0x1d3: {  	_ =	swait.ge [sflag:s20], $0x2800  }
0x1d4: {  	[sflag:s20] =	ssyncset.done $0x0  }
0x1d5: {  	[sflag:s20] =	ssyncadd.s32 $0xFFFFD800  }
0x1d6: {  	[spmem:s11] =	stream.indirect.scatter.add.f32 [tilespmem:s6], [sflag:$0xA], $0x80, s21, s13, $0xb8;
	[tilespmem:$0x1E080] =	vst v63  }
0x1d7: {  	_ =	swait.ge [sflag:s16], $0x2800  }
0x1d8: {  	[sflag:s16] =	ssyncset.done $0x0  }
0x1d9: {  	[sflag:s16] =	ssyncadd.s32 $0xFFFFD800  }
0x1da: {  	[bflag:$0x0] =	sbarrier.arrive $0xFFFF  }
0x1db: {  	s21 =	sld [smem:$0x7FB]  }
0x1dc: {  	s23 =	sld [smem:$0x7EE];
	_ =	sdelay $0x1  }
0x1dd: {  	s22 =	rddreg [dreg:$0x1d];
	s2 =	sor.u32 $0x1C0A, s21  }
0x1de: {  	[hbm:s22], [sflag:s2] =	dma.local [spmem:s23], $0x2700  }
0x1df: {  	_ =	swait.ge [sflag:s16], $0x2700  }
0x1e0: {  	s6 =	sld [smem:$0x7F8]  }
0x1e1: {  	s0 =	sld [smem:$0x7EF]  }
0x1e2: {  	[sflag:s16] =	ssyncset.done $0x0  }
0x1e3: {  	[sflag:s16] =	ssyncadd.s32 $0xFFFFD900  }
0x1e4: {  	[hbm:s6], [sflag:s2] =	dma.local @!p0 [spmem:s0], $0x100  }
0x1e5: {  	s2 =	simm.s32 @!p0 $0xA  }
0x1e6: {  	_ =	swait.ge @!p0 [sflag:s2], $0x100  }
0x1e7: {  	s24 =	sld [smem:$0x7ED]  }
0x1e8: {  	s26 =	sld [smem:$0x7F9];
	_ =	sdelay $0x1  }
0x1e9: {  	s0 =	sadd.s32 $0x1, s24  }
0x1ea: {  	p1 =	sne.s32 s0, s26  }
.Ltmp1:
0x1eb: {  	_ = 	snop;
	(pc) =	sbr.rel @p1 .LBB2_1-.Ltmp1, $4  }
0x1ec: {  	s30 =	simm.s32 $0x13D00  }
0x1ed: {  	s28 =	simm.s32 $0x13E00;
	s29 =	simm.s32 $0x13E80;
	s4 =	simm.s32 $0x0  }
0x1ee: {  	s14 =	simm.s32 $0x13C80;
	s18 =	simm.s32 $0x13900;
	[sflag:s2] =	ssyncset.done @!p0 $0x0  }
0x1ef: {  	s11 =	simm.s32 $0x13880;
	s22 =	simm.s32 $0x13D80;
	[sflag:s2] =	ssyncadd.s32 @!p0 $0xFFFFFF00  }
0x1f0: {  	_ =	sfence.sel $0x180000  }
0x1f1: {  	[bflag:$0x0] =	sbarrier.arrive $0xFFFF  }
0x1f2: {  	_ =	strace $0x90000047  }
0x1f3: {  	s0 =	stileid.u32;
	[bflag:$0x2] =	sbarrier.arrive $0xFFFF  }
0x1f4: {  	p0 =	sne.s32 s0, $0x0;
	s0 =	rddreg [dreg:$0x4]  }
0x1f5: {  	s0 =	sadd.s32 @!p0 $0x100000, s0  }
0x1f6: {  	[sflag:s0] =	ssyncadd.tile.s32 @!p0 $0x1;
	_ =	shalt  }
.Lfunc_end2:
_tile_overlayer_lowered:
.L_overlay_start_2:
0x1f7: {  	(tag) =	ssettag $0x2  }
0x1f8: {  	s0 =	rddreg [dreg:$0x0];
	s2 =	stileid.u32  }
0x1f9: {  	s1 =	rddreg [dreg:$0x1];
	p0 =	sne.s32 s2, $0x0  }
0x1fa: {  	s3 =	rddreg [dreg:$0x2];
	[bflag:$0x3] =	sbarrier.arrive $0xFFFF;
	s2 =	simm.s32 @!p0 $0x1C0A  }
0x1fb: {  	[timem:s3], [sflag:s2] =	dma.local @!p0 [hbm:s0], s1  }
0x1fc: {  	s0 =	simm.s32 @!p0 $0xA  }
0x1fd: {  	_ =	swait.ge @!p0 [sflag:s0], s1  }
0x1fe: {  	s1 =	ssub.s32 @!p0 $0x0, s1;
	[sflag:s0] =	ssyncset.done @!p0 $0x0  }
0x1ff: {  	[sflag:s0] =	ssyncadd.s32 @!p0 s1  }
0x200: {  	[bflag:$0x3] =	sbarrier.arrive $0xFFFF  }
0x201: {  	_ =	shalt  }

</sc_bundles>
